<compile_context>
chip_gen: v7x
topology: tpu7x:2x2x1
jax: 0.10.2.dev20260603
libtpu: 0.0.44.dev20260713+nightly
codegen_flags: <defaults>
</compile_context>

<pallas_src>
import functools

import jax
import jax.numpy as jnp
from jax import lax
from jax.experimental import pallas as pl
from jax.experimental.pallas import tpu as pltpu
from jax.experimental.pallas import tpu_sc as plsc

N = 10000
E = 160000
D = 256
H = 256
P = 64
HOPS = 2

NPAD = 10240
HALF = 5120
ACC_ROWS = 5120
STRIPE = 320
EPT = 10240
EPAD = 16 * EPT
BK = 64
SEGB = 40
NSEG = EPT // (SEGB * BK)
ROWS_PT = EPT // BK
BM = 512
GRID = NPAD // BM


def _spmm_sc(y_pad, gid, loc):
    mesh = plsc.VectorSubcoreMesh(core_axis_name="c", subcore_axis_name="s")

    @functools.partial(
        pl.kernel,
        mesh=mesh,
        compiler_params=pltpu.CompilerParams(use_tc_tiling_on_sc=False),
        out_type=jax.ShapeDtypeStruct((2, ACC_ROWS, H), jnp.float32),
        scratch_types=[
            pltpu.VMEM((SEGB, BK), jnp.int32),
            pltpu.VMEM((SEGB, BK), jnp.int32),
            pltpu.VMEM((BK, H), jnp.float32),
            pltpu.VMEM((BK, H), jnp.float32),
            pltpu.VMEM_SHARED((ACC_ROWS, H), jnp.float32),
            pltpu.SemaphoreType.DMA,
            pltpu.SemaphoreType.DMA,
        ],
    )
    def k(y_hbm, gid_hbm, loc_hbm, out_hbm,
          gid_v, loc_v, rows0, rows1, acc, sem0, sem1):
        c = lax.axis_index("c")
        t = lax.axis_index("s")
        base = t * STRIPE

        def zbody(i, _):
            for q in range(H // 16):
                rows0[i, pl.ds(q * 16, 16)] = jnp.zeros((16,), jnp.float32)
            return _
        lax.fori_loop(0, BK, zbody, None)
        for q in range(STRIPE // BK):
            pltpu.sync_copy(rows0, acc.at[pl.ds(base + q * BK, BK)])

        plsc.subcore_barrier()

        def g_start(j, rows, sem):
            return pltpu.async_copy(
                y_hbm.at[plsc.Indices(gid_v.at[j], ignored_value=-1)],
                rows, sem)

        def g_wait(j, rows, sem):
            pltpu.make_async_copy(
                y_hbm.at[plsc.Indices(gid_v.at[j], ignored_value=-1)],
                rows, sem).wait()

        def s_add(j, rows):
            pltpu.sync_copy(rows,
                            acc.at[plsc.Indices(loc_v.at[j], ignored_value=-1)],
                            add=True)

        def seg_body(g, _):
            row0 = t * ROWS_PT + g * SEGB
            pltpu.sync_copy(gid_hbm.at[c, pl.ds(row0, SEGB)], gid_v)
            pltpu.sync_copy(loc_hbm.at[c, pl.ds(row0, SEGB)], loc_v)

            g_start(0, rows0, sem0)

            def pair(p, _):
                j0 = 2 * p
                g_start(j0 + 1, rows1, sem1)
                g_wait(j0, rows0, sem0)
                s_add(j0, rows0)

                @pl.when(p < SEGB // 2 - 1)
                def _():
                    g_start(j0 + 2, rows0, sem0)
                g_wait(j0 + 1, rows1, sem1)
                s_add(j0 + 1, rows1)
                return _
            lax.fori_loop(0, SEGB // 2, pair, None)
            return _
        lax.fori_loop(0, NSEG, seg_body, None)

        plsc.subcore_barrier()

        for q in range(STRIPE // BK):
            pltpu.sync_copy(acc.at[pl.ds(base + q * BK, BK)],
                            out_hbm.at[c, pl.ds(base + q * BK, BK)])

    return k(y_pad, gid, loc)


ER = 64


def _edge_idx_kernel(s_ref, d_ref, c_ref, g_ref, l_ref, h_ref,
                     sp_ref, dp_ref):
    c = pl.program_id(0)
    i = pl.program_id(1)
    eid = (i * ER + lax.broadcasted_iota(jnp.int32, (ER, 128), 0)) * 128 \
        + lax.broadcasted_iota(jnp.int32, (ER, 128), 1)
    valid = eid < E
    s = jnp.where(valid, s_ref[...], 0)
    d = jnp.where(valid, d_ref[...], -1)
    locd = d - c * HALF
    inb = (locd >= 0) & (locd < HALF)
    g_ref[...] = jnp.where(inb, s, -1)[None]
    l_ref[...] = jnp.where(inb, locd, -1)[None]
    h_ref[...] = jnp.where(d == c_ref[0, 0], s, -1)[None]
    sp_ref[...] = s[None]
    dp_ref[...] = d[None]


def _edge_idx(src, dst, curr_node_id):
    s2 = src.reshape(E // 128, 128)
    d2 = dst.reshape(E // 128, 128)
    nb = EPAD // 128 // ER
    o = pl.pallas_call(
        _edge_idx_kernel,
        grid=(2, nb),
        in_specs=[
            pl.BlockSpec((ER, 128), lambda c, i: (i, 0)),
            pl.BlockSpec((ER, 128), lambda c, i: (i, 0)),
            pl.BlockSpec((1, 1), lambda c, i: (0, 0)),
        ],
        out_specs=[
            pl.BlockSpec((1, ER, 128), lambda c, i: (c, i, 0)),
            pl.BlockSpec((1, ER, 128), lambda c, i: (c, i, 0)),
            pl.BlockSpec((1, ER, 128), lambda c, i: (0, i, 0)),
            pl.BlockSpec((1, ER, 128), lambda c, i: (0, i, 0)),
            pl.BlockSpec((1, ER, 128), lambda c, i: (0, i, 0)),
        ],
        out_shape=[
            jax.ShapeDtypeStruct((2, EPAD // 128, 128), jnp.int32),
            jax.ShapeDtypeStruct((2, EPAD // 128, 128), jnp.int32),
            jax.ShapeDtypeStruct((1, EPAD // 128, 128), jnp.int32),
            jax.ShapeDtypeStruct((1, EPAD // 128, 128), jnp.int32),
            jax.ShapeDtypeStruct((1, EPAD // 128, 128), jnp.int32),
        ],
    )(s2, d2, curr_node_id.reshape(1, 1))
    gid, loc, idx1, sp, dp = o
    return (gid.reshape(2, EPAD // BK, BK), loc.reshape(2, EPAD // BK, BK),
            idx1.reshape(EPAD // BK, BK), sp.reshape(EPAD // BK, BK),
            dp.reshape(EPAD // BK, BK))


MR = NPAD // 16
TSTR = MR // 32
DSTR = MR // 16


DROWS = ROWS_PT // 2


def _deg_sc(dst3, iota_rows):
    mesh = plsc.VectorSubcoreMesh(core_axis_name="c", subcore_axis_name="s")

    @functools.partial(
        pl.kernel,
        mesh=mesh,
        compiler_params=pltpu.CompilerParams(use_tc_tiling_on_sc=False,
                                             needs_layout_passes=False),
        out_type=jax.ShapeDtypeStruct((2, MR, 16), jnp.float32),
        scratch_types=[
            pltpu.VMEM((DROWS, BK), jnp.int32),
            pltpu.VMEM((MR, 16), jnp.float32),
            pltpu.VMEM((5, 128), jnp.int32),
            pltpu.VMEM((DSTR, 16), jnp.float32),
            pltpu.VMEM_SHARED((MR, 16), jnp.float32),
        ],
    )
    def k(dst_hbm, iota_hbm, deg_hbm, d_seg, lhist, iota_v, zrow, shist):
        c = lax.axis_index("c")
        t = lax.axis_index("s")
        ones16 = jnp.ones((16,), jnp.float32)
        zeros16 = jnp.zeros((16,), jnp.float32)

        pltpu.sync_copy(iota_hbm, iota_v)
        w = c * 16 + t
        pltpu.sync_copy(dst_hbm.at[pl.ds(w * DROWS, DROWS)], d_seg)

        def z0(i, _):
            zrow[i, :] = zeros16
            return _
        lax.fori_loop(0, DSTR, z0, None)

        def z1(i, _):
            lhist[i, :] = zeros16
            return _
        lax.fori_loop(0, MR, z1, None)
        pltpu.sync_copy(zrow, shist.at[pl.ds(t * DSTR, DSTR)])
        plsc.subcore_barrier()

        def bodyD(j, _):
            for q in range(BK // 16):
                d16 = d_seg[j, pl.ds(q * 16, 16)]
                md = d16 >= 0
                d16c = jnp.maximum(d16, 0)
                plsc.addupdate_scatter(
                    lhist, [d16c >> 4, d16c & 15], ones16, mask=md)
            return _
        lax.fori_loop(0, DROWS, bodyD, None)

        for b in range(5):
            pltpu.sync_copy(lhist.at[pl.ds(b * 128, 128)],
                            shist.at[plsc.Indices(iota_v.at[b])], add=True)
        plsc.subcore_barrier()

        pltpu.sync_copy(shist.at[pl.ds(t * DSTR, DSTR)],
                        deg_hbm.at[c, pl.ds(t * DSTR, DSTR)])

    return k(dst3, iota_rows)


def _bfs_sc(idx1, src3, dst3, iota_rows, curr_node_id):
    mesh = plsc.VectorSubcoreMesh(core_axis_name="c", subcore_axis_name="s")

    @functools.partial(
        pl.kernel,
        mesh=mesh,
        compiler_params=pltpu.CompilerParams(use_tc_tiling_on_sc=False,
                                             needs_layout_passes=False),
        out_type=jax.ShapeDtypeStruct((MR, 16), jnp.float32),
        scratch_types=[
            pltpu.VMEM((SEGB, BK), jnp.int32),
            pltpu.VMEM((SEGB, BK), jnp.int32),
            pltpu.VMEM((MR, 16), jnp.float32),
            pltpu.VMEM((MR, 16), jnp.float32),
            pltpu.VMEM((5, 128), jnp.int32),
            pltpu.VMEM((DSTR, 16), jnp.float32),
            pltpu.VMEM((16,), jnp.int32),
            pltpu.VMEM_SHARED((MR, 16), jnp.float32),
            pltpu.VMEM_SHARED((MR, 16), jnp.float32),
        ],
    )
    def k(idx1_hbm, src_hbm, dst_hbm, iota_hbm, curr_hbm, nb_hbm,
          a_seg, d_seg, lmask, lhist, iota_v, zrow, curr_v,
          smask1, smask2):
        c = lax.axis_index("c")
        t = lax.axis_index("s")
        ones16 = jnp.ones((16,), jnp.float32)
        zeros16 = jnp.zeros((16,), jnp.float32)

        pltpu.sync_copy(curr_hbm, curr_v)
        pltpu.sync_copy(iota_hbm, iota_v)

        def z0(i, _):
            zrow[i, :] = zeros16
            return _
        lax.fori_loop(0, DSTR, z0, None)

        def z1(i, _):
            lmask[i, :] = zeros16
            return _
        lax.fori_loop(0, MR, z1, None)
        zb = t * DSTR
        pltpu.sync_copy(zrow, smask1.at[pl.ds(zb, DSTR)])
        pltpu.sync_copy(zrow, smask2.at[pl.ds(zb, DSTR)])
        plsc.subcore_barrier()

        def segA(g, _):
            row0 = t * ROWS_PT + g * SEGB
            pltpu.sync_copy(idx1_hbm.at[pl.ds(row0, SEGB)], a_seg)

            def bodyA(j, _):
                for q in range(BK // 16):
                    i16 = a_seg[j, pl.ds(q * 16, 16)]
                    m = i16 >= 0
                    i16c = jnp.maximum(i16, 0)
                    plsc.store_scatter(
                        lmask, [i16c >> 4, i16c & 15], ones16, mask=m)
                return _
            lax.fori_loop(0, SEGB, bodyA, None)
            return _
        lax.fori_loop(0, NSEG, segA, None)

        for b in range(5):
            pltpu.sync_copy(lmask.at[pl.ds(b * 128, 128)],
                            smask1.at[plsc.Indices(iota_v.at[b])], add=True)
        plsc.subcore_barrier()

        cv = curr_v[...]
        pltpu.sync_copy(smask1, lhist)

        def z2(i, _):
            lmask[i, :] = zeros16
            return _
        lax.fori_loop(0, MR, z2, None)

        def segB(g, _):
            row0 = t * ROWS_PT + g * SEGB
            pltpu.sync_copy(src_hbm.at[pl.ds(row0, SEGB)], a_seg)
            pltpu.sync_copy(dst_hbm.at[pl.ds(row0, SEGB)], d_seg)

            def bodyB(j, _):
                for q in range(BK // 16):
                    s16 = a_seg[j, pl.ds(q * 16, 16)]
                    d16 = d_seg[j, pl.ds(q * 16, 16)]
                    d16c = jnp.maximum(d16, 0)
                    mv = plsc.load_gather(lhist, [d16c >> 4, d16c & 15])
                    hit = ((mv > 0.0) | (d16 == cv)) & (d16 >= 0)
                    plsc.store_scatter(
                        lmask, [s16 >> 4, s16 & 15], ones16, mask=hit)
                return _
            lax.fori_loop(0, SEGB, bodyB, None)
            return _
        lax.fori_loop(0, NSEG, segB, None)

        for b in range(5):
            pltpu.sync_copy(lmask.at[pl.ds(b * 128, 128)],
                            smask2.at[plsc.Indices(iota_v.at[b])], add=True)
        plsc.subcore_barrier()

        nbase = (c * 16 + t) * TSTR
        pltpu.sync_copy(smask1.at[pl.ds(nbase, TSTR)], lmask.at[pl.ds(0, TSTR)])
        pltpu.sync_copy(smask2.at[pl.ds(nbase, TSTR)],
                        lmask.at[pl.ds(TSTR, TSTR)])

        def cbody(r, _):
            m1 = lmask[r, :]
            m2 = lmask[TSTR + r, :]
            ids = (nbase + r) * 16 + lax.iota(jnp.int32, 16)
            nb = jnp.where((m1 + m2) > 0.0, 1.0, 0.0)
            nb = jnp.where(ids == cv, 0.0, nb)
            lmask[2 * TSTR + r, :] = nb
            return _
        lax.fori_loop(0, TSTR, cbody, None)
        pltpu.sync_copy(lmask.at[pl.ds(2 * TSTR, TSTR)],
                        nb_hbm.at[pl.ds(nbase, TSTR)])

    return k(idx1, src3, dst3, iota_rows, curr_node_id)


def _mm_scale_kernel(x_ref, w_ref, s_ref, o_ref):
    i = pl.program_id(0)
    rows = i * BM + lax.broadcasted_iota(jnp.int32, (BM, 1), 0)
    xv = jnp.where(rows < N, x_ref[...], 0.0)
    o_ref[...] = jnp.dot(xv, w_ref[...],
                         preferred_element_type=jnp.float32) \
        * lax.rsqrt(s_ref[...] + 1.0)


def _mm_scale(x, w, s):
    return pl.pallas_call(
        _mm_scale_kernel,
        grid=(GRID,),
        in_specs=[
            pl.BlockSpec((BM, D), lambda i: (i, 0)),
            pl.BlockSpec((D, H), lambda i: (0, 0)),
            pl.BlockSpec((BM, 1), lambda i: (i, 0)),
        ],
        out_specs=pl.BlockSpec((BM, H), lambda i: (i, 0)),
        out_shape=jax.ShapeDtypeStruct((NPAD, H), jnp.float32),
    )(x, w, s)


def _agg_stats_kernel(a_ref, y_ref, s_ref, b_ref, z_ref, ps_ref, pq_ref):
    i = pl.program_id(0)
    z = lax.rsqrt(s_ref[...] + 1.0) * (a_ref[...] + y_ref[...]) + b_ref[...]
    rows = i * BM + lax.broadcasted_iota(jnp.int32, (BM, 1), 0)
    z = jnp.where(rows < N, z, 0.0)
    z_ref[...] = z
    ps_ref[...] = jnp.sum(z, axis=0, keepdims=True)[None]
    pq_ref[...] = jnp.sum(z * z, axis=0, keepdims=True)[None]


def _agg_stats(acc, y, dinv, b):
    return pl.pallas_call(
        _agg_stats_kernel,
        grid=(GRID,),
        in_specs=[
            pl.BlockSpec((BM, H), lambda i: (i, 0)),
            pl.BlockSpec((BM, H), lambda i: (i, 0)),
            pl.BlockSpec((BM, 1), lambda i: (i, 0)),
            pl.BlockSpec((1, H), lambda i: (0, 0)),
        ],
        out_specs=[
            pl.BlockSpec((BM, H), lambda i: (i, 0)),
            pl.BlockSpec((1, 1, H), lambda i: (i, 0, 0)),
            pl.BlockSpec((1, 1, H), lambda i: (i, 0, 0)),
        ],
        out_shape=[
            jax.ShapeDtypeStruct((NPAD, H), jnp.float32),
            jax.ShapeDtypeStruct((GRID, 1, H), jnp.float32),
            jax.ShapeDtypeStruct((GRID, 1, H), jnp.float32),
        ],
    )(acc, y, dinv, b)


def _norm_mm_kernel(z_ref, ps_ref, pq_ref, w_ref, s_ref, h_ref, y_ref):
    m = jnp.sum(ps_ref[...], axis=0) / N
    vv = jnp.sum(pq_ref[...], axis=0) / N - m * m
    r = lax.rsqrt(vv + 1e-5)
    hn = jnp.maximum((z_ref[...] - m) * r, 0.0)
    i = pl.program_id(0)
    rows = i * BM + lax.broadcasted_iota(jnp.int32, (BM, 1), 0)
    hn = jnp.where(rows < N, hn, 0.0)
    h_ref[...] = hn
    y_ref[...] = jnp.dot(hn, w_ref[...],
                         preferred_element_type=jnp.float32) \
        * lax.rsqrt(s_ref[...] + 1.0)


def _norm_mm(z, ps, pq, w, s):
    return pl.pallas_call(
        _norm_mm_kernel,
        grid=(GRID,),
        in_specs=[
            pl.BlockSpec((BM, H), lambda i: (i, 0)),
            pl.BlockSpec((GRID, 1, H), lambda i: (0, 0, 0)),
            pl.BlockSpec((GRID, 1, H), lambda i: (0, 0, 0)),
            pl.BlockSpec((H, H), lambda i: (0, 0)),
            pl.BlockSpec((BM, 1), lambda i: (i, 0)),
        ],
        out_specs=[
            pl.BlockSpec((BM, H), lambda i: (i, 0)),
            pl.BlockSpec((BM, H), lambda i: (i, 0)),
        ],
        out_shape=[
            jax.ShapeDtypeStruct((NPAD, H), jnp.float32),
            jax.ShapeDtypeStruct((NPAD, H), jnp.float32),
        ],
    )(z, ps, pq, w, s)


def _mlp_pool_kernel(ha_ref, nw_ref, xc_ref, bmat_ref, b1_ref, v_ref,
                     w2_ref, b2_ref, msk_ref, part_ref, o_ref):
    i = pl.program_id(0)
    c = jnp.dot(xc_ref[...], bmat_ref[...],
                preferred_element_type=jnp.float32) + b1_ref[...]
    s = jnp.maximum(ha_ref[...] + nw_ref[...] * v_ref[...] + c, 0.0)
    sc = (jnp.dot(s, w2_ref[...], preferred_element_type=jnp.float32)
          + b2_ref[...]) * msk_ref[...]
    rows = i * BM + lax.broadcasted_iota(jnp.int32, (BM, 1), 0)
    part = jnp.where(rows < N, part_ref[...], 0.0)
    contrib = jnp.dot(sc.T, part, preferred_element_type=jnp.float32)

    @pl.when(i == 0)
    def _():
        o_ref[...] = jnp.zeros_like(o_ref)
    o_ref[...] += contrib


def _mlp_pool(ha, nw, xc, bmat, b1, v, w2, b2, msk, part):
    return pl.pallas_call(
        _mlp_pool_kernel,
        grid=(GRID,),
        in_specs=[
            pl.BlockSpec((BM, H), lambda i: (i, 0)),
            pl.BlockSpec((BM, 1), lambda i: (i, 0)),
            pl.BlockSpec((1, H), lambda i: (0, 0)),
            pl.BlockSpec((H, H), lambda i: (0, 0)),
            pl.BlockSpec((1, H), lambda i: (0, 0)),
            pl.BlockSpec((1, H), lambda i: (0, 0)),
            pl.BlockSpec((H, 1), lambda i: (0, 0)),
            pl.BlockSpec((1, 1), lambda i: (0, 0)),
            pl.BlockSpec((BM, 1), lambda i: (i, 0)),
            pl.BlockSpec((BM, P), lambda i: (i, 0)),
        ],
        out_specs=pl.BlockSpec((1, P), lambda i: (0, 0)),
        out_shape=jax.ShapeDtypeStruct((1, P), jnp.float32),
    )(ha, nw, xc, bmat, b1, v, w2, b2, msk, part)


def kernel(x, edge_index, curr_node_id, partitions, node_weights,
           W1, b1, W2, b2, lin1_W, lin1_b, lin2_W, lin2_b):
    src = edge_index[0]
    dst = edge_index[1]
    gid, loc, idx1, sp3, dp3 = _edge_idx(src, dst, curr_node_id)

    iota_rows = jnp.arange(MR, dtype=jnp.int32).reshape(5, 128)
    degh = _deg_sc(dp3, iota_rows)
    deg2 = (degh[0] + degh[1]).reshape(NPAD, 1)
    nb2 = _bfs_sc(idx1, sp3, dp3, iota_rows,
                  jnp.broadcast_to(curr_node_id, (16,)))

    def gcn_bn(y_pad, b):
        o = _spmm_sc(y_pad, gid, loc)
        acc = o.reshape(NPAD, H)
        return _agg_stats(acc, y_pad, deg2, b.reshape(1, H))

    zero_s = jnp.zeros((NPAD, 1), jnp.float32)

    y1 = _mm_scale(x, W1, deg2)
    z1, ps1, pq1 = gcn_bn(y1, b1)
    _, y2 = _norm_mm(z1, ps1, pq1, W2, deg2)
    z2, ps2, pq2 = gcn_bn(y2, b2)
    A = lin1_W[:H]
    h_pad, hA = _norm_mm(z2, ps2, pq2, A, zero_s)
    h = h_pad[:N]

    curr = curr_node_id[0]
    x_curr = h[curr_node_id]

    Bmat = lin1_W[H:2 * H]
    v = lin1_W[2 * H].reshape(1, H)
    nw = jnp.pad(node_weights * node_weights[curr], (0, NPAD - N)
                 ).reshape(NPAD, 1)
    msk = nb2.reshape(NPAD, 1)

    partition_scores = _mlp_pool(hA, nw, x_curr, Bmat, lin1_b.reshape(1, H),
                                 v, lin2_W, lin2_b.reshape(1, 1), msk,
                                 partitions)
    return (partition_scores, h)

# --- scband reference (transcript-rebuilt; emitter-appended) ---
"""Pipeline reference for scband-model-local-link-pred-38173669327418 (READ-ONLY COPY).

The authoritative reference and input builder live on the scoring server;
editing this copy changes nothing except your own understanding.
"""

import jax, jax.numpy as jnp
import numpy as np

N = 10000
E = 160000
D = 256
H = 256
P = 64
HOPS = 2


def gcn_layer(x, W, b, src, dst, n):
    # PyG GCNConv: x' = D^-1/2 (A+I) D^-1/2 (x W) + b, with added self-loops
    xw = x @ W
    loops = jnp.arange(n)
    rows = jnp.concatenate([src, loops])
    cols = jnp.concatenate([dst, loops])
    deg = jnp.zeros(n, x.dtype).at[cols].add(1.0)
    dinv = 1.0 / jnp.sqrt(deg)
    norm = dinv[rows] * dinv[cols]
    msg = xw[rows] * norm[:, None]
    out = jnp.zeros((n, W.shape[1]), x.dtype).at[cols].add(msg)
    return out + b


def batch_norm(x, eps=1e-5):
    # BatchNorm1d(track_running_stats=False, affine=False): always batch stats, biased var
    m = jnp.mean(x, axis=0)
    v = jnp.var(x, axis=0)
    return (x - m) / jnp.sqrt(v + eps)


def setup_inputs(seed: int = 0) -> dict:
    key = jax.random.key(seed)
    ks = jax.random.split(key, 12)
    x = jax.random.normal(ks[0], (N, D), dtype=jnp.float32)
    edge_index = jax.random.randint(ks[1], (2, E), 0, N)
    curr_node_id = jax.random.randint(ks[2], (1,), 0, N)
    partitions = jax.random.uniform(ks[3], (N, P), dtype=jnp.float32)
    node_weights = jax.random.uniform(ks[4], (N,), dtype=jnp.float32)
    W1 = jax.random.normal(ks[5], (D, H), dtype=jnp.float32) * 0.05
    b1 = jnp.zeros((H,), jnp.float32)
    W2 = jax.random.normal(ks[6], (H, H), dtype=jnp.float32) * 0.05
    b2 = jnp.zeros((H,), jnp.float32)
    lin1_W = jax.random.normal(ks[7], (2 * H + 1, H), dtype=jnp.float32) * 0.05
    lin1_b = jax.random.normal(ks[8], (H,), dtype=jnp.float32) * 0.05
    lin2_W = jax.random.normal(ks[9], (H, 1), dtype=jnp.float32) * 0.05
    lin2_b = jax.random.normal(ks[10], (1,), dtype=jnp.float32) * 0.05
    return {"x": x, "edge_index": edge_index, "curr_node_id": curr_node_id,
            "partitions": partitions, "node_weights": node_weights,
            "W1": W1, "b1": b1, "W2": W2, "b2": b2,
            "lin1_W": lin1_W, "lin1_b": lin1_b, "lin2_W": lin2_W, "lin2_b": lin2_b}


def reference(x, edge_index, curr_node_id, partitions, node_weights,
              W1, b1, W2, b2, lin1_W, lin1_b, lin2_W, lin2_b):
    n = x.shape[0]
    src = edge_index[0]
    dst = edge_index[1]
    # two GCN layers + batch norm + relu (embeddings=None path)
    h = gcn_layer(x, W1, b1, src, dst, n)
    h = jax.nn.relu(batch_norm(h))
    h = gcn_layer(h, W2, b2, src, dst, n)
    h = jax.nn.relu(batch_norm(h))
    curr = curr_node_id[0]
    x_curr = h[curr_node_id].reshape((1, h.shape[1]))
    # k_hop_subgraph (flow='source_to_target'): collect in-neighbors within HOPS hops
    mask = jnp.zeros((n,), bool).at[curr].set(True)
    for _ in range(HOPS):
        hit = mask[dst]  # edges whose target is in current set
        reached = jnp.zeros((n,), jnp.int32).at[src].add(hit.astype(jnp.int32))
        mask = mask | (reached > 0)
    nb_mask = mask.at[curr].set(False)
    # mlp scoring
    nw = node_weights[:, None] * node_weights[curr_node_id]
    feat = jnp.concatenate([h, jnp.tile(x_curr, (n, 1)), nw], axis=1)
    s = jax.nn.relu(feat @ lin1_W + lin1_b)
    scores = s @ lin2_W + lin2_b  # [n, 1]
    scores = scores * nb_mask[:, None].astype(scores.dtype)
    # pool='sum'
    partition_scores = scores.T @ partitions  # [1, P]
    return (partition_scores, h)

if __name__ == "__main__":
    import jax
    _d = setup_inputs()
    print(jax.jit(kernel)(*tuple(_d.values())))

</pallas_src>

<mosaic_0001>
#map = affine_map<(d0, d1) -> (0, 0)>
#map1 = affine_map<(d0, d1) -> (0, 0, 0)>
module attributes {stable_mosaic.version = 14 : i64} {
  func.func @k(%arg0: i32, %arg1: i32, %arg2: memref<2560x64xi32, #tpu.memory_space<hbm>>, %arg3: memref<5x128xi32, #tpu.memory_space<hbm>>, %arg4: memref<2x640x16xf32, #tpu.memory_space<hbm>>, %arg5: memref<80x64xi32, #tpu.memory_space<vmem>>, %arg6: memref<640x16xf32, #tpu.memory_space<vmem>>, %arg7: memref<5x128xi32, #tpu.memory_space<vmem>>, %arg8: memref<40x16xf32, #tpu.memory_space<vmem>>, %arg9: memref<640x16xf32, #tpu.memory_space<vmem_shared>>) attributes {dimension_semantics = [#tpu.dimension_semantics<core_parallel>, #tpu.dimension_semantics<subcore_parallel>], iteration_bounds = array<i64: 2, 16>, scalar_prefetch = 0 : i64, scratch_operands = 5 : i64, tpu.core_type = #tpu.core_type<sc_vector_subcore>, window_params = [{transform_indices = #map}, {transform_indices = #map}, {transform_indices = #map1}]} {
    %broadcast_in_dim3A = arith.constant 1.000000e+00 : f32
    %broadcast_in_dim3A_0 = vector.broadcast %broadcast_in_dim3A : f32 to vector<16xf32>
    %broadcast_in_dim3A_1 = arith.constant 0.000000e+00 : f32
    %broadcast_in_dim3A_2 = vector.broadcast %broadcast_in_dim3A_1 : f32 to vector<16xf32>
    "tpu.region"() ({
      %run_scoped3A_31 = tpu.sem_alloc : memref<!tpu.dma_semaphore, #tpu.memory_space<semaphore_mem>>
      tpu.enqueue_dma source(%arg3 : memref<5x128xi32, #tpu.memory_space<hbm>>) target(%arg7 : memref<5x128xi32, #tpu.memory_space<vmem>>) target_semaphore(%run_scoped3A_31 : memref<!tpu.dma_semaphore, #tpu.memory_space<semaphore_mem>>)
      tpu.wait_dma2 semaphore(%run_scoped3A_31 : memref<!tpu.dma_semaphore, #tpu.memory_space<semaphore_mem>>) src(%arg3 : memref<5x128xi32, #tpu.memory_space<hbm>>) dst(%arg7 : memref<5x128xi32, #tpu.memory_space<vmem>>)
      tpu.yield
    }) : () -> ()
    %mul3A = arith.constant 16 : i32
    %mul3A_3 = arith.muli %arg0, %mul3A : i32
    %add3A = arith.addi %mul3A_3, %arg1 : i32
    %mul3A_4 = arith.constant 80 : i32
    %mul3A_5 = arith.muli %add3A, %mul3A_4 : i32
    "tpu.region"() ({
      %run_scoped3A_31 = tpu.sem_alloc : memref<!tpu.dma_semaphore, #tpu.memory_space<semaphore_mem>>
      %dma_start3A = arith.constant 0 : i32
      %dma_start3A_32 = tpu.memref_slice %arg2[%mul3A_5, %dma_start3A] : memref<2560x64xi32, #tpu.memory_space<hbm>> -> memref<80x64xi32, #tpu.memory_space<hbm>>
      %dma_start3A_33 = arith.constant 0 : i32
      %dma_start3A_34 = tpu.memref_slice %arg2[%mul3A_5, %dma_start3A_33] : memref<2560x64xi32, #tpu.memory_space<hbm>> -> memref<80x64xi32, #tpu.memory_space<hbm>>
      tpu.enqueue_dma source(%dma_start3A_34 : memref<80x64xi32, #tpu.memory_space<hbm>>) target(%arg5 : memref<80x64xi32, #tpu.memory_space<vmem>>) target_semaphore(%run_scoped3A_31 : memref<!tpu.dma_semaphore, #tpu.memory_space<semaphore_mem>>)
      %dma_wait3A = arith.constant 0 : i32
      %dma_wait3A_35 = tpu.memref_slice %arg2[%mul3A_5, %dma_wait3A] : memref<2560x64xi32, #tpu.memory_space<hbm>> -> memref<80x64xi32, #tpu.memory_space<hbm>>
      %dma_wait3A_36 = arith.constant 0 : i32
      %dma_wait3A_37 = tpu.memref_slice %arg2[%mul3A_5, %dma_wait3A_36] : memref<2560x64xi32, #tpu.memory_space<hbm>> -> memref<80x64xi32, #tpu.memory_space<hbm>>
      tpu.wait_dma2 semaphore(%run_scoped3A_31 : memref<!tpu.dma_semaphore, #tpu.memory_space<semaphore_mem>>) src(%dma_wait3A_37 : memref<80x64xi32, #tpu.memory_space<hbm>>) dst(%arg5 : memref<80x64xi32, #tpu.memory_space<vmem>>)
      tpu.yield
    }) : () -> ()
    %scan3A = arith.constant 0 : i32
    %scan3A_6 = arith.constant 40 : i32
    %scan3A_7 = arith.addi %scan3A, %scan3A_6 : i32
    %scan3A_8 = arith.constant 1 : i32
    scf.for %scan3A_31 = %scan3A to %scan3A_7 step %scan3A_8  : i32 {
      %swap3A = arith.index_cast %scan3A_31 : i32 to index
      %swap3A_32 = arith.constant 0 : index
      %swap3A_33 = tpu.vector_load %arg8[%swap3A, %swap3A_32] {strides = array<i32>} : memref<40x16xf32, #tpu.memory_space<vmem>>, vector<16xf32>,
      tpu.vector_store %arg8[%swap3A, %swap3A_32], %broadcast_in_dim3A_2 {strides = array<i32>} : memref<40x16xf32, #tpu.memory_space<vmem>>, vector<16xf32>,
    }
    %scan3A_9 = arith.constant 40 : i32
    %scan3A_10 = arith.constant 0 : i32
    %scan3A_11 = arith.constant 640 : i32
    %scan3A_12 = arith.addi %scan3A_10, %scan3A_11 : i32
    %scan3A_13 = arith.constant 1 : i32
    scf.for %scan3A_31 = %scan3A_10 to %scan3A_12 step %scan3A_13  : i32 {
      %swap3A = arith.index_cast %scan3A_31 : i32 to index
      %swap3A_32 = arith.constant 0 : index
      %swap3A_33 = tpu.vector_load %arg6[%swap3A, %swap3A_32] {strides = array<i32>} : memref<640x16xf32, #tpu.memory_space<vmem>>, vector<16xf32>,
      tpu.vector_store %arg6[%swap3A, %swap3A_32], %broadcast_in_dim3A_2 {strides = array<i32>} : memref<640x16xf32, #tpu.memory_space<vmem>>, vector<16xf32>,
    }
    %scan3A_14 = arith.constant 640 : i32
    %mul3A_15 = arith.constant 40 : i32
    %mul3A_16 = arith.muli %arg1, %mul3A_15 : i32
    "tpu.region"() ({
      %run_scoped3A_31 = tpu.sem_alloc : memref<!tpu.dma_semaphore, #tpu.memory_space<semaphore_mem>>
      %dma_start3A = arith.constant 0 : i32
      %dma_start3A_32 = tpu.memref_slice %arg9[%mul3A_16, %dma_start3A] : memref<640x16xf32, #tpu.memory_space<vmem_shared>> -> memref<40x16xf32, #tpu.memory_space<vmem_shared>>
      %dma_start3A_33 = arith.constant 0 : i32
      %dma_start3A_34 = tpu.memref_slice %arg9[%mul3A_16, %dma_start3A_33] : memref<640x16xf32, #tpu.memory_space<vmem_shared>> -> memref<40x16xf32, #tpu.memory_space<vmem_shared>>
      tpu.enqueue_dma source(%arg8 : memref<40x16xf32, #tpu.memory_space<vmem>>) target(%dma_start3A_34 : memref<40x16xf32, #tpu.memory_space<vmem_shared>>) target_semaphore(%run_scoped3A_31 : memref<!tpu.dma_semaphore, #tpu.memory_space<semaphore_mem>>)
      %dma_wait3A = arith.constant 0 : i32
      %dma_wait3A_35 = tpu.memref_slice %arg9[%mul3A_16, %dma_wait3A] : memref<640x16xf32, #tpu.memory_space<vmem_shared>> -> memref<40x16xf32, #tpu.memory_space<vmem_shared>>
      %dma_wait3A_36 = arith.constant 0 : i32
      %dma_wait3A_37 = tpu.memref_slice %arg9[%mul3A_16, %dma_wait3A_36] : memref<640x16xf32, #tpu.memory_space<vmem_shared>> -> memref<40x16xf32, #tpu.memory_space<vmem_shared>>
      tpu.wait_dma2 semaphore(%run_scoped3A_31 : memref<!tpu.dma_semaphore, #tpu.memory_space<semaphore_mem>>) src(%arg8 : memref<40x16xf32, #tpu.memory_space<vmem>>) dst(%dma_wait3A_37 : memref<40x16xf32, #tpu.memory_space<vmem_shared>>)
      tpu.yield
    }) : () -> ()
    %barrier3A = arith.constant 0 : index
    tpu.barrier barrier_id(%barrier3A)
    %scan3A_17 = arith.constant 0 : i32
    %scan3A_18 = arith.constant 80 : i32
    %scan3A_19 = arith.addi %scan3A_17, %scan3A_18 : i32
    %scan3A_20 = arith.constant 1 : i32
    scf.for %scan3A_31 = %scan3A_17 to %scan3A_19 step %scan3A_20  : i32 {
      %get3A = arith.index_cast %scan3A_31 : i32 to index
      %get3A_32 = arith.constant 0 : index
      %get3A_33 = tpu.vector_load %arg5[%get3A, %get3A_32] {strides = array<i32>} : memref<80x64xi32, #tpu.memory_space<vmem>>, vector<16xi32>,
      %ge3A = arith.constant 0 : i32
      %ge3A_34 = vector.broadcast %ge3A : i32 to vector<16xi32>
      %ge3A_35 = arith.cmpi sge, %get3A_33, %ge3A_34 : vector<16xi32>
      %max3A = arith.constant 0 : i32
      %max3A_36 = vector.broadcast %max3A : i32 to vector<16xi32>
      %max3A_37 = arith.maxsi %get3A_33, %max3A_36 : vector<16xi32>
      %shift_right_arithmetic3A = arith.constant 4 : i32
      %shift_right_arithmetic3A_38 = vector.broadcast %shift_right_arithmetic3A : i32 to vector<16xi32>
      %shift_right_arithmetic3A_39 = arith.shrsi %max3A_37, %shift_right_arithmetic3A_38 : vector<16xi32>
      %and3A = arith.constant 15 : i32
      %and3A_40 = vector.broadcast %and3A : i32 to vector<16xi32>
      %and3A_41 = arith.andi %max3A_37, %and3A_40 : vector<16xi32>
      tpu.vector_store_idx %arg6[%shift_right_arithmetic3A_39, %and3A_41], %broadcast_in_dim3A_0 masked %ge3A_35 {add = true} : memref<640x16xf32, #tpu.memory_space<vmem>>[vector<16xi32>, vector<16xi32>], vector<16xf32>, vector<16xi1>
      %get3A_42 = arith.index_cast %scan3A_31 : i32 to index
      %get3A_43 = arith.constant 16 : index
      %get3A_44 = tpu.vector_load %arg5[%get3A_42, %get3A_43] {strides = array<i32>} : memref<80x64xi32, #tpu.memory_space<vmem>>, vector<16xi32>,
      %ge3A_45 = arith.constant 0 : i32
      %ge3A_46 = vector.broadcast %ge3A_45 : i32 to vector<16xi32>
      %ge3A_47 = arith.cmpi sge, %get3A_44, %ge3A_46 : vector<16xi32>
      %max3A_48 = arith.constant 0 : i32
      %max3A_49 = vector.broadcast %max3A_48 : i32 to vector<16xi32>
      %max3A_50 = arith.maxsi %get3A_44, %max3A_49 : vector<16xi32>
      %shift_right_arithmetic3A_51 = arith.constant 4 : i32
      %shift_right_arithmetic3A_52 = vector.broadcast %shift_right_arithmetic3A_51 : i32 to vector<16xi32>
      %shift_right_arithmetic3A_53 = arith.shrsi %max3A_50, %shift_right_arithmetic3A_52 : vector<16xi32>
      %and3A_54 = arith.constant 15 : i32
      %and3A_55 = vector.broadcast %and3A_54 : i32 to vector<16xi32>
      %and3A_56 = arith.andi %max3A_50, %and3A_55 : vector<16xi32>
      tpu.vector_store_idx %arg6[%shift_right_arithmetic3A_53, %and3A_56], %broadcast_in_dim3A_0 masked %ge3A_47 {add = true} : memref<640x16xf32, #tpu.memory_space<vmem>>[vector<16xi32>, vector<16xi32>], vector<16xf32>, vector<16xi1>
      %get3A_57 = arith.index_cast %scan3A_31 : i32 to index
      %get3A_58 = arith.constant 32 : index
      %get3A_59 = tpu.vector_load %arg5[%get3A_57, %get3A_58] {strides = array<i32>} : memref<80x64xi32, #tpu.memory_space<vmem>>, vector<16xi32>,
      %ge3A_60 = arith.constant 0 : i32
      %ge3A_61 = vector.broadcast %ge3A_60 : i32 to vector<16xi32>
      %ge3A_62 = arith.cmpi sge, %get3A_59, %ge3A_61 : vector<16xi32>
      %max3A_63 = arith.constant 0 : i32
      %max3A_64 = vector.broadcast %max3A_63 : i32 to vector<16xi32>
      %max3A_65 = arith.maxsi %get3A_59, %max3A_64 : vector<16xi32>
      %shift_right_arithmetic3A_66 = arith.constant 4 : i32
      %shift_right_arithmetic3A_67 = vector.broadcast %shift_right_arithmetic3A_66 : i32 to vector<16xi32>
      %shift_right_arithmetic3A_68 = arith.shrsi %max3A_65, %shift_right_arithmetic3A_67 : vector<16xi32>
      %and3A_69 = arith.constant 15 : i32
      %and3A_70 = vector.broadcast %and3A_69 : i32 to vector<16xi32>
      %and3A_71 = arith.andi %max3A_65, %and3A_70 : vector<16xi32>
      tpu.vector_store_idx %arg6[%shift_right_arithmetic3A_68, %and3A_71], %broadcast_in_dim3A_0 masked %ge3A_62 {add = true} : memref<640x16xf32, #tpu.memory_space<vmem>>[vector<16xi32>, vector<16xi32>], vector<16xf32>, vector<16xi1>
      %get3A_72 = arith.index_cast %scan3A_31 : i32 to index
      %get3A_73 = arith.constant 48 : index
      %get3A_74 = tpu.vector_load %arg5[%get3A_72, %get3A_73] {strides = array<i32>} : memref<80x64xi32, #tpu.memory_space<vmem>>, vector<16xi32>,
      %ge3A_75 = arith.constant 0 : i32
      %ge3A_76 = vector.broadcast %ge3A_75 : i32 to vector<16xi32>
      %ge3A_77 = arith.cmpi sge, %get3A_74, %ge3A_76 : vector<16xi32>
      %max3A_78 = arith.constant 0 : i32
      %max3A_79 = vector.broadcast %max3A_78 : i32 to vector<16xi32>
      %max3A_80 = arith.maxsi %get3A_74, %max3A_79 : vector<16xi32>
      %shift_right_arithmetic3A_81 = arith.constant 4 : i32
      %shift_right_arithmetic3A_82 = vector.broadcast %shift_right_arithmetic3A_81 : i32 to vector<16xi32>
      %shift_right_arithmetic3A_83 = arith.shrsi %max3A_80, %shift_right_arithmetic3A_82 : vector<16xi32>
      %and3A_84 = arith.constant 15 : i32
      %and3A_85 = vector.broadcast %and3A_84 : i32 to vector<16xi32>
      %and3A_86 = arith.andi %max3A_80, %and3A_85 : vector<16xi32>
      tpu.vector_store_idx %arg6[%shift_right_arithmetic3A_83, %and3A_86], %broadcast_in_dim3A_0 masked %ge3A_77 {add = true} : memref<640x16xf32, #tpu.memory_space<vmem>>[vector<16xi32>, vector<16xi32>], vector<16xf32>, vector<16xi1>
    }
    %scan3A_21 = arith.constant 80 : i32
    %run_scoped3A = arith.constant 0 : i32
    "tpu.region"() ({
      %run_scoped3A_31 = tpu.sem_alloc : memref<!tpu.dma_semaphore, #tpu.memory_space<semaphore_mem>>
      %dma_start3A = arith.constant 0 : i32
      %dma_start3A_32 = arith.constant 0 : i32
      %dma_start3A_33 = tpu.memref_slice %arg6[%dma_start3A, %dma_start3A_32] : memref<640x16xf32, #tpu.memory_space<vmem>> -> memref<128x16xf32, #tpu.memory_space<vmem>>
      %dma_start3A_34 = arith.constant 0 : i32
      %dma_start3A_35 = tpu.memref_slice %arg7[%run_scoped3A, %dma_start3A_34] : memref<5x128xi32, #tpu.memory_space<vmem>> -> memref<1x128xi32, #tpu.memory_space<vmem>>
      %dma_start3A_36 = tpu.memref_squeeze %dma_start3A_35 : memref<1x128xi32, #tpu.memory_space<vmem>> -> memref<128xi32, #tpu.memory_space<vmem>>
      %dma_start3A_37 = arith.constant 0 : i32
      %dma_start3A_38 = arith.constant 0 : i32
      %dma_start3A_39 = tpu.memref_slice %arg9[%dma_start3A_37, %dma_start3A_38] : memref<640x16xf32, #tpu.memory_space<vmem_shared>> -> memref<640x16xf32, #tpu.memory_space<vmem_shared>>
      tpu.enqueue_indirect_dma source(%dma_start3A_33 : memref<128x16xf32, #tpu.memory_space<vmem>>) target(%dma_start3A_39 : memref<640x16xf32, #tpu.memory_space<vmem_shared>>) offsets(%dma_start3A_36 : memref<128xi32, #tpu.memory_space<vmem>>) semaphore(%run_scoped3A_31 : memref<!tpu.dma_semaphore, #tpu.memory_space<semaphore_mem>>) {add = true}
      %dma_wait3A = arith.constant 0 : i32
      %dma_wait3A_40 = arith.constant 0 : i32
      %dma_wait3A_41 = tpu.memref_slice %arg6[%dma_wait3A, %dma_wait3A_40] : memref<640x16xf32, #tpu.memory_space<vmem>> -> memref<128x16xf32, #tpu.memory_space<vmem>>
      %dma_wait3A_42 = arith.constant 0 : i32
      %dma_wait3A_43 = tpu.memref_slice %arg7[%run_scoped3A, %dma_wait3A_42] : memref<5x128xi32, #tpu.memory_space<vmem>> -> memref<1x128xi32, #tpu.memory_space<vmem>>
      %dma_wait3A_44 = tpu.memref_squeeze %dma_wait3A_43 : memref<1x128xi32, #tpu.memory_space<vmem>> -> memref<128xi32, #tpu.memory_space<vmem>>
      %dma_wait3A_45 = arith.constant 0 : i32
      %dma_wait3A_46 = arith.constant 0 : i32
      %dma_wait3A_47 = tpu.memref_slice %arg9[%dma_wait3A_45, %dma_wait3A_46] : memref<640x16xf32, #tpu.memory_space<vmem_shared>> -> memref<640x16xf32, #tpu.memory_space<vmem_shared>>
      tpu.wait_indirect_dma semaphore(%run_scoped3A_31 : memref<!tpu.dma_semaphore, #tpu.memory_space<semaphore_mem>>) src(%dma_wait3A_41 : memref<128x16xf32, #tpu.memory_space<vmem>>) dst(%dma_wait3A_47 : memref<640x16xf32, #tpu.memory_space<vmem_shared>>)
      tpu.yield
    }) : () -> ()
    %run_scoped3A_22 = arith.constant 1 : i32
    "tpu.region"() ({
      %run_scoped3A_31 = tpu.sem_alloc : memref<!tpu.dma_semaphore, #tpu.memory_space<semaphore_mem>>
      %dma_start3A = arith.constant 128 : i32
      %dma_start3A_32 = arith.constant 0 : i32
      %dma_start3A_33 = tpu.memref_slice %arg6[%dma_start3A, %dma_start3A_32] : memref<640x16xf32, #tpu.memory_space<vmem>> -> memref<128x16xf32, #tpu.memory_space<vmem>>
      %dma_start3A_34 = arith.constant 0 : i32
      %dma_start3A_35 = tpu.memref_slice %arg7[%run_scoped3A_22, %dma_start3A_34] : memref<5x128xi32, #tpu.memory_space<vmem>> -> memref<1x128xi32, #tpu.memory_space<vmem>>
      %dma_start3A_36 = tpu.memref_squeeze %dma_start3A_35 : memref<1x128xi32, #tpu.memory_space<vmem>> -> memref<128xi32, #tpu.memory_space<vmem>>
      %dma_start3A_37 = arith.constant 0 : i32
      %dma_start3A_38 = arith.constant 0 : i32
      %dma_start3A_39 = tpu.memref_slice %arg9[%dma_start3A_37, %dma_start3A_38] : memref<640x16xf32, #tpu.memory_space<vmem_shared>> -> memref<640x16xf32, #tpu.memory_space<vmem_shared>>
      tpu.enqueue_indirect_dma source(%dma_start3A_33 : memref<128x16xf32, #tpu.memory_space<vmem>>) target(%dma_start3A_39 : memref<640x16xf32, #tpu.memory_space<vmem_shared>>) offsets(%dma_start3A_36 : memref<128xi32, #tpu.memory_space<vmem>>) semaphore(%run_scoped3A_31 : memref<!tpu.dma_semaphore, #tpu.memory_space<semaphore_mem>>) {add = true}
      %dma_wait3A = arith.constant 128 : i32
      %dma_wait3A_40 = arith.constant 0 : i32
      %dma_wait3A_41 = tpu.memref_slice %arg6[%dma_wait3A, %dma_wait3A_40] : memref<640x16xf32, #tpu.memory_space<vmem>> -> memref<128x16xf32, #tpu.memory_space<vmem>>
      %dma_wait3A_42 = arith.constant 0 : i32
      %dma_wait3A_43 = tpu.memref_slice %arg7[%run_scoped3A_22, %dma_wait3A_42] : memref<5x128xi32, #tpu.memory_space<vmem>> -> memref<1x128xi32, #tpu.memory_space<vmem>>
      %dma_wait3A_44 = tpu.memref_squeeze %dma_wait3A_43 : memref<1x128xi32, #tpu.memory_space<vmem>> -> memref<128xi32, #tpu.memory_space<vmem>>
      %dma_wait3A_45 = arith.constant 0 : i32
      %dma_wait3A_46 = arith.constant 0 : i32
      %dma_wait3A_47 = tpu.memref_slice %arg9[%dma_wait3A_45, %dma_wait3A_46] : memref<640x16xf32, #tpu.memory_space<vmem_shared>> -> memref<640x16xf32, #tpu.memory_space<vmem_shared>>
      tpu.wait_indirect_dma semaphore(%run_scoped3A_31 : memref<!tpu.dma_semaphore, #tpu.memory_space<semaphore_mem>>) src(%dma_wait3A_41 : memref<128x16xf32, #tpu.memory_space<vmem>>) dst(%dma_wait3A_47 : memref<640x16xf32, #tpu.memory_space<vmem_shared>>)
      tpu.yield
    }) : () -> ()
    %run_scoped3A_23 = arith.constant 2 : i32
    "tpu.region"() ({
      %run_scoped3A_31 = tpu.sem_alloc : memref<!tpu.dma_semaphore, #tpu.memory_space<semaphore_mem>>
      %dma_start3A = arith.constant 256 : i32
      %dma_start3A_32 = arith.constant 0 : i32
      %dma_start3A_33 = tpu.memref_slice %arg6[%dma_start3A, %dma_start3A_32] : memref<640x16xf32, #tpu.memory_space<vmem>> -> memref<128x16xf32, #tpu.memory_space<vmem>>
      %dma_start3A_34 = arith.constant 0 : i32
      %dma_start3A_35 = tpu.memref_slice %arg7[%run_scoped3A_23, %dma_start3A_34] : memref<5x128xi32, #tpu.memory_space<vmem>> -> memref<1x128xi32, #tpu.memory_space<vmem>>
      %dma_start3A_36 = tpu.memref_squeeze %dma_start3A_35 : memref<1x128xi32, #tpu.memory_space<vmem>> -> memref<128xi32, #tpu.memory_space<vmem>>
      %dma_start3A_37 = arith.constant 0 : i32
      %dma_start3A_38 = arith.constant 0 : i32
      %dma_start3A_39 = tpu.memref_slice %arg9[%dma_start3A_37, %dma_start3A_38] : memref<640x16xf32, #tpu.memory_space<vmem_shared>> -> memref<640x16xf32, #tpu.memory_space<vmem_shared>>
      tpu.enqueue_indirect_dma source(%dma_start3A_33 : memref<128x16xf32, #tpu.memory_space<vmem>>) target(%dma_start3A_39 : memref<640x16xf32, #tpu.memory_space<vmem_shared>>) offsets(%dma_start3A_36 : memref<128xi32, #tpu.memory_space<vmem>>) semaphore(%run_scoped3A_31 : memref<!tpu.dma_semaphore, #tpu.memory_space<semaphore_mem>>) {add = true}
      %dma_wait3A = arith.constant 256 : i32
      %dma_wait3A_40 = arith.constant 0 : i32
      %dma_wait3A_41 = tpu.memref_slice %arg6[%dma_wait3A, %dma_wait3A_40] : memref<640x16xf32, #tpu.memory_space<vmem>> -> memref<128x16xf32, #tpu.memory_space<vmem>>
      %dma_wait3A_42 = arith.constant 0 : i32
      %dma_wait3A_43 = tpu.memref_slice %arg7[%run_scoped3A_23, %dma_wait3A_42] : memref<5x128xi32, #tpu.memory_space<vmem>> -> memref<1x128xi32, #tpu.memory_space<vmem>>
      %dma_wait3A_44 = tpu.memref_squeeze %dma_wait3A_43 : memref<1x128xi32, #tpu.memory_space<vmem>> -> memref<128xi32, #tpu.memory_space<vmem>>
      %dma_wait3A_45 = arith.constant 0 : i32
      %dma_wait3A_46 = arith.constant 0 : i32
      %dma_wait3A_47 = tpu.memref_slice %arg9[%dma_wait3A_45, %dma_wait3A_46] : memref<640x16xf32, #tpu.memory_space<vmem_shared>> -> memref<640x16xf32, #tpu.memory_space<vmem_shared>>
      tpu.wait_indirect_dma semaphore(%run_scoped3A_31 : memref<!tpu.dma_semaphore, #tpu.memory_space<semaphore_mem>>) src(%dma_wait3A_41 : memref<128x16xf32, #tpu.memory_space<vmem>>) dst(%dma_wait3A_47 : memref<640x16xf32, #tpu.memory_space<vmem_shared>>)
      tpu.yield
    }) : () -> ()
    %run_scoped3A_24 = arith.constant 3 : i32
    "tpu.region"() ({
      %run_scoped3A_31 = tpu.sem_alloc : memref<!tpu.dma_semaphore, #tpu.memory_space<semaphore_mem>>
      %dma_start3A = arith.constant 384 : i32
      %dma_start3A_32 = arith.constant 0 : i32
      %dma_start3A_33 = tpu.memref_slice %arg6[%dma_start3A, %dma_start3A_32] : memref<640x16xf32, #tpu.memory_space<vmem>> -> memref<128x16xf32, #tpu.memory_space<vmem>>
      %dma_start3A_34 = arith.constant 0 : i32
      %dma_start3A_35 = tpu.memref_slice %arg7[%run_scoped3A_24, %dma_start3A_34] : memref<5x128xi32, #tpu.memory_space<vmem>> -> memref<1x128xi32, #tpu.memory_space<vmem>>
      %dma_start3A_36 = tpu.memref_squeeze %dma_start3A_35 : memref<1x128xi32, #tpu.memory_space<vmem>> -> memref<128xi32, #tpu.memory_space<vmem>>
      %dma_start3A_37 = arith.constant 0 : i32
      %dma_start3A_38 = arith.constant 0 : i32
      %dma_start3A_39 = tpu.memref_slice %arg9[%dma_start3A_37, %dma_start3A_38] : memref<640x16xf32, #tpu.memory_space<vmem_shared>> -> memref<640x16xf32, #tpu.memory_space<vmem_shared>>
      tpu.enqueue_indirect_dma source(%dma_start3A_33 : memref<128x16xf32, #tpu.memory_space<vmem>>) target(%dma_start3A_39 : memref<640x16xf32, #tpu.memory_space<vmem_shared>>) offsets(%dma_start3A_36 : memref<128xi32, #tpu.memory_space<vmem>>) semaphore(%run_scoped3A_31 : memref<!tpu.dma_semaphore, #tpu.memory_space<semaphore_mem>>) {add = true}
      %dma_wait3A = arith.constant 384 : i32
      %dma_wait3A_40 = arith.constant 0 : i32
      %dma_wait3A_41 = tpu.memref_slice %arg6[%dma_wait3A, %dma_wait3A_40] : memref<640x16xf32, #tpu.memory_space<vmem>> -> memref<128x16xf32, #tpu.memory_space<vmem>>
      %dma_wait3A_42 = arith.constant 0 : i32
      %dma_wait3A_43 = tpu.memref_slice %arg7[%run_scoped3A_24, %dma_wait3A_42] : memref<5x128xi32, #tpu.memory_space<vmem>> -> memref<1x128xi32, #tpu.memory_space<vmem>>
      %dma_wait3A_44 = tpu.memref_squeeze %dma_wait3A_43 : memref<1x128xi32, #tpu.memory_space<vmem>> -> memref<128xi32, #tpu.memory_space<vmem>>
      %dma_wait3A_45 = arith.constant 0 : i32
      %dma_wait3A_46 = arith.constant 0 : i32
      %dma_wait3A_47 = tpu.memref_slice %arg9[%dma_wait3A_45, %dma_wait3A_46] : memref<640x16xf32, #tpu.memory_space<vmem_shared>> -> memref<640x16xf32, #tpu.memory_space<vmem_shared>>
      tpu.wait_indirect_dma semaphore(%run_scoped3A_31 : memref<!tpu.dma_semaphore, #tpu.memory_space<semaphore_mem>>) src(%dma_wait3A_41 : memref<128x16xf32, #tpu.memory_space<vmem>>) dst(%dma_wait3A_47 : memref<640x16xf32, #tpu.memory_space<vmem_shared>>)
      tpu.yield
    }) : () -> ()
    %run_scoped3A_25 = arith.constant 4 : i32
    "tpu.region"() ({
      %run_scoped3A_31 = tpu.sem_alloc : memref<!tpu.dma_semaphore, #tpu.memory_space<semaphore_mem>>
      %dma_start3A = arith.constant 512 : i32
      %dma_start3A_32 = arith.constant 0 : i32
      %dma_start3A_33 = tpu.memref_slice %arg6[%dma_start3A, %dma_start3A_32] : memref<640x16xf32, #tpu.memory_space<vmem>> -> memref<128x16xf32, #tpu.memory_space<vmem>>
      %dma_start3A_34 = arith.constant 0 : i32
      %dma_start3A_35 = tpu.memref_slice %arg7[%run_scoped3A_25, %dma_start3A_34] : memref<5x128xi32, #tpu.memory_space<vmem>> -> memref<1x128xi32, #tpu.memory_space<vmem>>
      %dma_start3A_36 = tpu.memref_squeeze %dma_start3A_35 : memref<1x128xi32, #tpu.memory_space<vmem>> -> memref<128xi32, #tpu.memory_space<vmem>>
      %dma_start3A_37 = arith.constant 0 : i32
      %dma_start3A_38 = arith.constant 0 : i32
      %dma_start3A_39 = tpu.memref_slice %arg9[%dma_start3A_37, %dma_start3A_38] : memref<640x16xf32, #tpu.memory_space<vmem_shared>> -> memref<640x16xf32, #tpu.memory_space<vmem_shared>>
      tpu.enqueue_indirect_dma source(%dma_start3A_33 : memref<128x16xf32, #tpu.memory_space<vmem>>) target(%dma_start3A_39 : memref<640x16xf32, #tpu.memory_space<vmem_shared>>) offsets(%dma_start3A_36 : memref<128xi32, #tpu.memory_space<vmem>>) semaphore(%run_scoped3A_31 : memref<!tpu.dma_semaphore, #tpu.memory_space<semaphore_mem>>) {add = true}
      %dma_wait3A = arith.constant 512 : i32
      %dma_wait3A_40 = arith.constant 0 : i32
      %dma_wait3A_41 = tpu.memref_slice %arg6[%dma_wait3A, %dma_wait3A_40] : memref<640x16xf32, #tpu.memory_space<vmem>> -> memref<128x16xf32, #tpu.memory_space<vmem>>
      %dma_wait3A_42 = arith.constant 0 : i32
      %dma_wait3A_43 = tpu.memref_slice %arg7[%run_scoped3A_25, %dma_wait3A_42] : memref<5x128xi32, #tpu.memory_space<vmem>> -> memref<1x128xi32, #tpu.memory_space<vmem>>
      %dma_wait3A_44 = tpu.memref_squeeze %dma_wait3A_43 : memref<1x128xi32, #tpu.memory_space<vmem>> -> memref<128xi32, #tpu.memory_space<vmem>>
      %dma_wait3A_45 = arith.constant 0 : i32
      %dma_wait3A_46 = arith.constant 0 : i32
      %dma_wait3A_47 = tpu.memref_slice %arg9[%dma_wait3A_45, %dma_wait3A_46] : memref<640x16xf32, #tpu.memory_space<vmem_shared>> -> memref<640x16xf32, #tpu.memory_space<vmem_shared>>
      tpu.wait_indirect_dma semaphore(%run_scoped3A_31 : memref<!tpu.dma_semaphore, #tpu.memory_space<semaphore_mem>>) src(%dma_wait3A_41 : memref<128x16xf32, #tpu.memory_space<vmem>>) dst(%dma_wait3A_47 : memref<640x16xf32, #tpu.memory_space<vmem_shared>>)
      tpu.yield
    }) : () -> ()
    %barrier3A_26 = arith.constant 0 : index
    tpu.barrier barrier_id(%barrier3A_26)
    %mul3A_27 = arith.constant 40 : i32
    %mul3A_28 = arith.muli %arg1, %mul3A_27 : i32
    %mul3A_29 = arith.constant 40 : i32
    %mul3A_30 = arith.muli %arg1, %mul3A_29 : i32
    "tpu.region"() ({
      %run_scoped3A_31 = tpu.sem_alloc : memref<!tpu.dma_semaphore, #tpu.memory_space<semaphore_mem>>
      %dma_start3A = arith.constant 0 : i32
      %dma_start3A_32 = tpu.memref_slice %arg4[%arg0, %mul3A_30, %dma_start3A] : memref<2x640x16xf32, #tpu.memory_space<hbm>> -> memref<1x40x16xf32, #tpu.memory_space<hbm>>
      %dma_start3A_33 = tpu.memref_squeeze %dma_start3A_32 : memref<1x40x16xf32, #tpu.memory_space<hbm>> -> memref<40x16xf32, #tpu.memory_space<hbm>>
      %dma_start3A_34 = arith.constant 0 : i32
      %dma_start3A_35 = tpu.memref_slice %arg9[%mul3A_28, %dma_start3A_34] : memref<640x16xf32, #tpu.memory_space<vmem_shared>> -> memref<40x16xf32, #tpu.memory_space<vmem_shared>>
      tpu.enqueue_dma source(%dma_start3A_35 : memref<40x16xf32, #tpu.memory_space<vmem_shared>>) target(%dma_start3A_33 : memref<40x16xf32, #tpu.memory_space<hbm>>) target_semaphore(%run_scoped3A_31 : memref<!tpu.dma_semaphore, #tpu.memory_space<semaphore_mem>>)
      %dma_wait3A = arith.constant 0 : i32
      %dma_wait3A_36 = tpu.memref_slice %arg4[%arg0, %mul3A_30, %dma_wait3A] : memref<2x640x16xf32, #tpu.memory_space<hbm>> -> memref<1x40x16xf32, #tpu.memory_space<hbm>>
      %dma_wait3A_37 = tpu.memref_squeeze %dma_wait3A_36 : memref<1x40x16xf32, #tpu.memory_space<hbm>> -> memref<40x16xf32, #tpu.memory_space<hbm>>
      %dma_wait3A_38 = arith.constant 0 : i32
      %dma_wait3A_39 = tpu.memref_slice %arg9[%mul3A_28, %dma_wait3A_38] : memref<640x16xf32, #tpu.memory_space<vmem_shared>> -> memref<40x16xf32, #tpu.memory_space<vmem_shared>>
      tpu.wait_dma2 semaphore(%run_scoped3A_31 : memref<!tpu.dma_semaphore, #tpu.memory_space<semaphore_mem>>) src(%dma_wait3A_39 : memref<40x16xf32, #tpu.memory_space<vmem_shared>>) dst(%dma_wait3A_37 : memref<40x16xf32, #tpu.memory_space<hbm>>)
      tpu.yield
    }) : () -> ()
    return
  }
}

#map = affine_map<(d0, d1) -> (0, 0)>
#map1 = affine_map<(d0, d1) -> (0)>
module attributes {stable_mosaic.version = 14 : i64} {
  func.func @k(%arg0: i32, %arg1: i32, %arg2: memref<2560x64xi32, #tpu.memory_space<hbm>>, %arg3: memref<2560x64xi32, #tpu.memory_space<hbm>>, %arg4: memref<2560x64xi32, #tpu.memory_space<hbm>>, %arg5: memref<5x128xi32, #tpu.memory_space<hbm>>, %arg6: memref<16xi32, #tpu.memory_space<hbm>>, %arg7: memref<640x16xf32, #tpu.memory_space<hbm>>, %arg8: memref<40x64xi32, #tpu.memory_space<vmem>>, %arg9: memref<40x64xi32, #tpu.memory_space<vmem>>, %arg10: memref<640x16xf32, #tpu.memory_space<vmem>>, %arg11: memref<640x16xf32, #tpu.memory_space<vmem>>, %arg12: memref<5x128xi32, #tpu.memory_space<vmem>>, %arg13: memref<40x16xf32, #tpu.memory_space<vmem>>, %arg14: memref<16xi32, #tpu.memory_space<vmem>>, %arg15: memref<640x16xf32, #tpu.memory_space<vmem_shared>>, %arg16: memref<640x16xf32, #tpu.memory_space<vmem_shared>>) attributes {dimension_semantics = [#tpu.dimension_semantics<core_parallel>, #tpu.dimension_semantics<subcore_parallel>], iteration_bounds = array<i64: 2, 16>, scalar_prefetch = 0 : i64, scratch_operands = 9 : i64, tpu.core_type = #tpu.core_type<sc_vector_subcore>, window_params = [{transform_indices = #map}, {transform_indices = #map}, {transform_indices = #map}, {transform_indices = #map}, {transform_indices = #map1}, {transform_indices = #map}]} {
    %broadcast_in_dim3A = arith.constant 1.000000e+00 : f32
    %broadcast_in_dim3A_0 = vector.broadcast %broadcast_in_dim3A : f32 to vector<16xf32>
    %broadcast_in_dim3A_1 = arith.constant 0.000000e+00 : f32
    %broadcast_in_dim3A_2 = vector.broadcast %broadcast_in_dim3A_1 : f32 to vector<16xf32>
    "tpu.region"() ({
      %run_scoped3A_49 = tpu.sem_alloc : memref<!tpu.dma_semaphore, #tpu.memory_space<semaphore_mem>>
      tpu.enqueue_dma source(%arg6 : memref<16xi32, #tpu.memory_space<hbm>>) target(%arg14 : memref<16xi32, #tpu.memory_space<vmem>>) target_semaphore(%run_scoped3A_49 : memref<!tpu.dma_semaphore, #tpu.memory_space<semaphore_mem>>)
      tpu.wait_dma2 semaphore(%run_scoped3A_49 : memref<!tpu.dma_semaphore, #tpu.memory_space<semaphore_mem>>) src(%arg6 : memref<16xi32, #tpu.memory_space<hbm>>) dst(%arg14 : memref<16xi32, #tpu.memory_space<vmem>>)
      tpu.yield
    }) : () -> ()
    "tpu.region"() ({
      %run_scoped3A_49 = tpu.sem_alloc : memref<!tpu.dma_semaphore, #tpu.memory_space<semaphore_mem>>
      tpu.enqueue_dma source(%arg5 : memref<5x128xi32, #tpu.memory_space<hbm>>) target(%arg12 : memref<5x128xi32, #tpu.memory_space<vmem>>) target_semaphore(%run_scoped3A_49 : memref<!tpu.dma_semaphore, #tpu.memory_space<semaphore_mem>>)
      tpu.wait_dma2 semaphore(%run_scoped3A_49 : memref<!tpu.dma_semaphore, #tpu.memory_space<semaphore_mem>>) src(%arg5 : memref<5x128xi32, #tpu.memory_space<hbm>>) dst(%arg12 : memref<5x128xi32, #tpu.memory_space<vmem>>)
      tpu.yield
    }) : () -> ()
    %scan3A = arith.constant 0 : i32
    %scan3A_3 = arith.constant 40 : i32
    %scan3A_4 = arith.addi %scan3A, %scan3A_3 : i32
    %scan3A_5 = arith.constant 1 : i32
    scf.for %scan3A_49 = %scan3A to %scan3A_4 step %scan3A_5  : i32 {
      %swap3A = arith.index_cast %scan3A_49 : i32 to index
      %swap3A_50 = arith.constant 0 : index
      %swap3A_51 = tpu.vector_load %arg13[%swap3A, %swap3A_50] {strides = array<i32>} : memref<40x16xf32, #tpu.memory_space<vmem>>, vector<16xf32>,
      tpu.vector_store %arg13[%swap3A, %swap3A_50], %broadcast_in_dim3A_2 {strides = array<i32>} : memref<40x16xf32, #tpu.memory_space<vmem>>, vector<16xf32>,
    }
    %scan3A_6 = arith.constant 40 : i32
    %scan3A_7 = arith.constant 0 : i32
    %scan3A_8 = arith.constant 640 : i32
    %scan3A_9 = arith.addi %scan3A_7, %scan3A_8 : i32
    %scan3A_10 = arith.constant 1 : i32
    scf.for %scan3A_49 = %scan3A_7 to %scan3A_9 step %scan3A_10  : i32 {
      %swap3A = arith.index_cast %scan3A_49 : i32 to index
      %swap3A_50 = arith.constant 0 : index
      %swap3A_51 = tpu.vector_load %arg10[%swap3A, %swap3A_50] {strides = array<i32>} : memref<640x16xf32, #tpu.memory_space<vmem>>, vector<16xf32>,
      tpu.vector_store %arg10[%swap3A, %swap3A_50], %broadcast_in_dim3A_2 {strides = array<i32>} : memref<640x16xf32, #tpu.memory_space<vmem>>, vector<16xf32>,
    }
    %scan3A_11 = arith.constant 640 : i32
    %mul3A = arith.constant 40 : i32
    %mul3A_12 = arith.muli %arg1, %mul3A : i32
    "tpu.region"() ({
      %run_scoped3A_49 = tpu.sem_alloc : memref<!tpu.dma_semaphore, #tpu.memory_space<semaphore_mem>>
      %dma_start3A = arith.constant 0 : i32
      %dma_start3A_50 = tpu.memref_slice %arg15[%mul3A_12, %dma_start3A] : memref<640x16xf32, #tpu.memory_space<vmem_shared>> -> memref<40x16xf32, #tpu.memory_space<vmem_shared>>
      %dma_start3A_51 = arith.constant 0 : i32
      %dma_start3A_52 = tpu.memref_slice %arg15[%mul3A_12, %dma_start3A_51] : memref<640x16xf32, #tpu.memory_space<vmem_shared>> -> memref<40x16xf32, #tpu.memory_space<vmem_shared>>
      tpu.enqueue_dma source(%arg13 : memref<40x16xf32, #tpu.memory_space<vmem>>) target(%dma_start3A_52 : memref<40x16xf32, #tpu.memory_space<vmem_shared>>) target_semaphore(%run_scoped3A_49 : memref<!tpu.dma_semaphore, #tpu.memory_space<semaphore_mem>>)
      %dma_wait3A = arith.constant 0 : i32
      %dma_wait3A_53 = tpu.memref_slice %arg15[%mul3A_12, %dma_wait3A] : memref<640x16xf32, #tpu.memory_space<vmem_shared>> -> memref<40x16xf32, #tpu.memory_space<vmem_shared>>
      %dma_wait3A_54 = arith.constant 0 : i32
      %dma_wait3A_55 = tpu.memref_slice %arg15[%mul3A_12, %dma_wait3A_54] : memref<640x16xf32, #tpu.memory_space<vmem_shared>> -> memref<40x16xf32, #tpu.memory_space<vmem_shared>>
      tpu.wait_dma2 semaphore(%run_scoped3A_49 : memref<!tpu.dma_semaphore, #tpu.memory_space<semaphore_mem>>) src(%arg13 : memref<40x16xf32, #tpu.memory_space<vmem>>) dst(%dma_wait3A_55 : memref<40x16xf32, #tpu.memory_space<vmem_shared>>)
      tpu.yield
    }) : () -> ()
    "tpu.region"() ({
      %run_scoped3A_49 = tpu.sem_alloc : memref<!tpu.dma_semaphore, #tpu.memory_space<semaphore_mem>>
      %dma_start3A = arith.constant 0 : i32
      %dma_start3A_50 = tpu.memref_slice %arg16[%mul3A_12, %dma_start3A] : memref<640x16xf32, #tpu.memory_space<vmem_shared>> -> memref<40x16xf32, #tpu.memory_space<vmem_shared>>
      %dma_start3A_51 = arith.constant 0 : i32
      %dma_start3A_52 = tpu.memref_slice %arg16[%mul3A_12, %dma_start3A_51] : memref<640x16xf32, #tpu.memory_space<vmem_shared>> -> memref<40x16xf32, #tpu.memory_space<vmem_shared>>
      tpu.enqueue_dma source(%arg13 : memref<40x16xf32, #tpu.memory_space<vmem>>) target(%dma_start3A_52 : memref<40x16xf32, #tpu.memory_space<vmem_shared>>) target_semaphore(%run_scoped3A_49 : memref<!tpu.dma_semaphore, #tpu.memory_space<semaphore_mem>>)
      %dma_wait3A = arith.constant 0 : i32
      %dma_wait3A_53 = tpu.memref_slice %arg16[%mul3A_12, %dma_wait3A] : memref<640x16xf32, #tpu.memory_space<vmem_shared>> -> memref<40x16xf32, #tpu.memory_space<vmem_shared>>
      %dma_wait3A_54 = arith.constant 0 : i32
      %dma_wait3A_55 = tpu.memref_slice %arg16[%mul3A_12, %dma_wait3A_54] : memref<640x16xf32, #tpu.memory_space<vmem_shared>> -> memref<40x16xf32, #tpu.memory_space<vmem_shared>>
      tpu.wait_dma2 semaphore(%run_scoped3A_49 : memref<!tpu.dma_semaphore, #tpu.memory_space<semaphore_mem>>) src(%arg13 : memref<40x16xf32, #tpu.memory_space<vmem>>) dst(%dma_wait3A_55 : memref<40x16xf32, #tpu.memory_space<vmem_shared>>)
      tpu.yield
    }) : () -> ()
    %barrier3A = arith.constant 0 : index
    tpu.barrier barrier_id(%barrier3A)
    %scan3A_13 = arith.constant 0 : i32
    %scan3A_14 = arith.constant 4 : i32
    %scan3A_15 = arith.addi %scan3A_13, %scan3A_14 : i32
    %scan3A_16 = arith.constant 1 : i32
    scf.for %scan3A_49 = %scan3A_13 to %scan3A_15 step %scan3A_16  : i32 {
      %mul3A_50 = arith.constant 160 : i32
      %mul3A_51 = arith.muli %arg1, %mul3A_50 : i32
      %mul3A_52 = arith.constant 40 : i32
      %mul3A_53 = arith.muli %scan3A_49, %mul3A_52 : i32
      %add3A_54 = arith.addi %mul3A_51, %mul3A_53 : i32
      "tpu.region"() ({
        %run_scoped3A_60 = tpu.sem_alloc : memref<!tpu.dma_semaphore, #tpu.memory_space<semaphore_mem>>
        %dma_start3A = arith.constant 0 : i32
        %dma_start3A_61 = tpu.memref_slice %arg2[%add3A_54, %dma_start3A] : memref<2560x64xi32, #tpu.memory_space<hbm>> -> memref<40x64xi32, #tpu.memory_space<hbm>>
        %dma_start3A_62 = arith.constant 0 : i32
        %dma_start3A_63 = tpu.memref_slice %arg2[%add3A_54, %dma_start3A_62] : memref<2560x64xi32, #tpu.memory_space<hbm>> -> memref<40x64xi32, #tpu.memory_space<hbm>>
        tpu.enqueue_dma source(%dma_start3A_63 : memref<40x64xi32, #tpu.memory_space<hbm>>) target(%arg8 : memref<40x64xi32, #tpu.memory_space<vmem>>) target_semaphore(%run_scoped3A_60 : memref<!tpu.dma_semaphore, #tpu.memory_space<semaphore_mem>>)
        %dma_wait3A = arith.constant 0 : i32
        %dma_wait3A_64 = tpu.memref_slice %arg2[%add3A_54, %dma_wait3A] : memref<2560x64xi32, #tpu.memory_space<hbm>> -> memref<40x64xi32, #tpu.memory_space<hbm>>
        %dma_wait3A_65 = arith.constant 0 : i32
        %dma_wait3A_66 = tpu.memref_slice %arg2[%add3A_54, %dma_wait3A_65] : memref<2560x64xi32, #tpu.memory_space<hbm>> -> memref<40x64xi32, #tpu.memory_space<hbm>>
        tpu.wait_dma2 semaphore(%run_scoped3A_60 : memref<!tpu.dma_semaphore, #tpu.memory_space<semaphore_mem>>) src(%dma_wait3A_66 : memref<40x64xi32, #tpu.memory_space<hbm>>) dst(%arg8 : memref<40x64xi32, #tpu.memory_space<vmem>>)
        tpu.yield
      }) : () -> ()
      %scan3A_55 = arith.constant 0 : i32
      %scan3A_56 = arith.constant 40 : i32
      %scan3A_57 = arith.addi %scan3A_55, %scan3A_56 : i32
      %scan3A_58 = arith.constant 1 : i32
      scf.for %scan3A_60 = %scan3A_55 to %scan3A_57 step %scan3A_58  : i32 {
        %get3A_61 = arith.index_cast %scan3A_60 : i32 to index
        %get3A_62 = arith.constant 0 : index
        %get3A_63 = tpu.vector_load %arg8[%get3A_61, %get3A_62] {strides = array<i32>} : memref<40x64xi32, #tpu.memory_space<vmem>>, vector<16xi32>,
        %ge3A = arith.constant 0 : i32
        %ge3A_64 = vector.broadcast %ge3A : i32 to vector<16xi32>
        %ge3A_65 = arith.cmpi sge, %get3A_63, %ge3A_64 : vector<16xi32>
        %max3A = arith.constant 0 : i32
        %max3A_66 = vector.broadcast %max3A : i32 to vector<16xi32>
        %max3A_67 = arith.maxsi %get3A_63, %max3A_66 : vector<16xi32>
        %shift_right_arithmetic3A = arith.constant 4 : i32
        %shift_right_arithmetic3A_68 = vector.broadcast %shift_right_arithmetic3A : i32 to vector<16xi32>
        %shift_right_arithmetic3A_69 = arith.shrsi %max3A_67, %shift_right_arithmetic3A_68 : vector<16xi32>
        %and3A = arith.constant 15 : i32
        %and3A_70 = vector.broadcast %and3A : i32 to vector<16xi32>
        %and3A_71 = arith.andi %max3A_67, %and3A_70 : vector<16xi32>
        tpu.vector_store_idx %arg10[%shift_right_arithmetic3A_69, %and3A_71], %broadcast_in_dim3A_0 masked %ge3A_65 : memref<640x16xf32, #tpu.memory_space<vmem>>[vector<16xi32>, vector<16xi32>], vector<16xf32>, vector<16xi1>
        %get3A_72 = arith.index_cast %scan3A_60 : i32 to index
        %get3A_73 = arith.constant 16 : index
        %get3A_74 = tpu.vector_load %arg8[%get3A_72, %get3A_73] {strides = array<i32>} : memref<40x64xi32, #tpu.memory_space<vmem>>, vector<16xi32>,
        %ge3A_75 = arith.constant 0 : i32
        %ge3A_76 = vector.broadcast %ge3A_75 : i32 to vector<16xi32>
        %ge3A_77 = arith.cmpi sge, %get3A_74, %ge3A_76 : vector<16xi32>
        %max3A_78 = arith.constant 0 : i32
        %max3A_79 = vector.broadcast %max3A_78 : i32 to vector<16xi32>
        %max3A_80 = arith.maxsi %get3A_74, %max3A_79 : vector<16xi32>
        %shift_right_arithmetic3A_81 = arith.constant 4 : i32
        %shift_right_arithmetic3A_82 = vector.broadcast %shift_right_arithmetic3A_81 : i32 to vector<16xi32>
        %shift_right_arithmetic3A_83 = arith.shrsi %max3A_80, %shift_right_arithmetic3A_82 : vector<16xi32>
        %and3A_84 = arith.constant 15 : i32
        %and3A_85 = vector.broadcast %and3A_84 : i32 to vector<16xi32>
        %and3A_86 = arith.andi %max3A_80, %and3A_85 : vector<16xi32>
        tpu.vector_store_idx %arg10[%shift_right_arithmetic3A_83, %and3A_86], %broadcast_in_dim3A_0 masked %ge3A_77 : memref<640x16xf32, #tpu.memory_space<vmem>>[vector<16xi32>, vector<16xi32>], vector<16xf32>, vector<16xi1>
        %get3A_87 = arith.index_cast %scan3A_60 : i32 to index
        %get3A_88 = arith.constant 32 : index
        %get3A_89 = tpu.vector_load %arg8[%get3A_87, %get3A_88] {strides = array<i32>} : memref<40x64xi32, #tpu.memory_space<vmem>>, vector<16xi32>,
        %ge3A_90 = arith.constant 0 : i32
        %ge3A_91 = vector.broadcast %ge3A_90 : i32 to vector<16xi32>
        %ge3A_92 = arith.cmpi sge, %get3A_89, %ge3A_91 : vector<16xi32>
        %max3A_93 = arith.constant 0 : i32
        %max3A_94 = vector.broadcast %max3A_93 : i32 to vector<16xi32>
        %max3A_95 = arith.maxsi %get3A_89, %max3A_94 : vector<16xi32>
        %shift_right_arithmetic3A_96 = arith.constant 4 : i32
        %shift_right_arithmetic3A_97 = vector.broadcast %shift_right_arithmetic3A_96 : i32 to vector<16xi32>
        %shift_right_arithmetic3A_98 = arith.shrsi %max3A_95, %shift_right_arithmetic3A_97 : vector<16xi32>
        %and3A_99 = arith.constant 15 : i32
        %and3A_100 = vector.broadcast %and3A_99 : i32 to vector<16xi32>
        %and3A_101 = arith.andi %max3A_95, %and3A_100 : vector<16xi32>
        tpu.vector_store_idx %arg10[%shift_right_arithmetic3A_98, %and3A_101], %broadcast_in_dim3A_0 masked %ge3A_92 : memref<640x16xf32, #tpu.memory_space<vmem>>[vector<16xi32>, vector<16xi32>], vector<16xf32>, vector<16xi1>
        %get3A_102 = arith.index_cast %scan3A_60 : i32 to index
        %get3A_103 = arith.constant 48 : index
        %get3A_104 = tpu.vector_load %arg8[%get3A_102, %get3A_103] {strides = array<i32>} : memref<40x64xi32, #tpu.memory_space<vmem>>, vector<16xi32>,
        %ge3A_105 = arith.constant 0 : i32
        %ge3A_106 = vector.broadcast %ge3A_105 : i32 to vector<16xi32>
        %ge3A_107 = arith.cmpi sge, %get3A_104, %ge3A_106 : vector<16xi32>
        %max3A_108 = arith.constant 0 : i32
        %max3A_109 = vector.broadcast %max3A_108 : i32 to vector<16xi32>
        %max3A_110 = arith.maxsi %get3A_104, %max3A_109 : vector<16xi32>
        %shift_right_arithmetic3A_111 = arith.constant 4 : i32
        %shift_right_arithmetic3A_112 = vector.broadcast %shift_right_arithmetic3A_111 : i32 to vector<16xi32>
        %shift_right_arithmetic3A_113 = arith.shrsi %max3A_110, %shift_right_arithmetic3A_112 : vector<16xi32>
        %and3A_114 = arith.constant 15 : i32
        %and3A_115 = vector.broadcast %and3A_114 : i32 to vector<16xi32>
        %and3A_116 = arith.andi %max3A_110, %and3A_115 : vector<16xi32>
        tpu.vector_store_idx %arg10[%shift_right_arithmetic3A_113, %and3A_116], %broadcast_in_dim3A_0 masked %ge3A_107 : memref<640x16xf32, #tpu.memory_space<vmem>>[vector<16xi32>, vector<16xi32>], vector<16xf32>, vector<16xi1>
      }
      %scan3A_59 = arith.constant 40 : i32
    }
    %scan3A_17 = arith.constant 4 : i32
    %run_scoped3A = arith.constant 0 : i32
    "tpu.region"() ({
      %run_scoped3A_49 = tpu.sem_alloc : memref<!tpu.dma_semaphore, #tpu.memory_space<semaphore_mem>>
      %dma_start3A = arith.constant 0 : i32
      %dma_start3A_50 = arith.constant 0 : i32
      %dma_start3A_51 = tpu.memref_slice %arg10[%dma_start3A, %dma_start3A_50] : memref<640x16xf32, #tpu.memory_space<vmem>> -> memref<128x16xf32, #tpu.memory_space<vmem>>
      %dma_start3A_52 = arith.constant 0 : i32
      %dma_start3A_53 = tpu.memref_slice %arg12[%run_scoped3A, %dma_start3A_52] : memref<5x128xi32, #tpu.memory_space<vmem>> -> memref<1x128xi32, #tpu.memory_space<vmem>>
      %dma_start3A_54 = tpu.memref_squeeze %dma_start3A_53 : memref<1x128xi32, #tpu.memory_space<vmem>> -> memref<128xi32, #tpu.memory_space<vmem>>
      %dma_start3A_55 = arith.constant 0 : i32
      %dma_start3A_56 = arith.constant 0 : i32
      %dma_start3A_57 = tpu.memref_slice %arg15[%dma_start3A_55, %dma_start3A_56] : memref<640x16xf32, #tpu.memory_space<vmem_shared>> -> memref<640x16xf32, #tpu.memory_space<vmem_shared>>
      tpu.enqueue_indirect_dma source(%dma_start3A_51 : memref<128x16xf32, #tpu.memory_space<vmem>>) target(%dma_start3A_57 : memref<640x16xf32, #tpu.memory_space<vmem_shared>>) offsets(%dma_start3A_54 : memref<128xi32, #tpu.memory_space<vmem>>) semaphore(%run_scoped3A_49 : memref<!tpu.dma_semaphore, #tpu.memory_space<semaphore_mem>>) {add = true}
      %dma_wait3A = arith.constant 0 : i32
      %dma_wait3A_58 = arith.constant 0 : i32
      %dma_wait3A_59 = tpu.memref_slice %arg10[%dma_wait3A, %dma_wait3A_58] : memref<640x16xf32, #tpu.memory_space<vmem>> -> memref<128x16xf32, #tpu.memory_space<vmem>>
      %dma_wait3A_60 = arith.constant 0 : i32
      %dma_wait3A_61 = tpu.memref_slice %arg12[%run_scoped3A, %dma_wait3A_60] : memref<5x128xi32, #tpu.memory_space<vmem>> -> memref<1x128xi32, #tpu.memory_space<vmem>>
      %dma_wait3A_62 = tpu.memref_squeeze %dma_wait3A_61 : memref<1x128xi32, #tpu.memory_space<vmem>> -> memref<128xi32, #tpu.memory_space<vmem>>
      %dma_wait3A_63 = arith.constant 0 : i32
      %dma_wait3A_64 = arith.constant 0 : i32
      %dma_wait3A_65 = tpu.memref_slice %arg15[%dma_wait3A_63, %dma_wait3A_64] : memref<640x16xf32, #tpu.memory_space<vmem_shared>> -> memref<640x16xf32, #tpu.memory_space<vmem_shared>>
      tpu.wait_indirect_dma semaphore(%run_scoped3A_49 : memref<!tpu.dma_semaphore, #tpu.memory_space<semaphore_mem>>) src(%dma_wait3A_59 : memref<128x16xf32, #tpu.memory_space<vmem>>) dst(%dma_wait3A_65 : memref<640x16xf32, #tpu.memory_space<vmem_shared>>)
      tpu.yield
    }) : () -> ()
    %run_scoped3A_18 = arith.constant 1 : i32
    "tpu.region"() ({
      %run_scoped3A_49 = tpu.sem_alloc : memref<!tpu.dma_semaphore, #tpu.memory_space<semaphore_mem>>
      %dma_start3A = arith.constant 128 : i32
      %dma_start3A_50 = arith.constant 0 : i32
      %dma_start3A_51 = tpu.memref_slice %arg10[%dma_start3A, %dma_start3A_50] : memref<640x16xf32, #tpu.memory_space<vmem>> -> memref<128x16xf32, #tpu.memory_space<vmem>>
      %dma_start3A_52 = arith.constant 0 : i32
      %dma_start3A_53 = tpu.memref_slice %arg12[%run_scoped3A_18, %dma_start3A_52] : memref<5x128xi32, #tpu.memory_space<vmem>> -> memref<1x128xi32, #tpu.memory_space<vmem>>
      %dma_start3A_54 = tpu.memref_squeeze %dma_start3A_53 : memref<1x128xi32, #tpu.memory_space<vmem>> -> memref<128xi32, #tpu.memory_space<vmem>>
      %dma_start3A_55 = arith.constant 0 : i32
      %dma_start3A_56 = arith.constant 0 : i32
      %dma_start3A_57 = tpu.memref_slice %arg15[%dma_start3A_55, %dma_start3A_56] : memref<640x16xf32, #tpu.memory_space<vmem_shared>> -> memref<640x16xf32, #tpu.memory_space<vmem_shared>>
      tpu.enqueue_indirect_dma source(%dma_start3A_51 : memref<128x16xf32, #tpu.memory_space<vmem>>) target(%dma_start3A_57 : memref<640x16xf32, #tpu.memory_space<vmem_shared>>) offsets(%dma_start3A_54 : memref<128xi32, #tpu.memory_space<vmem>>) semaphore(%run_scoped3A_49 : memref<!tpu.dma_semaphore, #tpu.memory_space<semaphore_mem>>) {add = true}
      %dma_wait3A = arith.constant 128 : i32
      %dma_wait3A_58 = arith.constant 0 : i32
      %dma_wait3A_59 = tpu.memref_slice %arg10[%dma_wait3A, %dma_wait3A_58] : memref<640x16xf32, #tpu.memory_space<vmem>> -> memref<128x16xf32, #tpu.memory_space<vmem>>
      %dma_wait3A_60 = arith.constant 0 : i32
      %dma_wait3A_61 = tpu.memref_slice %arg12[%run_scoped3A_18, %dma_wait3A_60] : memref<5x128xi32, #tpu.memory_space<vmem>> -> memref<1x128xi32, #tpu.memory_space<vmem>>
      %dma_wait3A_62 = tpu.memref_squeeze %dma_wait3A_61 : memref<1x128xi32, #tpu.memory_space<vmem>> -> memref<128xi32, #tpu.memory_space<vmem>>
      %dma_wait3A_63 = arith.constant 0 : i32
      %dma_wait3A_64 = arith.constant 0 : i32
      %dma_wait3A_65 = tpu.memref_slice %arg15[%dma_wait3A_63, %dma_wait3A_64] : memref<640x16xf32, #tpu.memory_space<vmem_shared>> -> memref<640x16xf32, #tpu.memory_space<vmem_shared>>
      tpu.wait_indirect_dma semaphore(%run_scoped3A_49 : memref<!tpu.dma_semaphore, #tpu.memory_space<semaphore_mem>>) src(%dma_wait3A_59 : memref<128x16xf32, #tpu.memory_space<vmem>>) dst(%dma_wait3A_65 : memref<640x16xf32, #tpu.memory_space<vmem_shared>>)
      tpu.yield
    }) : () -> ()
    %run_scoped3A_19 = arith.constant 2 : i32
    "tpu.region"() ({
      %run_scoped3A_49 = tpu.sem_alloc : memref<!tpu.dma_semaphore, #tpu.memory_space<semaphore_mem>>
      %dma_start3A = arith.constant 256 : i32
      %dma_start3A_50 = arith.constant 0 : i32
      %dma_start3A_51 = tpu.memref_slice %arg10[%dma_start3A, %dma_start3A_50] : memref<640x16xf32, #tpu.memory_space<vmem>> -> memref<128x16xf32, #tpu.memory_space<vmem>>
      %dma_start3A_52 = arith.constant 0 : i32
      %dma_start3A_53 = tpu.memref_slice %arg12[%run_scoped3A_19, %dma_start3A_52] : memref<5x128xi32, #tpu.memory_space<vmem>> -> memref<1x128xi32, #tpu.memory_space<vmem>>
      %dma_start3A_54 = tpu.memref_squeeze %dma_start3A_53 : memref<1x128xi32, #tpu.memory_space<vmem>> -> memref<128xi32, #tpu.memory_space<vmem>>
      %dma_start3A_55 = arith.constant 0 : i32
      %dma_start3A_56 = arith.constant 0 : i32
      %dma_start3A_57 = tpu.memref_slice %arg15[%dma_start3A_55, %dma_start3A_56] : memref<640x16xf32, #tpu.memory_space<vmem_shared>> -> memref<640x16xf32, #tpu.memory_space<vmem_shared>>
      tpu.enqueue_indirect_dma source(%dma_start3A_51 : memref<128x16xf32, #tpu.memory_space<vmem>>) target(%dma_start3A_57 : memref<640x16xf32, #tpu.memory_space<vmem_shared>>) offsets(%dma_start3A_54 : memref<128xi32, #tpu.memory_space<vmem>>) semaphore(%run_scoped3A_49 : memref<!tpu.dma_semaphore, #tpu.memory_space<semaphore_mem>>) {add = true}
      %dma_wait3A = arith.constant 256 : i32
      %dma_wait3A_58 = arith.constant 0 : i32
      %dma_wait3A_59 = tpu.memref_slice %arg10[%dma_wait3A, %dma_wait3A_58] : memref<640x16xf32, #tpu.memory_space<vmem>> -> memref<128x16xf32, #tpu.memory_space<vmem>>
      %dma_wait3A_60 = arith.constant 0 : i32
      %dma_wait3A_61 = tpu.memref_slice %arg12[%run_scoped3A_19, %dma_wait3A_60] : memref<5x128xi32, #tpu.memory_space<vmem>> -> memref<1x128xi32, #tpu.memory_space<vmem>>
      %dma_wait3A_62 = tpu.memref_squeeze %dma_wait3A_61 : memref<1x128xi32, #tpu.memory_space<vmem>> -> memref<128xi32, #tpu.memory_space<vmem>>
      %dma_wait3A_63 = arith.constant 0 : i32
      %dma_wait3A_64 = arith.constant 0 : i32
      %dma_wait3A_65 = tpu.memref_slice %arg15[%dma_wait3A_63, %dma_wait3A_64] : memref<640x16xf32, #tpu.memory_space<vmem_shared>> -> memref<640x16xf32, #tpu.memory_space<vmem_shared>>
      tpu.wait_indirect_dma semaphore(%run_scoped3A_49 : memref<!tpu.dma_semaphore, #tpu.memory_space<semaphore_mem>>) src(%dma_wait3A_59 : memref<128x16xf32, #tpu.memory_space<vmem>>) dst(%dma_wait3A_65 : memref<640x16xf32, #tpu.memory_space<vmem_shared>>)
      tpu.yield
    }) : () -> ()
    %run_scoped3A_20 = arith.constant 3 : i32
    "tpu.region"() ({
      %run_scoped3A_49 = tpu.sem_alloc : memref<!tpu.dma_semaphore, #tpu.memory_space<semaphore_mem>>
      %dma_start3A = arith.constant 384 : i32
      %dma_start3A_50 = arith.constant 0 : i32
      %dma_start3A_51 = tpu.memref_slice %arg10[%dma_start3A, %dma_start3A_50] : memref<640x16xf32, #tpu.memory_space<vmem>> -> memref<128x16xf32, #tpu.memory_space<vmem>>
      %dma_start3A_52 = arith.constant 0 : i32
      %dma_start3A_53 = tpu.memref_slice %arg12[%run_scoped3A_20, %dma_start3A_52] : memref<5x128xi32, #tpu.memory_space<vmem>> -> memref<1x128xi32, #tpu.memory_space<vmem>>
      %dma_start3A_54 = tpu.memref_squeeze %dma_start3A_53 : memref<1x128xi32, #tpu.memory_space<vmem>> -> memref<128xi32, #tpu.memory_space<vmem>>
      %dma_start3A_55 = arith.constant 0 : i32
      %dma_start3A_56 = arith.constant 0 : i32
      %dma_start3A_57 = tpu.memref_slice %arg15[%dma_start3A_55, %dma_start3A_56] : memref<640x16xf32, #tpu.memory_space<vmem_shared>> -> memref<640x16xf32, #tpu.memory_space<vmem_shared>>
      tpu.enqueue_indirect_dma source(%dma_start3A_51 : memref<128x16xf32, #tpu.memory_space<vmem>>) target(%dma_start3A_57 : memref<640x16xf32, #tpu.memory_space<vmem_shared>>) offsets(%dma_start3A_54 : memref<128xi32, #tpu.memory_space<vmem>>) semaphore(%run_scoped3A_49 : memref<!tpu.dma_semaphore, #tpu.memory_space<semaphore_mem>>) {add = true}
      %dma_wait3A = arith.constant 384 : i32
      %dma_wait3A_58 = arith.constant 0 : i32
      %dma_wait3A_59 = tpu.memref_slice %arg10[%dma_wait3A, %dma_wait3A_58] : memref<640x16xf32, #tpu.memory_space<vmem>> -> memref<128x16xf32, #tpu.memory_space<vmem>>
      %dma_wait3A_60 = arith.constant 0 : i32
      %dma_wait3A_61 = tpu.memref_slice %arg12[%run_scoped3A_20, %dma_wait3A_60] : memref<5x128xi32, #tpu.memory_space<vmem>> -> memref<1x128xi32, #tpu.memory_space<vmem>>
      %dma_wait3A_62 = tpu.memref_squeeze %dma_wait3A_61 : memref<1x128xi32, #tpu.memory_space<vmem>> -> memref<128xi32, #tpu.memory_space<vmem>>
      %dma_wait3A_63 = arith.constant 0 : i32
      %dma_wait3A_64 = arith.constant 0 : i32
      %dma_wait3A_65 = tpu.memref_slice %arg15[%dma_wait3A_63, %dma_wait3A_64] : memref<640x16xf32, #tpu.memory_space<vmem_shared>> -> memref<640x16xf32, #tpu.memory_space<vmem_shared>>
      tpu.wait_indirect_dma semaphore(%run_scoped3A_49 : memref<!tpu.dma_semaphore, #tpu.memory_space<semaphore_mem>>) src(%dma_wait3A_59 : memref<128x16xf32, #tpu.memory_space<vmem>>) dst(%dma_wait3A_65 : memref<640x16xf32, #tpu.memory_space<vmem_shared>>)
      tpu.yield
    }) : () -> ()
    %run_scoped3A_21 = arith.constant 4 : i32
    "tpu.region"() ({
      %run_scoped3A_49 = tpu.sem_alloc : memref<!tpu.dma_semaphore, #tpu.memory_space<semaphore_mem>>
      %dma_start3A = arith.constant 512 : i32
      %dma_start3A_50 = arith.constant 0 : i32
      %dma_start3A_51 = tpu.memref_slice %arg10[%dma_start3A, %dma_start3A_50] : memref<640x16xf32, #tpu.memory_space<vmem>> -> memref<128x16xf32, #tpu.memory_space<vmem>>
      %dma_start3A_52 = arith.constant 0 : i32
      %dma_start3A_53 = tpu.memref_slice %arg12[%run_scoped3A_21, %dma_start3A_52] : memref<5x128xi32, #tpu.memory_space<vmem>> -> memref<1x128xi32, #tpu.memory_space<vmem>>
      %dma_start3A_54 = tpu.memref_squeeze %dma_start3A_53 : memref<1x128xi32, #tpu.memory_space<vmem>> -> memref<128xi32, #tpu.memory_space<vmem>>
      %dma_start3A_55 = arith.constant 0 : i32
      %dma_start3A_56 = arith.constant 0 : i32
      %dma_start3A_57 = tpu.memref_slice %arg15[%dma_start3A_55, %dma_start3A_56] : memref<640x16xf32, #tpu.memory_space<vmem_shared>> -> memref<640x16xf32, #tpu.memory_space<vmem_shared>>
      tpu.enqueue_indirect_dma source(%dma_start3A_51 : memref<128x16xf32, #tpu.memory_space<vmem>>) target(%dma_start3A_57 : memref<640x16xf32, #tpu.memory_space<vmem_shared>>) offsets(%dma_start3A_54 : memref<128xi32, #tpu.memory_space<vmem>>) semaphore(%run_scoped3A_49 : memref<!tpu.dma_semaphore, #tpu.memory_space<semaphore_mem>>) {add = true}
      %dma_wait3A = arith.constant 512 : i32
      %dma_wait3A_58 = arith.constant 0 : i32
      %dma_wait3A_59 = tpu.memref_slice %arg10[%dma_wait3A, %dma_wait3A_58] : memref<640x16xf32, #tpu.memory_space<vmem>> -> memref<128x16xf32, #tpu.memory_space<vmem>>
      %dma_wait3A_60 = arith.constant 0 : i32
      %dma_wait3A_61 = tpu.memref_slice %arg12[%run_scoped3A_21, %dma_wait3A_60] : memref<5x128xi32, #tpu.memory_space<vmem>> -> memref<1x128xi32, #tpu.memory_space<vmem>>
      %dma_wait3A_62 = tpu.memref_squeeze %dma_wait3A_61 : memref<1x128xi32, #tpu.memory_space<vmem>> -> memref<128xi32, #tpu.memory_space<vmem>>
      %dma_wait3A_63 = arith.constant 0 : i32
      %dma_wait3A_64 = arith.constant 0 : i32
      %dma_wait3A_65 = tpu.memref_slice %arg15[%dma_wait3A_63, %dma_wait3A_64] : memref<640x16xf32, #tpu.memory_space<vmem_shared>> -> memref<640x16xf32, #tpu.memory_space<vmem_shared>>
      tpu.wait_indirect_dma semaphore(%run_scoped3A_49 : memref<!tpu.dma_semaphore, #tpu.memory_space<semaphore_mem>>) src(%dma_wait3A_59 : memref<128x16xf32, #tpu.memory_space<vmem>>) dst(%dma_wait3A_65 : memref<640x16xf32, #tpu.memory_space<vmem_shared>>)
      tpu.yield
    }) : () -> ()
    %barrier3A_22 = arith.constant 0 : index
    tpu.barrier barrier_id(%barrier3A_22)
    %get3A = arith.constant 0 : index
    %get3A_23 = tpu.vector_load %arg14[%get3A] {strides = array<i32>} : memref<16xi32, #tpu.memory_space<vmem>>, vector<16xi32>,
    "tpu.region"() ({
      %run_scoped3A_49 = tpu.sem_alloc : memref<!tpu.dma_semaphore, #tpu.memory_space<semaphore_mem>>
      tpu.enqueue_dma source(%arg15 : memref<640x16xf32, #tpu.memory_space<vmem_shared>>) target(%arg11 : memref<640x16xf32, #tpu.memory_space<vmem>>) target_semaphore(%run_scoped3A_49 : memref<!tpu.dma_semaphore, #tpu.memory_space<semaphore_mem>>)
      tpu.wait_dma2 semaphore(%run_scoped3A_49 : memref<!tpu.dma_semaphore, #tpu.memory_space<semaphore_mem>>) src(%arg15 : memref<640x16xf32, #tpu.memory_space<vmem_shared>>) dst(%arg11 : memref<640x16xf32, #tpu.memory_space<vmem>>)
      tpu.yield
    }) : () -> ()
    %scan3A_24 = arith.constant 0 : i32
    %scan3A_25 = arith.constant 640 : i32
    %scan3A_26 = arith.addi %scan3A_24, %scan3A_25 : i32
    %scan3A_27 = arith.constant 1 : i32
    scf.for %scan3A_49 = %scan3A_24 to %scan3A_26 step %scan3A_27  : i32 {
      %swap3A = arith.index_cast %scan3A_49 : i32 to index
      %swap3A_50 = arith.constant 0 : index
      %swap3A_51 = tpu.vector_load %arg10[%swap3A, %swap3A_50] {strides = array<i32>} : memref<640x16xf32, #tpu.memory_space<vmem>>, vector<16xf32>,
      tpu.vector_store %arg10[%swap3A, %swap3A_50], %broadcast_in_dim3A_2 {strides = array<i32>} : memref<640x16xf32, #tpu.memory_space<vmem>>, vector<16xf32>,
    }
    %scan3A_28 = arith.constant 640 : i32
    %scan3A_29 = arith.constant 0 : i32
    %scan3A_30 = arith.constant 4 : i32
    %scan3A_31 = arith.addi %scan3A_29, %scan3A_30 : i32
    %scan3A_32 = arith.constant 1 : i32
    scf.for %scan3A_49 = %scan3A_29 to %scan3A_31 step %scan3A_32  : i32 {
      %mul3A_50 = arith.constant 160 : i32
      %mul3A_51 = arith.muli %arg1, %mul3A_50 : i32
      %mul3A_52 = arith.constant 40 : i32
      %mul3A_53 = arith.muli %scan3A_49, %mul3A_52 : i32
      %add3A_54 = arith.addi %mul3A_51, %mul3A_53 : i32
      "tpu.region"() ({
        %run_scoped3A_60 = tpu.sem_alloc : memref<!tpu.dma_semaphore, #tpu.memory_space<semaphore_mem>>
        %dma_start3A = arith.constant 0 : i32
        %dma_start3A_61 = tpu.memref_slice %arg3[%add3A_54, %dma_start3A] : memref<2560x64xi32, #tpu.memory_space<hbm>> -> memref<40x64xi32, #tpu.memory_space<hbm>>
        %dma_start3A_62 = arith.constant 0 : i32
        %dma_start3A_63 = tpu.memref_slice %arg3[%add3A_54, %dma_start3A_62] : memref<2560x64xi32, #tpu.memory_space<hbm>> -> memref<40x64xi32, #tpu.memory_space<hbm>>
        tpu.enqueue_dma source(%dma_start3A_63 : memref<40x64xi32, #tpu.memory_space<hbm>>) target(%arg8 : memref<40x64xi32, #tpu.memory_space<vmem>>) target_semaphore(%run_scoped3A_60 : memref<!tpu.dma_semaphore, #tpu.memory_space<semaphore_mem>>)
        %dma_wait3A = arith.constant 0 : i32
        %dma_wait3A_64 = tpu.memref_slice %arg3[%add3A_54, %dma_wait3A] : memref<2560x64xi32, #tpu.memory_space<hbm>> -> memref<40x64xi32, #tpu.memory_space<hbm>>
        %dma_wait3A_65 = arith.constant 0 : i32
        %dma_wait3A_66 = tpu.memref_slice %arg3[%add3A_54, %dma_wait3A_65] : memref<2560x64xi32, #tpu.memory_space<hbm>> -> memref<40x64xi32, #tpu.memory_space<hbm>>
        tpu.wait_dma2 semaphore(%run_scoped3A_60 : memref<!tpu.dma_semaphore, #tpu.memory_space<semaphore_mem>>) src(%dma_wait3A_66 : memref<40x64xi32, #tpu.memory_space<hbm>>) dst(%arg8 : memref<40x64xi32, #tpu.memory_space<vmem>>)
        tpu.yield
      }) : () -> ()
      "tpu.region"() ({
        %run_scoped3A_60 = tpu.sem_alloc : memref<!tpu.dma_semaphore, #tpu.memory_space<semaphore_mem>>
        %dma_start3A = arith.constant 0 : i32
        %dma_start3A_61 = tpu.memref_slice %arg4[%add3A_54, %dma_start3A] : memref<2560x64xi32, #tpu.memory_space<hbm>> -> memref<40x64xi32, #tpu.memory_space<hbm>>
        %dma_start3A_62 = arith.constant 0 : i32
        %dma_start3A_63 = tpu.memref_slice %arg4[%add3A_54, %dma_start3A_62] : memref<2560x64xi32, #tpu.memory_space<hbm>> -> memref<40x64xi32, #tpu.memory_space<hbm>>
        tpu.enqueue_dma source(%dma_start3A_63 : memref<40x64xi32, #tpu.memory_space<hbm>>) target(%arg9 : memref<40x64xi32, #tpu.memory_space<vmem>>) target_semaphore(%run_scoped3A_60 : memref<!tpu.dma_semaphore, #tpu.memory_space<semaphore_mem>>)
        %dma_wait3A = arith.constant 0 : i32
        %dma_wait3A_64 = tpu.memref_slice %arg4[%add3A_54, %dma_wait3A] : memref<2560x64xi32, #tpu.memory_space<hbm>> -> memref<40x64xi32, #tpu.memory_space<hbm>>
        %dma_wait3A_65 = arith.constant 0 : i32
        %dma_wait3A_66 = tpu.memref_slice %arg4[%add3A_54, %dma_wait3A_65] : memref<2560x64xi32, #tpu.memory_space<hbm>> -> memref<40x64xi32, #tpu.memory_space<hbm>>
        tpu.wait_dma2 semaphore(%run_scoped3A_60 : memref<!tpu.dma_semaphore, #tpu.memory_space<semaphore_mem>>) src(%dma_wait3A_66 : memref<40x64xi32, #tpu.memory_space<hbm>>) dst(%arg9 : memref<40x64xi32, #tpu.memory_space<vmem>>)
        tpu.yield
      }) : () -> ()
      %scan3A_55 = arith.constant 0 : i32
      %scan3A_56 = arith.constant 40 : i32
      %scan3A_57 = arith.addi %scan3A_55, %scan3A_56 : i32
      %scan3A_58 = arith.constant 1 : i32
      scf.for %scan3A_60 = %scan3A_55 to %scan3A_57 step %scan3A_58  : i32 {
        %get3A_61 = arith.index_cast %scan3A_60 : i32 to index
        %get3A_62 = arith.constant 0 : index
        %get3A_63 = tpu.vector_load %arg8[%get3A_61, %get3A_62] {strides = array<i32>} : memref<40x64xi32, #tpu.memory_space<vmem>>, vector<16xi32>,
        %get3A_64 = arith.index_cast %scan3A_60 : i32 to index
        %get3A_65 = arith.constant 0 : index
        %get3A_66 = tpu.vector_load %arg9[%get3A_64, %get3A_65] {strides = array<i32>} : memref<40x64xi32, #tpu.memory_space<vmem>>, vector<16xi32>,
        %max3A = arith.constant 0 : i32
        %max3A_67 = vector.broadcast %max3A : i32 to vector<16xi32>
        %max3A_68 = arith.maxsi %get3A_66, %max3A_67 : vector<16xi32>
        %shift_right_arithmetic3A = arith.constant 4 : i32
        %shift_right_arithmetic3A_69 = vector.broadcast %shift_right_arithmetic3A : i32 to vector<16xi32>
        %shift_right_arithmetic3A_70 = arith.shrsi %max3A_68, %shift_right_arithmetic3A_69 : vector<16xi32>
        %and3A = arith.constant 15 : i32
        %and3A_71 = vector.broadcast %and3A : i32 to vector<16xi32>
        %and3A_72 = arith.andi %max3A_68, %and3A_71 : vector<16xi32>
        %gather3A = tpu.vector_load_idx %arg11[%shift_right_arithmetic3A_70, %and3A_72] : memref<640x16xf32, #tpu.memory_space<vmem>>[vector<16xi32>, vector<16xi32>], vector<16xf32>,
        %gt3A = arith.constant 0.000000e+00 : f32
        %gt3A_73 = vector.broadcast %gt3A : f32 to vector<16xf32>
        %gt3A_74 = arith.cmpf ogt, %gather3A, %gt3A_73 : vector<16xf32>
        %eq3A = arith.cmpi eq, %get3A_66, %get3A_23 : vector<16xi32>
        %or3A = arith.ori %gt3A_74, %eq3A : vector<16xi1>
        %ge3A = arith.constant 0 : i32
        %ge3A_75 = vector.broadcast %ge3A : i32 to vector<16xi32>
        %ge3A_76 = arith.cmpi sge, %get3A_66, %ge3A_75 : vector<16xi32>
        %and3A_77 = arith.andi %or3A, %ge3A_76 : vector<16xi1>
        %shift_right_arithmetic3A_78 = arith.constant 4 : i32
        %shift_right_arithmetic3A_79 = vector.broadcast %shift_right_arithmetic3A_78 : i32 to vector<16xi32>
        %shift_right_arithmetic3A_80 = arith.shrsi %get3A_63, %shift_right_arithmetic3A_79 : vector<16xi32>
        %and3A_81 = arith.constant 15 : i32
        %and3A_82 = vector.broadcast %and3A_81 : i32 to vector<16xi32>
        %and3A_83 = arith.andi %get3A_63, %and3A_82 : vector<16xi32>
        tpu.vector_store_idx %arg10[%shift_right_arithmetic3A_80, %and3A_83], %broadcast_in_dim3A_0 masked %and3A_77 : memref<640x16xf32, #tpu.memory_space<vmem>>[vector<16xi32>, vector<16xi32>], vector<16xf32>, vector<16xi1>
        %get3A_84 = arith.index_cast %scan3A_60 : i32 to index
        %get3A_85 = arith.constant 16 : index
        %get3A_86 = tpu.vector_load %arg8[%get3A_84, %get3A_85] {strides = array<i32>} : memref<40x64xi32, #tpu.memory_space<vmem>>, vector<16xi32>,
        %get3A_87 = arith.index_cast %scan3A_60 : i32 to index
        %get3A_88 = arith.constant 16 : index
        %get3A_89 = tpu.vector_load %arg9[%get3A_87, %get3A_88] {strides = array<i32>} : memref<40x64xi32, #tpu.memory_space<vmem>>, vector<16xi32>,
        %max3A_90 = arith.constant 0 : i32
        %max3A_91 = vector.broadcast %max3A_90 : i32 to vector<16xi32>
        %max3A_92 = arith.maxsi %get3A_89, %max3A_91 : vector<16xi32>
        %shift_right_arithmetic3A_93 = arith.constant 4 : i32
        %shift_right_arithmetic3A_94 = vector.broadcast %shift_right_arithmetic3A_93 : i32 to vector<16xi32>
        %shift_right_arithmetic3A_95 = arith.shrsi %max3A_92, %shift_right_arithmetic3A_94 : vector<16xi32>
        %and3A_96 = arith.constant 15 : i32
        %and3A_97 = vector.broadcast %and3A_96 : i32 to vector<16xi32>
        %and3A_98 = arith.andi %max3A_92, %and3A_97 : vector<16xi32>
        %gather3A_99 = tpu.vector_load_idx %arg11[%shift_right_arithmetic3A_95, %and3A_98] : memref<640x16xf32, #tpu.memory_space<vmem>>[vector<16xi32>, vector<16xi32>], vector<16xf32>,
        %gt3A_100 = arith.constant 0.000000e+00 : f32
        %gt3A_101 = vector.broadcast %gt3A_100 : f32 to vector<16xf32>
        %gt3A_102 = arith.cmpf ogt, %gather3A_99, %gt3A_101 : vector<16xf32>
        %eq3A_103 = arith.cmpi eq, %get3A_89, %get3A_23 : vector<16xi32>
        %or3A_104 = arith.ori %gt3A_102, %eq3A_103 : vector<16xi1>
        %ge3A_105 = arith.constant 0 : i32
        %ge3A_106 = vector.broadcast %ge3A_105 : i32 to vector<16xi32>
        %ge3A_107 = arith.cmpi sge, %get3A_89, %ge3A_106 : vector<16xi32>
        %and3A_108 = arith.andi %or3A_104, %ge3A_107 : vector<16xi1>
        %shift_right_arithmetic3A_109 = arith.constant 4 : i32
        %shift_right_arithmetic3A_110 = vector.broadcast %shift_right_arithmetic3A_109 : i32 to vector<16xi32>
        %shift_right_arithmetic3A_111 = arith.shrsi %get3A_86, %shift_right_arithmetic3A_110 : vector<16xi32>
        %and3A_112 = arith.constant 15 : i32
        %and3A_113 = vector.broadcast %and3A_112 : i32 to vector<16xi32>
        %and3A_114 = arith.andi %get3A_86, %and3A_113 : vector<16xi32>
        tpu.vector_store_idx %arg10[%shift_right_arithmetic3A_111, %and3A_114], %broadcast_in_dim3A_0 masked %and3A_108 : memref<640x16xf32, #tpu.memory_space<vmem>>[vector<16xi32>, vector<16xi32>], vector<16xf32>, vector<16xi1>
        %get3A_115 = arith.index_cast %scan3A_60 : i32 to index
        %get3A_116 = arith.constant 32 : index
        %get3A_117 = tpu.vector_load %arg8[%get3A_115, %get3A_116] {strides = array<i32>} : memref<40x64xi32, #tpu.memory_space<vmem>>, vector<16xi32>,
        %get3A_118 = arith.index_cast %scan3A_60 : i32 to index
        %get3A_119 = arith.constant 32 : index
        %get3A_120 = tpu.vector_load %arg9[%get3A_118, %get3A_119] {strides = array<i32>} : memref<40x64xi32, #tpu.memory_space<vmem>>, vector<16xi32>,
        %max3A_121 = arith.constant 0 : i32
        %max3A_122 = vector.broadcast %max3A_121 : i32 to vector<16xi32>
        %max3A_123 = arith.maxsi %get3A_120, %max3A_122 : vector<16xi32>
        %shift_right_arithmetic3A_124 = arith.constant 4 : i32
        %shift_right_arithmetic3A_125 = vector.broadcast %shift_right_arithmetic3A_124 : i32 to vector<16xi32>
        %shift_right_arithmetic3A_126 = arith.shrsi %max3A_123, %shift_right_arithmetic3A_125 : vector<16xi32>
        %and3A_127 = arith.constant 15 : i32
        %and3A_128 = vector.broadcast %and3A_127 : i32 to vector<16xi32>
        %and3A_129 = arith.andi %max3A_123, %and3A_128 : vector<16xi32>
        %gather3A_130 = tpu.vector_load_idx %arg11[%shift_right_arithmetic3A_126, %and3A_129] : memref<640x16xf32, #tpu.memory_space<vmem>>[vector<16xi32>, vector<16xi32>], vector<16xf32>,
        %gt3A_131 = arith.constant 0.000000e+00 : f32
        %gt3A_132 = vector.broadcast %gt3A_131 : f32 to vector<16xf32>
        %gt3A_133 = arith.cmpf ogt, %gather3A_130, %gt3A_132 : vector<16xf32>
        %eq3A_134 = arith.cmpi eq, %get3A_120, %get3A_23 : vector<16xi32>
        %or3A_135 = arith.ori %gt3A_133, %eq3A_134 : vector<16xi1>
        %ge3A_136 = arith.constant 0 : i32
        %ge3A_137 = vector.broadcast %ge3A_136 : i32 to vector<16xi32>
        %ge3A_138 = arith.cmpi sge, %get3A_120, %ge3A_137 : vector<16xi32>
        %and3A_139 = arith.andi %or3A_135, %ge3A_138 : vector<16xi1>
        %shift_right_arithmetic3A_140 = arith.constant 4 : i32
        %shift_right_arithmetic3A_141 = vector.broadcast %shift_right_arithmetic3A_140 : i32 to vector<16xi32>
        %shift_right_arithmetic3A_142 = arith.shrsi %get3A_117, %shift_right_arithmetic3A_141 : vector<16xi32>
        %and3A_143 = arith.constant 15 : i32
        %and3A_144 = vector.broadcast %and3A_143 : i32 to vector<16xi32>
        %and3A_145 = arith.andi %get3A_117, %and3A_144 : vector<16xi32>
        tpu.vector_store_idx %arg10[%shift_right_arithmetic3A_142, %and3A_145], %broadcast_in_dim3A_0 masked %and3A_139 : memref<640x16xf32, #tpu.memory_space<vmem>>[vector<16xi32>, vector<16xi32>], vector<16xf32>, vector<16xi1>
        %get3A_146 = arith.index_cast %scan3A_60 : i32 to index
        %get3A_147 = arith.constant 48 : index
        %get3A_148 = tpu.vector_load %arg8[%get3A_146, %get3A_147] {strides = array<i32>} : memref<40x64xi32, #tpu.memory_space<vmem>>, vector<16xi32>,
        %get3A_149 = arith.index_cast %scan3A_60 : i32 to index
        %get3A_150 = arith.constant 48 : index
        %get3A_151 = tpu.vector_load %arg9[%get3A_149, %get3A_150] {strides = array<i32>} : memref<40x64xi32, #tpu.memory_space<vmem>>, vector<16xi32>,
        %max3A_152 = arith.constant 0 : i32
        %max3A_153 = vector.broadcast %max3A_152 : i32 to vector<16xi32>
        %max3A_154 = arith.maxsi %get3A_151, %max3A_153 : vector<16xi32>
        %shift_right_arithmetic3A_155 = arith.constant 4 : i32
        %shift_right_arithmetic3A_156 = vector.broadcast %shift_right_arithmetic3A_155 : i32 to vector<16xi32>
        %shift_right_arithmetic3A_157 = arith.shrsi %max3A_154, %shift_right_arithmetic3A_156 : vector<16xi32>
        %and3A_158 = arith.constant 15 : i32
        %and3A_159 = vector.broadcast %and3A_158 : i32 to vector<16xi32>
        %and3A_160 = arith.andi %max3A_154, %and3A_159 : vector<16xi32>
        %gather3A_161 = tpu.vector_load_idx %arg11[%shift_right_arithmetic3A_157, %and3A_160] : memref<640x16xf32, #tpu.memory_space<vmem>>[vector<16xi32>, vector<16xi32>], vector<16xf32>,
        %gt3A_162 = arith.constant 0.000000e+00 : f32
        %gt3A_163 = vector.broadcast %gt3A_162 : f32 to vector<16xf32>
        %gt3A_164 = arith.cmpf ogt, %gather3A_161, %gt3A_163 : vector<16xf32>
        %eq3A_165 = arith.cmpi eq, %get3A_151, %get3A_23 : vector<16xi32>
        %or3A_166 = arith.ori %gt3A_164, %eq3A_165 : vector<16xi1>
        %ge3A_167 = arith.constant 0 : i32
        %ge3A_168 = vector.broadcast %ge3A_167 : i32 to vector<16xi32>
        %ge3A_169 = arith.cmpi sge, %get3A_151, %ge3A_168 : vector<16xi32>
        %and3A_170 = arith.andi %or3A_166, %ge3A_169 : vector<16xi1>
        %shift_right_arithmetic3A_171 = arith.constant 4 : i32
        %shift_right_arithmetic3A_172 = vector.broadcast %shift_right_arithmetic3A_171 : i32 to vector<16xi32>
        %shift_right_arithmetic3A_173 = arith.shrsi %get3A_148, %shift_right_arithmetic3A_172 : vector<16xi32>
        %and3A_174 = arith.constant 15 : i32
        %and3A_175 = vector.broadcast %and3A_174 : i32 to vector<16xi32>
        %and3A_176 = arith.andi %get3A_148, %and3A_175 : vector<16xi32>
        tpu.vector_store_idx %arg10[%shift_right_arithmetic3A_173, %and3A_176], %broadcast_in_dim3A_0 masked %and3A_170 : memref<640x16xf32, #tpu.memory_space<vmem>>[vector<16xi32>, vector<16xi32>], vector<16xf32>, vector<16xi1>
      }
      %scan3A_59 = arith.constant 40 : i32
    }
    %scan3A_33 = arith.constant 4 : i32
    %run_scoped3A_34 = arith.constant 0 : i32
    "tpu.region"() ({
      %run_scoped3A_49 = tpu.sem_alloc : memref<!tpu.dma_semaphore, #tpu.memory_space<semaphore_mem>>
      %dma_start3A = arith.constant 0 : i32
      %dma_start3A_50 = arith.constant 0 : i32
      %dma_start3A_51 = tpu.memref_slice %arg10[%dma_start3A, %dma_start3A_50] : memref<640x16xf32, #tpu.memory_space<vmem>> -> memref<128x16xf32, #tpu.memory_space<vmem>>
      %dma_start3A_52 = arith.constant 0 : i32
      %dma_start3A_53 = tpu.memref_slice %arg12[%run_scoped3A_34, %dma_start3A_52] : memref<5x128xi32, #tpu.memory_space<vmem>> -> memref<1x128xi32, #tpu.memory_space<vmem>>
      %dma_start3A_54 = tpu.memref_squeeze %dma_start3A_53 : memref<1x128xi32, #tpu.memory_space<vmem>> -> memref<128xi32, #tpu.memory_space<vmem>>
      %dma_start3A_55 = arith.constant 0 : i32
      %dma_start3A_56 = arith.constant 0 : i32
      %dma_start3A_57 = tpu.memref_slice %arg16[%dma_start3A_55, %dma_start3A_56] : memref<640x16xf32, #tpu.memory_space<vmem_shared>> -> memref<640x16xf32, #tpu.memory_space<vmem_shared>>
      tpu.enqueue_indirect_dma source(%dma_start3A_51 : memref<128x16xf32, #tpu.memory_space<vmem>>) target(%dma_start3A_57 : memref<640x16xf32, #tpu.memory_space<vmem_shared>>) offsets(%dma_start3A_54 : memref<128xi32, #tpu.memory_space<vmem>>) semaphore(%run_scoped3A_49 : memref<!tpu.dma_semaphore, #tpu.memory_space<semaphore_mem>>) {add = true}
      %dma_wait3A = arith.constant 0 : i32
      %dma_wait3A_58 = arith.constant 0 : i32
      %dma_wait3A_59 = tpu.memref_slice %arg10[%dma_wait3A, %dma_wait3A_58] : memref<640x16xf32, #tpu.memory_space<vmem>> -> memref<128x16xf32, #tpu.memory_space<vmem>>
      %dma_wait3A_60 = arith.constant 0 : i32
      %dma_wait3A_61 = tpu.memref_slice %arg12[%run_scoped3A_34, %dma_wait3A_60] : memref<5x128xi32, #tpu.memory_space<vmem>> -> memref<1x128xi32, #tpu.memory_space<vmem>>
      %dma_wait3A_62 = tpu.memref_squeeze %dma_wait3A_61 : memref<1x128xi32, #tpu.memory_space<vmem>> -> memref<128xi32, #tpu.memory_space<vmem>>
      %dma_wait3A_63 = arith.constant 0 : i32
      %dma_wait3A_64 = arith.constant 0 : i32
      %dma_wait3A_65 = tpu.memref_slice %arg16[%dma_wait3A_63, %dma_wait3A_64] : memref<640x16xf32, #tpu.memory_space<vmem_shared>> -> memref<640x16xf32, #tpu.memory_space<vmem_shared>>
      tpu.wait_indirect_dma semaphore(%run_scoped3A_49 : memref<!tpu.dma_semaphore, #tpu.memory_space<semaphore_mem>>) src(%dma_wait3A_59 : memref<128x16xf32, #tpu.memory_space<vmem>>) dst(%dma_wait3A_65 : memref<640x16xf32, #tpu.memory_space<vmem_shared>>)
      tpu.yield
    }) : () -> ()
    %run_scoped3A_35 = arith.constant 1 : i32
    "tpu.region"() ({
      %run_scoped3A_49 = tpu.sem_alloc : memref<!tpu.dma_semaphore, #tpu.memory_space<semaphore_mem>>
      %dma_start3A = arith.constant 128 : i32
      %dma_start3A_50 = arith.constant 0 : i32
      %dma_start3A_51 = tpu.memref_slice %arg10[%dma_start3A, %dma_start3A_50] : memref<640x16xf32, #tpu.memory_space<vmem>> -> memref<128x16xf32, #tpu.memory_space<vmem>>
      %dma_start3A_52 = arith.constant 0 : i32
      %dma_start3A_53 = tpu.memref_slice %arg12[%run_scoped3A_35, %dma_start3A_52] : memref<5x128xi32, #tpu.memory_space<vmem>> -> memref<1x128xi32, #tpu.memory_space<vmem>>
      %dma_start3A_54 = tpu.memref_squeeze %dma_start3A_53 : memref<1x128xi32, #tpu.memory_space<vmem>> -> memref<128xi32, #tpu.memory_space<vmem>>
      %dma_start3A_55 = arith.constant 0 : i32
      %dma_start3A_56 = arith.constant 0 : i32
      %dma_start3A_57 = tpu.memref_slice %arg16[%dma_start3A_55, %dma_start3A_56] : memref<640x16xf32, #tpu.memory_space<vmem_shared>> -> memref<640x16xf32, #tpu.memory_space<vmem_shared>>
      tpu.enqueue_indirect_dma source(%dma_start3A_51 : memref<128x16xf32, #tpu.memory_space<vmem>>) target(%dma_start3A_57 : memref<640x16xf32, #tpu.memory_space<vmem_shared>>) offsets(%dma_start3A_54 : memref<128xi32, #tpu.memory_space<vmem>>) semaphore(%run_scoped3A_49 : memref<!tpu.dma_semaphore, #tpu.memory_space<semaphore_mem>>) {add = true}
      %dma_wait3A = arith.constant 128 : i32
      %dma_wait3A_58 = arith.constant 0 : i32
      %dma_wait3A_59 = tpu.memref_slice %arg10[%dma_wait3A, %dma_wait3A_58] : memref<640x16xf32, #tpu.memory_space<vmem>> -> memref<128x16xf32, #tpu.memory_space<vmem>>
      %dma_wait3A_60 = arith.constant 0 : i32
      %dma_wait3A_61 = tpu.memref_slice %arg12[%run_scoped3A_35, %dma_wait3A_60] : memref<5x128xi32, #tpu.memory_space<vmem>> -> memref<1x128xi32, #tpu.memory_space<vmem>>
      %dma_wait3A_62 = tpu.memref_squeeze %dma_wait3A_61 : memref<1x128xi32, #tpu.memory_space<vmem>> -> memref<128xi32, #tpu.memory_space<vmem>>
      %dma_wait3A_63 = arith.constant 0 : i32
      %dma_wait3A_64 = arith.constant 0 : i32
      %dma_wait3A_65 = tpu.memref_slice %arg16[%dma_wait3A_63, %dma_wait3A_64] : memref<640x16xf32, #tpu.memory_space<vmem_shared>> -> memref<640x16xf32, #tpu.memory_space<vmem_shared>>
      tpu.wait_indirect_dma semaphore(%run_scoped3A_49 : memref<!tpu.dma_semaphore, #tpu.memory_space<semaphore_mem>>) src(%dma_wait3A_59 : memref<128x16xf32, #tpu.memory_space<vmem>>) dst(%dma_wait3A_65 : memref<640x16xf32, #tpu.memory_space<vmem_shared>>)
      tpu.yield
    }) : () -> ()
    %run_scoped3A_36 = arith.constant 2 : i32
    "tpu.region"() ({
      %run_scoped3A_49 = tpu.sem_alloc : memref<!tpu.dma_semaphore, #tpu.memory_space<semaphore_mem>>
      %dma_start3A = arith.constant 256 : i32
      %dma_start3A_50 = arith.constant 0 : i32
      %dma_start3A_51 = tpu.memref_slice %arg10[%dma_start3A, %dma_start3A_50] : memref<640x16xf32, #tpu.memory_space<vmem>> -> memref<128x16xf32, #tpu.memory_space<vmem>>
      %dma_start3A_52 = arith.constant 0 : i32
      %dma_start3A_53 = tpu.memref_slice %arg12[%run_scoped3A_36, %dma_start3A_52] : memref<5x128xi32, #tpu.memory_space<vmem>> -> memref<1x128xi32, #tpu.memory_space<vmem>>
      %dma_start3A_54 = tpu.memref_squeeze %dma_start3A_53 : memref<1x128xi32, #tpu.memory_space<vmem>> -> memref<128xi32, #tpu.memory_space<vmem>>
      %dma_start3A_55 = arith.constant 0 : i32
      %dma_start3A_56 = arith.constant 0 : i32
      %dma_start3A_57 = tpu.memref_slice %arg16[%dma_start3A_55, %dma_start3A_56] : memref<640x16xf32, #tpu.memory_space<vmem_shared>> -> memref<640x16xf32, #tpu.memory_space<vmem_shared>>
      tpu.enqueue_indirect_dma source(%dma_start3A_51 : memref<128x16xf32, #tpu.memory_space<vmem>>) target(%dma_start3A_57 : memref<640x16xf32, #tpu.memory_space<vmem_shared>>) offsets(%dma_start3A_54 : memref<128xi32, #tpu.memory_space<vmem>>) semaphore(%run_scoped3A_49 : memref<!tpu.dma_semaphore, #tpu.memory_space<semaphore_mem>>) {add = true}
      %dma_wait3A = arith.constant 256 : i32
      %dma_wait3A_58 = arith.constant 0 : i32
      %dma_wait3A_59 = tpu.memref_slice %arg10[%dma_wait3A, %dma_wait3A_58] : memref<640x16xf32, #tpu.memory_space<vmem>> -> memref<128x16xf32, #tpu.memory_space<vmem>>
      %dma_wait3A_60 = arith.constant 0 : i32
      %dma_wait3A_61 = tpu.memref_slice %arg12[%run_scoped3A_36, %dma_wait3A_60] : memref<5x128xi32, #tpu.memory_space<vmem>> -> memref<1x128xi32, #tpu.memory_space<vmem>>
      %dma_wait3A_62 = tpu.memref_squeeze %dma_wait3A_61 : memref<1x128xi32, #tpu.memory_space<vmem>> -> memref<128xi32, #tpu.memory_space<vmem>>
      %dma_wait3A_63 = arith.constant 0 : i32
      %dma_wait3A_64 = arith.constant 0 : i32
      %dma_wait3A_65 = tpu.memref_slice %arg16[%dma_wait3A_63, %dma_wait3A_64] : memref<640x16xf32, #tpu.memory_space<vmem_shared>> -> memref<640x16xf32, #tpu.memory_space<vmem_shared>>
      tpu.wait_indirect_dma semaphore(%run_scoped3A_49 : memref<!tpu.dma_semaphore, #tpu.memory_space<semaphore_mem>>) src(%dma_wait3A_59 : memref<128x16xf32, #tpu.memory_space<vmem>>) dst(%dma_wait3A_65 : memref<640x16xf32, #tpu.memory_space<vmem_shared>>)
      tpu.yield
    }) : () -> ()
    %run_scoped3A_37 = arith.constant 3 : i32
    "tpu.region"() ({
      %run_scoped3A_49 = tpu.sem_alloc : memref<!tpu.dma_semaphore, #tpu.memory_space<semaphore_mem>>
      %dma_start3A = arith.constant 384 : i32
      %dma_start3A_50 = arith.constant 0 : i32
      %dma_start3A_51 = tpu.memref_slice %arg10[%dma_start3A, %dma_start3A_50] : memref<640x16xf32, #tpu.memory_space<vmem>> -> memref<128x16xf32, #tpu.memory_space<vmem>>
      %dma_start3A_52 = arith.constant 0 : i32
      %dma_start3A_53 = tpu.memref_slice %arg12[%run_scoped3A_37, %dma_start3A_52] : memref<5x128xi32, #tpu.memory_space<vmem>> -> memref<1x128xi32, #tpu.memory_space<vmem>>
      %dma_start3A_54 = tpu.memref_squeeze %dma_start3A_53 : memref<1x128xi32, #tpu.memory_space<vmem>> -> memref<128xi32, #tpu.memory_space<vmem>>
      %dma_start3A_55 = arith.constant 0 : i32
      %dma_start3A_56 = arith.constant 0 : i32
      %dma_start3A_57 = tpu.memref_slice %arg16[%dma_start3A_55, %dma_start3A_56] : memref<640x16xf32, #tpu.memory_space<vmem_shared>> -> memref<640x16xf32, #tpu.memory_space<vmem_shared>>
      tpu.enqueue_indirect_dma source(%dma_start3A_51 : memref<128x16xf32, #tpu.memory_space<vmem>>) target(%dma_start3A_57 : memref<640x16xf32, #tpu.memory_space<vmem_shared>>) offsets(%dma_start3A_54 : memref<128xi32, #tpu.memory_space<vmem>>) semaphore(%run_scoped3A_49 : memref<!tpu.dma_semaphore, #tpu.memory_space<semaphore_mem>>) {add = true}
      %dma_wait3A = arith.constant 384 : i32
      %dma_wait3A_58 = arith.constant 0 : i32
      %dma_wait3A_59 = tpu.memref_slice %arg10[%dma_wait3A, %dma_wait3A_58] : memref<640x16xf32, #tpu.memory_space<vmem>> -> memref<128x16xf32, #tpu.memory_space<vmem>>
      %dma_wait3A_60 = arith.constant 0 : i32
      %dma_wait3A_61 = tpu.memref_slice %arg12[%run_scoped3A_37, %dma_wait3A_60] : memref<5x128xi32, #tpu.memory_space<vmem>> -> memref<1x128xi32, #tpu.memory_space<vmem>>
      %dma_wait3A_62 = tpu.memref_squeeze %dma_wait3A_61 : memref<1x128xi32, #tpu.memory_space<vmem>> -> memref<128xi32, #tpu.memory_space<vmem>>
      %dma_wait3A_63 = arith.constant 0 : i32
      %dma_wait3A_64 = arith.constant 0 : i32
      %dma_wait3A_65 = tpu.memref_slice %arg16[%dma_wait3A_63, %dma_wait3A_64] : memref<640x16xf32, #tpu.memory_space<vmem_shared>> -> memref<640x16xf32, #tpu.memory_space<vmem_shared>>
      tpu.wait_indirect_dma semaphore(%run_scoped3A_49 : memref<!tpu.dma_semaphore, #tpu.memory_space<semaphore_mem>>) src(%dma_wait3A_59 : memref<128x16xf32, #tpu.memory_space<vmem>>) dst(%dma_wait3A_65 : memref<640x16xf32, #tpu.memory_space<vmem_shared>>)
      tpu.yield
    }) : () -> ()
    %run_scoped3A_38 = arith.constant 4 : i32
    "tpu.region"() ({
      %run_scoped3A_49 = tpu.sem_alloc : memref<!tpu.dma_semaphore, #tpu.memory_space<semaphore_mem>>
      %dma_start3A = arith.constant 512 : i32
      %dma_start3A_50 = arith.constant 0 : i32
      %dma_start3A_51 = tpu.memref_slice %arg10[%dma_start3A, %dma_start3A_50] : memref<640x16xf32, #tpu.memory_space<vmem>> -> memref<128x16xf32, #tpu.memory_space<vmem>>
      %dma_start3A_52 = arith.constant 0 : i32
      %dma_start3A_53 = tpu.memref_slice %arg12[%run_scoped3A_38, %dma_start3A_52] : memref<5x128xi32, #tpu.memory_space<vmem>> -> memref<1x128xi32, #tpu.memory_space<vmem>>
      %dma_start3A_54 = tpu.memref_squeeze %dma_start3A_53 : memref<1x128xi32, #tpu.memory_space<vmem>> -> memref<128xi32, #tpu.memory_space<vmem>>
      %dma_start3A_55 = arith.constant 0 : i32
      %dma_start3A_56 = arith.constant 0 : i32
      %dma_start3A_57 = tpu.memref_slice %arg16[%dma_start3A_55, %dma_start3A_56] : memref<640x16xf32, #tpu.memory_space<vmem_shared>> -> memref<640x16xf32, #tpu.memory_space<vmem_shared>>
      tpu.enqueue_indirect_dma source(%dma_start3A_51 : memref<128x16xf32, #tpu.memory_space<vmem>>) target(%dma_start3A_57 : memref<640x16xf32, #tpu.memory_space<vmem_shared>>) offsets(%dma_start3A_54 : memref<128xi32, #tpu.memory_space<vmem>>) semaphore(%run_scoped3A_49 : memref<!tpu.dma_semaphore, #tpu.memory_space<semaphore_mem>>) {add = true}
      %dma_wait3A = arith.constant 512 : i32
      %dma_wait3A_58 = arith.constant 0 : i32
      %dma_wait3A_59 = tpu.memref_slice %arg10[%dma_wait3A, %dma_wait3A_58] : memref<640x16xf32, #tpu.memory_space<vmem>> -> memref<128x16xf32, #tpu.memory_space<vmem>>
      %dma_wait3A_60 = arith.constant 0 : i32
      %dma_wait3A_61 = tpu.memref_slice %arg12[%run_scoped3A_38, %dma_wait3A_60] : memref<5x128xi32, #tpu.memory_space<vmem>> -> memref<1x128xi32, #tpu.memory_space<vmem>>
      %dma_wait3A_62 = tpu.memref_squeeze %dma_wait3A_61 : memref<1x128xi32, #tpu.memory_space<vmem>> -> memref<128xi32, #tpu.memory_space<vmem>>
      %dma_wait3A_63 = arith.constant 0 : i32
      %dma_wait3A_64 = arith.constant 0 : i32
      %dma_wait3A_65 = tpu.memref_slice %arg16[%dma_wait3A_63, %dma_wait3A_64] : memref<640x16xf32, #tpu.memory_space<vmem_shared>> -> memref<640x16xf32, #tpu.memory_space<vmem_shared>>
      tpu.wait_indirect_dma semaphore(%run_scoped3A_49 : memref<!tpu.dma_semaphore, #tpu.memory_space<semaphore_mem>>) src(%dma_wait3A_59 : memref<128x16xf32, #tpu.memory_space<vmem>>) dst(%dma_wait3A_65 : memref<640x16xf32, #tpu.memory_space<vmem_shared>>)
      tpu.yield
    }) : () -> ()
    %barrier3A_39 = arith.constant 0 : index
    tpu.barrier barrier_id(%barrier3A_39)
    %mul3A_40 = arith.constant 16 : i32
    %mul3A_41 = arith.muli %arg0, %mul3A_40 : i32
    %add3A = arith.addi %mul3A_41, %arg1 : i32
    %mul3A_42 = arith.constant 20 : i32
    %mul3A_43 = arith.muli %add3A, %mul3A_42 : i32
    "tpu.region"() ({
      %run_scoped3A_49 = tpu.sem_alloc : memref<!tpu.dma_semaphore, #tpu.memory_space<semaphore_mem>>
      %dma_start3A = arith.constant 0 : i32
      %dma_start3A_50 = arith.constant 0 : i32
      %dma_start3A_51 = tpu.memref_slice %arg10[%dma_start3A, %dma_start3A_50] : memref<640x16xf32, #tpu.memory_space<vmem>> -> memref<20x16xf32, #tpu.memory_space<vmem>>
      %dma_start3A_52 = arith.constant 0 : i32
      %dma_start3A_53 = tpu.memref_slice %arg15[%mul3A_43, %dma_start3A_52] : memref<640x16xf32, #tpu.memory_space<vmem_shared>> -> memref<20x16xf32, #tpu.memory_space<vmem_shared>>
      %dma_start3A_54 = arith.constant 0 : i32
      %dma_start3A_55 = arith.constant 0 : i32
      %dma_start3A_56 = tpu.memref_slice %arg10[%dma_start3A_54, %dma_start3A_55] : memref<640x16xf32, #tpu.memory_space<vmem>> -> memref<20x16xf32, #tpu.memory_space<vmem>>
      %dma_start3A_57 = arith.constant 0 : i32
      %dma_start3A_58 = tpu.memref_slice %arg15[%mul3A_43, %dma_start3A_57] : memref<640x16xf32, #tpu.memory_space<vmem_shared>> -> memref<20x16xf32, #tpu.memory_space<vmem_shared>>
      tpu.enqueue_dma source(%dma_start3A_58 : memref<20x16xf32, #tpu.memory_space<vmem_shared>>) target(%dma_start3A_56 : memref<20x16xf32, #tpu.memory_space<vmem>>) target_semaphore(%run_scoped3A_49 : memref<!tpu.dma_semaphore, #tpu.memory_space<semaphore_mem>>)
      %dma_wait3A = arith.constant 0 : i32
      %dma_wait3A_59 = arith.constant 0 : i32
      %dma_wait3A_60 = tpu.memref_slice %arg10[%dma_wait3A, %dma_wait3A_59] : memref<640x16xf32, #tpu.memory_space<vmem>> -> memref<20x16xf32, #tpu.memory_space<vmem>>
      %dma_wait3A_61 = arith.constant 0 : i32
      %dma_wait3A_62 = tpu.memref_slice %arg15[%mul3A_43, %dma_wait3A_61] : memref<640x16xf32, #tpu.memory_space<vmem_shared>> -> memref<20x16xf32, #tpu.memory_space<vmem_shared>>
      %dma_wait3A_63 = arith.constant 0 : i32
      %dma_wait3A_64 = arith.constant 0 : i32
      %dma_wait3A_65 = tpu.memref_slice %arg10[%dma_wait3A_63, %dma_wait3A_64] : memref<640x16xf32, #tpu.memory_space<vmem>> -> memref<20x16xf32, #tpu.memory_space<vmem>>
      %dma_wait3A_66 = arith.constant 0 : i32
      %dma_wait3A_67 = tpu.memref_slice %arg15[%mul3A_43, %dma_wait3A_66] : memref<640x16xf32, #tpu.memory_space<vmem_shared>> -> memref<20x16xf32, #tpu.memory_space<vmem_shared>>
      tpu.wait_dma2 semaphore(%run_scoped3A_49 : memref<!tpu.dma_semaphore, #tpu.memory_space<semaphore_mem>>) src(%dma_wait3A_67 : memref<20x16xf32, #tpu.memory_space<vmem_shared>>) dst(%dma_wait3A_65 : memref<20x16xf32, #tpu.memory_space<vmem>>)
      tpu.yield
    }) : () -> ()
    "tpu.region"() ({
      %run_scoped3A_49 = tpu.sem_alloc : memref<!tpu.dma_semaphore, #tpu.memory_space<semaphore_mem>>
      %dma_start3A = arith.constant 20 : i32
      %dma_start3A_50 = arith.constant 0 : i32
      %dma_start3A_51 = tpu.memref_slice %arg10[%dma_start3A, %dma_start3A_50] : memref<640x16xf32, #tpu.memory_space<vmem>> -> memref<20x16xf32, #tpu.memory_space<vmem>>
      %dma_start3A_52 = arith.constant 0 : i32
      %dma_start3A_53 = tpu.memref_slice %arg16[%mul3A_43, %dma_start3A_52] : memref<640x16xf32, #tpu.memory_space<vmem_shared>> -> memref<20x16xf32, #tpu.memory_space<vmem_shared>>
      %dma_start3A_54 = arith.constant 20 : i32
      %dma_start3A_55 = arith.constant 0 : i32
      %dma_start3A_56 = tpu.memref_slice %arg10[%dma_start3A_54, %dma_start3A_55] : memref<640x16xf32, #tpu.memory_space<vmem>> -> memref<20x16xf32, #tpu.memory_space<vmem>>
      %dma_start3A_57 = arith.constant 0 : i32
      %dma_start3A_58 = tpu.memref_slice %arg16[%mul3A_43, %dma_start3A_57] : memref<640x16xf32, #tpu.memory_space<vmem_shared>> -> memref<20x16xf32, #tpu.memory_space<vmem_shared>>
      tpu.enqueue_dma source(%dma_start3A_58 : memref<20x16xf32, #tpu.memory_space<vmem_shared>>) target(%dma_start3A_56 : memref<20x16xf32, #tpu.memory_space<vmem>>) target_semaphore(%run_scoped3A_49 : memref<!tpu.dma_semaphore, #tpu.memory_space<semaphore_mem>>)
      %dma_wait3A = arith.constant 20 : i32
      %dma_wait3A_59 = arith.constant 0 : i32
      %dma_wait3A_60 = tpu.memref_slice %arg10[%dma_wait3A, %dma_wait3A_59] : memref<640x16xf32, #tpu.memory_space<vmem>> -> memref<20x16xf32, #tpu.memory_space<vmem>>
      %dma_wait3A_61 = arith.constant 0 : i32
      %dma_wait3A_62 = tpu.memref_slice %arg16[%mul3A_43, %dma_wait3A_61] : memref<640x16xf32, #tpu.memory_space<vmem_shared>> -> memref<20x16xf32, #tpu.memory_space<vmem_shared>>
      %dma_wait3A_63 = arith.constant 20 : i32
      %dma_wait3A_64 = arith.constant 0 : i32
      %dma_wait3A_65 = tpu.memref_slice %arg10[%dma_wait3A_63, %dma_wait3A_64] : memref<640x16xf32, #tpu.memory_space<vmem>> -> memref<20x16xf32, #tpu.memory_space<vmem>>
      %dma_wait3A_66 = arith.constant 0 : i32
      %dma_wait3A_67 = tpu.memref_slice %arg16[%mul3A_43, %dma_wait3A_66] : memref<640x16xf32, #tpu.memory_space<vmem_shared>> -> memref<20x16xf32, #tpu.memory_space<vmem_shared>>
      tpu.wait_dma2 semaphore(%run_scoped3A_49 : memref<!tpu.dma_semaphore, #tpu.memory_space<semaphore_mem>>) src(%dma_wait3A_67 : memref<20x16xf32, #tpu.memory_space<vmem_shared>>) dst(%dma_wait3A_65 : memref<20x16xf32, #tpu.memory_space<vmem>>)
      tpu.yield
    }) : () -> ()
    %scan3A_44 = arith.constant 0 : i32
    %scan3A_45 = arith.constant 20 : i32
    %scan3A_46 = arith.addi %scan3A_44, %scan3A_45 : i32
    %scan3A_47 = arith.constant 1 : i32
    scf.for %scan3A_49 = %scan3A_44 to %scan3A_46 step %scan3A_47  : i32 {
      %get3A_50 = arith.index_cast %scan3A_49 : i32 to index
      %get3A_51 = arith.constant 0 : index
      %get3A_52 = tpu.vector_load %arg10[%get3A_50, %get3A_51] {strides = array<i32>} : memref<640x16xf32, #tpu.memory_space<vmem>>, vector<16xf32>,
      %add3A_53 = arith.constant 20 : i32
      %add3A_54 = arith.addi %add3A_53, %scan3A_49 : i32
      %get3A_55 = arith.index_cast %add3A_54 : i32 to index
      %get3A_56 = arith.constant 0 : index
      %get3A_57 = tpu.vector_load %arg10[%get3A_55, %get3A_56] {strides = array<i32>} : memref<640x16xf32, #tpu.memory_space<vmem>>, vector<16xf32>,
      %add3A_58 = arith.addi %mul3A_43, %scan3A_49 : i32
      %mul3A_59 = arith.constant 16 : i32
      %mul3A_60 = arith.muli %add3A_58, %mul3A_59 : i32
      %iota3A = tpu.iota {dimensions = array<i32: 0>} : vector<16xi32>
      %add3A_61 = vector.broadcast %mul3A_60 : i32 to vector<16xi32>
      %add3A_62 = arith.addi %add3A_61, %iota3A : vector<16xi32>
      %add3A_63 = arith.addf %get3A_52, %get3A_57 : vector<16xf32>
      %gt3A = arith.constant 0.000000e+00 : f32
      %gt3A_64 = vector.broadcast %gt3A : f32 to vector<16xf32>
      %gt3A_65 = arith.cmpf ogt, %add3A_63, %gt3A_64 : vector<16xf32>
      %jit3A = arith.constant 1.000000e+00 : f32
      %jit3A_66 = arith.constant 0.000000e+00 : f32
      %broadcast_in_dim3A_67 = vector.broadcast %jit3A : f32 to vector<16xf32>
      %broadcast_in_dim3A_68 = vector.broadcast %jit3A_66 : f32 to vector<16xf32>
      %select_n3A = arith.select %gt3A_65, %broadcast_in_dim3A_67, %broadcast_in_dim3A_68 : vector<16xi1>, vector<16xf32>
      %eq3A = arith.cmpi eq, %add3A_62, %get3A_23 : vector<16xi32>
      %jit3A_69 = arith.constant 0.000000e+00 : f32
      %broadcast_in_dim3A_70 = vector.broadcast %jit3A_69 : f32 to vector<16xf32>
      %select_n3A_71 = arith.select %eq3A, %broadcast_in_dim3A_70, %select_n3A : vector<16xi1>, vector<16xf32>
      %add3A_72 = arith.constant 40 : i32
      %add3A_73 = arith.addi %add3A_72, %scan3A_49 : i32
      %swap3A = arith.index_cast %add3A_73 : i32 to index
      %swap3A_74 = arith.constant 0 : index
      %swap3A_75 = tpu.vector_load %arg10[%swap3A, %swap3A_74] {strides = array<i32>} : memref<640x16xf32, #tpu.memory_space<vmem>>, vector<16xf32>,
      tpu.vector_store %arg10[%swap3A, %swap3A_74], %select_n3A_71 {strides = array<i32>} : memref<640x16xf32, #tpu.memory_space<vmem>>, vector<16xf32>,
    }
    %scan3A_48 = arith.constant 20 : i32
    "tpu.region"() ({
      %run_scoped3A_49 = tpu.sem_alloc : memref<!tpu.dma_semaphore, #tpu.memory_space<semaphore_mem>>
      %dma_start3A = arith.constant 40 : i32
      %dma_start3A_50 = arith.constant 0 : i32
      %dma_start3A_51 = tpu.memref_slice %arg10[%dma_start3A, %dma_start3A_50] : memref<640x16xf32, #tpu.memory_space<vmem>> -> memref<20x16xf32, #tpu.memory_space<vmem>>
      %dma_start3A_52 = arith.constant 0 : i32
      %dma_start3A_53 = tpu.memref_slice %arg7[%mul3A_43, %dma_start3A_52] : memref<640x16xf32, #tpu.memory_space<hbm>> -> memref<20x16xf32, #tpu.memory_space<hbm>>
      %dma_start3A_54 = arith.constant 0 : i32
      %dma_start3A_55 = tpu.memref_slice %arg7[%mul3A_43, %dma_start3A_54] : memref<640x16xf32, #tpu.memory_space<hbm>> -> memref<20x16xf32, #tpu.memory_space<hbm>>
      %dma_start3A_56 = arith.constant 40 : i32
      %dma_start3A_57 = arith.constant 0 : i32
      %dma_start3A_58 = tpu.memref_slice %arg10[%dma_start3A_56, %dma_start3A_57] : memref<640x16xf32, #tpu.memory_space<vmem>> -> memref<20x16xf32, #tpu.memory_space<vmem>>
      tpu.enqueue_dma source(%dma_start3A_58 : memref<20x16xf32, #tpu.memory_space<vmem>>) target(%dma_start3A_55 : memref<20x16xf32, #tpu.memory_space<hbm>>) target_semaphore(%run_scoped3A_49 : memref<!tpu.dma_semaphore, #tpu.memory_space<semaphore_mem>>)
      %dma_wait3A = arith.constant 40 : i32
      %dma_wait3A_59 = arith.constant 0 : i32
      %dma_wait3A_60 = tpu.memref_slice %arg10[%dma_wait3A, %dma_wait3A_59] : memref<640x16xf32, #tpu.memory_space<vmem>> -> memref<20x16xf32, #tpu.memory_space<vmem>>
      %dma_wait3A_61 = arith.constant 0 : i32
      %dma_wait3A_62 = tpu.memref_slice %arg7[%mul3A_43, %dma_wait3A_61] : memref<640x16xf32, #tpu.memory_space<hbm>> -> memref<20x16xf32, #tpu.memory_space<hbm>>
      %dma_wait3A_63 = arith.constant 0 : i32
      %dma_wait3A_64 = tpu.memref_slice %arg7[%mul3A_43, %dma_wait3A_63] : memref<640x16xf32, #tpu.memory_space<hbm>> -> memref<20x16xf32, #tpu.memory_space<hbm>>
      %dma_wait3A_65 = arith.constant 40 : i32
      %dma_wait3A_66 = arith.constant 0 : i32
      %dma_wait3A_67 = tpu.memref_slice %arg10[%dma_wait3A_65, %dma_wait3A_66] : memref<640x16xf32, #tpu.memory_space<vmem>> -> memref<20x16xf32, #tpu.memory_space<vmem>>
      tpu.wait_dma2 semaphore(%run_scoped3A_49 : memref<!tpu.dma_semaphore, #tpu.memory_space<semaphore_mem>>) src(%dma_wait3A_67 : memref<20x16xf32, #tpu.memory_space<vmem>>) dst(%dma_wait3A_64 : memref<20x16xf32, #tpu.memory_space<hbm>>)
      tpu.yield
    }) : () -> ()
    return
  }
}

#map = affine_map<(d0, d1) -> (0, 0)>
#map1 = affine_map<(d0, d1) -> (0, 0, 0)>
module attributes {stable_mosaic.version = 14 : i64} {
  func.func @k(%arg0: i32, %arg1: i32, %arg2: memref<10240x256xf32, #tpu.memory_space<hbm>>, %arg3: memref<2x2560x64xi32, #tpu.memory_space<hbm>>, %arg4: memref<2x2560x64xi32, #tpu.memory_space<hbm>>, %arg5: memref<2x5120x256xf32, #tpu.memory_space<hbm>>, %arg6: memref<40x64xi32, #tpu.memory_space<vmem>>, %arg7: memref<40x64xi32, #tpu.memory_space<vmem>>, %arg8: memref<64x256xf32, #tpu.memory_space<vmem>>, %arg9: memref<64x256xf32, #tpu.memory_space<vmem>>, %arg10: memref<5120x256xf32, #tpu.memory_space<vmem_shared>>, %arg11: memref<!tpu.dma_semaphore, #tpu.memory_space<semaphore_mem>>, %arg12: memref<!tpu.dma_semaphore, #tpu.memory_space<semaphore_mem>>) attributes {dimension_semantics = [#tpu.dimension_semantics<core_parallel>, #tpu.dimension_semantics<subcore_parallel>], iteration_bounds = array<i64: 2, 16>, scalar_prefetch = 0 : i64, scratch_operands = 7 : i64, tpu.core_type = #tpu.core_type<sc_vector_subcore>, window_params = [{transform_indices = #map}, {transform_indices = #map1}, {transform_indices = #map1}, {transform_indices = #map1}]} {
    %mul3A = arith.constant 320 : i32
    %mul3A_0 = arith.muli %arg1, %mul3A : i32
    %scan3A = arith.constant 0 : i32
    %scan3A_1 = arith.constant 64 : i32
    %scan3A_2 = arith.addi %scan3A, %scan3A_1 : i32
    %scan3A_3 = arith.constant 1 : i32
    scf.for %scan3A_40 = %scan3A to %scan3A_2 step %scan3A_3  : i32 {
      %broadcast_in_dim3A = arith.constant 0.000000e+00 : f32
      %broadcast_in_dim3A_41 = vector.broadcast %broadcast_in_dim3A : f32 to vector<16xf32>
      %swap3A = arith.index_cast %scan3A_40 : i32 to index
      %swap3A_42 = arith.constant 0 : index
      %swap3A_43 = tpu.vector_load %arg8[%swap3A, %swap3A_42] {strides = array<i32>} : memref<64x256xf32, #tpu.memory_space<vmem>>, vector<1x16xf32>,
      %swap3A_44 = vector.shape_cast %swap3A_43 : vector<1x16xf32> to vector<16xf32>
      %swap3A_45 = vector.shape_cast %broadcast_in_dim3A_41 : vector<16xf32> to vector<1x16xf32>
      tpu.vector_store %arg8[%swap3A, %swap3A_42], %swap3A_45 {strides = array<i32>} : memref<64x256xf32, #tpu.memory_space<vmem>>, vector<1x16xf32>,
      %broadcast_in_dim3A_46 = arith.constant 0.000000e+00 : f32
      %broadcast_in_dim3A_47 = vector.broadcast %broadcast_in_dim3A_46 : f32 to vector<16xf32>
      %swap3A_48 = arith.index_cast %scan3A_40 : i32 to index
      %swap3A_49 = arith.constant 16 : index
      %swap3A_50 = tpu.vector_load %arg8[%swap3A_48, %swap3A_49] {strides = array<i32>} : memref<64x256xf32, #tpu.memory_space<vmem>>, vector<1x16xf32>,
      %swap3A_51 = vector.shape_cast %swap3A_50 : vector<1x16xf32> to vector<16xf32>
      %swap3A_52 = vector.shape_cast %broadcast_in_dim3A_47 : vector<16xf32> to vector<1x16xf32>
      tpu.vector_store %arg8[%swap3A_48, %swap3A_49], %swap3A_52 {strides = array<i32>} : memref<64x256xf32, #tpu.memory_space<vmem>>, vector<1x16xf32>,
      %broadcast_in_dim3A_53 = arith.constant 0.000000e+00 : f32
      %broadcast_in_dim3A_54 = vector.broadcast %broadcast_in_dim3A_53 : f32 to vector<16xf32>
      %swap3A_55 = arith.index_cast %scan3A_40 : i32 to index
      %swap3A_56 = arith.constant 32 : index
      %swap3A_57 = tpu.vector_load %arg8[%swap3A_55, %swap3A_56] {strides = array<i32>} : memref<64x256xf32, #tpu.memory_space<vmem>>, vector<1x16xf32>,
      %swap3A_58 = vector.shape_cast %swap3A_57 : vector<1x16xf32> to vector<16xf32>
      %swap3A_59 = vector.shape_cast %broadcast_in_dim3A_54 : vector<16xf32> to vector<1x16xf32>
      tpu.vector_store %arg8[%swap3A_55, %swap3A_56], %swap3A_59 {strides = array<i32>} : memref<64x256xf32, #tpu.memory_space<vmem>>, vector<1x16xf32>,
      %broadcast_in_dim3A_60 = arith.constant 0.000000e+00 : f32
      %broadcast_in_dim3A_61 = vector.broadcast %broadcast_in_dim3A_60 : f32 to vector<16xf32>
      %swap3A_62 = arith.index_cast %scan3A_40 : i32 to index
      %swap3A_63 = arith.constant 48 : index
      %swap3A_64 = tpu.vector_load %arg8[%swap3A_62, %swap3A_63] {strides = array<i32>} : memref<64x256xf32, #tpu.memory_space<vmem>>, vector<1x16xf32>,
      %swap3A_65 = vector.shape_cast %swap3A_64 : vector<1x16xf32> to vector<16xf32>
      %swap3A_66 = vector.shape_cast %broadcast_in_dim3A_61 : vector<16xf32> to vector<1x16xf32>
      tpu.vector_store %arg8[%swap3A_62, %swap3A_63], %swap3A_66 {strides = array<i32>} : memref<64x256xf32, #tpu.memory_space<vmem>>, vector<1x16xf32>,
      %broadcast_in_dim3A_67 = arith.constant 0.000000e+00 : f32
      %broadcast_in_dim3A_68 = vector.broadcast %broadcast_in_dim3A_67 : f32 to vector<16xf32>
      %swap3A_69 = arith.index_cast %scan3A_40 : i32 to index
      %swap3A_70 = arith.constant 64 : index
      %swap3A_71 = tpu.vector_load %arg8[%swap3A_69, %swap3A_70] {strides = array<i32>} : memref<64x256xf32, #tpu.memory_space<vmem>>, vector<1x16xf32>,
      %swap3A_72 = vector.shape_cast %swap3A_71 : vector<1x16xf32> to vector<16xf32>
      %swap3A_73 = vector.shape_cast %broadcast_in_dim3A_68 : vector<16xf32> to vector<1x16xf32>
      tpu.vector_store %arg8[%swap3A_69, %swap3A_70], %swap3A_73 {strides = array<i32>} : memref<64x256xf32, #tpu.memory_space<vmem>>, vector<1x16xf32>,
      %broadcast_in_dim3A_74 = arith.constant 0.000000e+00 : f32
      %broadcast_in_dim3A_75 = vector.broadcast %broadcast_in_dim3A_74 : f32 to vector<16xf32>
      %swap3A_76 = arith.index_cast %scan3A_40 : i32 to index
      %swap3A_77 = arith.constant 80 : index
      %swap3A_78 = tpu.vector_load %arg8[%swap3A_76, %swap3A_77] {strides = array<i32>} : memref<64x256xf32, #tpu.memory_space<vmem>>, vector<1x16xf32>,
      %swap3A_79 = vector.shape_cast %swap3A_78 : vector<1x16xf32> to vector<16xf32>
      %swap3A_80 = vector.shape_cast %broadcast_in_dim3A_75 : vector<16xf32> to vector<1x16xf32>
      tpu.vector_store %arg8[%swap3A_76, %swap3A_77], %swap3A_80 {strides = array<i32>} : memref<64x256xf32, #tpu.memory_space<vmem>>, vector<1x16xf32>,
      %broadcast_in_dim3A_81 = arith.constant 0.000000e+00 : f32
      %broadcast_in_dim3A_82 = vector.broadcast %broadcast_in_dim3A_81 : f32 to vector<16xf32>
      %swap3A_83 = arith.index_cast %scan3A_40 : i32 to index
      %swap3A_84 = arith.constant 96 : index
      %swap3A_85 = tpu.vector_load %arg8[%swap3A_83, %swap3A_84] {strides = array<i32>} : memref<64x256xf32, #tpu.memory_space<vmem>>, vector<1x16xf32>,
      %swap3A_86 = vector.shape_cast %swap3A_85 : vector<1x16xf32> to vector<16xf32>
      %swap3A_87 = vector.shape_cast %broadcast_in_dim3A_82 : vector<16xf32> to vector<1x16xf32>
      tpu.vector_store %arg8[%swap3A_83, %swap3A_84], %swap3A_87 {strides = array<i32>} : memref<64x256xf32, #tpu.memory_space<vmem>>, vector<1x16xf32>,
      %broadcast_in_dim3A_88 = arith.constant 0.000000e+00 : f32
      %broadcast_in_dim3A_89 = vector.broadcast %broadcast_in_dim3A_88 : f32 to vector<16xf32>
      %swap3A_90 = arith.index_cast %scan3A_40 : i32 to index
      %swap3A_91 = arith.constant 112 : index
      %swap3A_92 = tpu.vector_load %arg8[%swap3A_90, %swap3A_91] {strides = array<i32>} : memref<64x256xf32, #tpu.memory_space<vmem>>, vector<1x16xf32>,
      %swap3A_93 = vector.shape_cast %swap3A_92 : vector<1x16xf32> to vector<16xf32>
      %swap3A_94 = vector.shape_cast %broadcast_in_dim3A_89 : vector<16xf32> to vector<1x16xf32>
      tpu.vector_store %arg8[%swap3A_90, %swap3A_91], %swap3A_94 {strides = array<i32>} : memref<64x256xf32, #tpu.memory_space<vmem>>, vector<1x16xf32>,
      %broadcast_in_dim3A_95 = arith.constant 0.000000e+00 : f32
      %broadcast_in_dim3A_96 = vector.broadcast %broadcast_in_dim3A_95 : f32 to vector<16xf32>
      %swap3A_97 = arith.index_cast %scan3A_40 : i32 to index
      %swap3A_98 = arith.constant 128 : index
      %swap3A_99 = tpu.vector_load %arg8[%swap3A_97, %swap3A_98] {strides = array<i32>} : memref<64x256xf32, #tpu.memory_space<vmem>>, vector<1x16xf32>,
      %swap3A_100 = vector.shape_cast %swap3A_99 : vector<1x16xf32> to vector<16xf32>
      %swap3A_101 = vector.shape_cast %broadcast_in_dim3A_96 : vector<16xf32> to vector<1x16xf32>
      tpu.vector_store %arg8[%swap3A_97, %swap3A_98], %swap3A_101 {strides = array<i32>} : memref<64x256xf32, #tpu.memory_space<vmem>>, vector<1x16xf32>,
      %broadcast_in_dim3A_102 = arith.constant 0.000000e+00 : f32
      %broadcast_in_dim3A_103 = vector.broadcast %broadcast_in_dim3A_102 : f32 to vector<16xf32>
      %swap3A_104 = arith.index_cast %scan3A_40 : i32 to index
      %swap3A_105 = arith.constant 144 : index
      %swap3A_106 = tpu.vector_load %arg8[%swap3A_104, %swap3A_105] {strides = array<i32>} : memref<64x256xf32, #tpu.memory_space<vmem>>, vector<1x16xf32>,
      %swap3A_107 = vector.shape_cast %swap3A_106 : vector<1x16xf32> to vector<16xf32>
      %swap3A_108 = vector.shape_cast %broadcast_in_dim3A_103 : vector<16xf32> to vector<1x16xf32>
      tpu.vector_store %arg8[%swap3A_104, %swap3A_105], %swap3A_108 {strides = array<i32>} : memref<64x256xf32, #tpu.memory_space<vmem>>, vector<1x16xf32>,
      %broadcast_in_dim3A_109 = arith.constant 0.000000e+00 : f32
      %broadcast_in_dim3A_110 = vector.broadcast %broadcast_in_dim3A_109 : f32 to vector<16xf32>
      %swap3A_111 = arith.index_cast %scan3A_40 : i32 to index
      %swap3A_112 = arith.constant 160 : index
      %swap3A_113 = tpu.vector_load %arg8[%swap3A_111, %swap3A_112] {strides = array<i32>} : memref<64x256xf32, #tpu.memory_space<vmem>>, vector<1x16xf32>,
      %swap3A_114 = vector.shape_cast %swap3A_113 : vector<1x16xf32> to vector<16xf32>
      %swap3A_115 = vector.shape_cast %broadcast_in_dim3A_110 : vector<16xf32> to vector<1x16xf32>
      tpu.vector_store %arg8[%swap3A_111, %swap3A_112], %swap3A_115 {strides = array<i32>} : memref<64x256xf32, #tpu.memory_space<vmem>>, vector<1x16xf32>,
      %broadcast_in_dim3A_116 = arith.constant 0.000000e+00 : f32
      %broadcast_in_dim3A_117 = vector.broadcast %broadcast_in_dim3A_116 : f32 to vector<16xf32>
      %swap3A_118 = arith.index_cast %scan3A_40 : i32 to index
      %swap3A_119 = arith.constant 176 : index
      %swap3A_120 = tpu.vector_load %arg8[%swap3A_118, %swap3A_119] {strides = array<i32>} : memref<64x256xf32, #tpu.memory_space<vmem>>, vector<1x16xf32>,
      %swap3A_121 = vector.shape_cast %swap3A_120 : vector<1x16xf32> to vector<16xf32>
      %swap3A_122 = vector.shape_cast %broadcast_in_dim3A_117 : vector<16xf32> to vector<1x16xf32>
      tpu.vector_store %arg8[%swap3A_118, %swap3A_119], %swap3A_122 {strides = array<i32>} : memref<64x256xf32, #tpu.memory_space<vmem>>, vector<1x16xf32>,
      %broadcast_in_dim3A_123 = arith.constant 0.000000e+00 : f32
      %broadcast_in_dim3A_124 = vector.broadcast %broadcast_in_dim3A_123 : f32 to vector<16xf32>
      %swap3A_125 = arith.index_cast %scan3A_40 : i32 to index
      %swap3A_126 = arith.constant 192 : index
      %swap3A_127 = tpu.vector_load %arg8[%swap3A_125, %swap3A_126] {strides = array<i32>} : memref<64x256xf32, #tpu.memory_space<vmem>>, vector<1x16xf32>,
      %swap3A_128 = vector.shape_cast %swap3A_127 : vector<1x16xf32> to vector<16xf32>
      %swap3A_129 = vector.shape_cast %broadcast_in_dim3A_124 : vector<16xf32> to vector<1x16xf32>
      tpu.vector_store %arg8[%swap3A_125, %swap3A_126], %swap3A_129 {strides = array<i32>} : memref<64x256xf32, #tpu.memory_space<vmem>>, vector<1x16xf32>,
      %broadcast_in_dim3A_130 = arith.constant 0.000000e+00 : f32
      %broadcast_in_dim3A_131 = vector.broadcast %broadcast_in_dim3A_130 : f32 to vector<16xf32>
      %swap3A_132 = arith.index_cast %scan3A_40 : i32 to index
      %swap3A_133 = arith.constant 208 : index
      %swap3A_134 = tpu.vector_load %arg8[%swap3A_132, %swap3A_133] {strides = array<i32>} : memref<64x256xf32, #tpu.memory_space<vmem>>, vector<1x16xf32>,
      %swap3A_135 = vector.shape_cast %swap3A_134 : vector<1x16xf32> to vector<16xf32>
      %swap3A_136 = vector.shape_cast %broadcast_in_dim3A_131 : vector<16xf32> to vector<1x16xf32>
      tpu.vector_store %arg8[%swap3A_132, %swap3A_133], %swap3A_136 {strides = array<i32>} : memref<64x256xf32, #tpu.memory_space<vmem>>, vector<1x16xf32>,
      %broadcast_in_dim3A_137 = arith.constant 0.000000e+00 : f32
      %broadcast_in_dim3A_138 = vector.broadcast %broadcast_in_dim3A_137 : f32 to vector<16xf32>
      %swap3A_139 = arith.index_cast %scan3A_40 : i32 to index
      %swap3A_140 = arith.constant 224 : index
      %swap3A_141 = tpu.vector_load %arg8[%swap3A_139, %swap3A_140] {strides = array<i32>} : memref<64x256xf32, #tpu.memory_space<vmem>>, vector<1x16xf32>,
      %swap3A_142 = vector.shape_cast %swap3A_141 : vector<1x16xf32> to vector<16xf32>
      %swap3A_143 = vector.shape_cast %broadcast_in_dim3A_138 : vector<16xf32> to vector<1x16xf32>
      tpu.vector_store %arg8[%swap3A_139, %swap3A_140], %swap3A_143 {strides = array<i32>} : memref<64x256xf32, #tpu.memory_space<vmem>>, vector<1x16xf32>,
      %broadcast_in_dim3A_144 = arith.constant 0.000000e+00 : f32
      %broadcast_in_dim3A_145 = vector.broadcast %broadcast_in_dim3A_144 : f32 to vector<16xf32>
      %swap3A_146 = arith.index_cast %scan3A_40 : i32 to index
      %swap3A_147 = arith.constant 240 : index
      %swap3A_148 = tpu.vector_load %arg8[%swap3A_146, %swap3A_147] {strides = array<i32>} : memref<64x256xf32, #tpu.memory_space<vmem>>, vector<1x16xf32>,
      %swap3A_149 = vector.shape_cast %swap3A_148 : vector<1x16xf32> to vector<16xf32>
      %swap3A_150 = vector.shape_cast %broadcast_in_dim3A_145 : vector<16xf32> to vector<1x16xf32>
      tpu.vector_store %arg8[%swap3A_146, %swap3A_147], %swap3A_150 {strides = array<i32>} : memref<64x256xf32, #tpu.memory_space<vmem>>, vector<1x16xf32>,
    }
    %scan3A_4 = arith.constant 64 : i32
    %add3A = arith.constant 0 : i32
    %add3A_5 = arith.addi %mul3A_0, %add3A : i32
    "tpu.region"() ({
      %run_scoped3A = tpu.sem_alloc : memref<!tpu.dma_semaphore, #tpu.memory_space<semaphore_mem>>
      %dma_start3A = arith.constant 0 : i32
      %dma_start3A_40 = tpu.memref_slice %arg10[%add3A_5, %dma_start3A] : memref<5120x256xf32, #tpu.memory_space<vmem_shared>> -> memref<64x256xf32, #tpu.memory_space<vmem_shared>>
      %dma_start3A_41 = arith.constant 0 : i32
      %dma_start3A_42 = tpu.memref_slice %arg10[%add3A_5, %dma_start3A_41] : memref<5120x256xf32, #tpu.memory_space<vmem_shared>> -> memref<64x256xf32, #tpu.memory_space<vmem_shared>>
      tpu.enqueue_dma source(%arg8 : memref<64x256xf32, #tpu.memory_space<vmem>>) target(%dma_start3A_42 : memref<64x256xf32, #tpu.memory_space<vmem_shared>>) target_semaphore(%run_scoped3A : memref<!tpu.dma_semaphore, #tpu.memory_space<semaphore_mem>>)
      %dma_wait3A = arith.constant 0 : i32
      %dma_wait3A_43 = tpu.memref_slice %arg10[%add3A_5, %dma_wait3A] : memref<5120x256xf32, #tpu.memory_space<vmem_shared>> -> memref<64x256xf32, #tpu.memory_space<vmem_shared>>
      %dma_wait3A_44 = arith.constant 0 : i32
      %dma_wait3A_45 = tpu.memref_slice %arg10[%add3A_5, %dma_wait3A_44] : memref<5120x256xf32, #tpu.memory_space<vmem_shared>> -> memref<64x256xf32, #tpu.memory_space<vmem_shared>>
      tpu.wait_dma2 semaphore(%run_scoped3A : memref<!tpu.dma_semaphore, #tpu.memory_space<semaphore_mem>>) src(%arg8 : memref<64x256xf32, #tpu.memory_space<vmem>>) dst(%dma_wait3A_45 : memref<64x256xf32, #tpu.memory_space<vmem_shared>>)
      tpu.yield
    }) : () -> ()
    %add3A_6 = arith.constant 64 : i32
    %add3A_7 = arith.addi %mul3A_0, %add3A_6 : i32
    "tpu.region"() ({
      %run_scoped3A = tpu.sem_alloc : memref<!tpu.dma_semaphore, #tpu.memory_space<semaphore_mem>>
      %dma_start3A = arith.constant 0 : i32
      %dma_start3A_40 = tpu.memref_slice %arg10[%add3A_7, %dma_start3A] : memref<5120x256xf32, #tpu.memory_space<vmem_shared>> -> memref<64x256xf32, #tpu.memory_space<vmem_shared>>
      %dma_start3A_41 = arith.constant 0 : i32
      %dma_start3A_42 = tpu.memref_slice %arg10[%add3A_7, %dma_start3A_41] : memref<5120x256xf32, #tpu.memory_space<vmem_shared>> -> memref<64x256xf32, #tpu.memory_space<vmem_shared>>
      tpu.enqueue_dma source(%arg8 : memref<64x256xf32, #tpu.memory_space<vmem>>) target(%dma_start3A_42 : memref<64x256xf32, #tpu.memory_space<vmem_shared>>) target_semaphore(%run_scoped3A : memref<!tpu.dma_semaphore, #tpu.memory_space<semaphore_mem>>)
      %dma_wait3A = arith.constant 0 : i32
      %dma_wait3A_43 = tpu.memref_slice %arg10[%add3A_7, %dma_wait3A] : memref<5120x256xf32, #tpu.memory_space<vmem_shared>> -> memref<64x256xf32, #tpu.memory_space<vmem_shared>>
      %dma_wait3A_44 = arith.constant 0 : i32
      %dma_wait3A_45 = tpu.memref_slice %arg10[%add3A_7, %dma_wait3A_44] : memref<5120x256xf32, #tpu.memory_space<vmem_shared>> -> memref<64x256xf32, #tpu.memory_space<vmem_shared>>
      tpu.wait_dma2 semaphore(%run_scoped3A : memref<!tpu.dma_semaphore, #tpu.memory_space<semaphore_mem>>) src(%arg8 : memref<64x256xf32, #tpu.memory_space<vmem>>) dst(%dma_wait3A_45 : memref<64x256xf32, #tpu.memory_space<vmem_shared>>)
      tpu.yield
    }) : () -> ()
    %add3A_8 = arith.constant 128 : i32
    %add3A_9 = arith.addi %mul3A_0, %add3A_8 : i32
    "tpu.region"() ({
      %run_scoped3A = tpu.sem_alloc : memref<!tpu.dma_semaphore, #tpu.memory_space<semaphore_mem>>
      %dma_start3A = arith.constant 0 : i32
      %dma_start3A_40 = tpu.memref_slice %arg10[%add3A_9, %dma_start3A] : memref<5120x256xf32, #tpu.memory_space<vmem_shared>> -> memref<64x256xf32, #tpu.memory_space<vmem_shared>>
      %dma_start3A_41 = arith.constant 0 : i32
      %dma_start3A_42 = tpu.memref_slice %arg10[%add3A_9, %dma_start3A_41] : memref<5120x256xf32, #tpu.memory_space<vmem_shared>> -> memref<64x256xf32, #tpu.memory_space<vmem_shared>>
      tpu.enqueue_dma source(%arg8 : memref<64x256xf32, #tpu.memory_space<vmem>>) target(%dma_start3A_42 : memref<64x256xf32, #tpu.memory_space<vmem_shared>>) target_semaphore(%run_scoped3A : memref<!tpu.dma_semaphore, #tpu.memory_space<semaphore_mem>>)
      %dma_wait3A = arith.constant 0 : i32
      %dma_wait3A_43 = tpu.memref_slice %arg10[%add3A_9, %dma_wait3A] : memref<5120x256xf32, #tpu.memory_space<vmem_shared>> -> memref<64x256xf32, #tpu.memory_space<vmem_shared>>
      %dma_wait3A_44 = arith.constant 0 : i32
      %dma_wait3A_45 = tpu.memref_slice %arg10[%add3A_9, %dma_wait3A_44] : memref<5120x256xf32, #tpu.memory_space<vmem_shared>> -> memref<64x256xf32, #tpu.memory_space<vmem_shared>>
      tpu.wait_dma2 semaphore(%run_scoped3A : memref<!tpu.dma_semaphore, #tpu.memory_space<semaphore_mem>>) src(%arg8 : memref<64x256xf32, #tpu.memory_space<vmem>>) dst(%dma_wait3A_45 : memref<64x256xf32, #tpu.memory_space<vmem_shared>>)
      tpu.yield
    }) : () -> ()
    %add3A_10 = arith.constant 192 : i32
    %add3A_11 = arith.addi %mul3A_0, %add3A_10 : i32
    "tpu.region"() ({
      %run_scoped3A = tpu.sem_alloc : memref<!tpu.dma_semaphore, #tpu.memory_space<semaphore_mem>>
      %dma_start3A = arith.constant 0 : i32
      %dma_start3A_40 = tpu.memref_slice %arg10[%add3A_11, %dma_start3A] : memref<5120x256xf32, #tpu.memory_space<vmem_shared>> -> memref<64x256xf32, #tpu.memory_space<vmem_shared>>
      %dma_start3A_41 = arith.constant 0 : i32
      %dma_start3A_42 = tpu.memref_slice %arg10[%add3A_11, %dma_start3A_41] : memref<5120x256xf32, #tpu.memory_space<vmem_shared>> -> memref<64x256xf32, #tpu.memory_space<vmem_shared>>
      tpu.enqueue_dma source(%arg8 : memref<64x256xf32, #tpu.memory_space<vmem>>) target(%dma_start3A_42 : memref<64x256xf32, #tpu.memory_space<vmem_shared>>) target_semaphore(%run_scoped3A : memref<!tpu.dma_semaphore, #tpu.memory_space<semaphore_mem>>)
      %dma_wait3A = arith.constant 0 : i32
      %dma_wait3A_43 = tpu.memref_slice %arg10[%add3A_11, %dma_wait3A] : memref<5120x256xf32, #tpu.memory_space<vmem_shared>> -> memref<64x256xf32, #tpu.memory_space<vmem_shared>>
      %dma_wait3A_44 = arith.constant 0 : i32
      %dma_wait3A_45 = tpu.memref_slice %arg10[%add3A_11, %dma_wait3A_44] : memref<5120x256xf32, #tpu.memory_space<vmem_shared>> -> memref<64x256xf32, #tpu.memory_space<vmem_shared>>
      tpu.wait_dma2 semaphore(%run_scoped3A : memref<!tpu.dma_semaphore, #tpu.memory_space<semaphore_mem>>) src(%arg8 : memref<64x256xf32, #tpu.memory_space<vmem>>) dst(%dma_wait3A_45 : memref<64x256xf32, #tpu.memory_space<vmem_shared>>)
      tpu.yield
    }) : () -> ()
    %add3A_12 = arith.constant 256 : i32
    %add3A_13 = arith.addi %mul3A_0, %add3A_12 : i32
    "tpu.region"() ({
      %run_scoped3A = tpu.sem_alloc : memref<!tpu.dma_semaphore, #tpu.memory_space<semaphore_mem>>
      %dma_start3A = arith.constant 0 : i32
      %dma_start3A_40 = tpu.memref_slice %arg10[%add3A_13, %dma_start3A] : memref<5120x256xf32, #tpu.memory_space<vmem_shared>> -> memref<64x256xf32, #tpu.memory_space<vmem_shared>>
      %dma_start3A_41 = arith.constant 0 : i32
      %dma_start3A_42 = tpu.memref_slice %arg10[%add3A_13, %dma_start3A_41] : memref<5120x256xf32, #tpu.memory_space<vmem_shared>> -> memref<64x256xf32, #tpu.memory_space<vmem_shared>>
      tpu.enqueue_dma source(%arg8 : memref<64x256xf32, #tpu.memory_space<vmem>>) target(%dma_start3A_42 : memref<64x256xf32, #tpu.memory_space<vmem_shared>>) target_semaphore(%run_scoped3A : memref<!tpu.dma_semaphore, #tpu.memory_space<semaphore_mem>>)
      %dma_wait3A = arith.constant 0 : i32
      %dma_wait3A_43 = tpu.memref_slice %arg10[%add3A_13, %dma_wait3A] : memref<5120x256xf32, #tpu.memory_space<vmem_shared>> -> memref<64x256xf32, #tpu.memory_space<vmem_shared>>
      %dma_wait3A_44 = arith.constant 0 : i32
      %dma_wait3A_45 = tpu.memref_slice %arg10[%add3A_13, %dma_wait3A_44] : memref<5120x256xf32, #tpu.memory_space<vmem_shared>> -> memref<64x256xf32, #tpu.memory_space<vmem_shared>>
      tpu.wait_dma2 semaphore(%run_scoped3A : memref<!tpu.dma_semaphore, #tpu.memory_space<semaphore_mem>>) src(%arg8 : memref<64x256xf32, #tpu.memory_space<vmem>>) dst(%dma_wait3A_45 : memref<64x256xf32, #tpu.memory_space<vmem_shared>>)
      tpu.yield
    }) : () -> ()
    %barrier3A = arith.constant 0 : index
    tpu.barrier barrier_id(%barrier3A)
    %scan3A_14 = arith.constant 0 : i32
    %scan3A_15 = arith.constant 4 : i32
    %scan3A_16 = arith.addi %scan3A_14, %scan3A_15 : i32
    %scan3A_17 = arith.constant 1 : i32
    scf.for %scan3A_40 = %scan3A_14 to %scan3A_16 step %scan3A_17  : i32 {
      %mul3A_41 = arith.constant 160 : i32
      %mul3A_42 = arith.muli %arg1, %mul3A_41 : i32
      %mul3A_43 = arith.constant 40 : i32
      %mul3A_44 = arith.muli %scan3A_40, %mul3A_43 : i32
      %add3A_45 = arith.addi %mul3A_42, %mul3A_44 : i32
      "tpu.region"() ({
        %run_scoped3A = tpu.sem_alloc : memref<!tpu.dma_semaphore, #tpu.memory_space<semaphore_mem>>
        %dma_start3A_58 = arith.constant 0 : i32
        %dma_start3A_59 = tpu.memref_slice %arg3[%arg0, %add3A_45, %dma_start3A_58] : memref<2x2560x64xi32, #tpu.memory_space<hbm>> -> memref<1x40x64xi32, #tpu.memory_space<hbm>>
        %dma_start3A_60 = tpu.memref_squeeze %dma_start3A_59 : memref<1x40x64xi32, #tpu.memory_space<hbm>> -> memref<40x64xi32, #tpu.memory_space<hbm>>
        %dma_start3A_61 = arith.constant 0 : i32
        %dma_start3A_62 = tpu.memref_slice %arg3[%arg0, %add3A_45, %dma_start3A_61] : memref<2x2560x64xi32, #tpu.memory_space<hbm>> -> memref<1x40x64xi32, #tpu.memory_space<hbm>>
        %dma_start3A_63 = tpu.memref_squeeze %dma_start3A_62 : memref<1x40x64xi32, #tpu.memory_space<hbm>> -> memref<40x64xi32, #tpu.memory_space<hbm>>
        tpu.enqueue_dma source(%dma_start3A_63 : memref<40x64xi32, #tpu.memory_space<hbm>>) target(%arg6 : memref<40x64xi32, #tpu.memory_space<vmem>>) target_semaphore(%run_scoped3A : memref<!tpu.dma_semaphore, #tpu.memory_space<semaphore_mem>>)
        %dma_wait3A = arith.constant 0 : i32
        %dma_wait3A_64 = tpu.memref_slice %arg3[%arg0, %add3A_45, %dma_wait3A] : memref<2x2560x64xi32, #tpu.memory_space<hbm>> -> memref<1x40x64xi32, #tpu.memory_space<hbm>>
        %dma_wait3A_65 = tpu.memref_squeeze %dma_wait3A_64 : memref<1x40x64xi32, #tpu.memory_space<hbm>> -> memref<40x64xi32, #tpu.memory_space<hbm>>
        %dma_wait3A_66 = arith.constant 0 : i32
        %dma_wait3A_67 = tpu.memref_slice %arg3[%arg0, %add3A_45, %dma_wait3A_66] : memref<2x2560x64xi32, #tpu.memory_space<hbm>> -> memref<1x40x64xi32, #tpu.memory_space<hbm>>
        %dma_wait3A_68 = tpu.memref_squeeze %dma_wait3A_67 : memref<1x40x64xi32, #tpu.memory_space<hbm>> -> memref<40x64xi32, #tpu.memory_space<hbm>>
        tpu.wait_dma2 semaphore(%run_scoped3A : memref<!tpu.dma_semaphore, #tpu.memory_space<semaphore_mem>>) src(%dma_wait3A_68 : memref<40x64xi32, #tpu.memory_space<hbm>>) dst(%arg6 : memref<40x64xi32, #tpu.memory_space<vmem>>)
        tpu.yield
      }) : () -> ()
      "tpu.region"() ({
        %run_scoped3A = tpu.sem_alloc : memref<!tpu.dma_semaphore, #tpu.memory_space<semaphore_mem>>
        %dma_start3A_58 = arith.constant 0 : i32
        %dma_start3A_59 = tpu.memref_slice %arg4[%arg0, %add3A_45, %dma_start3A_58] : memref<2x2560x64xi32, #tpu.memory_space<hbm>> -> memref<1x40x64xi32, #tpu.memory_space<hbm>>
        %dma_start3A_60 = tpu.memref_squeeze %dma_start3A_59 : memref<1x40x64xi32, #tpu.memory_space<hbm>> -> memref<40x64xi32, #tpu.memory_space<hbm>>
        %dma_start3A_61 = arith.constant 0 : i32
        %dma_start3A_62 = tpu.memref_slice %arg4[%arg0, %add3A_45, %dma_start3A_61] : memref<2x2560x64xi32, #tpu.memory_space<hbm>> -> memref<1x40x64xi32, #tpu.memory_space<hbm>>
        %dma_start3A_63 = tpu.memref_squeeze %dma_start3A_62 : memref<1x40x64xi32, #tpu.memory_space<hbm>> -> memref<40x64xi32, #tpu.memory_space<hbm>>
        tpu.enqueue_dma source(%dma_start3A_63 : memref<40x64xi32, #tpu.memory_space<hbm>>) target(%arg7 : memref<40x64xi32, #tpu.memory_space<vmem>>) target_semaphore(%run_scoped3A : memref<!tpu.dma_semaphore, #tpu.memory_space<semaphore_mem>>)
        %dma_wait3A = arith.constant 0 : i32
        %dma_wait3A_64 = tpu.memref_slice %arg4[%arg0, %add3A_45, %dma_wait3A] : memref<2x2560x64xi32, #tpu.memory_space<hbm>> -> memref<1x40x64xi32, #tpu.memory_space<hbm>>
        %dma_wait3A_65 = tpu.memref_squeeze %dma_wait3A_64 : memref<1x40x64xi32, #tpu.memory_space<hbm>> -> memref<40x64xi32, #tpu.memory_space<hbm>>
        %dma_wait3A_66 = arith.constant 0 : i32
        %dma_wait3A_67 = tpu.memref_slice %arg4[%arg0, %add3A_45, %dma_wait3A_66] : memref<2x2560x64xi32, #tpu.memory_space<hbm>> -> memref<1x40x64xi32, #tpu.memory_space<hbm>>
        %dma_wait3A_68 = tpu.memref_squeeze %dma_wait3A_67 : memref<1x40x64xi32, #tpu.memory_space<hbm>> -> memref<40x64xi32, #tpu.memory_space<hbm>>
        tpu.wait_dma2 semaphore(%run_scoped3A : memref<!tpu.dma_semaphore, #tpu.memory_space<semaphore_mem>>) src(%dma_wait3A_68 : memref<40x64xi32, #tpu.memory_space<hbm>>) dst(%arg7 : memref<40x64xi32, #tpu.memory_space<vmem>>)
        tpu.yield
      }) : () -> ()
      %dma_start3A = arith.constant 0 : i32
      %dma_start3A_46 = arith.constant 0 : i32
      %dma_start3A_47 = tpu.memref_slice %arg6[%dma_start3A, %dma_start3A_46] : memref<40x64xi32, #tpu.memory_space<vmem>> -> memref<1x64xi32, #tpu.memory_space<vmem>>
      %dma_start3A_48 = tpu.memref_squeeze %dma_start3A_47 : memref<1x64xi32, #tpu.memory_space<vmem>> -> memref<64xi32, #tpu.memory_space<vmem>>
      %dma_start3A_49 = arith.constant 0 : i32
      %dma_start3A_50 = arith.constant 0 : i32
      %dma_start3A_51 = tpu.memref_slice %arg2[%dma_start3A_49, %dma_start3A_50] : memref<10240x256xf32, #tpu.memory_space<hbm>> -> memref<10240x256xf32, #tpu.memory_space<hbm>>
      %dma_start3A_52 = arith.constant -1 : i32
      tpu.enqueue_indirect_dma source(%dma_start3A_51 : memref<10240x256xf32, #tpu.memory_space<hbm>>) target(%arg8 : memref<64x256xf32, #tpu.memory_space<vmem>>) offsets(%dma_start3A_48 : memref<64xi32, #tpu.memory_space<vmem>>) offset_filter(%dma_start3A_52) semaphore(%arg11 : memref<!tpu.dma_semaphore, #tpu.memory_space<semaphore_mem>>)
      %scan3A_53 = arith.constant 0 : i32
      %scan3A_54 = arith.constant 20 : i32
      %scan3A_55 = arith.addi %scan3A_53, %scan3A_54 : i32
      %scan3A_56 = arith.constant 1 : i32
      scf.for %scan3A_58 = %scan3A_53 to %scan3A_55 step %scan3A_56  : i32 {
        %mul3A_59 = arith.constant 2 : i32
        %mul3A_60 = arith.muli %mul3A_59, %scan3A_58 : i32
        %add3A_61 = arith.constant 1 : i32
        %add3A_62 = arith.addi %mul3A_60, %add3A_61 : i32
        %dma_start3A_63 = arith.constant 0 : i32
        %dma_start3A_64 = tpu.memref_slice %arg6[%add3A_62, %dma_start3A_63] : memref<40x64xi32, #tpu.memory_space<vmem>> -> memref<1x64xi32, #tpu.memory_space<vmem>>
        %dma_start3A_65 = tpu.memref_squeeze %dma_start3A_64 : memref<1x64xi32, #tpu.memory_space<vmem>> -> memref<64xi32, #tpu.memory_space<vmem>>
        %dma_start3A_66 = arith.constant 0 : i32
        %dma_start3A_67 = arith.constant 0 : i32
        %dma_start3A_68 = tpu.memref_slice %arg2[%dma_start3A_66, %dma_start3A_67] : memref<10240x256xf32, #tpu.memory_space<hbm>> -> memref<10240x256xf32, #tpu.memory_space<hbm>>
        %dma_start3A_69 = arith.constant -1 : i32
        tpu.enqueue_indirect_dma source(%dma_start3A_68 : memref<10240x256xf32, #tpu.memory_space<hbm>>) target(%arg9 : memref<64x256xf32, #tpu.memory_space<vmem>>) offsets(%dma_start3A_65 : memref<64xi32, #tpu.memory_space<vmem>>) offset_filter(%dma_start3A_69) semaphore(%arg12 : memref<!tpu.dma_semaphore, #tpu.memory_space<semaphore_mem>>)
        %dma_wait3A = arith.constant 0 : i32
        %dma_wait3A_70 = tpu.memref_slice %arg6[%mul3A_60, %dma_wait3A] : memref<40x64xi32, #tpu.memory_space<vmem>> -> memref<1x64xi32, #tpu.memory_space<vmem>>
        %dma_wait3A_71 = tpu.memref_squeeze %dma_wait3A_70 : memref<1x64xi32, #tpu.memory_space<vmem>> -> memref<64xi32, #tpu.memory_space<vmem>>
        %dma_wait3A_72 = arith.constant 0 : i32
        %dma_wait3A_73 = arith.constant 0 : i32
        %dma_wait3A_74 = tpu.memref_slice %arg2[%dma_wait3A_72, %dma_wait3A_73] : memref<10240x256xf32, #tpu.memory_space<hbm>> -> memref<10240x256xf32, #tpu.memory_space<hbm>>
        tpu.wait_indirect_dma semaphore(%arg11 : memref<!tpu.dma_semaphore, #tpu.memory_space<semaphore_mem>>) src(%dma_wait3A_74 : memref<10240x256xf32, #tpu.memory_space<hbm>>) dst(%arg8 : memref<64x256xf32, #tpu.memory_space<vmem>>)
        "tpu.region"() ({
          %run_scoped3A = tpu.sem_alloc : memref<!tpu.dma_semaphore, #tpu.memory_space<semaphore_mem>>
          %dma_start3A_87 = arith.constant 0 : i32
          %dma_start3A_88 = tpu.memref_slice %arg7[%mul3A_60, %dma_start3A_87] : memref<40x64xi32, #tpu.memory_space<vmem>> -> memref<1x64xi32, #tpu.memory_space<vmem>>
          %dma_start3A_89 = tpu.memref_squeeze %dma_start3A_88 : memref<1x64xi32, #tpu.memory_space<vmem>> -> memref<64xi32, #tpu.memory_space<vmem>>
          %dma_start3A_90 = arith.constant 0 : i32
          %dma_start3A_91 = arith.constant 0 : i32
          %dma_start3A_92 = tpu.memref_slice %arg10[%dma_start3A_90, %dma_start3A_91] : memref<5120x256xf32, #tpu.memory_space<vmem_shared>> -> memref<5120x256xf32, #tpu.memory_space<vmem_shared>>
          %dma_start3A_93 = arith.constant -1 : i32
          tpu.enqueue_indirect_dma source(%arg8 : memref<64x256xf32, #tpu.memory_space<vmem>>) target(%dma_start3A_92 : memref<5120x256xf32, #tpu.memory_space<vmem_shared>>) offsets(%dma_start3A_89 : memref<64xi32, #tpu.memory_space<vmem>>) offset_filter(%dma_start3A_93) semaphore(%run_scoped3A : memref<!tpu.dma_semaphore, #tpu.memory_space<semaphore_mem>>) {add = true}
          %dma_wait3A_94 = arith.constant 0 : i32
          %dma_wait3A_95 = tpu.memref_slice %arg7[%mul3A_60, %dma_wait3A_94] : memref<40x64xi32, #tpu.memory_space<vmem>> -> memref<1x64xi32, #tpu.memory_space<vmem>>
          %dma_wait3A_96 = tpu.memref_squeeze %dma_wait3A_95 : memref<1x64xi32, #tpu.memory_space<vmem>> -> memref<64xi32, #tpu.memory_space<vmem>>
          %dma_wait3A_97 = arith.constant 0 : i32
          %dma_wait3A_98 = arith.constant 0 : i32
          %dma_wait3A_99 = tpu.memref_slice %arg10[%dma_wait3A_97, %dma_wait3A_98] : memref<5120x256xf32, #tpu.memory_space<vmem_shared>> -> memref<5120x256xf32, #tpu.memory_space<vmem_shared>>
          tpu.wait_indirect_dma semaphore(%run_scoped3A : memref<!tpu.dma_semaphore, #tpu.memory_space<semaphore_mem>>) src(%arg8 : memref<64x256xf32, #tpu.memory_space<vmem>>) dst(%dma_wait3A_99 : memref<5120x256xf32, #tpu.memory_space<vmem_shared>>)
          tpu.yield
        }) : () -> ()
        %lt3A = arith.constant 19 : i32
        %lt3A_75 = arith.cmpi slt, %scan3A_58, %lt3A : i32
        %convert_element_type3A = arith.extui %lt3A_75 : i1 to i32
        %cond3A = arith.constant 0 : i32
        %cond3A_76 = arith.cmpi ne, %convert_element_type3A, %cond3A : i32
        scf.if %cond3A_76 {
          %add3A_87 = arith.constant 2 : i32
          %add3A_88 = arith.addi %mul3A_60, %add3A_87 : i32
          %dma_start3A_89 = arith.constant 0 : i32
          %dma_start3A_90 = tpu.memref_slice %arg6[%add3A_88, %dma_start3A_89] : memref<40x64xi32, #tpu.memory_space<vmem>> -> memref<1x64xi32, #tpu.memory_space<vmem>>
          %dma_start3A_91 = tpu.memref_squeeze %dma_start3A_90 : memref<1x64xi32, #tpu.memory_space<vmem>> -> memref<64xi32, #tpu.memory_space<vmem>>
          %dma_start3A_92 = arith.constant 0 : i32
          %dma_start3A_93 = arith.constant 0 : i32
          %dma_start3A_94 = tpu.memref_slice %arg2[%dma_start3A_92, %dma_start3A_93] : memref<10240x256xf32, #tpu.memory_space<hbm>> -> memref<10240x256xf32, #tpu.memory_space<hbm>>
          %dma_start3A_95 = arith.constant -1 : i32
          tpu.enqueue_indirect_dma source(%dma_start3A_94 : memref<10240x256xf32, #tpu.memory_space<hbm>>) target(%arg8 : memref<64x256xf32, #tpu.memory_space<vmem>>) offsets(%dma_start3A_91 : memref<64xi32, #tpu.memory_space<vmem>>) offset_filter(%dma_start3A_95) semaphore(%arg11 : memref<!tpu.dma_semaphore, #tpu.memory_space<semaphore_mem>>)
        } else {
        }
        %add3A_77 = arith.constant 1 : i32
        %add3A_78 = arith.addi %mul3A_60, %add3A_77 : i32
        %dma_wait3A_79 = arith.constant 0 : i32
        %dma_wait3A_80 = tpu.memref_slice %arg6[%add3A_78, %dma_wait3A_79] : memref<40x64xi32, #tpu.memory_space<vmem>> -> memref<1x64xi32, #tpu.memory_space<vmem>>
        %dma_wait3A_81 = tpu.memref_squeeze %dma_wait3A_80 : memref<1x64xi32, #tpu.memory_space<vmem>> -> memref<64xi32, #tpu.memory_space<vmem>>
        %dma_wait3A_82 = arith.constant 0 : i32
        %dma_wait3A_83 = arith.constant 0 : i32
        %dma_wait3A_84 = tpu.memref_slice %arg2[%dma_wait3A_82, %dma_wait3A_83] : memref<10240x256xf32, #tpu.memory_space<hbm>> -> memref<10240x256xf32, #tpu.memory_space<hbm>>
        tpu.wait_indirect_dma semaphore(%arg12 : memref<!tpu.dma_semaphore, #tpu.memory_space<semaphore_mem>>) src(%dma_wait3A_84 : memref<10240x256xf32, #tpu.memory_space<hbm>>) dst(%arg9 : memref<64x256xf32, #tpu.memory_space<vmem>>)
        %add3A_85 = arith.constant 1 : i32
        %add3A_86 = arith.addi %mul3A_60, %add3A_85 : i32
        "tpu.region"() ({
          %run_scoped3A = tpu.sem_alloc : memref<!tpu.dma_semaphore, #tpu.memory_space<semaphore_mem>>
          %dma_start3A_87 = arith.constant 0 : i32
          %dma_start3A_88 = tpu.memref_slice %arg7[%add3A_86, %dma_start3A_87] : memref<40x64xi32, #tpu.memory_space<vmem>> -> memref<1x64xi32, #tpu.memory_space<vmem>>
          %dma_start3A_89 = tpu.memref_squeeze %dma_start3A_88 : memref<1x64xi32, #tpu.memory_space<vmem>> -> memref<64xi32, #tpu.memory_space<vmem>>
          %dma_start3A_90 = arith.constant 0 : i32
          %dma_start3A_91 = arith.constant 0 : i32
          %dma_start3A_92 = tpu.memref_slice %arg10[%dma_start3A_90, %dma_start3A_91] : memref<5120x256xf32, #tpu.memory_space<vmem_shared>> -> memref<5120x256xf32, #tpu.memory_space<vmem_shared>>
          %dma_start3A_93 = arith.constant -1 : i32
          tpu.enqueue_indirect_dma source(%arg9 : memref<64x256xf32, #tpu.memory_space<vmem>>) target(%dma_start3A_92 : memref<5120x256xf32, #tpu.memory_space<vmem_shared>>) offsets(%dma_start3A_89 : memref<64xi32, #tpu.memory_space<vmem>>) offset_filter(%dma_start3A_93) semaphore(%run_scoped3A : memref<!tpu.dma_semaphore, #tpu.memory_space<semaphore_mem>>) {add = true}
          %dma_wait3A_94 = arith.constant 0 : i32
          %dma_wait3A_95 = tpu.memref_slice %arg7[%add3A_86, %dma_wait3A_94] : memref<40x64xi32, #tpu.memory_space<vmem>> -> memref<1x64xi32, #tpu.memory_space<vmem>>
          %dma_wait3A_96 = tpu.memref_squeeze %dma_wait3A_95 : memref<1x64xi32, #tpu.memory_space<vmem>> -> memref<64xi32, #tpu.memory_space<vmem>>
          %dma_wait3A_97 = arith.constant 0 : i32
          %dma_wait3A_98 = arith.constant 0 : i32
          %dma_wait3A_99 = tpu.memref_slice %arg10[%dma_wait3A_97, %dma_wait3A_98] : memref<5120x256xf32, #tpu.memory_space<vmem_shared>> -> memref<5120x256xf32, #tpu.memory_space<vmem_shared>>
          tpu.wait_indirect_dma semaphore(%run_scoped3A : memref<!tpu.dma_semaphore, #tpu.memory_space<semaphore_mem>>) src(%arg9 : memref<64x256xf32, #tpu.memory_space<vmem>>) dst(%dma_wait3A_99 : memref<5120x256xf32, #tpu.memory_space<vmem_shared>>)
          tpu.yield
        }) : () -> ()
      }
      %scan3A_57 = arith.constant 20 : i32
    }
    %scan3A_18 = arith.constant 4 : i32
    %barrier3A_19 = arith.constant 0 : index
    tpu.barrier barrier_id(%barrier3A_19)
    %add3A_20 = arith.constant 0 : i32
    %add3A_21 = arith.addi %mul3A_0, %add3A_20 : i32
    %add3A_22 = arith.constant 0 : i32
    %add3A_23 = arith.addi %mul3A_0, %add3A_22 : i32
    "tpu.region"() ({
      %run_scoped3A = tpu.sem_alloc : memref<!tpu.dma_semaphore, #tpu.memory_space<semaphore_mem>>
      %dma_start3A = arith.constant 0 : i32
      %dma_start3A_40 = tpu.memref_slice %arg5[%arg0, %add3A_23, %dma_start3A] : memref<2x5120x256xf32, #tpu.memory_space<hbm>> -> memref<1x64x256xf32, #tpu.memory_space<hbm>>
      %dma_start3A_41 = tpu.memref_squeeze %dma_start3A_40 : memref<1x64x256xf32, #tpu.memory_space<hbm>> -> memref<64x256xf32, #tpu.memory_space<hbm>>
      %dma_start3A_42 = arith.constant 0 : i32
      %dma_start3A_43 = tpu.memref_slice %arg10[%add3A_21, %dma_start3A_42] : memref<5120x256xf32, #tpu.memory_space<vmem_shared>> -> memref<64x256xf32, #tpu.memory_space<vmem_shared>>
      tpu.enqueue_dma source(%dma_start3A_43 : memref<64x256xf32, #tpu.memory_space<vmem_shared>>) target(%dma_start3A_41 : memref<64x256xf32, #tpu.memory_space<hbm>>) target_semaphore(%run_scoped3A : memref<!tpu.dma_semaphore, #tpu.memory_space<semaphore_mem>>)
      %dma_wait3A = arith.constant 0 : i32
      %dma_wait3A_44 = tpu.memref_slice %arg5[%arg0, %add3A_23, %dma_wait3A] : memref<2x5120x256xf32, #tpu.memory_space<hbm>> -> memref<1x64x256xf32, #tpu.memory_space<hbm>>
      %dma_wait3A_45 = tpu.memref_squeeze %dma_wait3A_44 : memref<1x64x256xf32, #tpu.memory_space<hbm>> -> memref<64x256xf32, #tpu.memory_space<hbm>>
      %dma_wait3A_46 = arith.constant 0 : i32
      %dma_wait3A_47 = tpu.memref_slice %arg10[%add3A_21, %dma_wait3A_46] : memref<5120x256xf32, #tpu.memory_space<vmem_shared>> -> memref<64x256xf32, #tpu.memory_space<vmem_shared>>
      tpu.wait_dma2 semaphore(%run_scoped3A : memref<!tpu.dma_semaphore, #tpu.memory_space<semaphore_mem>>) src(%dma_wait3A_47 : memref<64x256xf32, #tpu.memory_space<vmem_shared>>) dst(%dma_wait3A_45 : memref<64x256xf32, #tpu.memory_space<hbm>>)
      tpu.yield
    }) : () -> ()
    %add3A_24 = arith.constant 64 : i32
    %add3A_25 = arith.addi %mul3A_0, %add3A_24 : i32
    %add3A_26 = arith.constant 64 : i32
    %add3A_27 = arith.addi %mul3A_0, %add3A_26 : i32
    "tpu.region"() ({
      %run_scoped3A = tpu.sem_alloc : memref<!tpu.dma_semaphore, #tpu.memory_space<semaphore_mem>>
      %dma_start3A = arith.constant 0 : i32
      %dma_start3A_40 = tpu.memref_slice %arg5[%arg0, %add3A_27, %dma_start3A] : memref<2x5120x256xf32, #tpu.memory_space<hbm>> -> memref<1x64x256xf32, #tpu.memory_space<hbm>>
      %dma_start3A_41 = tpu.memref_squeeze %dma_start3A_40 : memref<1x64x256xf32, #tpu.memory_space<hbm>> -> memref<64x256xf32, #tpu.memory_space<hbm>>
      %dma_start3A_42 = arith.constant 0 : i32
      %dma_start3A_43 = tpu.memref_slice %arg10[%add3A_25, %dma_start3A_42] : memref<5120x256xf32, #tpu.memory_space<vmem_shared>> -> memref<64x256xf32, #tpu.memory_space<vmem_shared>>
      tpu.enqueue_dma source(%dma_start3A_43 : memref<64x256xf32, #tpu.memory_space<vmem_shared>>) target(%dma_start3A_41 : memref<64x256xf32, #tpu.memory_space<hbm>>) target_semaphore(%run_scoped3A : memref<!tpu.dma_semaphore, #tpu.memory_space<semaphore_mem>>)
      %dma_wait3A = arith.constant 0 : i32
      %dma_wait3A_44 = tpu.memref_slice %arg5[%arg0, %add3A_27, %dma_wait3A] : memref<2x5120x256xf32, #tpu.memory_space<hbm>> -> memref<1x64x256xf32, #tpu.memory_space<hbm>>
      %dma_wait3A_45 = tpu.memref_squeeze %dma_wait3A_44 : memref<1x64x256xf32, #tpu.memory_space<hbm>> -> memref<64x256xf32, #tpu.memory_space<hbm>>
      %dma_wait3A_46 = arith.constant 0 : i32
      %dma_wait3A_47 = tpu.memref_slice %arg10[%add3A_25, %dma_wait3A_46] : memref<5120x256xf32, #tpu.memory_space<vmem_shared>> -> memref<64x256xf32, #tpu.memory_space<vmem_shared>>
      tpu.wait_dma2 semaphore(%run_scoped3A : memref<!tpu.dma_semaphore, #tpu.memory_space<semaphore_mem>>) src(%dma_wait3A_47 : memref<64x256xf32, #tpu.memory_space<vmem_shared>>) dst(%dma_wait3A_45 : memref<64x256xf32, #tpu.memory_space<hbm>>)
      tpu.yield
    }) : () -> ()
    %add3A_28 = arith.constant 128 : i32
    %add3A_29 = arith.addi %mul3A_0, %add3A_28 : i32
    %add3A_30 = arith.constant 128 : i32
    %add3A_31 = arith.addi %mul3A_0, %add3A_30 : i32
    "tpu.region"() ({
      %run_scoped3A = tpu.sem_alloc : memref<!tpu.dma_semaphore, #tpu.memory_space<semaphore_mem>>
      %dma_start3A = arith.constant 0 : i32
      %dma_start3A_40 = tpu.memref_slice %arg5[%arg0, %add3A_31, %dma_start3A] : memref<2x5120x256xf32, #tpu.memory_space<hbm>> -> memref<1x64x256xf32, #tpu.memory_space<hbm>>
      %dma_start3A_41 = tpu.memref_squeeze %dma_start3A_40 : memref<1x64x256xf32, #tpu.memory_space<hbm>> -> memref<64x256xf32, #tpu.memory_space<hbm>>
      %dma_start3A_42 = arith.constant 0 : i32
      %dma_start3A_43 = tpu.memref_slice %arg10[%add3A_29, %dma_start3A_42] : memref<5120x256xf32, #tpu.memory_space<vmem_shared>> -> memref<64x256xf32, #tpu.memory_space<vmem_shared>>
      tpu.enqueue_dma source(%dma_start3A_43 : memref<64x256xf32, #tpu.memory_space<vmem_shared>>) target(%dma_start3A_41 : memref<64x256xf32, #tpu.memory_space<hbm>>) target_semaphore(%run_scoped3A : memref<!tpu.dma_semaphore, #tpu.memory_space<semaphore_mem>>)
      %dma_wait3A = arith.constant 0 : i32
      %dma_wait3A_44 = tpu.memref_slice %arg5[%arg0, %add3A_31, %dma_wait3A] : memref<2x5120x256xf32, #tpu.memory_space<hbm>> -> memref<1x64x256xf32, #tpu.memory_space<hbm>>
      %dma_wait3A_45 = tpu.memref_squeeze %dma_wait3A_44 : memref<1x64x256xf32, #tpu.memory_space<hbm>> -> memref<64x256xf32, #tpu.memory_space<hbm>>
      %dma_wait3A_46 = arith.constant 0 : i32
      %dma_wait3A_47 = tpu.memref_slice %arg10[%add3A_29, %dma_wait3A_46] : memref<5120x256xf32, #tpu.memory_space<vmem_shared>> -> memref<64x256xf32, #tpu.memory_space<vmem_shared>>
      tpu.wait_dma2 semaphore(%run_scoped3A : memref<!tpu.dma_semaphore, #tpu.memory_space<semaphore_mem>>) src(%dma_wait3A_47 : memref<64x256xf32, #tpu.memory_space<vmem_shared>>) dst(%dma_wait3A_45 : memref<64x256xf32, #tpu.memory_space<hbm>>)
      tpu.yield
    }) : () -> ()
    %add3A_32 = arith.constant 192 : i32
    %add3A_33 = arith.addi %mul3A_0, %add3A_32 : i32
    %add3A_34 = arith.constant 192 : i32
    %add3A_35 = arith.addi %mul3A_0, %add3A_34 : i32
    "tpu.region"() ({
      %run_scoped3A = tpu.sem_alloc : memref<!tpu.dma_semaphore, #tpu.memory_space<semaphore_mem>>
      %dma_start3A = arith.constant 0 : i32
      %dma_start3A_40 = tpu.memref_slice %arg5[%arg0, %add3A_35, %dma_start3A] : memref<2x5120x256xf32, #tpu.memory_space<hbm>> -> memref<1x64x256xf32, #tpu.memory_space<hbm>>
      %dma_start3A_41 = tpu.memref_squeeze %dma_start3A_40 : memref<1x64x256xf32, #tpu.memory_space<hbm>> -> memref<64x256xf32, #tpu.memory_space<hbm>>
      %dma_start3A_42 = arith.constant 0 : i32
      %dma_start3A_43 = tpu.memref_slice %arg10[%add3A_33, %dma_start3A_42] : memref<5120x256xf32, #tpu.memory_space<vmem_shared>> -> memref<64x256xf32, #tpu.memory_space<vmem_shared>>
      tpu.enqueue_dma source(%dma_start3A_43 : memref<64x256xf32, #tpu.memory_space<vmem_shared>>) target(%dma_start3A_41 : memref<64x256xf32, #tpu.memory_space<hbm>>) target_semaphore(%run_scoped3A : memref<!tpu.dma_semaphore, #tpu.memory_space<semaphore_mem>>)
      %dma_wait3A = arith.constant 0 : i32
      %dma_wait3A_44 = tpu.memref_slice %arg5[%arg0, %add3A_35, %dma_wait3A] : memref<2x5120x256xf32, #tpu.memory_space<hbm>> -> memref<1x64x256xf32, #tpu.memory_space<hbm>>
      %dma_wait3A_45 = tpu.memref_squeeze %dma_wait3A_44 : memref<1x64x256xf32, #tpu.memory_space<hbm>> -> memref<64x256xf32, #tpu.memory_space<hbm>>
      %dma_wait3A_46 = arith.constant 0 : i32
      %dma_wait3A_47 = tpu.memref_slice %arg10[%add3A_33, %dma_wait3A_46] : memref<5120x256xf32, #tpu.memory_space<vmem_shared>> -> memref<64x256xf32, #tpu.memory_space<vmem_shared>>
      tpu.wait_dma2 semaphore(%run_scoped3A : memref<!tpu.dma_semaphore, #tpu.memory_space<semaphore_mem>>) src(%dma_wait3A_47 : memref<64x256xf32, #tpu.memory_space<vmem_shared>>) dst(%dma_wait3A_45 : memref<64x256xf32, #tpu.memory_space<hbm>>)
      tpu.yield
    }) : () -> ()
    %add3A_36 = arith.constant 256 : i32
    %add3A_37 = arith.addi %mul3A_0, %add3A_36 : i32
    %add3A_38 = arith.constant 256 : i32
    %add3A_39 = arith.addi %mul3A_0, %add3A_38 : i32
    "tpu.region"() ({
      %run_scoped3A = tpu.sem_alloc : memref<!tpu.dma_semaphore, #tpu.memory_space<semaphore_mem>>
      %dma_start3A = arith.constant 0 : i32
      %dma_start3A_40 = tpu.memref_slice %arg5[%arg0, %add3A_39, %dma_start3A] : memref<2x5120x256xf32, #tpu.memory_space<hbm>> -> memref<1x64x256xf32, #tpu.memory_space<hbm>>
      %dma_start3A_41 = tpu.memref_squeeze %dma_start3A_40 : memref<1x64x256xf32, #tpu.memory_space<hbm>> -> memref<64x256xf32, #tpu.memory_space<hbm>>
      %dma_start3A_42 = arith.constant 0 : i32
      %dma_start3A_43 = tpu.memref_slice %arg10[%add3A_37, %dma_start3A_42] : memref<5120x256xf32, #tpu.memory_space<vmem_shared>> -> memref<64x256xf32, #tpu.memory_space<vmem_shared>>
      tpu.enqueue_dma source(%dma_start3A_43 : memref<64x256xf32, #tpu.memory_space<vmem_shared>>) target(%dma_start3A_41 : memref<64x256xf32, #tpu.memory_space<hbm>>) target_semaphore(%run_scoped3A : memref<!tpu.dma_semaphore, #tpu.memory_space<semaphore_mem>>)
      %dma_wait3A = arith.constant 0 : i32
      %dma_wait3A_44 = tpu.memref_slice %arg5[%arg0, %add3A_39, %dma_wait3A] : memref<2x5120x256xf32, #tpu.memory_space<hbm>> -> memref<1x64x256xf32, #tpu.memory_space<hbm>>
      %dma_wait3A_45 = tpu.memref_squeeze %dma_wait3A_44 : memref<1x64x256xf32, #tpu.memory_space<hbm>> -> memref<64x256xf32, #tpu.memory_space<hbm>>
      %dma_wait3A_46 = arith.constant 0 : i32
      %dma_wait3A_47 = tpu.memref_slice %arg10[%add3A_37, %dma_wait3A_46] : memref<5120x256xf32, #tpu.memory_space<vmem_shared>> -> memref<64x256xf32, #tpu.memory_space<vmem_shared>>
      tpu.wait_dma2 semaphore(%run_scoped3A : memref<!tpu.dma_semaphore, #tpu.memory_space<semaphore_mem>>) src(%dma_wait3A_47 : memref<64x256xf32, #tpu.memory_space<vmem_shared>>) dst(%dma_wait3A_45 : memref<64x256xf32, #tpu.memory_space<hbm>>)
      tpu.yield
    }) : () -> ()
    return
  }
}

#map = affine_map<(d0, d1) -> (0, 0)>
#map1 = affine_map<(d0, d1) -> (0, 0, 0)>
module attributes {stable_mosaic.version = 14 : i64} {
  func.func @k(%arg0: i32, %arg1: i32, %arg2: memref<10240x256xf32, #tpu.memory_space<hbm>>, %arg3: memref<2x2560x64xi32, #tpu.memory_space<hbm>>, %arg4: memref<2x2560x64xi32, #tpu.memory_space<hbm>>, %arg5: memref<2x5120x256xf32, #tpu.memory_space<hbm>>, %arg6: memref<40x64xi32, #tpu.memory_space<vmem>>, %arg7: memref<40x64xi32, #tpu.memory_space<vmem>>, %arg8: memref<64x256xf32, #tpu.memory_space<vmem>>, %arg9: memref<64x256xf32, #tpu.memory_space<vmem>>, %arg10: memref<5120x256xf32, #tpu.memory_space<vmem_shared>>, %arg11: memref<!tpu.dma_semaphore, #tpu.memory_space<semaphore_mem>>, %arg12: memref<!tpu.dma_semaphore, #tpu.memory_space<semaphore_mem>>) attributes {dimension_semantics = [#tpu.dimension_semantics<core_parallel>, #tpu.dimension_semantics<subcore_parallel>], iteration_bounds = array<i64: 2, 16>, scalar_prefetch = 0 : i64, scratch_operands = 7 : i64, tpu.core_type = #tpu.core_type<sc_vector_subcore>, window_params = [{transform_indices = #map}, {transform_indices = #map1}, {transform_indices = #map1}, {transform_indices = #map1}]} {
    %mul3A = arith.constant 320 : i32
    %mul3A_0 = arith.muli %arg1, %mul3A : i32
    %scan3A = arith.constant 0 : i32
    %scan3A_1 = arith.constant 64 : i32
    %scan3A_2 = arith.addi %scan3A, %scan3A_1 : i32
    %scan3A_3 = arith.constant 1 : i32
    scf.for %scan3A_40 = %scan3A to %scan3A_2 step %scan3A_3  : i32 {
      %broadcast_in_dim3A = arith.constant 0.000000e+00 : f32
      %broadcast_in_dim3A_41 = vector.broadcast %broadcast_in_dim3A : f32 to vector<16xf32>
      %swap3A = arith.index_cast %scan3A_40 : i32 to index
      %swap3A_42 = arith.constant 0 : index
      %swap3A_43 = tpu.vector_load %arg8[%swap3A, %swap3A_42] {strides = array<i32>} : memref<64x256xf32, #tpu.memory_space<vmem>>, vector<1x16xf32>,
      %swap3A_44 = vector.shape_cast %swap3A_43 : vector<1x16xf32> to vector<16xf32>
      %swap3A_45 = vector.shape_cast %broadcast_in_dim3A_41 : vector<16xf32> to vector<1x16xf32>
      tpu.vector_store %arg8[%swap3A, %swap3A_42], %swap3A_45 {strides = array<i32>} : memref<64x256xf32, #tpu.memory_space<vmem>>, vector<1x16xf32>,
      %broadcast_in_dim3A_46 = arith.constant 0.000000e+00 : f32
      %broadcast_in_dim3A_47 = vector.broadcast %broadcast_in_dim3A_46 : f32 to vector<16xf32>
      %swap3A_48 = arith.index_cast %scan3A_40 : i32 to index
      %swap3A_49 = arith.constant 16 : index
      %swap3A_50 = tpu.vector_load %arg8[%swap3A_48, %swap3A_49] {strides = array<i32>} : memref<64x256xf32, #tpu.memory_space<vmem>>, vector<1x16xf32>,
      %swap3A_51 = vector.shape_cast %swap3A_50 : vector<1x16xf32> to vector<16xf32>
      %swap3A_52 = vector.shape_cast %broadcast_in_dim3A_47 : vector<16xf32> to vector<1x16xf32>
      tpu.vector_store %arg8[%swap3A_48, %swap3A_49], %swap3A_52 {strides = array<i32>} : memref<64x256xf32, #tpu.memory_space<vmem>>, vector<1x16xf32>,
      %broadcast_in_dim3A_53 = arith.constant 0.000000e+00 : f32
      %broadcast_in_dim3A_54 = vector.broadcast %broadcast_in_dim3A_53 : f32 to vector<16xf32>
      %swap3A_55 = arith.index_cast %scan3A_40 : i32 to index
      %swap3A_56 = arith.constant 32 : index
      %swap3A_57 = tpu.vector_load %arg8[%swap3A_55, %swap3A_56] {strides = array<i32>} : memref<64x256xf32, #tpu.memory_space<vmem>>, vector<1x16xf32>,
      %swap3A_58 = vector.shape_cast %swap3A_57 : vector<1x16xf32> to vector<16xf32>
      %swap3A_59 = vector.shape_cast %broadcast_in_dim3A_54 : vector<16xf32> to vector<1x16xf32>
      tpu.vector_store %arg8[%swap3A_55, %swap3A_56], %swap3A_59 {strides = array<i32>} : memref<64x256xf32, #tpu.memory_space<vmem>>, vector<1x16xf32>,
      %broadcast_in_dim3A_60 = arith.constant 0.000000e+00 : f32
      %broadcast_in_dim3A_61 = vector.broadcast %broadcast_in_dim3A_60 : f32 to vector<16xf32>
      %swap3A_62 = arith.index_cast %scan3A_40 : i32 to index
      %swap3A_63 = arith.constant 48 : index
      %swap3A_64 = tpu.vector_load %arg8[%swap3A_62, %swap3A_63] {strides = array<i32>} : memref<64x256xf32, #tpu.memory_space<vmem>>, vector<1x16xf32>,
      %swap3A_65 = vector.shape_cast %swap3A_64 : vector<1x16xf32> to vector<16xf32>
      %swap3A_66 = vector.shape_cast %broadcast_in_dim3A_61 : vector<16xf32> to vector<1x16xf32>
      tpu.vector_store %arg8[%swap3A_62, %swap3A_63], %swap3A_66 {strides = array<i32>} : memref<64x256xf32, #tpu.memory_space<vmem>>, vector<1x16xf32>,
      %broadcast_in_dim3A_67 = arith.constant 0.000000e+00 : f32
      %broadcast_in_dim3A_68 = vector.broadcast %broadcast_in_dim3A_67 : f32 to vector<16xf32>
      %swap3A_69 = arith.index_cast %scan3A_40 : i32 to index
      %swap3A_70 = arith.constant 64 : index
      %swap3A_71 = tpu.vector_load %arg8[%swap3A_69, %swap3A_70] {strides = array<i32>} : memref<64x256xf32, #tpu.memory_space<vmem>>, vector<1x16xf32>,
      %swap3A_72 = vector.shape_cast %swap3A_71 : vector<1x16xf32> to vector<16xf32>
      %swap3A_73 = vector.shape_cast %broadcast_in_dim3A_68 : vector<16xf32> to vector<1x16xf32>
      tpu.vector_store %arg8[%swap3A_69, %swap3A_70], %swap3A_73 {strides = array<i32>} : memref<64x256xf32, #tpu.memory_space<vmem>>, vector<1x16xf32>,
      %broadcast_in_dim3A_74 = arith.constant 0.000000e+00 : f32
      %broadcast_in_dim3A_75 = vector.broadcast %broadcast_in_dim3A_74 : f32 to vector<16xf32>
      %swap3A_76 = arith.index_cast %scan3A_40 : i32 to index
      %swap3A_77 = arith.constant 80 : index
      %swap3A_78 = tpu.vector_load %arg8[%swap3A_76, %swap3A_77] {strides = array<i32>} : memref<64x256xf32, #tpu.memory_space<vmem>>, vector<1x16xf32>,
      %swap3A_79 = vector.shape_cast %swap3A_78 : vector<1x16xf32> to vector<16xf32>
      %swap3A_80 = vector.shape_cast %broadcast_in_dim3A_75 : vector<16xf32> to vector<1x16xf32>
      tpu.vector_store %arg8[%swap3A_76, %swap3A_77], %swap3A_80 {strides = array<i32>} : memref<64x256xf32, #tpu.memory_space<vmem>>, vector<1x16xf32>,
      %broadcast_in_dim3A_81 = arith.constant 0.000000e+00 : f32
      %broadcast_in_dim3A_82 = vector.broadcast %broadcast_in_dim3A_81 : f32 to vector<16xf32>
      %swap3A_83 = arith.index_cast %scan3A_40 : i32 to index
      %swap3A_84 = arith.constant 96 : index
      %swap3A_85 = tpu.vector_load %arg8[%swap3A_83, %swap3A_84] {strides = array<i32>} : memref<64x256xf32, #tpu.memory_space<vmem>>, vector<1x16xf32>,
      %swap3A_86 = vector.shape_cast %swap3A_85 : vector<1x16xf32> to vector<16xf32>
      %swap3A_87 = vector.shape_cast %broadcast_in_dim3A_82 : vector<16xf32> to vector<1x16xf32>
      tpu.vector_store %arg8[%swap3A_83, %swap3A_84], %swap3A_87 {strides = array<i32>} : memref<64x256xf32, #tpu.memory_space<vmem>>, vector<1x16xf32>,
      %broadcast_in_dim3A_88 = arith.constant 0.000000e+00 : f32
      %broadcast_in_dim3A_89 = vector.broadcast %broadcast_in_dim3A_88 : f32 to vector<16xf32>
      %swap3A_90 = arith.index_cast %scan3A_40 : i32 to index
      %swap3A_91 = arith.constant 112 : index
      %swap3A_92 = tpu.vector_load %arg8[%swap3A_90, %swap3A_91] {strides = array<i32>} : memref<64x256xf32, #tpu.memory_space<vmem>>, vector<1x16xf32>,
      %swap3A_93 = vector.shape_cast %swap3A_92 : vector<1x16xf32> to vector<16xf32>
      %swap3A_94 = vector.shape_cast %broadcast_in_dim3A_89 : vector<16xf32> to vector<1x16xf32>
      tpu.vector_store %arg8[%swap3A_90, %swap3A_91], %swap3A_94 {strides = array<i32>} : memref<64x256xf32, #tpu.memory_space<vmem>>, vector<1x16xf32>,
      %broadcast_in_dim3A_95 = arith.constant 0.000000e+00 : f32
      %broadcast_in_dim3A_96 = vector.broadcast %broadcast_in_dim3A_95 : f32 to vector<16xf32>
      %swap3A_97 = arith.index_cast %scan3A_40 : i32 to index
      %swap3A_98 = arith.constant 128 : index
      %swap3A_99 = tpu.vector_load %arg8[%swap3A_97, %swap3A_98] {strides = array<i32>} : memref<64x256xf32, #tpu.memory_space<vmem>>, vector<1x16xf32>,
      %swap3A_100 = vector.shape_cast %swap3A_99 : vector<1x16xf32> to vector<16xf32>
      %swap3A_101 = vector.shape_cast %broadcast_in_dim3A_96 : vector<16xf32> to vector<1x16xf32>
      tpu.vector_store %arg8[%swap3A_97, %swap3A_98], %swap3A_101 {strides = array<i32>} : memref<64x256xf32, #tpu.memory_space<vmem>>, vector<1x16xf32>,
      %broadcast_in_dim3A_102 = arith.constant 0.000000e+00 : f32
      %broadcast_in_dim3A_103 = vector.broadcast %broadcast_in_dim3A_102 : f32 to vector<16xf32>
      %swap3A_104 = arith.index_cast %scan3A_40 : i32 to index
      %swap3A_105 = arith.constant 144 : index
      %swap3A_106 = tpu.vector_load %arg8[%swap3A_104, %swap3A_105] {strides = array<i32>} : memref<64x256xf32, #tpu.memory_space<vmem>>, vector<1x16xf32>,
      %swap3A_107 = vector.shape_cast %swap3A_106 : vector<1x16xf32> to vector<16xf32>
      %swap3A_108 = vector.shape_cast %broadcast_in_dim3A_103 : vector<16xf32> to vector<1x16xf32>
      tpu.vector_store %arg8[%swap3A_104, %swap3A_105], %swap3A_108 {strides = array<i32>} : memref<64x256xf32, #tpu.memory_space<vmem>>, vector<1x16xf32>,
      %broadcast_in_dim3A_109 = arith.constant 0.000000e+00 : f32
      %broadcast_in_dim3A_110 = vector.broadcast %broadcast_in_dim3A_109 : f32 to vector<16xf32>
      %swap3A_111 = arith.index_cast %scan3A_40 : i32 to index
      %swap3A_112 = arith.constant 160 : index
      %swap3A_113 = tpu.vector_load %arg8[%swap3A_111, %swap3A_112] {strides = array<i32>} : memref<64x256xf32, #tpu.memory_space<vmem>>, vector<1x16xf32>,
      %swap3A_114 = vector.shape_cast %swap3A_113 : vector<1x16xf32> to vector<16xf32>
      %swap3A_115 = vector.shape_cast %broadcast_in_dim3A_110 : vector<16xf32> to vector<1x16xf32>
      tpu.vector_store %arg8[%swap3A_111, %swap3A_112], %swap3A_115 {strides = array<i32>} : memref<64x256xf32, #tpu.memory_space<vmem>>, vector<1x16xf32>,
      %broadcast_in_dim3A_116 = arith.constant 0.000000e+00 : f32
      %broadcast_in_dim3A_117 = vector.broadcast %broadcast_in_dim3A_116 : f32 to vector<16xf32>
      %swap3A_118 = arith.index_cast %scan3A_40 : i32 to index
      %swap3A_119 = arith.constant 176 : index
      %swap3A_120 = tpu.vector_load %arg8[%swap3A_118, %swap3A_119] {strides = array<i32>} : memref<64x256xf32, #tpu.memory_space<vmem>>, vector<1x16xf32>,
      %swap3A_121 = vector.shape_cast %swap3A_120 : vector<1x16xf32> to vector<16xf32>
      %swap3A_122 = vector.shape_cast %broadcast_in_dim3A_117 : vector<16xf32> to vector<1x16xf32>
      tpu.vector_store %arg8[%swap3A_118, %swap3A_119], %swap3A_122 {strides = array<i32>} : memref<64x256xf32, #tpu.memory_space<vmem>>, vector<1x16xf32>,
      %broadcast_in_dim3A_123 = arith.constant 0.000000e+00 : f32
      %broadcast_in_dim3A_124 = vector.broadcast %broadcast_in_dim3A_123 : f32 to vector<16xf32>
      %swap3A_125 = arith.index_cast %scan3A_40 : i32 to index
      %swap3A_126 = arith.constant 192 : index
      %swap3A_127 = tpu.vector_load %arg8[%swap3A_125, %swap3A_126] {strides = array<i32>} : memref<64x256xf32, #tpu.memory_space<vmem>>, vector<1x16xf32>,
      %swap3A_128 = vector.shape_cast %swap3A_127 : vector<1x16xf32> to vector<16xf32>
      %swap3A_129 = vector.shape_cast %broadcast_in_dim3A_124 : vector<16xf32> to vector<1x16xf32>
      tpu.vector_store %arg8[%swap3A_125, %swap3A_126], %swap3A_129 {strides = array<i32>} : memref<64x256xf32, #tpu.memory_space<vmem>>, vector<1x16xf32>,
      %broadcast_in_dim3A_130 = arith.constant 0.000000e+00 : f32
      %broadcast_in_dim3A_131 = vector.broadcast %broadcast_in_dim3A_130 : f32 to vector<16xf32>
      %swap3A_132 = arith.index_cast %scan3A_40 : i32 to index
      %swap3A_133 = arith.constant 208 : index
      %swap3A_134 = tpu.vector_load %arg8[%swap3A_132, %swap3A_133] {strides = array<i32>} : memref<64x256xf32, #tpu.memory_space<vmem>>, vector<1x16xf32>,
      %swap3A_135 = vector.shape_cast %swap3A_134 : vector<1x16xf32> to vector<16xf32>
      %swap3A_136 = vector.shape_cast %broadcast_in_dim3A_131 : vector<16xf32> to vector<1x16xf32>
      tpu.vector_store %arg8[%swap3A_132, %swap3A_133], %swap3A_136 {strides = array<i32>} : memref<64x256xf32, #tpu.memory_space<vmem>>, vector<1x16xf32>,
      %broadcast_in_dim3A_137 = arith.constant 0.000000e+00 : f32
      %broadcast_in_dim3A_138 = vector.broadcast %broadcast_in_dim3A_137 : f32 to vector<16xf32>
      %swap3A_139 = arith.index_cast %scan3A_40 : i32 to index
      %swap3A_140 = arith.constant 224 : index
      %swap3A_141 = tpu.vector_load %arg8[%swap3A_139, %swap3A_140] {strides = array<i32>} : memref<64x256xf32, #tpu.memory_space<vmem>>, vector<1x16xf32>,
      %swap3A_142 = vector.shape_cast %swap3A_141 : vector<1x16xf32> to vector<16xf32>
      %swap3A_143 = vector.shape_cast %broadcast_in_dim3A_138 : vector<16xf32> to vector<1x16xf32>
      tpu.vector_store %arg8[%swap3A_139, %swap3A_140], %swap3A_143 {strides = array<i32>} : memref<64x256xf32, #tpu.memory_space<vmem>>, vector<1x16xf32>,
      %broadcast_in_dim3A_144 = arith.constant 0.000000e+00 : f32
      %broadcast_in_dim3A_145 = vector.broadcast %broadcast_in_dim3A_144 : f32 to vector<16xf32>
      %swap3A_146 = arith.index_cast %scan3A_40 : i32 to index
      %swap3A_147 = arith.constant 240 : index
      %swap3A_148 = tpu.vector_load %arg8[%swap3A_146, %swap3A_147] {strides = array<i32>} : memref<64x256xf32, #tpu.memory_space<vmem>>, vector<1x16xf32>,
      %swap3A_149 = vector.shape_cast %swap3A_148 : vector<1x16xf32> to vector<16xf32>
      %swap3A_150 = vector.shape_cast %broadcast_in_dim3A_145 : vector<16xf32> to vector<1x16xf32>
      tpu.vector_store %arg8[%swap3A_146, %swap3A_147], %swap3A_150 {strides = array<i32>} : memref<64x256xf32, #tpu.memory_space<vmem>>, vector<1x16xf32>,
    }
    %scan3A_4 = arith.constant 64 : i32
    %add3A = arith.constant 0 : i32
    %add3A_5 = arith.addi %mul3A_0, %add3A : i32
    "tpu.region"() ({
      %run_scoped3A = tpu.sem_alloc : memref<!tpu.dma_semaphore, #tpu.memory_space<semaphore_mem>>
      %dma_start3A = arith.constant 0 : i32
      %dma_start3A_40 = tpu.memref_slice %arg10[%add3A_5, %dma_start3A] : memref<5120x256xf32, #tpu.memory_space<vmem_shared>> -> memref<64x256xf32, #tpu.memory_space<vmem_shared>>
      %dma_start3A_41 = arith.constant 0 : i32
      %dma_start3A_42 = tpu.memref_slice %arg10[%add3A_5, %dma_start3A_41] : memref<5120x256xf32, #tpu.memory_space<vmem_shared>> -> memref<64x256xf32, #tpu.memory_space<vmem_shared>>
      tpu.enqueue_dma source(%arg8 : memref<64x256xf32, #tpu.memory_space<vmem>>) target(%dma_start3A_42 : memref<64x256xf32, #tpu.memory_space<vmem_shared>>) target_semaphore(%run_scoped3A : memref<!tpu.dma_semaphore, #tpu.memory_space<semaphore_mem>>)
      %dma_wait3A = arith.constant 0 : i32
      %dma_wait3A_43 = tpu.memref_slice %arg10[%add3A_5, %dma_wait3A] : memref<5120x256xf32, #tpu.memory_space<vmem_shared>> -> memref<64x256xf32, #tpu.memory_space<vmem_shared>>
      %dma_wait3A_44 = arith.constant 0 : i32
      %dma_wait3A_45 = tpu.memref_slice %arg10[%add3A_5, %dma_wait3A_44] : memref<5120x256xf32, #tpu.memory_space<vmem_shared>> -> memref<64x256xf32, #tpu.memory_space<vmem_shared>>
      tpu.wait_dma2 semaphore(%run_scoped3A : memref<!tpu.dma_semaphore, #tpu.memory_space<semaphore_mem>>) src(%arg8 : memref<64x256xf32, #tpu.memory_space<vmem>>) dst(%dma_wait3A_45 : memref<64x256xf32, #tpu.memory_space<vmem_shared>>)
      tpu.yield
    }) : () -> ()
    %add3A_6 = arith.constant 64 : i32
    %add3A_7 = arith.addi %mul3A_0, %add3A_6 : i32
    "tpu.region"() ({
      %run_scoped3A = tpu.sem_alloc : memref<!tpu.dma_semaphore, #tpu.memory_space<semaphore_mem>>
      %dma_start3A = arith.constant 0 : i32
      %dma_start3A_40 = tpu.memref_slice %arg10[%add3A_7, %dma_start3A] : memref<5120x256xf32, #tpu.memory_space<vmem_shared>> -> memref<64x256xf32, #tpu.memory_space<vmem_shared>>
      %dma_start3A_41 = arith.constant 0 : i32
      %dma_start3A_42 = tpu.memref_slice %arg10[%add3A_7, %dma_start3A_41] : memref<5120x256xf32, #tpu.memory_space<vmem_shared>> -> memref<64x256xf32, #tpu.memory_space<vmem_shared>>
      tpu.enqueue_dma source(%arg8 : memref<64x256xf32, #tpu.memory_space<vmem>>) target(%dma_start3A_42 : memref<64x256xf32, #tpu.memory_space<vmem_shared>>) target_semaphore(%run_scoped3A : memref<!tpu.dma_semaphore, #tpu.memory_space<semaphore_mem>>)
      %dma_wait3A = arith.constant 0 : i32
      %dma_wait3A_43 = tpu.memref_slice %arg10[%add3A_7, %dma_wait3A] : memref<5120x256xf32, #tpu.memory_space<vmem_shared>> -> memref<64x256xf32, #tpu.memory_space<vmem_shared>>
      %dma_wait3A_44 = arith.constant 0 : i32
      %dma_wait3A_45 = tpu.memref_slice %arg10[%add3A_7, %dma_wait3A_44] : memref<5120x256xf32, #tpu.memory_space<vmem_shared>> -> memref<64x256xf32, #tpu.memory_space<vmem_shared>>
      tpu.wait_dma2 semaphore(%run_scoped3A : memref<!tpu.dma_semaphore, #tpu.memory_space<semaphore_mem>>) src(%arg8 : memref<64x256xf32, #tpu.memory_space<vmem>>) dst(%dma_wait3A_45 : memref<64x256xf32, #tpu.memory_space<vmem_shared>>)
      tpu.yield
    }) : () -> ()
    %add3A_8 = arith.constant 128 : i32
    %add3A_9 = arith.addi %mul3A_0, %add3A_8 : i32
    "tpu.region"() ({
      %run_scoped3A = tpu.sem_alloc : memref<!tpu.dma_semaphore, #tpu.memory_space<semaphore_mem>>
      %dma_start3A = arith.constant 0 : i32
      %dma_start3A_40 = tpu.memref_slice %arg10[%add3A_9, %dma_start3A] : memref<5120x256xf32, #tpu.memory_space<vmem_shared>> -> memref<64x256xf32, #tpu.memory_space<vmem_shared>>
      %dma_start3A_41 = arith.constant 0 : i32
      %dma_start3A_42 = tpu.memref_slice %arg10[%add3A_9, %dma_start3A_41] : memref<5120x256xf32, #tpu.memory_space<vmem_shared>> -> memref<64x256xf32, #tpu.memory_space<vmem_shared>>
      tpu.enqueue_dma source(%arg8 : memref<64x256xf32, #tpu.memory_space<vmem>>) target(%dma_start3A_42 : memref<64x256xf32, #tpu.memory_space<vmem_shared>>) target_semaphore(%run_scoped3A : memref<!tpu.dma_semaphore, #tpu.memory_space<semaphore_mem>>)
      %dma_wait3A = arith.constant 0 : i32
      %dma_wait3A_43 = tpu.memref_slice %arg10[%add3A_9, %dma_wait3A] : memref<5120x256xf32, #tpu.memory_space<vmem_shared>> -> memref<64x256xf32, #tpu.memory_space<vmem_shared>>
      %dma_wait3A_44 = arith.constant 0 : i32
      %dma_wait3A_45 = tpu.memref_slice %arg10[%add3A_9, %dma_wait3A_44] : memref<5120x256xf32, #tpu.memory_space<vmem_shared>> -> memref<64x256xf32, #tpu.memory_space<vmem_shared>>
      tpu.wait_dma2 semaphore(%run_scoped3A : memref<!tpu.dma_semaphore, #tpu.memory_space<semaphore_mem>>) src(%arg8 : memref<64x256xf32, #tpu.memory_space<vmem>>) dst(%dma_wait3A_45 : memref<64x256xf32, #tpu.memory_space<vmem_shared>>)
      tpu.yield
    }) : () -> ()
    %add3A_10 = arith.constant 192 : i32
    %add3A_11 = arith.addi %mul3A_0, %add3A_10 : i32
    "tpu.region"() ({
      %run_scoped3A = tpu.sem_alloc : memref<!tpu.dma_semaphore, #tpu.memory_space<semaphore_mem>>
      %dma_start3A = arith.constant 0 : i32
      %dma_start3A_40 = tpu.memref_slice %arg10[%add3A_11, %dma_start3A] : memref<5120x256xf32, #tpu.memory_space<vmem_shared>> -> memref<64x256xf32, #tpu.memory_space<vmem_shared>>
      %dma_start3A_41 = arith.constant 0 : i32
      %dma_start3A_42 = tpu.memref_slice %arg10[%add3A_11, %dma_start3A_41] : memref<5120x256xf32, #tpu.memory_space<vmem_shared>> -> memref<64x256xf32, #tpu.memory_space<vmem_shared>>
      tpu.enqueue_dma source(%arg8 : memref<64x256xf32, #tpu.memory_space<vmem>>) target(%dma_start3A_42 : memref<64x256xf32, #tpu.memory_space<vmem_shared>>) target_semaphore(%run_scoped3A : memref<!tpu.dma_semaphore, #tpu.memory_space<semaphore_mem>>)
      %dma_wait3A = arith.constant 0 : i32
      %dma_wait3A_43 = tpu.memref_slice %arg10[%add3A_11, %dma_wait3A] : memref<5120x256xf32, #tpu.memory_space<vmem_shared>> -> memref<64x256xf32, #tpu.memory_space<vmem_shared>>
      %dma_wait3A_44 = arith.constant 0 : i32
      %dma_wait3A_45 = tpu.memref_slice %arg10[%add3A_11, %dma_wait3A_44] : memref<5120x256xf32, #tpu.memory_space<vmem_shared>> -> memref<64x256xf32, #tpu.memory_space<vmem_shared>>
      tpu.wait_dma2 semaphore(%run_scoped3A : memref<!tpu.dma_semaphore, #tpu.memory_space<semaphore_mem>>) src(%arg8 : memref<64x256xf32, #tpu.memory_space<vmem>>) dst(%dma_wait3A_45 : memref<64x256xf32, #tpu.memory_space<vmem_shared>>)
      tpu.yield
    }) : () -> ()
    %add3A_12 = arith.constant 256 : i32
    %add3A_13 = arith.addi %mul3A_0, %add3A_12 : i32
    "tpu.region"() ({
      %run_scoped3A = tpu.sem_alloc : memref<!tpu.dma_semaphore, #tpu.memory_space<semaphore_mem>>
      %dma_start3A = arith.constant 0 : i32
      %dma_start3A_40 = tpu.memref_slice %arg10[%add3A_13, %dma_start3A] : memref<5120x256xf32, #tpu.memory_space<vmem_shared>> -> memref<64x256xf32, #tpu.memory_space<vmem_shared>>
      %dma_start3A_41 = arith.constant 0 : i32
      %dma_start3A_42 = tpu.memref_slice %arg10[%add3A_13, %dma_start3A_41] : memref<5120x256xf32, #tpu.memory_space<vmem_shared>> -> memref<64x256xf32, #tpu.memory_space<vmem_shared>>
      tpu.enqueue_dma source(%arg8 : memref<64x256xf32, #tpu.memory_space<vmem>>) target(%dma_start3A_42 : memref<64x256xf32, #tpu.memory_space<vmem_shared>>) target_semaphore(%run_scoped3A : memref<!tpu.dma_semaphore, #tpu.memory_space<semaphore_mem>>)
      %dma_wait3A = arith.constant 0 : i32
      %dma_wait3A_43 = tpu.memref_slice %arg10[%add3A_13, %dma_wait3A] : memref<5120x256xf32, #tpu.memory_space<vmem_shared>> -> memref<64x256xf32, #tpu.memory_space<vmem_shared>>
      %dma_wait3A_44 = arith.constant 0 : i32
      %dma_wait3A_45 = tpu.memref_slice %arg10[%add3A_13, %dma_wait3A_44] : memref<5120x256xf32, #tpu.memory_space<vmem_shared>> -> memref<64x256xf32, #tpu.memory_space<vmem_shared>>
      tpu.wait_dma2 semaphore(%run_scoped3A : memref<!tpu.dma_semaphore, #tpu.memory_space<semaphore_mem>>) src(%arg8 : memref<64x256xf32, #tpu.memory_space<vmem>>) dst(%dma_wait3A_45 : memref<64x256xf32, #tpu.memory_space<vmem_shared>>)
      tpu.yield
    }) : () -> ()
    %barrier3A = arith.constant 0 : index
    tpu.barrier barrier_id(%barrier3A)
    %scan3A_14 = arith.constant 0 : i32
    %scan3A_15 = arith.constant 4 : i32
    %scan3A_16 = arith.addi %scan3A_14, %scan3A_15 : i32
    %scan3A_17 = arith.constant 1 : i32
    scf.for %scan3A_40 = %scan3A_14 to %scan3A_16 step %scan3A_17  : i32 {
      %mul3A_41 = arith.constant 160 : i32
      %mul3A_42 = arith.muli %arg1, %mul3A_41 : i32
      %mul3A_43 = arith.constant 40 : i32
      %mul3A_44 = arith.muli %scan3A_40, %mul3A_43 : i32
      %add3A_45 = arith.addi %mul3A_42, %mul3A_44 : i32
      "tpu.region"() ({
        %run_scoped3A = tpu.sem_alloc : memref<!tpu.dma_semaphore, #tpu.memory_space<semaphore_mem>>
        %dma_start3A_58 = arith.constant 0 : i32
        %dma_start3A_59 = tpu.memref_slice %arg3[%arg0, %add3A_45, %dma_start3A_58] : memref<2x2560x64xi32, #tpu.memory_space<hbm>> -> memref<1x40x64xi32, #tpu.memory_space<hbm>>
        %dma_start3A_60 = tpu.memref_squeeze %dma_start3A_59 : memref<1x40x64xi32, #tpu.memory_space<hbm>> -> memref<40x64xi32, #tpu.memory_space<hbm>>
        %dma_start3A_61 = arith.constant 0 : i32
        %dma_start3A_62 = tpu.memref_slice %arg3[%arg0, %add3A_45, %dma_start3A_61] : memref<2x2560x64xi32, #tpu.memory_space<hbm>> -> memref<1x40x64xi32, #tpu.memory_space<hbm>>
        %dma_start3A_63 = tpu.memref_squeeze %dma_start3A_62 : memref<1x40x64xi32, #tpu.memory_space<hbm>> -> memref<40x64xi32, #tpu.memory_space<hbm>>
        tpu.enqueue_dma source(%dma_start3A_63 : memref<40x64xi32, #tpu.memory_space<hbm>>) target(%arg6 : memref<40x64xi32, #tpu.memory_space<vmem>>) target_semaphore(%run_scoped3A : memref<!tpu.dma_semaphore, #tpu.memory_space<semaphore_mem>>)
        %dma_wait3A = arith.constant 0 : i32
        %dma_wait3A_64 = tpu.memref_slice %arg3[%arg0, %add3A_45, %dma_wait3A] : memref<2x2560x64xi32, #tpu.memory_space<hbm>> -> memref<1x40x64xi32, #tpu.memory_space<hbm>>
        %dma_wait3A_65 = tpu.memref_squeeze %dma_wait3A_64 : memref<1x40x64xi32, #tpu.memory_space<hbm>> -> memref<40x64xi32, #tpu.memory_space<hbm>>
        %dma_wait3A_66 = arith.constant 0 : i32
        %dma_wait3A_67 = tpu.memref_slice %arg3[%arg0, %add3A_45, %dma_wait3A_66] : memref<2x2560x64xi32, #tpu.memory_space<hbm>> -> memref<1x40x64xi32, #tpu.memory_space<hbm>>
        %dma_wait3A_68 = tpu.memref_squeeze %dma_wait3A_67 : memref<1x40x64xi32, #tpu.memory_space<hbm>> -> memref<40x64xi32, #tpu.memory_space<hbm>>
        tpu.wait_dma2 semaphore(%run_scoped3A : memref<!tpu.dma_semaphore, #tpu.memory_space<semaphore_mem>>) src(%dma_wait3A_68 : memref<40x64xi32, #tpu.memory_space<hbm>>) dst(%arg6 : memref<40x64xi32, #tpu.memory_space<vmem>>)
        tpu.yield
      }) : () -> ()
      "tpu.region"() ({
        %run_scoped3A = tpu.sem_alloc : memref<!tpu.dma_semaphore, #tpu.memory_space<semaphore_mem>>
        %dma_start3A_58 = arith.constant 0 : i32
        %dma_start3A_59 = tpu.memref_slice %arg4[%arg0, %add3A_45, %dma_start3A_58] : memref<2x2560x64xi32, #tpu.memory_space<hbm>> -> memref<1x40x64xi32, #tpu.memory_space<hbm>>
        %dma_start3A_60 = tpu.memref_squeeze %dma_start3A_59 : memref<1x40x64xi32, #tpu.memory_space<hbm>> -> memref<40x64xi32, #tpu.memory_space<hbm>>
        %dma_start3A_61 = arith.constant 0 : i32
        %dma_start3A_62 = tpu.memref_slice %arg4[%arg0, %add3A_45, %dma_start3A_61] : memref<2x2560x64xi32, #tpu.memory_space<hbm>> -> memref<1x40x64xi32, #tpu.memory_space<hbm>>
        %dma_start3A_63 = tpu.memref_squeeze %dma_start3A_62 : memref<1x40x64xi32, #tpu.memory_space<hbm>> -> memref<40x64xi32, #tpu.memory_space<hbm>>
        tpu.enqueue_dma source(%dma_start3A_63 : memref<40x64xi32, #tpu.memory_space<hbm>>) target(%arg7 : memref<40x64xi32, #tpu.memory_space<vmem>>) target_semaphore(%run_scoped3A : memref<!tpu.dma_semaphore, #tpu.memory_space<semaphore_mem>>)
        %dma_wait3A = arith.constant 0 : i32
        %dma_wait3A_64 = tpu.memref_slice %arg4[%arg0, %add3A_45, %dma_wait3A] : memref<2x2560x64xi32, #tpu.memory_space<hbm>> -> memref<1x40x64xi32, #tpu.memory_space<hbm>>
        %dma_wait3A_65 = tpu.memref_squeeze %dma_wait3A_64 : memref<1x40x64xi32, #tpu.memory_space<hbm>> -> memref<40x64xi32, #tpu.memory_space<hbm>>
        %dma_wait3A_66 = arith.constant 0 : i32
        %dma_wait3A_67 = tpu.memref_slice %arg4[%arg0, %add3A_45, %dma_wait3A_66] : memref<2x2560x64xi32, #tpu.memory_space<hbm>> -> memref<1x40x64xi32, #tpu.memory_space<hbm>>
        %dma_wait3A_68 = tpu.memref_squeeze %dma_wait3A_67 : memref<1x40x64xi32, #tpu.memory_space<hbm>> -> memref<40x64xi32, #tpu.memory_space<hbm>>
        tpu.wait_dma2 semaphore(%run_scoped3A : memref<!tpu.dma_semaphore, #tpu.memory_space<semaphore_mem>>) src(%dma_wait3A_68 : memref<40x64xi32, #tpu.memory_space<hbm>>) dst(%arg7 : memref<40x64xi32, #tpu.memory_space<vmem>>)
        tpu.yield
      }) : () -> ()
      %dma_start3A = arith.constant 0 : i32
      %dma_start3A_46 = arith.constant 0 : i32
      %dma_start3A_47 = tpu.memref_slice %arg6[%dma_start3A, %dma_start3A_46] : memref<40x64xi32, #tpu.memory_space<vmem>> -> memref<1x64xi32, #tpu.memory_space<vmem>>
      %dma_start3A_48 = tpu.memref_squeeze %dma_start3A_47 : memref<1x64xi32, #tpu.memory_space<vmem>> -> memref<64xi32, #tpu.memory_space<vmem>>
      %dma_start3A_49 = arith.constant 0 : i32
      %dma_start3A_50 = arith.constant 0 : i32
      %dma_start3A_51 = tpu.memref_slice %arg2[%dma_start3A_49, %dma_start3A_50] : memref<10240x256xf32, #tpu.memory_space<hbm>> -> memref<10240x256xf32, #tpu.memory_space<hbm>>
      %dma_start3A_52 = arith.constant -1 : i32
      tpu.enqueue_indirect_dma source(%dma_start3A_51 : memref<10240x256xf32, #tpu.memory_space<hbm>>) target(%arg8 : memref<64x256xf32, #tpu.memory_space<vmem>>) offsets(%dma_start3A_48 : memref<64xi32, #tpu.memory_space<vmem>>) offset_filter(%dma_start3A_52) semaphore(%arg11 : memref<!tpu.dma_semaphore, #tpu.memory_space<semaphore_mem>>)
      %scan3A_53 = arith.constant 0 : i32
      %scan3A_54 = arith.constant 20 : i32
      %scan3A_55 = arith.addi %scan3A_53, %scan3A_54 : i32
      %scan3A_56 = arith.constant 1 : i32
      scf.for %scan3A_58 = %scan3A_53 to %scan3A_55 step %scan3A_56  : i32 {
        %mul3A_59 = arith.constant 2 : i32
        %mul3A_60 = arith.muli %mul3A_59, %scan3A_58 : i32
        %add3A_61 = arith.constant 1 : i32
        %add3A_62 = arith.addi %mul3A_60, %add3A_61 : i32
        %dma_start3A_63 = arith.constant 0 : i32
        %dma_start3A_64 = tpu.memref_slice %arg6[%add3A_62, %dma_start3A_63] : memref<40x64xi32, #tpu.memory_space<vmem>> -> memref<1x64xi32, #tpu.memory_space<vmem>>
        %dma_start3A_65 = tpu.memref_squeeze %dma_start3A_64 : memref<1x64xi32, #tpu.memory_space<vmem>> -> memref<64xi32, #tpu.memory_space<vmem>>
        %dma_start3A_66 = arith.constant 0 : i32
        %dma_start3A_67 = arith.constant 0 : i32
        %dma_start3A_68 = tpu.memref_slice %arg2[%dma_start3A_66, %dma_start3A_67] : memref<10240x256xf32, #tpu.memory_space<hbm>> -> memref<10240x256xf32, #tpu.memory_space<hbm>>
        %dma_start3A_69 = arith.constant -1 : i32
        tpu.enqueue_indirect_dma source(%dma_start3A_68 : memref<10240x256xf32, #tpu.memory_space<hbm>>) target(%arg9 : memref<64x256xf32, #tpu.memory_space<vmem>>) offsets(%dma_start3A_65 : memref<64xi32, #tpu.memory_space<vmem>>) offset_filter(%dma_start3A_69) semaphore(%arg12 : memref<!tpu.dma_semaphore, #tpu.memory_space<semaphore_mem>>)
        %dma_wait3A = arith.constant 0 : i32
        %dma_wait3A_70 = tpu.memref_slice %arg6[%mul3A_60, %dma_wait3A] : memref<40x64xi32, #tpu.memory_space<vmem>> -> memref<1x64xi32, #tpu.memory_space<vmem>>
        %dma_wait3A_71 = tpu.memref_squeeze %dma_wait3A_70 : memref<1x64xi32, #tpu.memory_space<vmem>> -> memref<64xi32, #tpu.memory_space<vmem>>
        %dma_wait3A_72 = arith.constant 0 : i32
        %dma_wait3A_73 = arith.constant 0 : i32
        %dma_wait3A_74 = tpu.memref_slice %arg2[%dma_wait3A_72, %dma_wait3A_73] : memref<10240x256xf32, #tpu.memory_space<hbm>> -> memref<10240x256xf32, #tpu.memory_space<hbm>>
        tpu.wait_indirect_dma semaphore(%arg11 : memref<!tpu.dma_semaphore, #tpu.memory_space<semaphore_mem>>) src(%dma_wait3A_74 : memref<10240x256xf32, #tpu.memory_space<hbm>>) dst(%arg8 : memref<64x256xf32, #tpu.memory_space<vmem>>)
        "tpu.region"() ({
          %run_scoped3A = tpu.sem_alloc : memref<!tpu.dma_semaphore, #tpu.memory_space<semaphore_mem>>
          %dma_start3A_87 = arith.constant 0 : i32
          %dma_start3A_88 = tpu.memref_slice %arg7[%mul3A_60, %dma_start3A_87] : memref<40x64xi32, #tpu.memory_space<vmem>> -> memref<1x64xi32, #tpu.memory_space<vmem>>
          %dma_start3A_89 = tpu.memref_squeeze %dma_start3A_88 : memref<1x64xi32, #tpu.memory_space<vmem>> -> memref<64xi32, #tpu.memory_space<vmem>>
          %dma_start3A_90 = arith.constant 0 : i32
          %dma_start3A_91 = arith.constant 0 : i32
          %dma_start3A_92 = tpu.memref_slice %arg10[%dma_start3A_90, %dma_start3A_91] : memref<5120x256xf32, #tpu.memory_space<vmem_shared>> -> memref<5120x256xf32, #tpu.memory_space<vmem_shared>>
          %dma_start3A_93 = arith.constant -1 : i32
          tpu.enqueue_indirect_dma source(%arg8 : memref<64x256xf32, #tpu.memory_space<vmem>>) target(%dma_start3A_92 : memref<5120x256xf32, #tpu.memory_space<vmem_shared>>) offsets(%dma_start3A_89 : memref<64xi32, #tpu.memory_space<vmem>>) offset_filter(%dma_start3A_93) semaphore(%run_scoped3A : memref<!tpu.dma_semaphore, #tpu.memory_space<semaphore_mem>>) {add = true}
          %dma_wait3A_94 = arith.constant 0 : i32
          %dma_wait3A_95 = tpu.memref_slice %arg7[%mul3A_60, %dma_wait3A_94] : memref<40x64xi32, #tpu.memory_space<vmem>> -> memref<1x64xi32, #tpu.memory_space<vmem>>
          %dma_wait3A_96 = tpu.memref_squeeze %dma_wait3A_95 : memref<1x64xi32, #tpu.memory_space<vmem>> -> memref<64xi32, #tpu.memory_space<vmem>>
          %dma_wait3A_97 = arith.constant 0 : i32
          %dma_wait3A_98 = arith.constant 0 : i32
          %dma_wait3A_99 = tpu.memref_slice %arg10[%dma_wait3A_97, %dma_wait3A_98] : memref<5120x256xf32, #tpu.memory_space<vmem_shared>> -> memref<5120x256xf32, #tpu.memory_space<vmem_shared>>
          tpu.wait_indirect_dma semaphore(%run_scoped3A : memref<!tpu.dma_semaphore, #tpu.memory_space<semaphore_mem>>) src(%arg8 : memref<64x256xf32, #tpu.memory_space<vmem>>) dst(%dma_wait3A_99 : memref<5120x256xf32, #tpu.memory_space<vmem_shared>>)
          tpu.yield
        }) : () -> ()
        %lt3A = arith.constant 19 : i32
        %lt3A_75 = arith.cmpi slt, %scan3A_58, %lt3A : i32
        %convert_element_type3A = arith.extui %lt3A_75 : i1 to i32
        %cond3A = arith.constant 0 : i32
        %cond3A_76 = arith.cmpi ne, %convert_element_type3A, %cond3A : i32
        scf.if %cond3A_76 {
          %add3A_87 = arith.constant 2 : i32
          %add3A_88 = arith.addi %mul3A_60, %add3A_87 : i32
          %dma_start3A_89 = arith.constant 0 : i32
          %dma_start3A_90 = tpu.memref_slice %arg6[%add3A_88, %dma_start3A_89] : memref<40x64xi32, #tpu.memory_space<vmem>> -> memref<1x64xi32, #tpu.memory_space<vmem>>
          %dma_start3A_91 = tpu.memref_squeeze %dma_start3A_90 : memref<1x64xi32, #tpu.memory_space<vmem>> -> memref<64xi32, #tpu.memory_space<vmem>>
          %dma_start3A_92 = arith.constant 0 : i32
          %dma_start3A_93 = arith.constant 0 : i32
          %dma_start3A_94 = tpu.memref_slice %arg2[%dma_start3A_92, %dma_start3A_93] : memref<10240x256xf32, #tpu.memory_space<hbm>> -> memref<10240x256xf32, #tpu.memory_space<hbm>>
          %dma_start3A_95 = arith.constant -1 : i32
          tpu.enqueue_indirect_dma source(%dma_start3A_94 : memref<10240x256xf32, #tpu.memory_space<hbm>>) target(%arg8 : memref<64x256xf32, #tpu.memory_space<vmem>>) offsets(%dma_start3A_91 : memref<64xi32, #tpu.memory_space<vmem>>) offset_filter(%dma_start3A_95) semaphore(%arg11 : memref<!tpu.dma_semaphore, #tpu.memory_space<semaphore_mem>>)
        } else {
        }
        %add3A_77 = arith.constant 1 : i32
        %add3A_78 = arith.addi %mul3A_60, %add3A_77 : i32
        %dma_wait3A_79 = arith.constant 0 : i32
        %dma_wait3A_80 = tpu.memref_slice %arg6[%add3A_78, %dma_wait3A_79] : memref<40x64xi32, #tpu.memory_space<vmem>> -> memref<1x64xi32, #tpu.memory_space<vmem>>
        %dma_wait3A_81 = tpu.memref_squeeze %dma_wait3A_80 : memref<1x64xi32, #tpu.memory_space<vmem>> -> memref<64xi32, #tpu.memory_space<vmem>>
        %dma_wait3A_82 = arith.constant 0 : i32
        %dma_wait3A_83 = arith.constant 0 : i32
        %dma_wait3A_84 = tpu.memref_slice %arg2[%dma_wait3A_82, %dma_wait3A_83] : memref<10240x256xf32, #tpu.memory_space<hbm>> -> memref<10240x256xf32, #tpu.memory_space<hbm>>
        tpu.wait_indirect_dma semaphore(%arg12 : memref<!tpu.dma_semaphore, #tpu.memory_space<semaphore_mem>>) src(%dma_wait3A_84 : memref<10240x256xf32, #tpu.memory_space<hbm>>) dst(%arg9 : memref<64x256xf32, #tpu.memory_space<vmem>>)
        %add3A_85 = arith.constant 1 : i32
        %add3A_86 = arith.addi %mul3A_60, %add3A_85 : i32
        "tpu.region"() ({
          %run_scoped3A = tpu.sem_alloc : memref<!tpu.dma_semaphore, #tpu.memory_space<semaphore_mem>>
          %dma_start3A_87 = arith.constant 0 : i32
          %dma_start3A_88 = tpu.memref_slice %arg7[%add3A_86, %dma_start3A_87] : memref<40x64xi32, #tpu.memory_space<vmem>> -> memref<1x64xi32, #tpu.memory_space<vmem>>
          %dma_start3A_89 = tpu.memref_squeeze %dma_start3A_88 : memref<1x64xi32, #tpu.memory_space<vmem>> -> memref<64xi32, #tpu.memory_space<vmem>>
          %dma_start3A_90 = arith.constant 0 : i32
          %dma_start3A_91 = arith.constant 0 : i32
          %dma_start3A_92 = tpu.memref_slice %arg10[%dma_start3A_90, %dma_start3A_91] : memref<5120x256xf32, #tpu.memory_space<vmem_shared>> -> memref<5120x256xf32, #tpu.memory_space<vmem_shared>>
          %dma_start3A_93 = arith.constant -1 : i32
          tpu.enqueue_indirect_dma source(%arg9 : memref<64x256xf32, #tpu.memory_space<vmem>>) target(%dma_start3A_92 : memref<5120x256xf32, #tpu.memory_space<vmem_shared>>) offsets(%dma_start3A_89 : memref<64xi32, #tpu.memory_space<vmem>>) offset_filter(%dma_start3A_93) semaphore(%run_scoped3A : memref<!tpu.dma_semaphore, #tpu.memory_space<semaphore_mem>>) {add = true}
          %dma_wait3A_94 = arith.constant 0 : i32
          %dma_wait3A_95 = tpu.memref_slice %arg7[%add3A_86, %dma_wait3A_94] : memref<40x64xi32, #tpu.memory_space<vmem>> -> memref<1x64xi32, #tpu.memory_space<vmem>>
          %dma_wait3A_96 = tpu.memref_squeeze %dma_wait3A_95 : memref<1x64xi32, #tpu.memory_space<vmem>> -> memref<64xi32, #tpu.memory_space<vmem>>
          %dma_wait3A_97 = arith.constant 0 : i32
          %dma_wait3A_98 = arith.constant 0 : i32
          %dma_wait3A_99 = tpu.memref_slice %arg10[%dma_wait3A_97, %dma_wait3A_98] : memref<5120x256xf32, #tpu.memory_space<vmem_shared>> -> memref<5120x256xf32, #tpu.memory_space<vmem_shared>>
          tpu.wait_indirect_dma semaphore(%run_scoped3A : memref<!tpu.dma_semaphore, #tpu.memory_space<semaphore_mem>>) src(%arg9 : memref<64x256xf32, #tpu.memory_space<vmem>>) dst(%dma_wait3A_99 : memref<5120x256xf32, #tpu.memory_space<vmem_shared>>)
          tpu.yield
        }) : () -> ()
      }
      %scan3A_57 = arith.constant 20 : i32
    }
    %scan3A_18 = arith.constant 4 : i32
    %barrier3A_19 = arith.constant 0 : index
    tpu.barrier barrier_id(%barrier3A_19)
    %add3A_20 = arith.constant 0 : i32
    %add3A_21 = arith.addi %mul3A_0, %add3A_20 : i32
    %add3A_22 = arith.constant 0 : i32
    %add3A_23 = arith.addi %mul3A_0, %add3A_22 : i32
    "tpu.region"() ({
      %run_scoped3A = tpu.sem_alloc : memref<!tpu.dma_semaphore, #tpu.memory_space<semaphore_mem>>
      %dma_start3A = arith.constant 0 : i32
      %dma_start3A_40 = tpu.memref_slice %arg5[%arg0, %add3A_23, %dma_start3A] : memref<2x5120x256xf32, #tpu.memory_space<hbm>> -> memref<1x64x256xf32, #tpu.memory_space<hbm>>
      %dma_start3A_41 = tpu.memref_squeeze %dma_start3A_40 : memref<1x64x256xf32, #tpu.memory_space<hbm>> -> memref<64x256xf32, #tpu.memory_space<hbm>>
      %dma_start3A_42 = arith.constant 0 : i32
      %dma_start3A_43 = tpu.memref_slice %arg10[%add3A_21, %dma_start3A_42] : memref<5120x256xf32, #tpu.memory_space<vmem_shared>> -> memref<64x256xf32, #tpu.memory_space<vmem_shared>>
      tpu.enqueue_dma source(%dma_start3A_43 : memref<64x256xf32, #tpu.memory_space<vmem_shared>>) target(%dma_start3A_41 : memref<64x256xf32, #tpu.memory_space<hbm>>) target_semaphore(%run_scoped3A : memref<!tpu.dma_semaphore, #tpu.memory_space<semaphore_mem>>)
      %dma_wait3A = arith.constant 0 : i32
      %dma_wait3A_44 = tpu.memref_slice %arg5[%arg0, %add3A_23, %dma_wait3A] : memref<2x5120x256xf32, #tpu.memory_space<hbm>> -> memref<1x64x256xf32, #tpu.memory_space<hbm>>
      %dma_wait3A_45 = tpu.memref_squeeze %dma_wait3A_44 : memref<1x64x256xf32, #tpu.memory_space<hbm>> -> memref<64x256xf32, #tpu.memory_space<hbm>>
      %dma_wait3A_46 = arith.constant 0 : i32
      %dma_wait3A_47 = tpu.memref_slice %arg10[%add3A_21, %dma_wait3A_46] : memref<5120x256xf32, #tpu.memory_space<vmem_shared>> -> memref<64x256xf32, #tpu.memory_space<vmem_shared>>
      tpu.wait_dma2 semaphore(%run_scoped3A : memref<!tpu.dma_semaphore, #tpu.memory_space<semaphore_mem>>) src(%dma_wait3A_47 : memref<64x256xf32, #tpu.memory_space<vmem_shared>>) dst(%dma_wait3A_45 : memref<64x256xf32, #tpu.memory_space<hbm>>)
      tpu.yield
    }) : () -> ()
    %add3A_24 = arith.constant 64 : i32
    %add3A_25 = arith.addi %mul3A_0, %add3A_24 : i32
    %add3A_26 = arith.constant 64 : i32
    %add3A_27 = arith.addi %mul3A_0, %add3A_26 : i32
    "tpu.region"() ({
      %run_scoped3A = tpu.sem_alloc : memref<!tpu.dma_semaphore, #tpu.memory_space<semaphore_mem>>
      %dma_start3A = arith.constant 0 : i32
      %dma_start3A_40 = tpu.memref_slice %arg5[%arg0, %add3A_27, %dma_start3A] : memref<2x5120x256xf32, #tpu.memory_space<hbm>> -> memref<1x64x256xf32, #tpu.memory_space<hbm>>
      %dma_start3A_41 = tpu.memref_squeeze %dma_start3A_40 : memref<1x64x256xf32, #tpu.memory_space<hbm>> -> memref<64x256xf32, #tpu.memory_space<hbm>>
      %dma_start3A_42 = arith.constant 0 : i32
      %dma_start3A_43 = tpu.memref_slice %arg10[%add3A_25, %dma_start3A_42] : memref<5120x256xf32, #tpu.memory_space<vmem_shared>> -> memref<64x256xf32, #tpu.memory_space<vmem_shared>>
      tpu.enqueue_dma source(%dma_start3A_43 : memref<64x256xf32, #tpu.memory_space<vmem_shared>>) target(%dma_start3A_41 : memref<64x256xf32, #tpu.memory_space<hbm>>) target_semaphore(%run_scoped3A : memref<!tpu.dma_semaphore, #tpu.memory_space<semaphore_mem>>)
      %dma_wait3A = arith.constant 0 : i32
      %dma_wait3A_44 = tpu.memref_slice %arg5[%arg0, %add3A_27, %dma_wait3A] : memref<2x5120x256xf32, #tpu.memory_space<hbm>> -> memref<1x64x256xf32, #tpu.memory_space<hbm>>
      %dma_wait3A_45 = tpu.memref_squeeze %dma_wait3A_44 : memref<1x64x256xf32, #tpu.memory_space<hbm>> -> memref<64x256xf32, #tpu.memory_space<hbm>>
      %dma_wait3A_46 = arith.constant 0 : i32
      %dma_wait3A_47 = tpu.memref_slice %arg10[%add3A_25, %dma_wait3A_46] : memref<5120x256xf32, #tpu.memory_space<vmem_shared>> -> memref<64x256xf32, #tpu.memory_space<vmem_shared>>
      tpu.wait_dma2 semaphore(%run_scoped3A : memref<!tpu.dma_semaphore, #tpu.memory_space<semaphore_mem>>) src(%dma_wait3A_47 : memref<64x256xf32, #tpu.memory_space<vmem_shared>>) dst(%dma_wait3A_45 : memref<64x256xf32, #tpu.memory_space<hbm>>)
      tpu.yield
    }) : () -> ()
    %add3A_28 = arith.constant 128 : i32
    %add3A_29 = arith.addi %mul3A_0, %add3A_28 : i32
    %add3A_30 = arith.constant 128 : i32
    %add3A_31 = arith.addi %mul3A_0, %add3A_30 : i32
    "tpu.region"() ({
      %run_scoped3A = tpu.sem_alloc : memref<!tpu.dma_semaphore, #tpu.memory_space<semaphore_mem>>
      %dma_start3A = arith.constant 0 : i32
      %dma_start3A_40 = tpu.memref_slice %arg5[%arg0, %add3A_31, %dma_start3A] : memref<2x5120x256xf32, #tpu.memory_space<hbm>> -> memref<1x64x256xf32, #tpu.memory_space<hbm>>
      %dma_start3A_41 = tpu.memref_squeeze %dma_start3A_40 : memref<1x64x256xf32, #tpu.memory_space<hbm>> -> memref<64x256xf32, #tpu.memory_space<hbm>>
      %dma_start3A_42 = arith.constant 0 : i32
      %dma_start3A_43 = tpu.memref_slice %arg10[%add3A_29, %dma_start3A_42] : memref<5120x256xf32, #tpu.memory_space<vmem_shared>> -> memref<64x256xf32, #tpu.memory_space<vmem_shared>>
      tpu.enqueue_dma source(%dma_start3A_43 : memref<64x256xf32, #tpu.memory_space<vmem_shared>>) target(%dma_start3A_41 : memref<64x256xf32, #tpu.memory_space<hbm>>) target_semaphore(%run_scoped3A : memref<!tpu.dma_semaphore, #tpu.memory_space<semaphore_mem>>)
      %dma_wait3A = arith.constant 0 : i32
      %dma_wait3A_44 = tpu.memref_slice %arg5[%arg0, %add3A_31, %dma_wait3A] : memref<2x5120x256xf32, #tpu.memory_space<hbm>> -> memref<1x64x256xf32, #tpu.memory_space<hbm>>
      %dma_wait3A_45 = tpu.memref_squeeze %dma_wait3A_44 : memref<1x64x256xf32, #tpu.memory_space<hbm>> -> memref<64x256xf32, #tpu.memory_space<hbm>>
      %dma_wait3A_46 = arith.constant 0 : i32
      %dma_wait3A_47 = tpu.memref_slice %arg10[%add3A_29, %dma_wait3A_46] : memref<5120x256xf32, #tpu.memory_space<vmem_shared>> -> memref<64x256xf32, #tpu.memory_space<vmem_shared>>
      tpu.wait_dma2 semaphore(%run_scoped3A : memref<!tpu.dma_semaphore, #tpu.memory_space<semaphore_mem>>) src(%dma_wait3A_47 : memref<64x256xf32, #tpu.memory_space<vmem_shared>>) dst(%dma_wait3A_45 : memref<64x256xf32, #tpu.memory_space<hbm>>)
      tpu.yield
    }) : () -> ()
    %add3A_32 = arith.constant 192 : i32
    %add3A_33 = arith.addi %mul3A_0, %add3A_32 : i32
    %add3A_34 = arith.constant 192 : i32
    %add3A_35 = arith.addi %mul3A_0, %add3A_34 : i32
    "tpu.region"() ({
      %run_scoped3A = tpu.sem_alloc : memref<!tpu.dma_semaphore, #tpu.memory_space<semaphore_mem>>
      %dma_start3A = arith.constant 0 : i32
      %dma_start3A_40 = tpu.memref_slice %arg5[%arg0, %add3A_35, %dma_start3A] : memref<2x5120x256xf32, #tpu.memory_space<hbm>> -> memref<1x64x256xf32, #tpu.memory_space<hbm>>
      %dma_start3A_41 = tpu.memref_squeeze %dma_start3A_40 : memref<1x64x256xf32, #tpu.memory_space<hbm>> -> memref<64x256xf32, #tpu.memory_space<hbm>>
      %dma_start3A_42 = arith.constant 0 : i32
      %dma_start3A_43 = tpu.memref_slice %arg10[%add3A_33, %dma_start3A_42] : memref<5120x256xf32, #tpu.memory_space<vmem_shared>> -> memref<64x256xf32, #tpu.memory_space<vmem_shared>>
      tpu.enqueue_dma source(%dma_start3A_43 : memref<64x256xf32, #tpu.memory_space<vmem_shared>>) target(%dma_start3A_41 : memref<64x256xf32, #tpu.memory_space<hbm>>) target_semaphore(%run_scoped3A : memref<!tpu.dma_semaphore, #tpu.memory_space<semaphore_mem>>)
      %dma_wait3A = arith.constant 0 : i32
      %dma_wait3A_44 = tpu.memref_slice %arg5[%arg0, %add3A_35, %dma_wait3A] : memref<2x5120x256xf32, #tpu.memory_space<hbm>> -> memref<1x64x256xf32, #tpu.memory_space<hbm>>
      %dma_wait3A_45 = tpu.memref_squeeze %dma_wait3A_44 : memref<1x64x256xf32, #tpu.memory_space<hbm>> -> memref<64x256xf32, #tpu.memory_space<hbm>>
      %dma_wait3A_46 = arith.constant 0 : i32
      %dma_wait3A_47 = tpu.memref_slice %arg10[%add3A_33, %dma_wait3A_46] : memref<5120x256xf32, #tpu.memory_space<vmem_shared>> -> memref<64x256xf32, #tpu.memory_space<vmem_shared>>
      tpu.wait_dma2 semaphore(%run_scoped3A : memref<!tpu.dma_semaphore, #tpu.memory_space<semaphore_mem>>) src(%dma_wait3A_47 : memref<64x256xf32, #tpu.memory_space<vmem_shared>>) dst(%dma_wait3A_45 : memref<64x256xf32, #tpu.memory_space<hbm>>)
      tpu.yield
    }) : () -> ()
    %add3A_36 = arith.constant 256 : i32
    %add3A_37 = arith.addi %mul3A_0, %add3A_36 : i32
    %add3A_38 = arith.constant 256 : i32
    %add3A_39 = arith.addi %mul3A_0, %add3A_38 : i32
    "tpu.region"() ({
      %run_scoped3A = tpu.sem_alloc : memref<!tpu.dma_semaphore, #tpu.memory_space<semaphore_mem>>
      %dma_start3A = arith.constant 0 : i32
      %dma_start3A_40 = tpu.memref_slice %arg5[%arg0, %add3A_39, %dma_start3A] : memref<2x5120x256xf32, #tpu.memory_space<hbm>> -> memref<1x64x256xf32, #tpu.memory_space<hbm>>
      %dma_start3A_41 = tpu.memref_squeeze %dma_start3A_40 : memref<1x64x256xf32, #tpu.memory_space<hbm>> -> memref<64x256xf32, #tpu.memory_space<hbm>>
      %dma_start3A_42 = arith.constant 0 : i32
      %dma_start3A_43 = tpu.memref_slice %arg10[%add3A_37, %dma_start3A_42] : memref<5120x256xf32, #tpu.memory_space<vmem_shared>> -> memref<64x256xf32, #tpu.memory_space<vmem_shared>>
      tpu.enqueue_dma source(%dma_start3A_43 : memref<64x256xf32, #tpu.memory_space<vmem_shared>>) target(%dma_start3A_41 : memref<64x256xf32, #tpu.memory_space<hbm>>) target_semaphore(%run_scoped3A : memref<!tpu.dma_semaphore, #tpu.memory_space<semaphore_mem>>)
      %dma_wait3A = arith.constant 0 : i32
      %dma_wait3A_44 = tpu.memref_slice %arg5[%arg0, %add3A_39, %dma_wait3A] : memref<2x5120x256xf32, #tpu.memory_space<hbm>> -> memref<1x64x256xf32, #tpu.memory_space<hbm>>
      %dma_wait3A_45 = tpu.memref_squeeze %dma_wait3A_44 : memref<1x64x256xf32, #tpu.memory_space<hbm>> -> memref<64x256xf32, #tpu.memory_space<hbm>>
      %dma_wait3A_46 = arith.constant 0 : i32
      %dma_wait3A_47 = tpu.memref_slice %arg10[%add3A_37, %dma_wait3A_46] : memref<5120x256xf32, #tpu.memory_space<vmem_shared>> -> memref<64x256xf32, #tpu.memory_space<vmem_shared>>
      tpu.wait_dma2 semaphore(%run_scoped3A : memref<!tpu.dma_semaphore, #tpu.memory_space<semaphore_mem>>) src(%dma_wait3A_47 : memref<64x256xf32, #tpu.memory_space<vmem_shared>>) dst(%dma_wait3A_45 : memref<64x256xf32, #tpu.memory_space<hbm>>)
      tpu.yield
    }) : () -> ()
    return
  }
}

module attributes {stable_mosaic.version = 14 : i64} {
  func.func @_edge_idx_kernel(%arg0: i32, %arg1: i32, %arg2: memref<64x128xi32, #tpu.memory_space<vmem>>, %arg3: memref<64x128xi32, #tpu.memory_space<vmem>>, %arg4: memref<1x1xi32, #tpu.memory_space<vmem>>, %arg5: memref<1x64x128xi32, #tpu.memory_space<vmem>>, %arg6: memref<1x64x128xi32, #tpu.memory_space<vmem>>, %arg7: memref<1x64x128xi32, #tpu.memory_space<vmem>>, %arg8: memref<1x64x128xi32, #tpu.memory_space<vmem>>, %arg9: memref<1x64x128xi32, #tpu.memory_space<vmem>>) attributes {dimension_semantics = [#tpu.dimension_semantics<arbitrary>, #tpu.dimension_semantics<arbitrary>], iteration_bounds = array<i64: 2, 20>, scalar_prefetch = 0 : i64, scratch_operands = 0 : i64, tpu.core_type = #tpu.core_type<tc>, window_params = [{transform_indices = @transform_0, window_bounds = array<i64: 64, 128>}, {transform_indices = @transform_1, window_bounds = array<i64: 64, 128>}, {pipeline_mode = #tpu.pipeline_mode<synchronous>, transform_indices = @transform_2, window_bounds = array<i64: 1, 1>}, {transform_indices = @transform_3, window_bounds = array<i64: 1, 64, 128>}, {transform_indices = @transform_4, window_bounds = array<i64: 1, 64, 128>}, {transform_indices = @transform_5, window_bounds = array<i64: 1, 64, 128>}, {transform_indices = @transform_6, window_bounds = array<i64: 1, 64, 128>}, {transform_indices = @transform_7, window_bounds = array<i64: 1, 64, 128>}]} {
    %mul3A = arith.constant 64 : i32
    %mul3A_0 = arith.muli %arg1, %mul3A : i32
    %iota3A = tpu.iota {dimensions = array<i32: 0>} : vector<64x128xi32>
    %add3A = vector.broadcast %mul3A_0 : i32 to vector<64x128xi32>
    %add3A_1 = arith.addi %add3A, %iota3A : vector<64x128xi32>
    %mul3A_2 = arith.constant 128 : i32
    %mul3A_3 = vector.broadcast %mul3A_2 : i32 to vector<64x128xi32>
    %mul3A_4 = arith.muli %add3A_1, %mul3A_3 : vector<64x128xi32>
    %iota3A_5 = tpu.iota {dimensions = array<i32: 1>} : vector<64x128xi32>
    %add3A_6 = arith.addi %mul3A_4, %iota3A_5 : vector<64x128xi32>
    %lt3A = arith.constant 160000 : i32
    %lt3A_7 = vector.broadcast %lt3A : i32 to vector<64x128xi32>
    %lt3A_8 = arith.cmpi slt, %add3A_6, %lt3A_7 : vector<64x128xi32>
    %get3A = arith.constant 0 : index
    %get3A_9 = arith.constant 0 : index
    %get3A_10 = vector.load %arg2[%get3A, %get3A_9] : memref<64x128xi32, #tpu.memory_space<vmem>>, vector<64x128xi32>
    %jit3A = arith.constant 0 : i32
    %broadcast_in_dim3A = vector.broadcast %jit3A : i32 to vector<64x128xi32>
    %select_n3A = arith.select %lt3A_8, %get3A_10, %broadcast_in_dim3A : vector<64x128xi1>, vector<64x128xi32>
    %get3A_11 = arith.constant 0 : index
    %get3A_12 = arith.constant 0 : index
    %get3A_13 = vector.load %arg3[%get3A_11, %get3A_12] : memref<64x128xi32, #tpu.memory_space<vmem>>, vector<64x128xi32>
    %jit3A_14 = arith.constant -1 : i32
    %broadcast_in_dim3A_15 = vector.broadcast %jit3A_14 : i32 to vector<64x128xi32>
    %select_n3A_16 = arith.select %lt3A_8, %get3A_13, %broadcast_in_dim3A_15 : vector<64x128xi1>, vector<64x128xi32>
    %mul3A_17 = arith.constant 5120 : i32
    %mul3A_18 = arith.muli %arg0, %mul3A_17 : i32
    %sub3A = vector.broadcast %mul3A_18 : i32 to vector<64x128xi32>
    %sub3A_19 = arith.subi %select_n3A_16, %sub3A : vector<64x128xi32>
    %ge3A = arith.constant 0 : i32
    %ge3A_20 = vector.broadcast %ge3A : i32 to vector<64x128xi32>
    %ge3A_21 = arith.cmpi sge, %sub3A_19, %ge3A_20 : vector<64x128xi32>
    %lt3A_22 = arith.constant 5120 : i32
    %lt3A_23 = vector.broadcast %lt3A_22 : i32 to vector<64x128xi32>
    %lt3A_24 = arith.cmpi slt, %sub3A_19, %lt3A_23 : vector<64x128xi32>
    %and3A = arith.andi %ge3A_21, %lt3A_24 : vector<64x128xi1>
    %jit3A_25 = arith.constant -1 : i32
    %broadcast_in_dim3A_26 = vector.broadcast %jit3A_25 : i32 to vector<64x128xi32>
    %select_n3A_27 = arith.select %and3A, %select_n3A, %broadcast_in_dim3A_26 : vector<64x128xi1>, vector<64x128xi32>
    %broadcast_in_dim3A_28 = vector.shape_cast %select_n3A_27 : vector<64x128xi32> to vector<1x64x128xi32>
    %swap3A = arith.constant 0 : index
    %swap3A_29 = arith.constant 0 : index
    %swap3A_30 = arith.constant 0 : index
    %swap3A_31 = vector.load %arg5[%swap3A, %swap3A_29, %swap3A_30] : memref<1x64x128xi32, #tpu.memory_space<vmem>>, vector<1x64x128xi32>
    tpu.vector_store %arg5[%swap3A, %swap3A_29, %swap3A_30], %broadcast_in_dim3A_28 {strides = array<i32>} : memref<1x64x128xi32, #tpu.memory_space<vmem>>, vector<1x64x128xi32>,
    %jit3A_32 = arith.constant -1 : i32
    %broadcast_in_dim3A_33 = vector.broadcast %jit3A_32 : i32 to vector<64x128xi32>
    %select_n3A_34 = arith.select %and3A, %sub3A_19, %broadcast_in_dim3A_33 : vector<64x128xi1>, vector<64x128xi32>
    %broadcast_in_dim3A_35 = vector.shape_cast %select_n3A_34 : vector<64x128xi32> to vector<1x64x128xi32>
    %swap3A_36 = arith.constant 0 : index
    %swap3A_37 = arith.constant 0 : index
    %swap3A_38 = arith.constant 0 : index
    %swap3A_39 = vector.load %arg6[%swap3A_36, %swap3A_37, %swap3A_38] : memref<1x64x128xi32, #tpu.memory_space<vmem>>, vector<1x64x128xi32>
    tpu.vector_store %arg6[%swap3A_36, %swap3A_37, %swap3A_38], %broadcast_in_dim3A_35 {strides = array<i32>} : memref<1x64x128xi32, #tpu.memory_space<vmem>>, vector<1x64x128xi32>,
    %get3A_40 = arith.constant 0 : index
    %get3A_41 = arith.constant 0 : index
    %get3A_42 = vector.load %arg4[%get3A_40, %get3A_41] : memref<1x1xi32, #tpu.memory_space<vmem>>, vector<1x1xi32>
    %get3A_43 = vector.extract %get3A_42[0, 0] : i32 from vector<1x1xi32>
    %eq3A = vector.broadcast %get3A_43 : i32 to vector<64x128xi32>
    %eq3A_44 = arith.cmpi eq, %select_n3A_16, %eq3A : vector<64x128xi32>
    %jit3A_45 = arith.constant -1 : i32
    %broadcast_in_dim3A_46 = vector.broadcast %jit3A_45 : i32 to vector<64x128xi32>
    %select_n3A_47 = arith.select %eq3A_44, %select_n3A, %broadcast_in_dim3A_46 : vector<64x128xi1>, vector<64x128xi32>
    %broadcast_in_dim3A_48 = vector.shape_cast %select_n3A_47 : vector<64x128xi32> to vector<1x64x128xi32>
    %swap3A_49 = arith.constant 0 : index
    %swap3A_50 = arith.constant 0 : index
    %swap3A_51 = arith.constant 0 : index
    %swap3A_52 = vector.load %arg7[%swap3A_49, %swap3A_50, %swap3A_51] : memref<1x64x128xi32, #tpu.memory_space<vmem>>, vector<1x64x128xi32>
    tpu.vector_store %arg7[%swap3A_49, %swap3A_50, %swap3A_51], %broadcast_in_dim3A_48 {strides = array<i32>} : memref<1x64x128xi32, #tpu.memory_space<vmem>>, vector<1x64x128xi32>,
    %broadcast_in_dim3A_53 = vector.shape_cast %select_n3A : vector<64x128xi32> to vector<1x64x128xi32>
    %swap3A_54 = arith.constant 0 : index
    %swap3A_55 = arith.constant 0 : index
    %swap3A_56 = arith.constant 0 : index
    %swap3A_57 = vector.load %arg8[%swap3A_54, %swap3A_55, %swap3A_56] : memref<1x64x128xi32, #tpu.memory_space<vmem>>, vector<1x64x128xi32>
    tpu.vector_store %arg8[%swap3A_54, %swap3A_55, %swap3A_56], %broadcast_in_dim3A_53 {strides = array<i32>} : memref<1x64x128xi32, #tpu.memory_space<vmem>>, vector<1x64x128xi32>,
    %broadcast_in_dim3A_58 = vector.shape_cast %select_n3A_16 : vector<64x128xi32> to vector<1x64x128xi32>
    %swap3A_59 = arith.constant 0 : index
    %swap3A_60 = arith.constant 0 : index
    %swap3A_61 = arith.constant 0 : index
    %swap3A_62 = vector.load %arg9[%swap3A_59, %swap3A_60, %swap3A_61] : memref<1x64x128xi32, #tpu.memory_space<vmem>>, vector<1x64x128xi32>
    tpu.vector_store %arg9[%swap3A_59, %swap3A_60, %swap3A_61], %broadcast_in_dim3A_58 {strides = array<i32>} : memref<1x64x128xi32, #tpu.memory_space<vmem>>, vector<1x64x128xi32>,
    return
  }
  func.func @transform_0(%arg0: i32, %arg1: i32) -> (i32, i32) {
    %c0_i32 = arith.constant 0 : i32
    %c0_i32_0 = arith.constant 0 : i32
    return %arg1, %c0_i32 : i32, i32
  }
  func.func @transform_1(%arg0: i32, %arg1: i32) -> (i32, i32) {
    %c0_i32 = arith.constant 0 : i32
    %c0_i32_0 = arith.constant 0 : i32
    return %arg1, %c0_i32 : i32, i32
  }
  func.func @transform_2(%arg0: i32, %arg1: i32) -> (i32, i32) {
    %c0_i32 = arith.constant 0 : i32
    %c0_i32_0 = arith.constant 0 : i32
    %c0_i32_1 = arith.constant 0 : i32
    return %c0_i32, %c0_i32_0 : i32, i32
  }
  func.func @transform_3(%arg0: i32, %arg1: i32) -> (i32, i32, i32) {
    %c0_i32 = arith.constant 0 : i32
    %c0_i32_0 = arith.constant 0 : i32
    return %arg0, %arg1, %c0_i32 : i32, i32, i32
  }
  func.func @transform_4(%arg0: i32, %arg1: i32) -> (i32, i32, i32) {
    %c0_i32 = arith.constant 0 : i32
    %c0_i32_0 = arith.constant 0 : i32
    return %arg0, %arg1, %c0_i32 : i32, i32, i32
  }
  func.func @transform_5(%arg0: i32, %arg1: i32) -> (i32, i32, i32) {
    %c0_i32 = arith.constant 0 : i32
    %c0_i32_0 = arith.constant 0 : i32
    %c0_i32_1 = arith.constant 0 : i32
    return %c0_i32, %arg1, %c0_i32_0 : i32, i32, i32
  }
  func.func @transform_6(%arg0: i32, %arg1: i32) -> (i32, i32, i32) {
    %c0_i32 = arith.constant 0 : i32
    %c0_i32_0 = arith.constant 0 : i32
    %c0_i32_1 = arith.constant 0 : i32
    return %c0_i32, %arg1, %c0_i32_0 : i32, i32, i32
  }
  func.func @transform_7(%arg0: i32, %arg1: i32) -> (i32, i32, i32) {
    %c0_i32 = arith.constant 0 : i32
    %c0_i32_0 = arith.constant 0 : i32
    %c0_i32_1 = arith.constant 0 : i32
    return %c0_i32, %arg1, %c0_i32_0 : i32, i32, i32
  }
}

module attributes {stable_mosaic.version = 14 : i64} {
  func.func @_mm_scale_kernel(%arg0: i32, %arg1: memref<512x256xf32, #tpu.memory_space<vmem>>, %arg2: memref<256x256xf32, #tpu.memory_space<vmem>>, %arg3: memref<512x1xf32, #tpu.memory_space<vmem>>, %arg4: memref<512x256xf32, #tpu.memory_space<vmem>>) attributes {dimension_semantics = [#tpu.dimension_semantics<arbitrary>], iteration_bounds = array<i64: 20>, scalar_prefetch = 0 : i64, scratch_operands = 0 : i64, tpu.core_type = #tpu.core_type<tc>, window_params = [{transform_indices = @transform_0, window_bounds = array<i64: 512, 256>}, {pipeline_mode = #tpu.pipeline_mode<synchronous>, transform_indices = @transform_1, window_bounds = array<i64: 256, 256>}, {transform_indices = @transform_2, window_bounds = array<i64: 512, 1>}, {transform_indices = @transform_3, window_bounds = array<i64: 512, 256>}]} {
    %mul3A = arith.constant 512 : i32
    %mul3A_0 = arith.muli %arg0, %mul3A : i32
    %iota3A = tpu.iota {dimensions = array<i32: 0>} : vector<512x1xi32>
    %add3A = vector.broadcast %mul3A_0 : i32 to vector<512x1xi32>
    %add3A_1 = arith.addi %add3A, %iota3A : vector<512x1xi32>
    %lt3A = arith.constant 10000 : i32
    %lt3A_2 = vector.broadcast %lt3A : i32 to vector<512x1xi32>
    %lt3A_3 = arith.cmpi slt, %add3A_1, %lt3A_2 : vector<512x1xi32>
    %get3A = arith.constant 0 : index
    %get3A_4 = arith.constant 0 : index
    %get3A_5 = vector.load %arg1[%get3A, %get3A_4] : memref<512x256xf32, #tpu.memory_space<vmem>>, vector<512x256xf32>
    %jit3A = arith.constant 0.000000e+00 : f32
    %broadcast_in_dim3A = vector.shape_cast %lt3A_3 : vector<512x1xi1> to vector<512x1xi1>
    %broadcast_in_dim3A_6 = vector.broadcast %broadcast_in_dim3A : vector<512x1xi1> to vector<512x256xi1>
    %broadcast_in_dim3A_7 = vector.broadcast %jit3A : f32 to vector<512x256xf32>
    %select_n3A = arith.select %broadcast_in_dim3A_6, %get3A_5, %broadcast_in_dim3A_7 : vector<512x256xi1>, vector<512x256xf32>
    %get3A_8 = arith.constant 0 : index
    %get3A_9 = arith.constant 0 : index
    %get3A_10 = vector.load %arg2[%get3A_8, %get3A_9] : memref<256x256xf32, #tpu.memory_space<vmem>>, vector<256x256xf32>
    %dot_general3A = arith.constant dense<0.000000e+00> : vector<512x256xf32>
    %dot_general3A_11 = tpu.matmul %select_n3A, %get3A_10, %dot_general3A {dimension_numbers = #tpu.dot_dimension_numbers<[1], [0], [0], [1], [0, 0, 1, 1], [], []>, transpose_lhs_hint = false} : vector<512x256xf32>, vector<256x256xf32>, vector<512x256xf32> -> vector<512x256xf32>
    %get3A_12 = arith.constant 0 : index
    %get3A_13 = arith.constant 0 : index
    %get3A_14 = vector.load %arg3[%get3A_12, %get3A_13] : memref<512x1xf32, #tpu.memory_space<vmem>>, vector<512x1xf32>
    %add3A_15 = arith.constant 1.000000e+00 : f32
    %add3A_16 = vector.broadcast %add3A_15 : f32 to vector<512x1xf32>
    %add3A_17 = arith.addf %get3A_14, %add3A_16 : vector<512x1xf32>
    %rsqrt3A = math.rsqrt %add3A_17 : vector<512x1xf32>
    %mul3A_18 = vector.broadcast %rsqrt3A : vector<512x1xf32> to vector<512x256xf32>
    %mul3A_19 = arith.mulf %dot_general3A_11, %mul3A_18 : vector<512x256xf32>
    %swap3A = arith.constant 0 : index
    %swap3A_20 = arith.constant 0 : index
    %swap3A_21 = vector.load %arg4[%swap3A, %swap3A_20] : memref<512x256xf32, #tpu.memory_space<vmem>>, vector<512x256xf32>
    tpu.vector_store %arg4[%swap3A, %swap3A_20], %mul3A_19 {strides = array<i32>} : memref<512x256xf32, #tpu.memory_space<vmem>>, vector<512x256xf32>,
    return
  }
  func.func @transform_0(%arg0: i32) -> (i32, i32) {
    %c0_i32 = arith.constant 0 : i32
    %c0_i32_0 = arith.constant 0 : i32
    return %arg0, %c0_i32 : i32, i32
  }
  func.func @transform_1(%arg0: i32) -> (i32, i32) {
    %c0_i32 = arith.constant 0 : i32
    %c0_i32_0 = arith.constant 0 : i32
    %c0_i32_1 = arith.constant 0 : i32
    return %c0_i32, %c0_i32_0 : i32, i32
  }
  func.func @transform_2(%arg0: i32) -> (i32, i32) {
    %c0_i32 = arith.constant 0 : i32
    %c0_i32_0 = arith.constant 0 : i32
    return %arg0, %c0_i32 : i32, i32
  }
  func.func @transform_3(%arg0: i32) -> (i32, i32) {
    %c0_i32 = arith.constant 0 : i32
    %c0_i32_0 = arith.constant 0 : i32
    return %arg0, %c0_i32 : i32, i32
  }
}

module attributes {stable_mosaic.version = 14 : i64} {
  func.func @_agg_stats_kernel(%arg0: i32, %arg1: memref<512x256xf32, #tpu.memory_space<vmem>>, %arg2: memref<512x256xf32, #tpu.memory_space<vmem>>, %arg3: memref<512x1xf32, #tpu.memory_space<vmem>>, %arg4: memref<1x256xf32, #tpu.memory_space<vmem>>, %arg5: memref<512x256xf32, #tpu.memory_space<vmem>>, %arg6: memref<1x1x256xf32, #tpu.memory_space<vmem>>, %arg7: memref<1x1x256xf32, #tpu.memory_space<vmem>>) attributes {dimension_semantics = [#tpu.dimension_semantics<arbitrary>], iteration_bounds = array<i64: 20>, scalar_prefetch = 0 : i64, scratch_operands = 0 : i64, tpu.core_type = #tpu.core_type<tc>, window_params = [{transform_indices = @transform_0, window_bounds = array<i64: 512, 256>}, {transform_indices = @transform_1, window_bounds = array<i64: 512, 256>}, {transform_indices = @transform_2, window_bounds = array<i64: 512, 1>}, {pipeline_mode = #tpu.pipeline_mode<synchronous>, transform_indices = @transform_3, window_bounds = array<i64: 1, 256>}, {transform_indices = @transform_4, window_bounds = array<i64: 512, 256>}, {transform_indices = @transform_5, window_bounds = array<i64: 1, 1, 256>}, {transform_indices = @transform_6, window_bounds = array<i64: 1, 1, 256>}]} {
    %get3A = arith.constant 0 : index
    %get3A_0 = arith.constant 0 : index
    %get3A_1 = vector.load %arg3[%get3A, %get3A_0] : memref<512x1xf32, #tpu.memory_space<vmem>>, vector<512x1xf32>
    %add3A = arith.constant 1.000000e+00 : f32
    %add3A_2 = vector.broadcast %add3A : f32 to vector<512x1xf32>
    %add3A_3 = arith.addf %get3A_1, %add3A_2 : vector<512x1xf32>
    %rsqrt3A = math.rsqrt %add3A_3 : vector<512x1xf32>
    %get3A_4 = arith.constant 0 : index
    %get3A_5 = arith.constant 0 : index
    %get3A_6 = vector.load %arg1[%get3A_4, %get3A_5] : memref<512x256xf32, #tpu.memory_space<vmem>>, vector<512x256xf32>
    %get3A_7 = arith.constant 0 : index
    %get3A_8 = arith.constant 0 : index
    %get3A_9 = vector.load %arg2[%get3A_7, %get3A_8] : memref<512x256xf32, #tpu.memory_space<vmem>>, vector<512x256xf32>
    %add3A_10 = arith.addf %get3A_6, %get3A_9 : vector<512x256xf32>
    %mul3A = vector.broadcast %rsqrt3A : vector<512x1xf32> to vector<512x256xf32>
    %mul3A_11 = arith.mulf %mul3A, %add3A_10 : vector<512x256xf32>
    %get3A_12 = arith.constant 0 : index
    %get3A_13 = arith.constant 0 : index
    %get3A_14 = vector.load %arg4[%get3A_12, %get3A_13] : memref<1x256xf32, #tpu.memory_space<vmem>>, vector<1x256xf32>
    %add3A_15 = vector.broadcast %get3A_14 : vector<1x256xf32> to vector<512x256xf32>
    %add3A_16 = arith.addf %mul3A_11, %add3A_15 : vector<512x256xf32>
    %mul3A_17 = arith.constant 512 : i32
    %mul3A_18 = arith.muli %arg0, %mul3A_17 : i32
    %iota3A = tpu.iota {dimensions = array<i32: 0>} : vector<512x1xi32>
    %add3A_19 = vector.broadcast %mul3A_18 : i32 to vector<512x1xi32>
    %add3A_20 = arith.addi %add3A_19, %iota3A : vector<512x1xi32>
    %lt3A = arith.constant 10000 : i32
    %lt3A_21 = vector.broadcast %lt3A : i32 to vector<512x1xi32>
    %lt3A_22 = arith.cmpi slt, %add3A_20, %lt3A_21 : vector<512x1xi32>
    %jit3A = arith.constant 0.000000e+00 : f32
    %broadcast_in_dim3A = vector.shape_cast %lt3A_22 : vector<512x1xi1> to vector<512x1xi1>
    %broadcast_in_dim3A_23 = vector.broadcast %broadcast_in_dim3A : vector<512x1xi1> to vector<512x256xi1>
    %broadcast_in_dim3A_24 = vector.broadcast %jit3A : f32 to vector<512x256xf32>
    %select_n3A = arith.select %broadcast_in_dim3A_23, %add3A_16, %broadcast_in_dim3A_24 : vector<512x256xi1>, vector<512x256xf32>
    %swap3A = arith.constant 0 : index
    %swap3A_25 = arith.constant 0 : index
    %swap3A_26 = vector.load %arg5[%swap3A, %swap3A_25] : memref<512x256xf32, #tpu.memory_space<vmem>>, vector<512x256xf32>
    tpu.vector_store %arg5[%swap3A, %swap3A_25], %select_n3A {strides = array<i32>} : memref<512x256xf32, #tpu.memory_space<vmem>>, vector<512x256xf32>,
    %reduce_sum3A = arith.constant dense<0.000000e+00> : vector<256xf32>
    %reduce_sum3A_27 = vector.multi_reduction <add>, %select_n3A, %reduce_sum3A [0] : vector<512x256xf32> to vector<256xf32>
    %broadcast_in_dim3A_28 = vector.shape_cast %reduce_sum3A_27 : vector<256xf32> to vector<1x256xf32>
    %broadcast_in_dim3A_29 = vector.shape_cast %broadcast_in_dim3A_28 : vector<1x256xf32> to vector<1x1x256xf32>
    %swap3A_30 = arith.constant 0 : index
    %swap3A_31 = arith.constant 0 : index
    %swap3A_32 = arith.constant 0 : index
    %swap3A_33 = vector.load %arg6[%swap3A_30, %swap3A_31, %swap3A_32] : memref<1x1x256xf32, #tpu.memory_space<vmem>>, vector<1x1x256xf32>
    tpu.vector_store %arg6[%swap3A_30, %swap3A_31, %swap3A_32], %broadcast_in_dim3A_29 {strides = array<i32>} : memref<1x1x256xf32, #tpu.memory_space<vmem>>, vector<1x1x256xf32>,
    %mul3A_34 = arith.mulf %select_n3A, %select_n3A : vector<512x256xf32>
    %reduce_sum3A_35 = arith.constant dense<0.000000e+00> : vector<256xf32>
    %reduce_sum3A_36 = vector.multi_reduction <add>, %mul3A_34, %reduce_sum3A_35 [0] : vector<512x256xf32> to vector<256xf32>
    %broadcast_in_dim3A_37 = vector.shape_cast %reduce_sum3A_36 : vector<256xf32> to vector<1x256xf32>
    %broadcast_in_dim3A_38 = vector.shape_cast %broadcast_in_dim3A_37 : vector<1x256xf32> to vector<1x1x256xf32>
    %swap3A_39 = arith.constant 0 : index
    %swap3A_40 = arith.constant 0 : index
    %swap3A_41 = arith.constant 0 : index
    %swap3A_42 = vector.load %arg7[%swap3A_39, %swap3A_40, %swap3A_41] : memref<1x1x256xf32, #tpu.memory_space<vmem>>, vector<1x1x256xf32>
    tpu.vector_store %arg7[%swap3A_39, %swap3A_40, %swap3A_41], %broadcast_in_dim3A_38 {strides = array<i32>} : memref<1x1x256xf32, #tpu.memory_space<vmem>>, vector<1x1x256xf32>,
    return
  }
  func.func @transform_0(%arg0: i32) -> (i32, i32) {
    %c0_i32 = arith.constant 0 : i32
    %c0_i32_0 = arith.constant 0 : i32
    return %arg0, %c0_i32 : i32, i32
  }
  func.func @transform_1(%arg0: i32) -> (i32, i32) {
    %c0_i32 = arith.constant 0 : i32
    %c0_i32_0 = arith.constant 0 : i32
    return %arg0, %c0_i32 : i32, i32
  }
  func.func @transform_2(%arg0: i32) -> (i32, i32) {
    %c0_i32 = arith.constant 0 : i32
    %c0_i32_0 = arith.constant 0 : i32
    return %arg0, %c0_i32 : i32, i32
  }
  func.func @transform_3(%arg0: i32) -> (i32, i32) {
    %c0_i32 = arith.constant 0 : i32
    %c0_i32_0 = arith.constant 0 : i32
    %c0_i32_1 = arith.constant 0 : i32
    return %c0_i32, %c0_i32_0 : i32, i32
  }
  func.func @transform_4(%arg0: i32) -> (i32, i32) {
    %c0_i32 = arith.constant 0 : i32
    %c0_i32_0 = arith.constant 0 : i32
    return %arg0, %c0_i32 : i32, i32
  }
  func.func @transform_5(%arg0: i32) -> (i32, i32, i32) {
    %c0_i32 = arith.constant 0 : i32
    %c0_i32_0 = arith.constant 0 : i32
    %c0_i32_1 = arith.constant 0 : i32
    return %arg0, %c0_i32, %c0_i32_0 : i32, i32, i32
  }
  func.func @transform_6(%arg0: i32) -> (i32, i32, i32) {
    %c0_i32 = arith.constant 0 : i32
    %c0_i32_0 = arith.constant 0 : i32
    %c0_i32_1 = arith.constant 0 : i32
    return %arg0, %c0_i32, %c0_i32_0 : i32, i32, i32
  }
}

module attributes {stable_mosaic.version = 14 : i64} {
  func.func @_norm_mm_kernel(%arg0: i32, %arg1: memref<512x256xf32, #tpu.memory_space<vmem>>, %arg2: memref<20x1x256xf32, #tpu.memory_space<vmem>>, %arg3: memref<20x1x256xf32, #tpu.memory_space<vmem>>, %arg4: memref<256x256xf32, #tpu.memory_space<vmem>>, %arg5: memref<512x1xf32, #tpu.memory_space<vmem>>, %arg6: memref<512x256xf32, #tpu.memory_space<vmem>>, %arg7: memref<512x256xf32, #tpu.memory_space<vmem>>) attributes {dimension_semantics = [#tpu.dimension_semantics<arbitrary>], iteration_bounds = array<i64: 20>, scalar_prefetch = 0 : i64, scratch_operands = 0 : i64, tpu.core_type = #tpu.core_type<tc>, window_params = [{transform_indices = @transform_0, window_bounds = array<i64: 512, 256>}, {pipeline_mode = #tpu.pipeline_mode<synchronous>, transform_indices = @transform_1, window_bounds = array<i64: 20, 1, 256>}, {pipeline_mode = #tpu.pipeline_mode<synchronous>, transform_indices = @transform_2, window_bounds = array<i64: 20, 1, 256>}, {pipeline_mode = #tpu.pipeline_mode<synchronous>, transform_indices = @transform_3, window_bounds = array<i64: 256, 256>}, {transform_indices = @transform_4, window_bounds = array<i64: 512, 1>}, {transform_indices = @transform_5, window_bounds = array<i64: 512, 256>}, {transform_indices = @transform_6, window_bounds = array<i64: 512, 256>}]} {
    %get3A = arith.constant 0 : index
    %get3A_0 = arith.constant 0 : index
    %get3A_1 = arith.constant 0 : index
    %get3A_2 = vector.load %arg2[%get3A, %get3A_0, %get3A_1] : memref<20x1x256xf32, #tpu.memory_space<vmem>>, vector<20x1x256xf32>
    %reduce_sum3A = arith.constant dense<0.000000e+00> : vector<1x256xf32>
    %reduce_sum3A_3 = vector.multi_reduction <add>, %get3A_2, %reduce_sum3A [0] : vector<20x1x256xf32> to vector<1x256xf32>
    %div3A = arith.constant 1.000000e+04 : f32
    %div3A_4 = vector.broadcast %div3A : f32 to vector<1x256xf32>
    %div3A_5 = arith.divf %reduce_sum3A_3, %div3A_4 : vector<1x256xf32>
    %get3A_6 = arith.constant 0 : index
    %get3A_7 = arith.constant 0 : index
    %get3A_8 = arith.constant 0 : index
    %get3A_9 = vector.load %arg3[%get3A_6, %get3A_7, %get3A_8] : memref<20x1x256xf32, #tpu.memory_space<vmem>>, vector<20x1x256xf32>
    %reduce_sum3A_10 = arith.constant dense<0.000000e+00> : vector<1x256xf32>
    %reduce_sum3A_11 = vector.multi_reduction <add>, %get3A_9, %reduce_sum3A_10 [0] : vector<20x1x256xf32> to vector<1x256xf32>
    %div3A_12 = arith.constant 1.000000e+04 : f32
    %div3A_13 = vector.broadcast %div3A_12 : f32 to vector<1x256xf32>
    %div3A_14 = arith.divf %reduce_sum3A_11, %div3A_13 : vector<1x256xf32>
    %mul3A = arith.mulf %div3A_5, %div3A_5 : vector<1x256xf32>
    %sub3A = arith.subf %div3A_14, %mul3A : vector<1x256xf32>
    %add3A = arith.constant 9.99999974E-6 : f32
    %add3A_15 = vector.broadcast %add3A : f32 to vector<1x256xf32>
    %add3A_16 = arith.addf %sub3A, %add3A_15 : vector<1x256xf32>
    %rsqrt3A = math.rsqrt %add3A_16 : vector<1x256xf32>
    %get3A_17 = arith.constant 0 : index
    %get3A_18 = arith.constant 0 : index
    %get3A_19 = vector.load %arg1[%get3A_17, %get3A_18] : memref<512x256xf32, #tpu.memory_space<vmem>>, vector<512x256xf32>
    %sub3A_20 = vector.broadcast %div3A_5 : vector<1x256xf32> to vector<512x256xf32>
    %sub3A_21 = arith.subf %get3A_19, %sub3A_20 : vector<512x256xf32>
    %mul3A_22 = vector.broadcast %rsqrt3A : vector<1x256xf32> to vector<512x256xf32>
    %mul3A_23 = arith.mulf %sub3A_21, %mul3A_22 : vector<512x256xf32>
    %max3A = arith.constant 0.000000e+00 : f32
    %max3A_24 = vector.broadcast %max3A : f32 to vector<512x256xf32>
    %max3A_25 = arith.maximumf %mul3A_23, %max3A_24 : vector<512x256xf32>
    %mul3A_26 = arith.constant 512 : i32
    %mul3A_27 = arith.muli %arg0, %mul3A_26 : i32
    %iota3A = tpu.iota {dimensions = array<i32: 0>} : vector<512x1xi32>
    %add3A_28 = vector.broadcast %mul3A_27 : i32 to vector<512x1xi32>
    %add3A_29 = arith.addi %add3A_28, %iota3A : vector<512x1xi32>
    %lt3A = arith.constant 10000 : i32
    %lt3A_30 = vector.broadcast %lt3A : i32 to vector<512x1xi32>
    %lt3A_31 = arith.cmpi slt, %add3A_29, %lt3A_30 : vector<512x1xi32>
    %jit3A = arith.constant 0.000000e+00 : f32
    %broadcast_in_dim3A = vector.shape_cast %lt3A_31 : vector<512x1xi1> to vector<512x1xi1>
    %broadcast_in_dim3A_32 = vector.broadcast %broadcast_in_dim3A : vector<512x1xi1> to vector<512x256xi1>
    %broadcast_in_dim3A_33 = vector.broadcast %jit3A : f32 to vector<512x256xf32>
    %select_n3A = arith.select %broadcast_in_dim3A_32, %max3A_25, %broadcast_in_dim3A_33 : vector<512x256xi1>, vector<512x256xf32>
    %swap3A = arith.constant 0 : index
    %swap3A_34 = arith.constant 0 : index
    %swap3A_35 = vector.load %arg6[%swap3A, %swap3A_34] : memref<512x256xf32, #tpu.memory_space<vmem>>, vector<512x256xf32>
    tpu.vector_store %arg6[%swap3A, %swap3A_34], %select_n3A {strides = array<i32>} : memref<512x256xf32, #tpu.memory_space<vmem>>, vector<512x256xf32>,
    %get3A_36 = arith.constant 0 : index
    %get3A_37 = arith.constant 0 : index
    %get3A_38 = vector.load %arg4[%get3A_36, %get3A_37] : memref<256x256xf32, #tpu.memory_space<vmem>>, vector<256x256xf32>
    %dot_general3A = arith.constant dense<0.000000e+00> : vector<512x256xf32>
    %dot_general3A_39 = tpu.matmul %select_n3A, %get3A_38, %dot_general3A {dimension_numbers = #tpu.dot_dimension_numbers<[1], [0], [0], [1], [0, 0, 1, 1], [], []>, transpose_lhs_hint = false} : vector<512x256xf32>, vector<256x256xf32>, vector<512x256xf32> -> vector<512x256xf32>
    %get3A_40 = arith.constant 0 : index
    %get3A_41 = arith.constant 0 : index
    %get3A_42 = vector.load %arg5[%get3A_40, %get3A_41] : memref<512x1xf32, #tpu.memory_space<vmem>>, vector<512x1xf32>
    %add3A_43 = arith.constant 1.000000e+00 : f32
    %add3A_44 = vector.broadcast %add3A_43 : f32 to vector<512x1xf32>
    %add3A_45 = arith.addf %get3A_42, %add3A_44 : vector<512x1xf32>
    %rsqrt3A_46 = math.rsqrt %add3A_45 : vector<512x1xf32>
    %mul3A_47 = vector.broadcast %rsqrt3A_46 : vector<512x1xf32> to vector<512x256xf32>
    %mul3A_48 = arith.mulf %dot_general3A_39, %mul3A_47 : vector<512x256xf32>
    %swap3A_49 = arith.constant 0 : index
    %swap3A_50 = arith.constant 0 : index
    %swap3A_51 = vector.load %arg7[%swap3A_49, %swap3A_50] : memref<512x256xf32, #tpu.memory_space<vmem>>, vector<512x256xf32>
    tpu.vector_store %arg7[%swap3A_49, %swap3A_50], %mul3A_48 {strides = array<i32>} : memref<512x256xf32, #tpu.memory_space<vmem>>, vector<512x256xf32>,
    return
  }
  func.func @transform_0(%arg0: i32) -> (i32, i32) {
    %c0_i32 = arith.constant 0 : i32
    %c0_i32_0 = arith.constant 0 : i32
    return %arg0, %c0_i32 : i32, i32
  }
  func.func @transform_1(%arg0: i32) -> (i32, i32, i32) {
    %c0_i32 = arith.constant 0 : i32
    %c0_i32_0 = arith.constant 0 : i32
    %c0_i32_1 = arith.constant 0 : i32
    %c0_i32_2 = arith.constant 0 : i32
    return %c0_i32, %c0_i32_0, %c0_i32_1 : i32, i32, i32
  }
  func.func @transform_2(%arg0: i32) -> (i32, i32, i32) {
    %c0_i32 = arith.constant 0 : i32
    %c0_i32_0 = arith.constant 0 : i32
    %c0_i32_1 = arith.constant 0 : i32
    %c0_i32_2 = arith.constant 0 : i32
    return %c0_i32, %c0_i32_0, %c0_i32_1 : i32, i32, i32
  }
  func.func @transform_3(%arg0: i32) -> (i32, i32) {
    %c0_i32 = arith.constant 0 : i32
    %c0_i32_0 = arith.constant 0 : i32
    %c0_i32_1 = arith.constant 0 : i32
    return %c0_i32, %c0_i32_0 : i32, i32
  }
  func.func @transform_4(%arg0: i32) -> (i32, i32) {
    %c0_i32 = arith.constant 0 : i32
    %c0_i32_0 = arith.constant 0 : i32
    return %arg0, %c0_i32 : i32, i32
  }
  func.func @transform_5(%arg0: i32) -> (i32, i32) {
    %c0_i32 = arith.constant 0 : i32
    %c0_i32_0 = arith.constant 0 : i32
    return %arg0, %c0_i32 : i32, i32
  }
  func.func @transform_6(%arg0: i32) -> (i32, i32) {
    %c0_i32 = arith.constant 0 : i32
    %c0_i32_0 = arith.constant 0 : i32
    return %arg0, %c0_i32 : i32, i32
  }
}

module attributes {stable_mosaic.version = 14 : i64} {
  func.func @_norm_mm_kernel(%arg0: i32, %arg1: memref<512x256xf32, #tpu.memory_space<vmem>>, %arg2: memref<20x1x256xf32, #tpu.memory_space<vmem>>, %arg3: memref<20x1x256xf32, #tpu.memory_space<vmem>>, %arg4: memref<256x256xf32, #tpu.memory_space<vmem>>, %arg5: memref<512x1xf32, #tpu.memory_space<vmem>>, %arg6: memref<512x256xf32, #tpu.memory_space<vmem>>, %arg7: memref<512x256xf32, #tpu.memory_space<vmem>>) attributes {dimension_semantics = [#tpu.dimension_semantics<arbitrary>], iteration_bounds = array<i64: 20>, scalar_prefetch = 0 : i64, scratch_operands = 0 : i64, tpu.core_type = #tpu.core_type<tc>, window_params = [{transform_indices = @transform_0, window_bounds = array<i64: 512, 256>}, {pipeline_mode = #tpu.pipeline_mode<synchronous>, transform_indices = @transform_1, window_bounds = array<i64: 20, 1, 256>}, {pipeline_mode = #tpu.pipeline_mode<synchronous>, transform_indices = @transform_2, window_bounds = array<i64: 20, 1, 256>}, {pipeline_mode = #tpu.pipeline_mode<synchronous>, transform_indices = @transform_3, window_bounds = array<i64: 256, 256>}, {transform_indices = @transform_4, window_bounds = array<i64: 512, 1>}, {transform_indices = @transform_5, window_bounds = array<i64: 512, 256>}, {transform_indices = @transform_6, window_bounds = array<i64: 512, 256>}]} {
    %get3A = arith.constant 0 : index
    %get3A_0 = arith.constant 0 : index
    %get3A_1 = arith.constant 0 : index
    %get3A_2 = vector.load %arg2[%get3A, %get3A_0, %get3A_1] : memref<20x1x256xf32, #tpu.memory_space<vmem>>, vector<20x1x256xf32>
    %reduce_sum3A = arith.constant dense<0.000000e+00> : vector<1x256xf32>
    %reduce_sum3A_3 = vector.multi_reduction <add>, %get3A_2, %reduce_sum3A [0] : vector<20x1x256xf32> to vector<1x256xf32>
    %div3A = arith.constant 1.000000e+04 : f32
    %div3A_4 = vector.broadcast %div3A : f32 to vector<1x256xf32>
    %div3A_5 = arith.divf %reduce_sum3A_3, %div3A_4 : vector<1x256xf32>
    %get3A_6 = arith.constant 0 : index
    %get3A_7 = arith.constant 0 : index
    %get3A_8 = arith.constant 0 : index
    %get3A_9 = vector.load %arg3[%get3A_6, %get3A_7, %get3A_8] : memref<20x1x256xf32, #tpu.memory_space<vmem>>, vector<20x1x256xf32>
    %reduce_sum3A_10 = arith.constant dense<0.000000e+00> : vector<1x256xf32>
    %reduce_sum3A_11 = vector.multi_reduction <add>, %get3A_9, %reduce_sum3A_10 [0] : vector<20x1x256xf32> to vector<1x256xf32>
    %div3A_12 = arith.constant 1.000000e+04 : f32
    %div3A_13 = vector.broadcast %div3A_12 : f32 to vector<1x256xf32>
    %div3A_14 = arith.divf %reduce_sum3A_11, %div3A_13 : vector<1x256xf32>
    %mul3A = arith.mulf %div3A_5, %div3A_5 : vector<1x256xf32>
    %sub3A = arith.subf %div3A_14, %mul3A : vector<1x256xf32>
    %add3A = arith.constant 9.99999974E-6 : f32
    %add3A_15 = vector.broadcast %add3A : f32 to vector<1x256xf32>
    %add3A_16 = arith.addf %sub3A, %add3A_15 : vector<1x256xf32>
    %rsqrt3A = math.rsqrt %add3A_16 : vector<1x256xf32>
    %get3A_17 = arith.constant 0 : index
    %get3A_18 = arith.constant 0 : index
    %get3A_19 = vector.load %arg1[%get3A_17, %get3A_18] : memref<512x256xf32, #tpu.memory_space<vmem>>, vector<512x256xf32>
    %sub3A_20 = vector.broadcast %div3A_5 : vector<1x256xf32> to vector<512x256xf32>
    %sub3A_21 = arith.subf %get3A_19, %sub3A_20 : vector<512x256xf32>
    %mul3A_22 = vector.broadcast %rsqrt3A : vector<1x256xf32> to vector<512x256xf32>
    %mul3A_23 = arith.mulf %sub3A_21, %mul3A_22 : vector<512x256xf32>
    %max3A = arith.constant 0.000000e+00 : f32
    %max3A_24 = vector.broadcast %max3A : f32 to vector<512x256xf32>
    %max3A_25 = arith.maximumf %mul3A_23, %max3A_24 : vector<512x256xf32>
    %mul3A_26 = arith.constant 512 : i32
    %mul3A_27 = arith.muli %arg0, %mul3A_26 : i32
    %iota3A = tpu.iota {dimensions = array<i32: 0>} : vector<512x1xi32>
    %add3A_28 = vector.broadcast %mul3A_27 : i32 to vector<512x1xi32>
    %add3A_29 = arith.addi %add3A_28, %iota3A : vector<512x1xi32>
    %lt3A = arith.constant 10000 : i32
    %lt3A_30 = vector.broadcast %lt3A : i32 to vector<512x1xi32>
    %lt3A_31 = arith.cmpi slt, %add3A_29, %lt3A_30 : vector<512x1xi32>
    %jit3A = arith.constant 0.000000e+00 : f32
    %broadcast_in_dim3A = vector.shape_cast %lt3A_31 : vector<512x1xi1> to vector<512x1xi1>
    %broadcast_in_dim3A_32 = vector.broadcast %broadcast_in_dim3A : vector<512x1xi1> to vector<512x256xi1>
    %broadcast_in_dim3A_33 = vector.broadcast %jit3A : f32 to vector<512x256xf32>
    %select_n3A = arith.select %broadcast_in_dim3A_32, %max3A_25, %broadcast_in_dim3A_33 : vector<512x256xi1>, vector<512x256xf32>
    %swap3A = arith.constant 0 : index
    %swap3A_34 = arith.constant 0 : index
    %swap3A_35 = vector.load %arg6[%swap3A, %swap3A_34] : memref<512x256xf32, #tpu.memory_space<vmem>>, vector<512x256xf32>
    tpu.vector_store %arg6[%swap3A, %swap3A_34], %select_n3A {strides = array<i32>} : memref<512x256xf32, #tpu.memory_space<vmem>>, vector<512x256xf32>,
    %get3A_36 = arith.constant 0 : index
    %get3A_37 = arith.constant 0 : index
    %get3A_38 = vector.load %arg4[%get3A_36, %get3A_37] : memref<256x256xf32, #tpu.memory_space<vmem>>, vector<256x256xf32>
    %dot_general3A = arith.constant dense<0.000000e+00> : vector<512x256xf32>
    %dot_general3A_39 = tpu.matmul %select_n3A, %get3A_38, %dot_general3A {dimension_numbers = #tpu.dot_dimension_numbers<[1], [0], [0], [1], [0, 0, 1, 1], [], []>, transpose_lhs_hint = false} : vector<512x256xf32>, vector<256x256xf32>, vector<512x256xf32> -> vector<512x256xf32>
    %get3A_40 = arith.constant 0 : index
    %get3A_41 = arith.constant 0 : index
    %get3A_42 = vector.load %arg5[%get3A_40, %get3A_41] : memref<512x1xf32, #tpu.memory_space<vmem>>, vector<512x1xf32>
    %add3A_43 = arith.constant 1.000000e+00 : f32
    %add3A_44 = vector.broadcast %add3A_43 : f32 to vector<512x1xf32>
    %add3A_45 = arith.addf %get3A_42, %add3A_44 : vector<512x1xf32>
    %rsqrt3A_46 = math.rsqrt %add3A_45 : vector<512x1xf32>
    %mul3A_47 = vector.broadcast %rsqrt3A_46 : vector<512x1xf32> to vector<512x256xf32>
    %mul3A_48 = arith.mulf %dot_general3A_39, %mul3A_47 : vector<512x256xf32>
    %swap3A_49 = arith.constant 0 : index
    %swap3A_50 = arith.constant 0 : index
    %swap3A_51 = vector.load %arg7[%swap3A_49, %swap3A_50] : memref<512x256xf32, #tpu.memory_space<vmem>>, vector<512x256xf32>
    tpu.vector_store %arg7[%swap3A_49, %swap3A_50], %mul3A_48 {strides = array<i32>} : memref<512x256xf32, #tpu.memory_space<vmem>>, vector<512x256xf32>,
    return
  }
  func.func @transform_0(%arg0: i32) -> (i32, i32) {
    %c0_i32 = arith.constant 0 : i32
    %c0_i32_0 = arith.constant 0 : i32
    return %arg0, %c0_i32 : i32, i32
  }
  func.func @transform_1(%arg0: i32) -> (i32, i32, i32) {
    %c0_i32 = arith.constant 0 : i32
    %c0_i32_0 = arith.constant 0 : i32
    %c0_i32_1 = arith.constant 0 : i32
    %c0_i32_2 = arith.constant 0 : i32
    return %c0_i32, %c0_i32_0, %c0_i32_1 : i32, i32, i32
  }
  func.func @transform_2(%arg0: i32) -> (i32, i32, i32) {
    %c0_i32 = arith.constant 0 : i32
    %c0_i32_0 = arith.constant 0 : i32
    %c0_i32_1 = arith.constant 0 : i32
    %c0_i32_2 = arith.constant 0 : i32
    return %c0_i32, %c0_i32_0, %c0_i32_1 : i32, i32, i32
  }
  func.func @transform_3(%arg0: i32) -> (i32, i32) {
    %c0_i32 = arith.constant 0 : i32
    %c0_i32_0 = arith.constant 0 : i32
    %c0_i32_1 = arith.constant 0 : i32
    return %c0_i32, %c0_i32_0 : i32, i32
  }
  func.func @transform_4(%arg0: i32) -> (i32, i32) {
    %c0_i32 = arith.constant 0 : i32
    %c0_i32_0 = arith.constant 0 : i32
    return %arg0, %c0_i32 : i32, i32
  }
  func.func @transform_5(%arg0: i32) -> (i32, i32) {
    %c0_i32 = arith.constant 0 : i32
    %c0_i32_0 = arith.constant 0 : i32
    return %arg0, %c0_i32 : i32, i32
  }
  func.func @transform_6(%arg0: i32) -> (i32, i32) {
    %c0_i32 = arith.constant 0 : i32
    %c0_i32_0 = arith.constant 0 : i32
    return %arg0, %c0_i32 : i32, i32
  }
}

module attributes {stable_mosaic.version = 14 : i64} {
  func.func @_mlp_pool_kernel(%arg0: i32, %arg1: memref<512x256xf32, #tpu.memory_space<vmem>>, %arg2: memref<512x1xf32, #tpu.memory_space<vmem>>, %arg3: memref<1x256xf32, #tpu.memory_space<vmem>>, %arg4: memref<256x256xf32, #tpu.memory_space<vmem>>, %arg5: memref<1x256xf32, #tpu.memory_space<vmem>>, %arg6: memref<1x256xf32, #tpu.memory_space<vmem>>, %arg7: memref<256x1xf32, #tpu.memory_space<vmem>>, %arg8: memref<1x1xf32, #tpu.memory_space<vmem>>, %arg9: memref<512x1xf32, #tpu.memory_space<vmem>>, %arg10: memref<512x64xf32, #tpu.memory_space<vmem>>, %arg11: memref<1x64xf32, #tpu.memory_space<vmem>>) attributes {dimension_semantics = [#tpu.dimension_semantics<arbitrary>], iteration_bounds = array<i64: 20>, scalar_prefetch = 0 : i64, scratch_operands = 0 : i64, tpu.core_type = #tpu.core_type<tc>, window_params = [{transform_indices = @transform_0, window_bounds = array<i64: 512, 256>}, {transform_indices = @transform_1, window_bounds = array<i64: 512, 1>}, {pipeline_mode = #tpu.pipeline_mode<synchronous>, transform_indices = @transform_2, window_bounds = array<i64: 1, 256>}, {pipeline_mode = #tpu.pipeline_mode<synchronous>, transform_indices = @transform_3, window_bounds = array<i64: 256, 256>}, {pipeline_mode = #tpu.pipeline_mode<synchronous>, transform_indices = @transform_4, window_bounds = array<i64: 1, 256>}, {pipeline_mode = #tpu.pipeline_mode<synchronous>, transform_indices = @transform_5, window_bounds = array<i64: 1, 256>}, {pipeline_mode = #tpu.pipeline_mode<synchronous>, transform_indices = @transform_6, window_bounds = array<i64: 256, 1>}, {pipeline_mode = #tpu.pipeline_mode<synchronous>, transform_indices = @transform_7, window_bounds = array<i64: 1, 1>}, {transform_indices = @transform_8, window_bounds = array<i64: 512, 1>}, {transform_indices = @transform_9, window_bounds = array<i64: 512, 64>}, {pipeline_mode = #tpu.pipeline_mode<synchronous>, transform_indices = @transform_10, window_bounds = array<i64: 1, 64>}]} {
    %get3A = arith.constant 0 : index
    %get3A_0 = arith.constant 0 : index
    %get3A_1 = vector.load %arg3[%get3A, %get3A_0] : memref<1x256xf32, #tpu.memory_space<vmem>>, vector<1x256xf32>
    %get3A_2 = arith.constant 0 : index
    %get3A_3 = arith.constant 0 : index
    %get3A_4 = vector.load %arg4[%get3A_2, %get3A_3] : memref<256x256xf32, #tpu.memory_space<vmem>>, vector<256x256xf32>
    %dot_general3A = arith.constant dense<0.000000e+00> : vector<1x256xf32>
    %dot_general3A_5 = tpu.matmul %get3A_1, %get3A_4, %dot_general3A {dimension_numbers = #tpu.dot_dimension_numbers<[1], [0], [0], [1], [0, 0, 1, 1], [], []>, transpose_lhs_hint = false} : vector<1x256xf32>, vector<256x256xf32>, vector<1x256xf32> -> vector<1x256xf32>
    %get3A_6 = arith.constant 0 : index
    %get3A_7 = arith.constant 0 : index
    %get3A_8 = vector.load %arg5[%get3A_6, %get3A_7] : memref<1x256xf32, #tpu.memory_space<vmem>>, vector<1x256xf32>
    %add3A = arith.addf %dot_general3A_5, %get3A_8 : vector<1x256xf32>
    %get3A_9 = arith.constant 0 : index
    %get3A_10 = arith.constant 0 : index
    %get3A_11 = vector.load %arg1[%get3A_9, %get3A_10] : memref<512x256xf32, #tpu.memory_space<vmem>>, vector<512x256xf32>
    %get3A_12 = arith.constant 0 : index
    %get3A_13 = arith.constant 0 : index
    %get3A_14 = vector.load %arg2[%get3A_12, %get3A_13] : memref<512x1xf32, #tpu.memory_space<vmem>>, vector<512x1xf32>
    %get3A_15 = arith.constant 0 : index
    %get3A_16 = arith.constant 0 : index
    %get3A_17 = vector.load %arg6[%get3A_15, %get3A_16] : memref<1x256xf32, #tpu.memory_space<vmem>>, vector<1x256xf32>
    %mul3A = vector.broadcast %get3A_14 : vector<512x1xf32> to vector<512x256xf32>
    %mul3A_18 = vector.broadcast %get3A_17 : vector<1x256xf32> to vector<512x256xf32>
    %mul3A_19 = arith.mulf %mul3A, %mul3A_18 : vector<512x256xf32>
    %add3A_20 = arith.addf %get3A_11, %mul3A_19 : vector<512x256xf32>
    %add3A_21 = vector.broadcast %add3A : vector<1x256xf32> to vector<512x256xf32>
    %add3A_22 = arith.addf %add3A_20, %add3A_21 : vector<512x256xf32>
    %max3A = arith.constant 0.000000e+00 : f32
    %max3A_23 = vector.broadcast %max3A : f32 to vector<512x256xf32>
    %max3A_24 = arith.maximumf %add3A_22, %max3A_23 : vector<512x256xf32>
    %get3A_25 = arith.constant 0 : index
    %get3A_26 = arith.constant 0 : index
    %get3A_27 = vector.load %arg7[%get3A_25, %get3A_26] : memref<256x1xf32, #tpu.memory_space<vmem>>, vector<256x1xf32>
    %dot_general3A_28 = arith.constant dense<0.000000e+00> : vector<512x1xf32>
    %dot_general3A_29 = tpu.matmul %max3A_24, %get3A_27, %dot_general3A_28 {dimension_numbers = #tpu.dot_dimension_numbers<[1], [0], [0], [1], [0, 0, 1, 1], [], []>, transpose_lhs_hint = false} : vector<512x256xf32>, vector<256x1xf32>, vector<512x1xf32> -> vector<512x1xf32>
    %get3A_30 = arith.constant 0 : index
    %get3A_31 = arith.constant 0 : index
    %get3A_32 = vector.load %arg8[%get3A_30, %get3A_31] : memref<1x1xf32, #tpu.memory_space<vmem>>, vector<1x1xf32>
    %add3A_33 = vector.broadcast %get3A_32 : vector<1x1xf32> to vector<512x1xf32>
    %add3A_34 = arith.addf %dot_general3A_29, %add3A_33 : vector<512x1xf32>
    %get3A_35 = arith.constant 0 : index
    %get3A_36 = arith.constant 0 : index
    %get3A_37 = vector.load %arg9[%get3A_35, %get3A_36] : memref<512x1xf32, #tpu.memory_space<vmem>>, vector<512x1xf32>
    %mul3A_38 = arith.mulf %add3A_34, %get3A_37 : vector<512x1xf32>
    %mul3A_39 = arith.constant 512 : i32
    %mul3A_40 = arith.muli %arg0, %mul3A_39 : i32
    %iota3A = tpu.iota {dimensions = array<i32: 0>} : vector<512x1xi32>
    %add3A_41 = vector.broadcast %mul3A_40 : i32 to vector<512x1xi32>
    %add3A_42 = arith.addi %add3A_41, %iota3A : vector<512x1xi32>
    %lt3A = arith.constant 10000 : i32
    %lt3A_43 = vector.broadcast %lt3A : i32 to vector<512x1xi32>
    %lt3A_44 = arith.cmpi slt, %add3A_42, %lt3A_43 : vector<512x1xi32>
    %get3A_45 = arith.constant 0 : index
    %get3A_46 = arith.constant 0 : index
    %get3A_47 = vector.load %arg10[%get3A_45, %get3A_46] : memref<512x64xf32, #tpu.memory_space<vmem>>, vector<512x64xf32>
    %jit3A = arith.constant 0.000000e+00 : f32
    %broadcast_in_dim3A = vector.shape_cast %lt3A_44 : vector<512x1xi1> to vector<512x1xi1>
    %broadcast_in_dim3A_48 = vector.broadcast %broadcast_in_dim3A : vector<512x1xi1> to vector<512x64xi1>
    %broadcast_in_dim3A_49 = vector.broadcast %jit3A : f32 to vector<512x64xf32>
    %select_n3A = arith.select %broadcast_in_dim3A_48, %get3A_47, %broadcast_in_dim3A_49 : vector<512x64xi1>, vector<512x64xf32>
    %transpose3A = tpu.transpose %mul3A_38, [1, 0] : vector<512x1xf32> -> vector<1x512xf32>
    %dot_general3A_50 = arith.constant dense<0.000000e+00> : vector<1x64xf32>
    %dot_general3A_51 = tpu.matmul %transpose3A, %select_n3A, %dot_general3A_50 {dimension_numbers = #tpu.dot_dimension_numbers<[1], [0], [0], [1], [0, 0, 1, 1], [], []>, transpose_lhs_hint = false} : vector<1x512xf32>, vector<512x64xf32>, vector<1x64xf32> -> vector<1x64xf32>
    %eq3A = arith.constant 0 : i32
    %eq3A_52 = arith.cmpi eq, %arg0, %eq3A : i32
    %convert_element_type3A = arith.extui %eq3A_52 : i1 to i32
    %cond3A = arith.constant 0 : i32
    %cond3A_53 = arith.cmpi ne, %convert_element_type3A, %cond3A : i32
    scf.if %cond3A_53 {
      %broadcast_in_dim3A_60 = arith.constant 0.000000e+00 : f32
      %broadcast_in_dim3A_61 = vector.broadcast %broadcast_in_dim3A_60 : f32 to vector<1x64xf32>
      %swap3A_62 = arith.constant 0 : index
      %swap3A_63 = arith.constant 0 : index
      %swap3A_64 = vector.load %arg11[%swap3A_62, %swap3A_63] : memref<1x64xf32, #tpu.memory_space<vmem>>, vector<1x64xf32>
      tpu.vector_store %arg11[%swap3A_62, %swap3A_63], %broadcast_in_dim3A_61 {strides = array<i32>} : memref<1x64xf32, #tpu.memory_space<vmem>>, vector<1x64xf32>,
    } else {
    }
    %get3A_54 = arith.constant 0 : index
    %get3A_55 = arith.constant 0 : index
    %get3A_56 = vector.load %arg11[%get3A_54, %get3A_55] : memref<1x64xf32, #tpu.memory_space<vmem>>, vector<1x64xf32>
    %add3A_57 = arith.addf %get3A_56, %dot_general3A_51 : vector<1x64xf32>
    %swap3A = arith.constant 0 : index
    %swap3A_58 = arith.constant 0 : index
    %swap3A_59 = vector.load %arg11[%swap3A, %swap3A_58] : memref<1x64xf32, #tpu.memory_space<vmem>>, vector<1x64xf32>
    tpu.vector_store %arg11[%swap3A, %swap3A_58], %add3A_57 {strides = array<i32>} : memref<1x64xf32, #tpu.memory_space<vmem>>, vector<1x64xf32>,
    return
  }
  func.func @transform_0(%arg0: i32) -> (i32, i32) {
    %c0_i32 = arith.constant 0 : i32
    %c0_i32_0 = arith.constant 0 : i32
    return %arg0, %c0_i32 : i32, i32
  }
  func.func @transform_1(%arg0: i32) -> (i32, i32) {
    %c0_i32 = arith.constant 0 : i32
    %c0_i32_0 = arith.constant 0 : i32
    return %arg0, %c0_i32 : i32, i32
  }
  func.func @transform_2(%arg0: i32) -> (i32, i32) {
    %c0_i32 = arith.constant 0 : i32
    %c0_i32_0 = arith.constant 0 : i32
    %c0_i32_1 = arith.constant 0 : i32
    return %c0_i32, %c0_i32_0 : i32, i32
  }
  func.func @transform_3(%arg0: i32) -> (i32, i32) {
    %c0_i32 = arith.constant 0 : i32
    %c0_i32_0 = arith.constant 0 : i32
    %c0_i32_1 = arith.constant 0 : i32
    return %c0_i32, %c0_i32_0 : i32, i32
  }
  func.func @transform_4(%arg0: i32) -> (i32, i32) {
    %c0_i32 = arith.constant 0 : i32
    %c0_i32_0 = arith.constant 0 : i32
    %c0_i32_1 = arith.constant 0 : i32
    return %c0_i32, %c0_i32_0 : i32, i32
  }
  func.func @transform_5(%arg0: i32) -> (i32, i32) {
    %c0_i32 = arith.constant 0 : i32
    %c0_i32_0 = arith.constant 0 : i32
    %c0_i32_1 = arith.constant 0 : i32
    return %c0_i32, %c0_i32_0 : i32, i32
  }
  func.func @transform_6(%arg0: i32) -> (i32, i32) {
    %c0_i32 = arith.constant 0 : i32
    %c0_i32_0 = arith.constant 0 : i32
    %c0_i32_1 = arith.constant 0 : i32
    return %c0_i32, %c0_i32_0 : i32, i32
  }
  func.func @transform_7(%arg0: i32) -> (i32, i32) {
    %c0_i32 = arith.constant 0 : i32
    %c0_i32_0 = arith.constant 0 : i32
    %c0_i32_1 = arith.constant 0 : i32
    return %c0_i32, %c0_i32_0 : i32, i32
  }
  func.func @transform_8(%arg0: i32) -> (i32, i32) {
    %c0_i32 = arith.constant 0 : i32
    %c0_i32_0 = arith.constant 0 : i32
    return %arg0, %c0_i32 : i32, i32
  }
  func.func @transform_9(%arg0: i32) -> (i32, i32) {
    %c0_i32 = arith.constant 0 : i32
    %c0_i32_0 = arith.constant 0 : i32
    return %arg0, %c0_i32 : i32, i32
  }
  func.func @transform_10(%arg0: i32) -> (i32, i32) {
    %c0_i32 = arith.constant 0 : i32
    %c0_i32_0 = arith.constant 0 : i32
    %c0_i32_1 = arith.constant 0 : i32
    return %c0_i32, %c0_i32_0 : i32, i32
  }
}

</mosaic_0001>

<sc_bundles>
// kernel: kernel.13.cloned.1.call-start
scs
__scs_entry_jumppad:
0x0: {  	(pc) =	sbr.rel $0x88, $3  }
0x1: {  	(tag) =	ssettag $0x0;
	lr =	simm.s32 $0x1  }
0x2: {  	[smem:$0x3F94] =	sst lr;
	_ =	strace $0xD0000000  }
0x3: {  	_ = 	snop  }
0x4: {  	_ = 	snop  }
0x5: {  	_ = 	snop  }
0x6: {  	_ = 	snop  }
0x7: {  	_ = 	snop  }
__scs_overlays_trampoline_lowered:
0x8: {  	[smem:$0x3FA3] =	sst s0  }
0x9: {  	[smem:$0x3FA4] =	sst s1  }
0xa: {  	[smem:$0x3FA5] =	sst s2  }
0xb: {  	[smem:$0x3FA6] =	sst s3  }
0xc: {  	[smem:$0x3FA7] =	sst s4  }
0xd: {  	[smem:$0x3FA8] =	sst s5  }
0xe: {  	[smem:$0x3FA9] =	sst s6  }
0xf: {  	[smem:$0x3FAA] =	sst s7  }
0x10: {  	[smem:$0x3FAB] =	sst s8  }
0x11: {  	[smem:$0x3FAC] =	sst s9;
	s0 =	simm.s32 @!p0 $0x0  }
0x12: {  	s1 =	sld [smem:$0x3F92];
	s0 =	simm.s32 @p0 $0x1  }
0x13: {  	[smem:$0x3FAD] =	sst s0;
	s0 =	simm.s32 @!p1 $0x0  }
0x14: {  	s2 =	sld [smem:$0x3F91];
	s0 =	simm.s32 @p1 $0x1  }
0x15: {  	[smem:$0x3FAE] =	sst s0;
	s0 =	simm.s32 @!p2 $0x0  }
0x16: {  	s3 =	sld [smem:$0x3FDB];
	s0 =	simm.s32 @p2 $0x1  }
0x17: {  	s4 =	simm.s32 $0x1BF5;
	[smem:$0x3FB0] =	sst s0  }
0x18: {  	s0 =	sld [smem:$0x3F93];
	_ =	swait.ge [sflag:s4], $0x0  }
0x19: {  	s7 =	sld [smem:$0x3F94]  }
0x1a: {  	s8 =	sadd.s32 $0xFFFFE003, lr  }
0x1b: {  	s9 =	sadd.s32 $0xFFFFFEF7, lr;
	s5 =	simm.s32 $0xFFFFFFFF;
	p2 =	slt.u32 s8, $0xFFFFF086  }
0x1c: {  	p1 =	slt.u32 s9, $0xF7A;
	s5 =	simm.s32 @!p2 $0x0  }
0x1d: {  	s5 =	simm.s32 @p1 $0x1;
	p0 =	seq.s32 s7, s2  }
0x1e: {  	s7 =	smul.u32 @!p0 $0xF7A, s2;
	p2 =	seq.s32 @!p0 s5, $0x0  }
0x1f: {  	s9 =	smul.u32 $0xF7A, s1;
	s8 =	simm.s32 @!p0 $0x1BF5;
	p2 =	por !p2, p0  }
0x20: {  	[sflag:s8] =	ssyncset.s32 @!p0 $0xFFFFF086;
	s6 =	sadd.s32 @!p0 s3, s7;
	s7 =	simm.s32 @!p0 $0x108  }
0x21: {  	s3 =	sadd.s32 s3, s9;
	s6 =	sadd.s32 @!p0 $0x88, s6;
	s7 =	simm.s32 @p2 $0x1082  }
0x22: {  	[simem:s7], [sflag:s8] =	dma.local @!p0 [hbm:s6], $0xF7A  }
0x23: {  	s9 =	sor.u32 $0xD0000000, s2;
	s6 =	simm.s32 $0x108;
	_ =	swait.ge @!p0 [sflag:s8], $0x0  }
0x24: {  	s3 =	sadd.s32 $0x88, s3;
	s6 =	simm.s32 @!p1 $0x1082;
	[sflag:s4] =	ssyncset.s32 $0xFFFFF086  }
0x25: {  	[simem:s6], [sflag:s4] =	dma.local [hbm:s3], $0xF7A  }
0x26: {  	[smem:$0x3F94] =	sst s1;
	(tag) =	ssettag s2;
	_ =	strace s9  }
0x27: {  	s1 =	sld [smem:$0x3FA4]  }
0x28: {  	s2 =	sld [smem:$0x3FA5]  }
0x29: {  	s4 =	sld [smem:$0x3FA7]  }
0x2a: {  	p0 =	seq.s32 s5, $0x0;
	s5 =	sld [smem:$0x3FA8]  }
0x2b: {  	s6 =	sld [smem:$0x3FA9]  }
0x2c: {  	s7 =	sld [smem:$0x3FAA]  }
0x2d: {  	s3 =	simm.s32 $0x108;
	s8 =	sld [smem:$0x3FAB]  }
0x2e: {  	s3 =	simm.s32 @!p0 $0x1082;
	s9 =	sld [smem:$0x3FAC]  }
0x2f: {  	lr =	sadd.s32 s0, s3;
	s0 =	sld [smem:$0x3FA3]  }
0x30: {  	s3 =	sld [smem:$0x3FA6]  }
0x31: {  	[smem:$0x3FAF] =	sst s10  }
0x32: {  	s10 =	sld [smem:$0x3FAD];
	_ =	sdelay $0x3  }
0x33: {  	p0 =	seq.s32 s10, $0x1;
	s10 =	sld [smem:$0x3FAF];
	_ =	sdelay $0x3  }
0x34: {  	[smem:$0x3FAF] =	sst s10  }
0x35: {  	s10 =	sld [smem:$0x3FAE];
	_ =	sdelay $0x3  }
0x36: {  	p1 =	seq.s32 s10, $0x1;
	s10 =	sld [smem:$0x3FAF];
	_ =	sdelay $0x3  }
0x37: {  	[smem:$0x3FAF] =	sst s10  }
0x38: {  	s10 =	sld [smem:$0x3FB0]  }
0x39: {  	_ = 	snop;
	(pc) =	sbr.ind lr, $3  }
0x3a: {  	_ = 	snop  }
0x3b: {  	_ = 	snop  }
0x3c: {  	p2 =	seq.s32 s10, $0x1;
	s10 =	sld [smem:$0x3FAF]  }
0x3d: {  	_ =	shalt  }
0x3e: {  	_ =	shalt  }
0x3f: {  	_ =	shalt  }
0x40: {  	_ =	shalt  }
0x41: {  	_ =	shalt  }
0x42: {  	_ =	shalt  }
0x43: {  	_ =	shalt  }
0x44: {  	_ =	shalt  }
0x45: {  	_ =	shalt  }
0x46: {  	_ =	shalt  }
0x47: {  	_ =	shalt  }
0x48: {  	_ =	shalt  }
0x49: {  	_ =	shalt  }
0x4a: {  	_ =	shalt  }
0x4b: {  	_ =	shalt  }
0x4c: {  	_ =	shalt  }
0x4d: {  	_ =	shalt  }
0x4e: {  	_ =	shalt  }
0x4f: {  	_ =	shalt  }
0x50: {  	_ =	shalt  }
0x51: {  	_ =	shalt  }
0x52: {  	_ =	shalt  }
0x53: {  	_ =	shalt  }
0x54: {  	_ =	shalt  }
0x55: {  	_ =	shalt  }
0x56: {  	_ =	shalt  }
0x57: {  	_ =	shalt  }
0x58: {  	_ =	shalt  }
0x59: {  	_ =	shalt  }
0x5a: {  	_ =	shalt  }
0x5b: {  	_ =	shalt  }
0x5c: {  	_ =	shalt  }
0x5d: {  	_ =	shalt  }
0x5e: {  	_ =	shalt  }
0x5f: {  	_ =	shalt  }
0x60: {  	_ =	shalt  }
0x61: {  	_ =	shalt  }
0x62: {  	_ =	shalt  }
0x63: {  	_ =	shalt  }
0x64: {  	_ =	shalt  }
0x65: {  	_ =	shalt  }
0x66: {  	_ =	shalt  }
0x67: {  	_ =	shalt  }
0x68: {  	_ =	shalt  }
0x69: {  	_ =	shalt  }
0x6a: {  	_ =	shalt  }
0x6b: {  	_ =	shalt  }
0x6c: {  	_ =	shalt  }
0x6d: {  	_ =	shalt  }
0x6e: {  	_ =	shalt  }
0x6f: {  	_ =	shalt  }
0x70: {  	_ =	shalt  }
0x71: {  	_ =	shalt  }
0x72: {  	_ =	shalt  }
0x73: {  	_ =	shalt  }
0x74: {  	_ =	shalt  }
0x75: {  	_ =	shalt  }
0x76: {  	_ =	shalt  }
0x77: {  	_ =	shalt  }
0x78: {  	_ =	shalt  }
0x79: {  	_ =	shalt  }
0x7a: {  	_ =	shalt  }
0x7b: {  	_ =	shalt  }
0x7c: {  	_ =	shalt  }
0x7d: {  	_ =	shalt  }
0x7e: {  	_ =	shalt  }
0x7f: {  	_ =	shalt  }
0x80: {  	_ =	shalt  }
0x81: {  	_ =	shalt  }
0x82: {  	_ =	shalt  }
0x83: {  	_ =	shalt  }
0x84: {  	_ =	shalt  }
0x85: {  	_ =	shalt  }
0x86: {  	_ =	shalt  }
0x87: {  	_ =	shalt  }
.Lfunc_end0:
.L_simem_size_0:
called_computation_lowered:
.L_overlay_start_0:
0x88: {  	s2 =	sld [smem:$0x3FD9]  }
0x89: {  	s3 =	sld [smem:$0x3FFE];
	_ =	sdelay $0x1  }
0x8a: {  	s1 =	srdreg.scid  }
0x8b: {  	s0 =	sand.u32 $0x1, s1  }
0x8c: {  	s16 =	sshll.u32 s0, $0xA;
	s2 =	sadd.s32 s3, s2  }
0x8d: {  	s2 =	sadd.s32 s2, s16  }
0x8e: {  	[smem:$0x3FBB] =	sst s2  }
0x8f: {  	_ = 	snop  }
0x90: {  	(tm) =	ssettm $0x1  }
0x91: {  	s17 =	sld [smem:$0x3FFB];
	_ =	sdelay $0x3  }
0x92: {  	_ =	strace s17  }
0x93: {  	s2 =	sld [smem:$0x3FFC];
	_ =	sdelay $0x3  }
0x94: {  	_ =	strace s2  }
0x95: {  	s2 =	sld [smem:$0x3FFD];
	_ =	sdelay $0x3  }
0x96: {  	_ =	strace s2  }
0x97: {  	_ =	strace $0x8FFFFFFF  }
0x98: {  	s18 =	sld [smem:$0x3FDB];
	_ =	sdelay $0x1  }
0x99: {  	s19 =	simm.s32 $_scs_section_size  }
0x9a: {  	s4 =	simm.s32 $_size__tile_overlayer_lowered;
	s5 =	simm.s32 $_tile_overlayer_lowered  }
0x9b: {  	s22 =	simm.s32 $0x1BFF;
	s21 =	sshll.u32 s5, $0x1;
	s2 =	sadd.s32 s19, s18  }
0x9c: {  	s6 =	simm.s32 $0x0;
	s20 =	sshll.u32 s4, $0x1;
	s4 =	sadd.s32 s21, s2  }
0x9d: {  	[timem:s6], [sflag:s22] =	dma.local [hbm:s4], s20  }
0x9e: {  	_ =	swait.ge [sflag:s22], s20  }
0x9f: {  	s3 =	ssub.s32 $0x0, s20;
	[sflag:s22] =	ssyncset.done $0x0  }
0xa0: {  	[sflag:s22] =	ssyncadd.s32 s3;
	_ =	sdelay $0x1  }
0xa1: {  	s23 =	simm.s32 $0x1B8B  }
0xa2: {  	_ =	swait.ge [sflag:s23], $0x1  }
0xa3: {  	[sflag:s23] =	ssyncset.done $0x0  }
0xa4: {  	s25 =	simm.s32 $0x1B8E;
	s24 =	sld [smem:$0x3FFE];
	[sflag:s23] =	ssyncadd.s32 $0xFFFFFFFF  }
0xa5: {  	s26 =	simm.s32 $execute0_lowered;
	[smem:$0x3FD2] =	sst s25  }
0xa6: {  	s4 =	sshll.u32 s26, $0x1;
	_ =	strace $0x80000046;
	[dreg:$0x1] =	wrdreg $0xFFFFFFFF  }
0xa7: {  	s28 =	simm.s32 $_size_execute0_lowered;
	s2 =	sadd.s32 s2, s4;
	[dreg:$0x0] =	wrdreg $0x0  }
0xa8: {  	s4 =	sshll.u32 s28, $0x1;
	[dreg:$0x2] =	wrdreg s2  }
0xa9: {  	[dreg:$0x3] =	wrdreg s4  }
0xaa: {  	[dreg:$0x4] =	wrdreg $0xC0  }
0xab: {  	_ =	task [dreg:s6], $0x5FFFF  }
0xac: {  	[dreg:$0x1] =	wrdreg $0xFFFFFFFF  }
0xad: {  	[dreg:$0x0] =	wrdreg $0x60  }
0xae: {  	[dreg:$0x2] =	wrdreg s24  }
0xaf: {  	[dreg:$0x3] =	wrdreg $0x41000  }
0xb0: {  	[dreg:$0x4] =	wrdreg $0x9  }
0xb1: {  	_ =	task.clear_ibuf [dreg:s6], $0x5FFFF;
	_ =	strace $0x90000046  }
0xb2: {  	s29 =	simm.s32 $0x9;
	_ =	strace $0x80000048  }
0xb3: {  	_ =	swait.ge [sflag:s29], $0x1  }
0xb4: {  	[sflag:s29] =	ssyncadd.s32 $0xFFFFFFFF  }
0xb5: {  	_ =	strace $0x90000048  }
0xb6: {  	_ =	sfence  }
0xb7: {  	s30 =	sld [smem:$0x0];
	_ =	sdelay $0x2  }
0xb8: {  	s31 =	sshll.u32 s1, $0xD;
	s1 =	sshrl.u32 s1, $0x2  }
0xb9: {  	s3 =	sand.u32 $0x4000, s31;
	s1 =	sadd.s32 s1, s30  }
0xba: {  	s0 =	sor.u32 s3, s0;
	s1 =	sshll.u32 s1, $0x11  }
0xbb: {  	s0 =	sor.u32 s1, s0  }
0xbc: {  	s0 =	sadd.s32 $0x8F2B, s0  }
0xbd: {  	[sflag:s0] =	ssyncadd.remote.s32 $0x1  }
0xbe: {  	_ =	sfence.sel $0xFFFF  }
0xbf: {  	[dreg:$0x0] =	wrdreg $0xFFFFFFFF;
	(pc) =	sbr.abs _section_cstart, $3  }
0xc0: {  	[dreg:$0x1] =	wrdreg $0xFFFFFFFF  }
0xc1: {  	_ =	task.clear_ibuf [dreg:s6], $0x2FFFF;
	_ =	strace $0x9FFFFFFF  }
0xc2: {  	(tm) =	ssettm $0x7FFFFFFF  }
0xc3: {  	_ =	shalt  }
tec
execute0_lowered:
.L_overlay_start_1:
0x0: {  	(tag) =	ssettag $0x1  }
0x1: {  	s5 =	rddreg [dreg:$0x0]  }
0x2: {  	s0 =	srdreg.scid;
	s2 =	rddreg [dreg:$0x1]  }
0x3: {  	s1 =	stileid.u32;
	s3 =	simm.s32 $0x0;
	s10 =	simm.s32 $0x1  }
0x4: {  	s11 =	simm.s32 $0x3E80;
	s12 =	simm.s32 $0x1400;
	s13 =	simm.s32 $0x80  }
0x5: {  	s14 =	simm.s32 $0x3C80;
	s15 =	simm.s32 $0x1C00;
	s16 =	simm.s32 $0x3D00  }
0x6: {  	s17 =	simm.s32 $0x2400;
	s18 =	simm.s32 $0x3D80;
	s19 =	simm.s32 $0x2C00  }
0x7: {  	s20 =	simm.s32 $0x3E00;
	s21 =	simm.s32 $0x3400;
	s23 =	simm.s32 $0x0  }
0x8: {  	s4 =	sand.u32 $0x1, s0;
	s0 =	rddreg [dreg:$0x2];
	s7 =	smul.u32 $0x280, s1  }
0x9: {  	[smem:$0x7FF] =	sst s3;
	s22 =	sshll.u32 s1, $0x6;
	s6 =	sshll.u32 s4, $0x4  }
0xa: {  	s8 =	smul.u32 $0x2800, s4;
	_ =	strace $0x80000047;
	s6 =	sor.u32 s1, s6  }
0xb: {  	s9 =	ssub.s32 $0x2, s4;
	s4 =	sadd.s32 $0x3E00, s5;
	s6 =	smul.u32 $0x280, s6  }
0xc: {  	s22 =	sor.u32 $0x1C01, s22;
	s31 =	sshrl.u32 s9, $0x1;
	s8 =	sadd.s32 s7, s8  }
0xd: {  	s9 =	ssub.s32 s9, s31;
	s8 =	sshrl.u32 s8, $0x3;
	s6 =	sadd.s32 s6, s5  }
0xe: {  	s8 =	sadd.s32 s8, s5;
	s5 =	sadd.s32 $0x4000, s6;
	s6 =	sadd.s32 s7, s2  }
0xf: {  	v0 =	vimm.f32 $0.0e+00;
	v1 =	vimm.f32 $1.000000000e+00;
	s7 =	sadd.s32 $0x1D000, s8;
	s8 =	smax.u32 s9, $0x1;
	s9 =	simm.s32 $0x3C00  }
.LBB2_1:
0x10: {  	[tilespmem:s9], [sflag:$0x1] =	stream.linear.gather [hbm4b:s4+s3], $0x280, $0x38;
	[tilespmem:$0x4380] =	vst v63  }
0x11: {  	_ =	swait.ge [sflag:s10], $0x280  }
0x12: {  	[sflag:s10] =	ssyncset.done $0x0  }
0x13: {  	[sflag:s10] =	ssyncadd.s32 $0xFFFFFD80  }
0x14: {  	[tilespmem:s3], [sflag:$0x1] =	stream.linear.gather [hbm4b:s5+s3], $0x1400, $0x38;
	[tilespmem:$0x4380] =	vst v63  }
0x15: {  	_ =	swait.ge [sflag:s10], $0x1400  }
0x16: {  	[sflag:s10] =	ssyncset.done $0x0  }
0x17: {  	[sflag:s10] =	ssyncadd.s32 $0xFFFFEC00  }
0x18: {  	[tilespmem:$0x3E80] =	vst v0  }
0x19: {  	[tilespmem:$0x3E90] =	vst v0  }
0x1a: {  	[tilespmem:$0x3EA0] =	vst v0  }
0x1b: {  	[tilespmem:$0x3EB0] =	vst v0  }
0x1c: {  	[tilespmem:$0x3EC0] =	vst v0  }
0x1d: {  	[tilespmem:$0x3ED0] =	vst v0  }
0x1e: {  	[tilespmem:$0x3EE0] =	vst v0  }
0x1f: {  	[tilespmem:$0x3EF0] =	vst v0  }
0x20: {  	[tilespmem:$0x3F00] =	vst v0  }
0x21: {  	[tilespmem:$0x3F10] =	vst v0  }
0x22: {  	[tilespmem:$0x3F20] =	vst v0  }
0x23: {  	[tilespmem:$0x3F30] =	vst v0  }
0x24: {  	[tilespmem:$0x3F40] =	vst v0  }
0x25: {  	[tilespmem:$0x3F50] =	vst v0  }
0x26: {  	[tilespmem:$0x3F60] =	vst v0  }
0x27: {  	[tilespmem:$0x3F70] =	vst v0  }
0x28: {  	[tilespmem:$0x3F80] =	vst v0  }
0x29: {  	[tilespmem:$0x3F90] =	vst v0  }
0x2a: {  	[tilespmem:$0x3FA0] =	vst v0  }
0x2b: {  	[tilespmem:$0x3FB0] =	vst v0  }
0x2c: {  	[tilespmem:$0x3FC0] =	vst v0  }
0x2d: {  	[tilespmem:$0x3FD0] =	vst v0  }
0x2e: {  	[tilespmem:$0x3FE0] =	vst v0  }
0x2f: {  	[tilespmem:$0x3FF0] =	vst v0  }
0x30: {  	[tilespmem:$0x4000] =	vst v0  }
0x31: {  	[tilespmem:$0x4010] =	vst v0  }
0x32: {  	[tilespmem:$0x4020] =	vst v0  }
0x33: {  	[tilespmem:$0x4030] =	vst v0  }
0x34: {  	[tilespmem:$0x4040] =	vst v0  }
0x35: {  	[tilespmem:$0x4050] =	vst v0  }
0x36: {  	[tilespmem:$0x4060] =	vst v0  }
0x37: {  	[tilespmem:$0x4070] =	vst v0  }
0x38: {  	[tilespmem:$0x4080] =	vst v0  }
0x39: {  	[tilespmem:$0x4090] =	vst v0  }
0x3a: {  	[tilespmem:$0x40A0] =	vst v0  }
0x3b: {  	[tilespmem:$0x40B0] =	vst v0  }
0x3c: {  	[tilespmem:$0x40C0] =	vst v0  }
0x3d: {  	[tilespmem:$0x40D0] =	vst v0  }
0x3e: {  	[tilespmem:$0x40E0] =	vst v0  }
0x3f: {  	s24 =	simm.s32 $0x40;
	s25 =	simm.s32 $0x0;
	[tilespmem:$0x40F0] =	vst v0  }
.LBB2_2:
0x40: {  	p0 =	sne.s32 s24, $0x9FC0;
	[tilespmem:s25+$0x1400] =	vst v0;
	s25 =	smov.u32 s24;
	s24 =	sadd.s32 $0x40, s24  }
.Ltmp0:
0x41: {  	(pc) =	sbr.rel @p0 .LBB2_2-.Ltmp0, $2  }
0x42: {  	_ =	sdelay $0x2  }
0x43: {  	s25 =	sshra.s32 s25, $0x2  }
0x44: {  	[tilespmem:s25+$0x1400] =	vst v0  }
0x45: {  	[spmem:s6] =	stream.linear.scatter [tilespmem:s11], [sflag:$0x1], $0x280, $0x38;
	[tilespmem:$0x4380] =	vst v63  }
0x46: {  	_ =	swait.ge [sflag:s10], $0x280  }
0x47: {  	[sflag:s10] =	ssyncset.done $0x0  }
0x48: {  	[sflag:s10] =	ssyncadd.s32 $0xFFFFFD80  }
0x49: {  	s24 =	simm.s32 $0x0;
	[bflag:$0x0] =	sbarrier.arrive $0xFFFF  }
.LBB2_4:
0x4a: {  	s25 =	sshra.s32 s24, $0x2  }
0x4b: {  	v2 =	vld [tilespmem:s25+$0x0];
	_ =	sdelay $0x4  }
0x4c: {  	vm0 =	vgt.s32 v2, $0xFFFFFFFF;
	vm1 =	vgt.s32 v2, $0x0  }
0x4d: {  	v2 =	vnsel vm1, $0x0, v2;
	_ =	sdelay $0x4  }
0x4e: {  	[tilespmem:v2+s12+$0x0] =	vst.idx.add.f32.msk vm0, v1  }
0x4f: {  	v2 =	vld [tilespmem:s25+$0x10];
	_ =	sdelay $0x4  }
0x50: {  	vm10 =	vgt.s32 v2, $0xFFFFFFFF;
	vm11 =	vgt.s32 v2, $0x0  }
0x51: {  	v2 =	vnsel vm11, $0x0, v2;
	_ =	sdelay $0x4  }
0x52: {  	[tilespmem:v2+s12+$0x0] =	vst.idx.add.f32.msk vm10, v1  }
0x53: {  	v2 =	vld [tilespmem:s25+$0x20];
	_ =	sdelay $0x4  }
0x54: {  	vm12 =	vgt.s32 v2, $0xFFFFFFFF;
	vm13 =	vgt.s32 v2, $0x0  }
0x55: {  	v2 =	vnsel vm13, $0x0, v2;
	_ =	sdelay $0x4  }
0x56: {  	[tilespmem:v2+s12+$0x0] =	vst.idx.add.f32.msk vm12, v1  }
0x57: {  	v2 =	vld [tilespmem:s25+$0x30];
	_ =	sdelay $0x4  }
0x58: {  	vm14 =	vgt.s32 v2, $0xFFFFFFFF;
	vm15 =	vgt.s32 v2, $0x0  }
0x59: {  	p0 =	sne.s32 s24, $0x4F00;
	v2 =	vnsel vm15, $0x0, v2  }
.Ltmp1:
0x5a: {  	_ = 	snop;
	(pc) =	sbr.rel @p0 .LBB2_4-.Ltmp1, $2  }
0x5b: {  	_ =	sdelay $0x2  }
0x5c: {  	s24 =	sadd.s32 $0x100, s24;
	[tilespmem:v2+s12+$0x0] =	vst.idx.add.f32.msk vm14, v1  }
0x5d: {  	[spmem:s2] =	stream.indirect.scatter.add.f32 [tilespmem:s12], [sflag:$0x1], $0x10, s9, s13, $0xb8;
	[tilespmem:$0x4380] =	vst v63  }
0x5e: {  	_ =	swait.ge [sflag:s10], $0x800  }
0x5f: {  	[sflag:s10] =	ssyncset.done $0x0  }
0x60: {  	[sflag:s10] =	ssyncadd.s32 $0xFFFFF800  }
0x61: {  	[spmem:s2] =	stream.indirect.scatter.add.f32 [tilespmem:s15], [sflag:$0x1], $0x10, s14, s13, $0xb8;
	[tilespmem:$0x4380] =	vst v63  }
0x62: {  	_ =	swait.ge [sflag:s10], $0x800  }
0x63: {  	[sflag:s10] =	ssyncset.done $0x0  }
0x64: {  	[sflag:s10] =	ssyncadd.s32 $0xFFFFF800  }
0x65: {  	[spmem:s2] =	stream.indirect.scatter.add.f32 [tilespmem:s17], [sflag:$0x1], $0x10, s16, s13, $0xb8;
	[tilespmem:$0x4380] =	vst v63  }
0x66: {  	_ =	swait.ge [sflag:s10], $0x800  }
0x67: {  	[sflag:s10] =	ssyncset.done $0x0  }
0x68: {  	[sflag:s10] =	ssyncadd.s32 $0xFFFFF800  }
0x69: {  	[spmem:s2] =	stream.indirect.scatter.add.f32 [tilespmem:s19], [sflag:$0x1], $0x10, s18, s13, $0xb8;
	[tilespmem:$0x4380] =	vst v63  }
0x6a: {  	_ =	swait.ge [sflag:s10], $0x800  }
0x6b: {  	[sflag:s10] =	ssyncset.done $0x0  }
0x6c: {  	[sflag:s10] =	ssyncadd.s32 $0xFFFFF800  }
0x6d: {  	[spmem:s2] =	stream.indirect.scatter.add.f32 [tilespmem:s21], [sflag:$0x1], $0x10, s20, s13, $0xb8;
	[tilespmem:$0x4380] =	vst v63  }
0x6e: {  	_ =	swait.ge [sflag:s10], $0x800  }
0x6f: {  	s23 =	sadd.s32 $0x1, s23;
	[sflag:s10] =	ssyncset.done $0x0  }
0x70: {  	p0 =	sne.s32 s23, s8;
	[sflag:s10] =	ssyncadd.s32 $0xFFFFF800  }
.Ltmp2:
0x71: {  	s24 =	sshrl.u32 s6, $0x3;
	[bflag:$0x0] =	sbarrier.arrive $0xFFFF;
	(pc) =	sbr.rel @p0 .LBB2_1-.Ltmp2, $4  }
0x72: {  	[hbm:s7], [sflag:s22] =	dma.local [spmem:s24], $0x50  }
0x73: {  	_ =	swait.ge [sflag:s10], $0x50  }
0x74: {  	[sflag:s10] =	ssyncset.done $0x0  }
0x75: {  	[sflag:s10] =	ssyncadd.s32 $0xFFFFFFB0  }
0x76: {  	_ =	sfence.sel $0x180000  }
0x77: {  	[bflag:$0x0] =	sbarrier.arrive $0xFFFF  }
0x78: {  	p0 =	sne.s32 s1, $0x0;
	_ =	strace $0x90000047  }
0x79: {  	s0 =	sadd.s32 @!p0 $0x100000, s0;
	[bflag:$0x2] =	sbarrier.arrive $0xFFFF  }
0x7a: {  	[sflag:s0] =	ssyncadd.tile.s32 @!p0 $0x1;
	_ =	shalt  }
.Lfunc_end2:
_tile_overlayer_lowered:
.L_overlay_start_2:
0x7b: {  	(tag) =	ssettag $0x2  }
0x7c: {  	s0 =	rddreg [dreg:$0x0];
	s2 =	stileid.u32  }
0x7d: {  	s1 =	rddreg [dreg:$0x1];
	p0 =	sne.s32 s2, $0x0  }
0x7e: {  	s3 =	rddreg [dreg:$0x2];
	[bflag:$0x3] =	sbarrier.arrive $0xFFFF;
	s2 =	simm.s32 @!p0 $0x1C01  }
0x7f: {  	[timem:s3], [sflag:s2] =	dma.local @!p0 [hbm:s0], s1  }
0x80: {  	s0 =	simm.s32 @!p0 $0x1  }
0x81: {  	_ =	swait.ge @!p0 [sflag:s0], s1  }
0x82: {  	s1 =	ssub.s32 @!p0 $0x0, s1;
	[sflag:s0] =	ssyncset.done @!p0 $0x0  }
0x83: {  	[sflag:s0] =	ssyncadd.s32 @!p0 s1  }
0x84: {  	[bflag:$0x3] =	sbarrier.arrive $0xFFFF  }
0x85: {  	_ =	shalt  }

// kernel: kernel.16.cloned.1.call-start
scs
__scs_entry_jumppad:
0x0: {  	(pc) =	sbr.rel $0x88, $3  }
0x1: {  	(tag) =	ssettag $0x0;
	lr =	simm.s32 $0x1  }
0x2: {  	[smem:$0x3F94] =	sst lr;
	_ =	strace $0xD0000000  }
0x3: {  	_ = 	snop  }
0x4: {  	_ = 	snop  }
0x5: {  	_ = 	snop  }
0x6: {  	_ = 	snop  }
0x7: {  	_ = 	snop  }
__scs_overlays_trampoline_lowered:
0x8: {  	[smem:$0x3FA3] =	sst s0  }
0x9: {  	[smem:$0x3FA4] =	sst s1  }
0xa: {  	[smem:$0x3FA5] =	sst s2  }
0xb: {  	[smem:$0x3FA6] =	sst s3  }
0xc: {  	[smem:$0x3FA7] =	sst s4  }
0xd: {  	[smem:$0x3FA8] =	sst s5  }
0xe: {  	[smem:$0x3FA9] =	sst s6  }
0xf: {  	[smem:$0x3FAA] =	sst s7  }
0x10: {  	[smem:$0x3FAB] =	sst s8  }
0x11: {  	[smem:$0x3FAC] =	sst s9;
	s0 =	simm.s32 @!p0 $0x0  }
0x12: {  	s1 =	sld [smem:$0x3F92];
	s0 =	simm.s32 @p0 $0x1  }
0x13: {  	[smem:$0x3FAD] =	sst s0;
	s0 =	simm.s32 @!p1 $0x0  }
0x14: {  	s2 =	sld [smem:$0x3F91];
	s0 =	simm.s32 @p1 $0x1  }
0x15: {  	[smem:$0x3FAE] =	sst s0;
	s0 =	simm.s32 @!p2 $0x0  }
0x16: {  	s3 =	sld [smem:$0x3FDB];
	s0 =	simm.s32 @p2 $0x1  }
0x17: {  	s4 =	simm.s32 $0x1BF5;
	[smem:$0x3FB0] =	sst s0  }
0x18: {  	s0 =	sld [smem:$0x3F93];
	_ =	swait.ge [sflag:s4], $0x0  }
0x19: {  	s7 =	sld [smem:$0x3F94]  }
0x1a: {  	s8 =	sadd.s32 $0xFFFFE003, lr  }
0x1b: {  	s9 =	sadd.s32 $0xFFFFFEF7, lr;
	s5 =	simm.s32 $0xFFFFFFFF;
	p2 =	slt.u32 s8, $0xFFFFF086  }
0x1c: {  	p1 =	slt.u32 s9, $0xF7A;
	s5 =	simm.s32 @!p2 $0x0  }
0x1d: {  	s5 =	simm.s32 @p1 $0x1;
	p0 =	seq.s32 s7, s2  }
0x1e: {  	s7 =	smul.u32 @!p0 $0xF7A, s2;
	p2 =	seq.s32 @!p0 s5, $0x0  }
0x1f: {  	s9 =	smul.u32 $0xF7A, s1;
	s8 =	simm.s32 @!p0 $0x1BF5;
	p2 =	por !p2, p0  }
0x20: {  	[sflag:s8] =	ssyncset.s32 @!p0 $0xFFFFF086;
	s6 =	sadd.s32 @!p0 s3, s7;
	s7 =	simm.s32 @!p0 $0x108  }
0x21: {  	s3 =	sadd.s32 s3, s9;
	s6 =	sadd.s32 @!p0 $0x88, s6;
	s7 =	simm.s32 @p2 $0x1082  }
0x22: {  	[simem:s7], [sflag:s8] =	dma.local @!p0 [hbm:s6], $0xF7A  }
0x23: {  	s9 =	sor.u32 $0xD0000000, s2;
	s6 =	simm.s32 $0x108;
	_ =	swait.ge @!p0 [sflag:s8], $0x0  }
0x24: {  	s3 =	sadd.s32 $0x88, s3;
	s6 =	simm.s32 @!p1 $0x1082;
	[sflag:s4] =	ssyncset.s32 $0xFFFFF086  }
0x25: {  	[simem:s6], [sflag:s4] =	dma.local [hbm:s3], $0xF7A  }
0x26: {  	[smem:$0x3F94] =	sst s1;
	(tag) =	ssettag s2;
	_ =	strace s9  }
0x27: {  	s1 =	sld [smem:$0x3FA4]  }
0x28: {  	s2 =	sld [smem:$0x3FA5]  }
0x29: {  	s4 =	sld [smem:$0x3FA7]  }
0x2a: {  	p0 =	seq.s32 s5, $0x0;
	s5 =	sld [smem:$0x3FA8]  }
0x2b: {  	s6 =	sld [smem:$0x3FA9]  }
0x2c: {  	s7 =	sld [smem:$0x3FAA]  }
0x2d: {  	s3 =	simm.s32 $0x108;
	s8 =	sld [smem:$0x3FAB]  }
0x2e: {  	s3 =	simm.s32 @!p0 $0x1082;
	s9 =	sld [smem:$0x3FAC]  }
0x2f: {  	lr =	sadd.s32 s0, s3;
	s0 =	sld [smem:$0x3FA3]  }
0x30: {  	s3 =	sld [smem:$0x3FA6]  }
0x31: {  	[smem:$0x3FAF] =	sst s10  }
0x32: {  	s10 =	sld [smem:$0x3FAD];
	_ =	sdelay $0x3  }
0x33: {  	p0 =	seq.s32 s10, $0x1;
	s10 =	sld [smem:$0x3FAF];
	_ =	sdelay $0x3  }
0x34: {  	[smem:$0x3FAF] =	sst s10  }
0x35: {  	s10 =	sld [smem:$0x3FAE];
	_ =	sdelay $0x3  }
0x36: {  	p1 =	seq.s32 s10, $0x1;
	s10 =	sld [smem:$0x3FAF];
	_ =	sdelay $0x3  }
0x37: {  	[smem:$0x3FAF] =	sst s10  }
0x38: {  	s10 =	sld [smem:$0x3FB0]  }
0x39: {  	_ = 	snop;
	(pc) =	sbr.ind lr, $3  }
0x3a: {  	_ = 	snop  }
0x3b: {  	_ = 	snop  }
0x3c: {  	p2 =	seq.s32 s10, $0x1;
	s10 =	sld [smem:$0x3FAF]  }
0x3d: {  	_ =	shalt  }
0x3e: {  	_ =	shalt  }
0x3f: {  	_ =	shalt  }
0x40: {  	_ =	shalt  }
0x41: {  	_ =	shalt  }
0x42: {  	_ =	shalt  }
0x43: {  	_ =	shalt  }
0x44: {  	_ =	shalt  }
0x45: {  	_ =	shalt  }
0x46: {  	_ =	shalt  }
0x47: {  	_ =	shalt  }
0x48: {  	_ =	shalt  }
0x49: {  	_ =	shalt  }
0x4a: {  	_ =	shalt  }
0x4b: {  	_ =	shalt  }
0x4c: {  	_ =	shalt  }
0x4d: {  	_ =	shalt  }
0x4e: {  	_ =	shalt  }
0x4f: {  	_ =	shalt  }
0x50: {  	_ =	shalt  }
0x51: {  	_ =	shalt  }
0x52: {  	_ =	shalt  }
0x53: {  	_ =	shalt  }
0x54: {  	_ =	shalt  }
0x55: {  	_ =	shalt  }
0x56: {  	_ =	shalt  }
0x57: {  	_ =	shalt  }
0x58: {  	_ =	shalt  }
0x59: {  	_ =	shalt  }
0x5a: {  	_ =	shalt  }
0x5b: {  	_ =	shalt  }
0x5c: {  	_ =	shalt  }
0x5d: {  	_ =	shalt  }
0x5e: {  	_ =	shalt  }
0x5f: {  	_ =	shalt  }
0x60: {  	_ =	shalt  }
0x61: {  	_ =	shalt  }
0x62: {  	_ =	shalt  }
0x63: {  	_ =	shalt  }
0x64: {  	_ =	shalt  }
0x65: {  	_ =	shalt  }
0x66: {  	_ =	shalt  }
0x67: {  	_ =	shalt  }
0x68: {  	_ =	shalt  }
0x69: {  	_ =	shalt  }
0x6a: {  	_ =	shalt  }
0x6b: {  	_ =	shalt  }
0x6c: {  	_ =	shalt  }
0x6d: {  	_ =	shalt  }
0x6e: {  	_ =	shalt  }
0x6f: {  	_ =	shalt  }
0x70: {  	_ =	shalt  }
0x71: {  	_ =	shalt  }
0x72: {  	_ =	shalt  }
0x73: {  	_ =	shalt  }
0x74: {  	_ =	shalt  }
0x75: {  	_ =	shalt  }
0x76: {  	_ =	shalt  }
0x77: {  	_ =	shalt  }
0x78: {  	_ =	shalt  }
0x79: {  	_ =	shalt  }
0x7a: {  	_ =	shalt  }
0x7b: {  	_ =	shalt  }
0x7c: {  	_ =	shalt  }
0x7d: {  	_ =	shalt  }
0x7e: {  	_ =	shalt  }
0x7f: {  	_ =	shalt  }
0x80: {  	_ =	shalt  }
0x81: {  	_ =	shalt  }
0x82: {  	_ =	shalt  }
0x83: {  	_ =	shalt  }
0x84: {  	_ =	shalt  }
0x85: {  	_ =	shalt  }
0x86: {  	_ =	shalt  }
0x87: {  	_ =	shalt  }
.Lfunc_end0:
.L_simem_size_0:
called_computation.1_lowered:
.L_overlay_start_0:
0x88: {  	s2 =	sld [smem:$0x3FD9]  }
0x89: {  	s3 =	sld [smem:$0x3FFE];
	_ =	sdelay $0x1  }
0x8a: {  	s1 =	srdreg.scid  }
0x8b: {  	s0 =	sand.u32 $0x1, s1  }
0x8c: {  	s17 =	sshll.u32 s0, $0xA;
	s2 =	sadd.s32 s3, s2  }
0x8d: {  	s2 =	sadd.s32 s2, s17  }
0x8e: {  	[smem:$0x3FBB] =	sst s2  }
0x8f: {  	_ = 	snop  }
0x90: {  	(tm) =	ssettm $0x1  }
0x91: {  	s18 =	sld [smem:$0x3FFB];
	_ =	sdelay $0x3  }
0x92: {  	_ =	strace s18  }
0x93: {  	s2 =	sld [smem:$0x3FFC];
	_ =	sdelay $0x3  }
0x94: {  	_ =	strace s2  }
0x95: {  	s2 =	sld [smem:$0x3FFD];
	_ =	sdelay $0x3  }
0x96: {  	_ =	strace s2  }
0x97: {  	_ =	strace $0x8FFFFFFF  }
0x98: {  	s19 =	sld [smem:$0x3FDB];
	_ =	sdelay $0x1  }
0x99: {  	s20 =	simm.s32 $_scs_section_size  }
0x9a: {  	s4 =	simm.s32 $_size__tile_overlayer_lowered;
	s5 =	simm.s32 $_tile_overlayer_lowered  }
0x9b: {  	s6 =	simm.s32 $0x1BFF;
	s21 =	sshll.u32 s5, $0x1;
	s3 =	sadd.s32 s20, s19  }
0x9c: {  	s22 =	simm.s32 $0x0;
	s4 =	sshll.u32 s4, $0x1;
	s5 =	sadd.s32 s21, s3  }
0x9d: {  	[timem:s22], [sflag:s6] =	dma.local [hbm:s5], s4  }
0x9e: {  	_ =	swait.ge [sflag:s6], s4  }
0x9f: {  	s4 =	ssub.s32 $0x0, s4;
	[sflag:s6] =	ssyncset.done $0x0  }
0xa0: {  	[sflag:s6] =	ssyncadd.s32 s4;
	_ =	sdelay $0x1  }
0xa1: {  	s23 =	simm.s32 $0x1B8B  }
0xa2: {  	_ =	swait.ge [sflag:s23], $0x1  }
0xa3: {  	[sflag:s23] =	ssyncset.done $0x0  }
0xa4: {  	[sflag:s23] =	ssyncadd.s32 $0xFFFFFFFF  }
0xa5: {  	s4 =	sld [smem:$0x0]  }
0xa6: {  	s5 =	sand.u32 $0xFFFFFFFE, s1  }
0xa7: {  	p0 =	sne.s32 s1, s5  }
0xa8: {  	s5 =	sshll.u32 @p0 s5, $0xE  }
0xa9: {  	s5 =	sadd.s32 @p0 $0x11B8D, s5;
	s6 =	sshll.u32 @p0 s4, $0x11  }
0xaa: {  	s5 =	sor.u32 @p0 s6, s5  }
0xab: {  	[sflag:s5] =	ssyncadd.remote.s32 @p0 $0x1;
	_ =	sdelay $0x1  }
0xac: {  	s5 =	simm.s32 @p0 $0x1B8D  }
0xad: {  	_ =	swait.eq @p0 [sflag:s5], $0x1  }
0xae: {  	[sflag:s5] =	ssyncadd.s32 @p0 $0xFFFFFFFF  }
0xaf: {  	s6 =	sshll.u32 @!p0 s1, $0xE  }
0xb0: {  	s6 =	sor.u32 @!p0 $0x4000, s6;
	s5 =	simm.s32 @!p0 $0x1B8D  }
0xb1: {  	s4 =	sshll.u32 @!p0 s4, $0x11;
	s6 =	sadd.s32 @!p0 $0x11B8D, s6;
	_ =	swait.eq @!p0 [sflag:s5], $0x1  }
0xb2: {  	s4 =	sor.u32 @!p0 s4, s6;
	[sflag:s5] =	ssyncadd.s32 @!p0 $0xFFFFFFFF  }
0xb3: {  	s25 =	simm.s32 $0x1B8E;
	s24 =	sld [smem:$0x3FFE];
	[sflag:s4] =	ssyncadd.remote.s32 @!p0 $0x1  }
0xb4: {  	s26 =	simm.s32 $execute0_lowered;
	[smem:$0x3FD2] =	sst s25  }
0xb5: {  	s5 =	sshll.u32 s26, $0x1;
	_ =	strace $0x8000004C;
	[dreg:$0x1] =	wrdreg $0xFFFFFFFF  }
0xb6: {  	s28 =	simm.s32 $_size_execute0_lowered;
	s3 =	sadd.s32 s3, s5;
	[dreg:$0x0] =	wrdreg $0x0  }
0xb7: {  	s5 =	sshll.u32 s28, $0x1;
	[dreg:$0x2] =	wrdreg s3  }
0xb8: {  	[dreg:$0x3] =	wrdreg s5  }
0xb9: {  	[dreg:$0x4] =	wrdreg $0xC0  }
0xba: {  	_ =	task [dreg:s22], $0x5FFFF  }
0xbb: {  	[dreg:$0x1] =	wrdreg $0xFFFFFFFF  }
0xbc: {  	[dreg:$0x0] =	wrdreg $0x60  }
0xbd: {  	[dreg:$0x2] =	wrdreg s24  }
0xbe: {  	[dreg:$0x3] =	wrdreg $0x69100  }
0xbf: {  	[dreg:$0x4] =	wrdreg $0x6B900  }
0xc0: {  	[dreg:$0x5] =	wrdreg $0x9  }
0xc1: {  	_ =	task.clear_ibuf [dreg:s22], $0x6FFFF;
	_ =	strace $0x9000004C  }
0xc2: {  	s29 =	simm.s32 $0x9;
	_ =	strace $0x8000004E  }
0xc3: {  	_ =	swait.ge [sflag:s29], $0x1  }
0xc4: {  	[sflag:s29] =	ssyncadd.s32 $0xFFFFFFFF  }
0xc5: {  	_ =	strace $0x9000004E  }
0xc6: {  	_ =	sfence  }
0xc7: {  	s30 =	sld [smem:$0x0];
	_ =	sdelay $0x2  }
0xc8: {  	s31 =	sshll.u32 s1, $0xD;
	s1 =	sshrl.u32 s1, $0x2  }
0xc9: {  	s4 =	sand.u32 $0x4000, s31;
	s1 =	sadd.s32 s1, s30  }
0xca: {  	s0 =	sor.u32 s4, s0;
	s1 =	sshll.u32 s1, $0x11  }
0xcb: {  	s0 =	sor.u32 s1, s0  }
0xcc: {  	s0 =	sadd.s32 $0x8F2B, s0  }
0xcd: {  	[sflag:s0] =	ssyncadd.remote.s32 $0x1  }
0xce: {  	_ =	sfence.sel $0xFFFF  }
0xcf: {  	[dreg:$0x0] =	wrdreg $0xFFFFFFFF;
	(pc) =	sbr.abs _section_cstart, $3  }
0xd0: {  	[dreg:$0x1] =	wrdreg $0xFFFFFFFF  }
0xd1: {  	_ =	task.clear_ibuf [dreg:s22], $0x2FFFF;
	_ =	strace $0x9FFFFFFF  }
0xd2: {  	(tm) =	ssettm $0x7FFFFFFF  }
0xd3: {  	_ =	shalt  }
tec
execute0_lowered:
.L_overlay_start_1:
0x0: {  	(tag) =	ssettag $0x1  }
0x1: {  	s0 =	rddreg [dreg:$0x0]  }
0x2: {  	s1 =	rddreg [dreg:$0x1]  }
0x3: {  	s2 =	rddreg [dreg:$0x2];
	s3 =	srdreg.scid;
	s4 =	simm.s32 $0x0  }
0x4: {  	s13 =	stileid.u32;
	s19 =	simm.s32 $0x1;
	s20 =	simm.s32 $0x6400  }
0x5: {  	s28 =	simm.s32 $0x2400;
	s29 =	simm.s32 $0x6580;
	s30 =	simm.s32 $0x2C00  }
0x6: {  	s31 =	simm.s32 $0x6600;
	s18 =	simm.s32 $0xA00;
	s3 =	sand.u32 $0x1, s3  }
0x7: {  	[smem:$0x7FF] =	sst s4;
	s5 =	sadd.s32 $0x13000, s0;
	s7 =	sadd.s32 $0x4000, s0  }
0x8: {  	s9 =	sadd.s32 $0x3E00, s0;
	s21 =	sadd.s32 $0x10D000, s0;
	s12 =	smul.u32 $0x280, s13  }
0x9: {  	s25 =	smul.u32 $0x140, s13;
	_ =	strace $0x8000004D;
	[dreg:$0x4] =	wrdreg s9  }
0xa: {  	s6 =	sshll.u32 s3, $0x4;
	[dreg:$0x5] =	wrdreg s21;
	s22 =	ssub.s32 $0x2, s3  }
0xb: {  	s3 =	smul.u32 $0x1400, s3;
	s21 =	simm.s32 $0x6680;
	s8 =	sor.u32 s13, s6  }
0xc: {  	s6 =	sadd.s32 $0x18000, s0;
	s11 =	sshrl.u32 s22, $0x1;
	s23 =	sadd.s32 s12, s1  }
0xd: {  	s24 =	sadd.s32 s12, s2;
	s12 =	smul.u32 $0xA0, s13;
	[dreg:$0x6] =	wrdreg s23  }
0xe: {  	s8 =	smul.u32 $0x140, s8;
	s9 =	ssub.s32 s22, s11;
	[dreg:$0x7] =	wrdreg s24  }
0xf: {  	s17 =	sadd.s32 s25, s3;
	s22 =	simm.s32 $0x1400;
	s23 =	simm.s32 $0x80  }
0x10: {  	s24 =	simm.s32 $0x6480;
	s25 =	simm.s32 $0x1C00;
	s3 =	simm.s32 $0x3C00  }
0x11: {  	s16 =	smax.u32 s9, $0x1;
	s10 =	sshrl.u32 s8, $0x3;
	s26 =	sadd.s32 s8, s1  }
0x12: {  	s8 =	sadd.s32 s8, s2;
	s0 =	sadd.s32 s10, s0;
	[dreg:$0x8] =	wrdreg s26  }
0x13: {  	[dreg:$0x9] =	wrdreg s8;
	s26 =	simm.s32 $0x6500;
	s0 =	sadd.s32 $0x10D200, s0  }
0x14: {  	v0 =	vimm.f32 $0.0e+00;
	v1 =	vimm.f32 $1.000000000e+00;
	v2 =	vlaneseq.u32;
	s8 =	simm.s32 $0x0;
	[dreg:$0xa] =	wrdreg s0;
	s0 =	simm.s32 $0x3400  }
.LBB2_1:
0x15: {  	s9 =	rddreg [dreg:$0x5];
	s10 =	simm.s32 $0x6900  }
0x16: {  	[tilespmem:s10], [sflag:$0x1] =	stream.linear.gather [hbm4b:s9+s4], $0x10, $0x38;
	[tilespmem:$0x6E10] =	vst v63  }
0x17: {  	_ =	swait.ge [sflag:s19], $0x10  }
0x18: {  	[sflag:s19] =	ssyncset.done $0x0  }
0x19: {  	s15 =	rddreg [dreg:$0x4];
	[sflag:s19] =	ssyncadd.s32 $0xFFFFFFF0  }
0x1a: {  	[tilespmem:s20], [sflag:$0x1] =	stream.linear.gather [hbm4b:s15+s4], $0x280, $0x38;
	[tilespmem:$0x6E10] =	vst v63  }
0x1b: {  	_ =	swait.ge [sflag:s19], $0x280  }
0x1c: {  	[sflag:s19] =	ssyncset.done $0x0  }
0x1d: {  	[sflag:s19] =	ssyncadd.s32 $0xFFFFFD80  }
0x1e: {  	[tilespmem:$0x6680] =	vst v0  }
0x1f: {  	[tilespmem:$0x6690] =	vst v0  }
0x20: {  	[tilespmem:$0x66A0] =	vst v0  }
0x21: {  	[tilespmem:$0x66B0] =	vst v0  }
0x22: {  	[tilespmem:$0x66C0] =	vst v0  }
0x23: {  	[tilespmem:$0x66D0] =	vst v0  }
0x24: {  	[tilespmem:$0x66E0] =	vst v0  }
0x25: {  	[tilespmem:$0x66F0] =	vst v0  }
0x26: {  	[tilespmem:$0x6700] =	vst v0  }
0x27: {  	[tilespmem:$0x6710] =	vst v0  }
0x28: {  	[tilespmem:$0x6720] =	vst v0  }
0x29: {  	[tilespmem:$0x6730] =	vst v0  }
0x2a: {  	[tilespmem:$0x6740] =	vst v0  }
0x2b: {  	[tilespmem:$0x6750] =	vst v0  }
0x2c: {  	[tilespmem:$0x6760] =	vst v0  }
0x2d: {  	[tilespmem:$0x6770] =	vst v0  }
0x2e: {  	[tilespmem:$0x6780] =	vst v0  }
0x2f: {  	[tilespmem:$0x6790] =	vst v0  }
0x30: {  	[tilespmem:$0x67A0] =	vst v0  }
0x31: {  	[tilespmem:$0x67B0] =	vst v0  }
0x32: {  	[tilespmem:$0x67C0] =	vst v0  }
0x33: {  	[tilespmem:$0x67D0] =	vst v0  }
0x34: {  	[tilespmem:$0x67E0] =	vst v0  }
0x35: {  	[tilespmem:$0x67F0] =	vst v0  }
0x36: {  	[tilespmem:$0x6800] =	vst v0  }
0x37: {  	[tilespmem:$0x6810] =	vst v0  }
0x38: {  	[tilespmem:$0x6820] =	vst v0  }
0x39: {  	[tilespmem:$0x6830] =	vst v0  }
0x3a: {  	[tilespmem:$0x6840] =	vst v0  }
0x3b: {  	[tilespmem:$0x6850] =	vst v0  }
0x3c: {  	[tilespmem:$0x6860] =	vst v0  }
0x3d: {  	[tilespmem:$0x6870] =	vst v0  }
0x3e: {  	[tilespmem:$0x6880] =	vst v0  }
0x3f: {  	[tilespmem:$0x6890] =	vst v0  }
0x40: {  	[tilespmem:$0x68A0] =	vst v0  }
0x41: {  	[tilespmem:$0x68B0] =	vst v0  }
0x42: {  	[tilespmem:$0x68C0] =	vst v0  }
0x43: {  	[tilespmem:$0x68D0] =	vst v0  }
0x44: {  	[tilespmem:$0x68E0] =	vst v0  }
0x45: {  	s9 =	simm.s32 $0x40;
	s10 =	simm.s32 $0x0;
	[tilespmem:$0x68F0] =	vst v0  }
.LBB2_2:
0x46: {  	p0 =	sne.s32 s9, $0x9FC0;
	[tilespmem:s10+$0x1400] =	vst v0;
	s10 =	smov.u32 s9;
	s9 =	sadd.s32 $0x40, s9  }
.Ltmp0:
0x47: {  	(pc) =	sbr.rel @p0 .LBB2_2-.Ltmp0, $2  }
0x48: {  	_ =	sdelay $0x2  }
0x49: {  	s10 =	sshra.s32 s10, $0x2  }
0x4a: {  	[tilespmem:s10+$0x1400] =	vst v0;
	s9 =	rddreg [dreg:$0x6]  }
0x4b: {  	[spmem:s9] =	stream.linear.scatter [tilespmem:s21], [sflag:$0x1], $0x280, $0x38;
	[tilespmem:$0x6E10] =	vst v63  }
0x4c: {  	_ =	swait.ge [sflag:s19], $0x280  }
0x4d: {  	[sflag:s19] =	ssyncset.done $0x0  }
0x4e: {  	s15 =	rddreg [dreg:$0x7];
	[sflag:s19] =	ssyncadd.s32 $0xFFFFFD80  }
0x4f: {  	[spmem:s15] =	stream.linear.scatter [tilespmem:s21], [sflag:$0x1], $0x280, $0x38;
	[tilespmem:$0x6E10] =	vst v63  }
0x50: {  	_ =	swait.ge [sflag:s19], $0x280  }
0x51: {  	[sflag:s19] =	ssyncset.done $0x0  }
0x52: {  	[sflag:s19] =	ssyncadd.s32 $0xFFFFFD80  }
0x53: {  	s10 =	simm.s32 $0x0;
	s9 =	simm.s32 $0x0;
	[bflag:$0x0] =	sbarrier.arrive $0xFFFF  }
.LBB2_4:
0x54: {  	s11 =	smul.u32 $0x28, s10;
	_ =	sdelay $0x1  }
0x55: {  	s11 =	sadd.s32 s12, s11  }
0x56: {  	s11 =	sshll.u32 s11, $0x3  }
0x57: {  	s11 =	sadd.s32 s5, s11  }
0x58: {  	[tilespmem:s9], [sflag:$0x1] =	stream.linear.gather [hbm4b:s11+s9], $0xA00, $0x38;
	[tilespmem:$0x6E10] =	vst v63  }
0x59: {  	_ =	swait.ge [sflag:s19], $0xA00  }
0x5a: {  	[sflag:s19] =	ssyncset.done $0x0  }
0x5b: {  	s11 =	simm.s32 $0x0;
	[sflag:s19] =	ssyncadd.s32 $0xFFFFF600  }
.LBB2_5:
0x5c: {  	s13 =	sshra.s32 s11, $0x2  }
0x5d: {  	v3 =	vld [tilespmem:s13+$0x0];
	_ =	sdelay $0x4  }
0x5e: {  	vm0 =	vgt.s32 v3, $0xFFFFFFFF;
	vm1 =	vgt.s32 v3, $0x0  }
0x5f: {  	v3 =	vnsel vm1, $0x0, v3;
	_ =	sdelay $0x4  }
0x60: {  	[tilespmem:v3+s22+$0x0] =	vst.idx.msk vm0, v1  }
0x61: {  	v3 =	vld [tilespmem:s13+$0x10];
	_ =	sdelay $0x4  }
0x62: {  	vm10 =	vgt.s32 v3, $0xFFFFFFFF;
	vm11 =	vgt.s32 v3, $0x0  }
0x63: {  	v3 =	vnsel vm11, $0x0, v3;
	_ =	sdelay $0x4  }
0x64: {  	[tilespmem:v3+s22+$0x0] =	vst.idx.msk vm10, v1  }
0x65: {  	v3 =	vld [tilespmem:s13+$0x20];
	_ =	sdelay $0x4  }
0x66: {  	vm12 =	vgt.s32 v3, $0xFFFFFFFF;
	vm13 =	vgt.s32 v3, $0x0  }
0x67: {  	v3 =	vnsel vm13, $0x0, v3;
	_ =	sdelay $0x4  }
0x68: {  	[tilespmem:v3+s22+$0x0] =	vst.idx.msk vm12, v1  }
0x69: {  	v3 =	vld [tilespmem:s13+$0x30];
	_ =	sdelay $0x4  }
0x6a: {  	vm14 =	vgt.s32 v3, $0xFFFFFFFF;
	vm15 =	vgt.s32 v3, $0x0  }
0x6b: {  	p0 =	sne.s32 s11, $0x2700;
	v3 =	vnsel vm15, $0x0, v3  }
.Ltmp1:
0x6c: {  	_ = 	snop;
	(pc) =	sbr.rel @p0 .LBB2_5-.Ltmp1, $2  }
0x6d: {  	_ =	sdelay $0x2  }
0x6e: {  	s11 =	sadd.s32 $0x100, s11;
	[tilespmem:v3+s22+$0x0] =	vst.idx.msk vm14, v1  }
0x6f: {  	s10 =	sadd.s32 $0x1, s10  }
0x70: {  	p0 =	sne.s32 s10, $0x4  }
.Ltmp2:
0x71: {  	_ = 	snop;
	(pc) =	sbr.rel @p0 .LBB2_4-.Ltmp2, $1  }
0x72: {  	_ =	sdelay $0x3  }
0x73: {  	[spmem:s1] =	stream.indirect.scatter.add.f32 [tilespmem:s22], [sflag:$0x1], $0x10, s20, s23, $0xb8;
	[tilespmem:$0x6E10] =	vst v63  }
0x74: {  	_ =	swait.ge [sflag:s19], $0x800  }
0x75: {  	[sflag:s19] =	ssyncset.done $0x0  }
0x76: {  	[sflag:s19] =	ssyncadd.s32 $0xFFFFF800  }
0x77: {  	[spmem:s1] =	stream.indirect.scatter.add.f32 [tilespmem:s25], [sflag:$0x1], $0x10, s24, s23, $0xb8;
	[tilespmem:$0x6E10] =	vst v63  }
0x78: {  	_ =	swait.ge [sflag:s19], $0x800  }
0x79: {  	[sflag:s19] =	ssyncset.done $0x0  }
0x7a: {  	[sflag:s19] =	ssyncadd.s32 $0xFFFFF800  }
0x7b: {  	[spmem:s1] =	stream.indirect.scatter.add.f32 [tilespmem:s28], [sflag:$0x1], $0x10, s26, s23, $0xb8;
	[tilespmem:$0x6E10] =	vst v63  }
0x7c: {  	_ =	swait.ge [sflag:s19], $0x800  }
0x7d: {  	[sflag:s19] =	ssyncset.done $0x0  }
0x7e: {  	[sflag:s19] =	ssyncadd.s32 $0xFFFFF800  }
0x7f: {  	[spmem:s1] =	stream.indirect.scatter.add.f32 [tilespmem:s30], [sflag:$0x1], $0x10, s29, s23, $0xb8;
	[tilespmem:$0x6E10] =	vst v63  }
0x80: {  	_ =	swait.ge [sflag:s19], $0x800  }
0x81: {  	[sflag:s19] =	ssyncset.done $0x0  }
0x82: {  	[sflag:s19] =	ssyncadd.s32 $0xFFFFF800  }
0x83: {  	[spmem:s1] =	stream.indirect.scatter.add.f32 [tilespmem:s0], [sflag:$0x1], $0x10, s31, s23, $0xb8;
	[tilespmem:$0x6E10] =	vst v63  }
0x84: {  	_ =	swait.ge [sflag:s19], $0x800  }
0x85: {  	[sflag:s19] =	ssyncset.done $0x0  }
0x86: {  	[sflag:s19] =	ssyncadd.s32 $0xFFFFF800  }
0x87: {  	[bflag:$0x0] =	sbarrier.arrive $0xFFFF  }
0x88: {  	v3 =	vld [tilespmem:$0x6900];
	[tilespmem:s3], [sflag:$0x1] =	stream.linear.gather [spmem:s1], $0x2800, $0x38  }
0x89: {  	_ =	swait.ge [sflag:s19], $0x2800  }
0x8a: {  	s9 =	simm.s32 $0x0;
	[sflag:s19] =	ssyncset.done $0x0  }
0x8b: {  	s10 =	simm.s32 $0x40;
	s11 =	simm.s32 $0x0;
	[sflag:s19] =	ssyncadd.s32 $0xFFFFD800  }
.LBB2_8:
0x8c: {  	p0 =	sne.s32 s10, $0x9FC0;
	[tilespmem:s11+$0x1400] =	vst v0;
	s11 =	smov.u32 s10;
	s10 =	sadd.s32 $0x40, s10  }
.Ltmp3:
0x8d: {  	(pc) =	sbr.rel @p0 .LBB2_8-.Ltmp3, $2  }
0x8e: {  	_ =	sdelay $0x2  }
0x8f: {  	s11 =	sshra.s32 s11, $0x2  }
0x90: {  	[tilespmem:s11+$0x1400] =	vst v0  }
.LBB2_10:
0x91: {  	s10 =	smul.u32 $0x28, s9;
	_ =	sdelay $0x1  }
0x92: {  	s10 =	sadd.s32 s12, s10  }
0x93: {  	s11 =	sshll.u32 s10, $0x3  }
0x94: {  	s10 =	simm.s32 $0x0;
	s13 =	sadd.s32 s6, s11  }
0x95: {  	[tilespmem:s10], [sflag:$0x1] =	stream.linear.gather [hbm4b:s13+s10], $0xA00, $0x38;
	[tilespmem:$0x6E10] =	vst v63  }
0x96: {  	_ =	swait.ge [sflag:s19], $0xA00  }
0x97: {  	[sflag:s19] =	ssyncset.done $0x0  }
0x98: {  	s11 =	sadd.s32 s7, s11;
	[sflag:s19] =	ssyncadd.s32 $0xFFFFF600  }
0x99: {  	[tilespmem:s18], [sflag:$0x1] =	stream.linear.gather [hbm4b:s11+s10], $0xA00, $0x38;
	[tilespmem:$0x6E10] =	vst v63  }
0x9a: {  	_ =	swait.ge [sflag:s19], $0xA00  }
0x9b: {  	[sflag:s19] =	ssyncset.done $0x0  }
0x9c: {  	[sflag:s19] =	ssyncadd.s32 $0xFFFFF600  }
.LBB2_11:
0x9d: {  	s11 =	sshra.s32 s10, $0x2  }
0x9e: {  	v4 =	vld [tilespmem:s11+$0xA00];
	_ =	sdelay $0x4  }
0x9f: {  	vm0 =	vgt.s32 v4, $0x0  }
0xa0: {  	v5 =	vnsel vm0, $0x0, v4;
	_ =	sdelay $0x4  }
0xa1: {  	v5 =	vld.idx.msk [tilespmem:v5+s3+$0x0], $0xffff;
	_ =	sdelay $0x4  }
0xa2: {  	v6 =	vld [tilespmem:s11+$0x0];
	vm1 =	veq.s32 v4, v3;
	vm14 =	vgt.f32 v5, $0.0e+00  }
0xa3: {  	vm15 =	vgt.s32 v4, $0xFFFFFFFF;
	vm0 =	vmor vm1, vm14  }
0xa4: {  	vm0 =	vmand vm15, vm0;
	_ =	sdelay $0x5  }
0xa5: {  	[tilespmem:v6+s22+$0x0] =	vst.idx.msk vm0, v1  }
0xa6: {  	v4 =	vld [tilespmem:s11+$0xA10];
	_ =	sdelay $0x4  }
0xa7: {  	vm4 =	vgt.s32 v4, $0x0  }
0xa8: {  	v5 =	vnsel vm4, $0x0, v4;
	_ =	sdelay $0x4  }
0xa9: {  	v5 =	vld.idx.msk [tilespmem:v5+s3+$0x0], $0xffff;
	_ =	sdelay $0x4  }
0xaa: {  	v6 =	vld [tilespmem:s11+$0x10];
	vm6 =	veq.s32 v4, v3;
	vm5 =	vgt.f32 v5, $0.0e+00  }
0xab: {  	vm7 =	vgt.s32 v4, $0xFFFFFFFF;
	vm0 =	vmor vm6, vm5  }
0xac: {  	vm0 =	vmand vm7, vm0;
	_ =	sdelay $0x5  }
0xad: {  	[tilespmem:v6+s22+$0x0] =	vst.idx.msk vm0, v1  }
0xae: {  	v4 =	vld [tilespmem:s11+$0xA20];
	_ =	sdelay $0x4  }
0xaf: {  	vm8 =	vgt.s32 v4, $0x0  }
0xb0: {  	v5 =	vnsel vm8, $0x0, v4;
	_ =	sdelay $0x4  }
0xb1: {  	v5 =	vld.idx.msk [tilespmem:v5+s3+$0x0], $0xffff;
	_ =	sdelay $0x4  }
0xb2: {  	v6 =	vld [tilespmem:s11+$0x20];
	vm10 =	veq.s32 v4, v3;
	vm9 =	vgt.f32 v5, $0.0e+00  }
0xb3: {  	vm11 =	vgt.s32 v4, $0xFFFFFFFF;
	vm0 =	vmor vm10, vm9  }
0xb4: {  	vm0 =	vmand vm11, vm0;
	_ =	sdelay $0x5  }
0xb5: {  	[tilespmem:v6+s22+$0x0] =	vst.idx.msk vm0, v1  }
0xb6: {  	v4 =	vld [tilespmem:s11+$0xA30];
	_ =	sdelay $0x4  }
0xb7: {  	vm12 =	vgt.s32 v4, $0x0  }
0xb8: {  	v5 =	vnsel vm12, $0x0, v4;
	_ =	sdelay $0x4  }
0xb9: {  	v5 =	vld.idx.msk [tilespmem:v5+s3+$0x0], $0xffff;
	_ =	sdelay $0x4  }
0xba: {  	v6 =	vld [tilespmem:s11+$0x30];
	vm14 =	veq.s32 v4, v3;
	vm13 =	vgt.f32 v5, $0.0e+00  }
0xbb: {  	vm15 =	vgt.s32 v4, $0xFFFFFFFF;
	vm0 =	vmor vm14, vm13  }
0xbc: {  	vm0 =	vmand vm15, vm0  }
0xbd: {  	p0 =	sne.s32 s10, $0x2700  }
.Ltmp4:
0xbe: {  	_ = 	snop;
	(pc) =	sbr.rel @p0 .LBB2_11-.Ltmp4, $2  }
0xbf: {  	_ =	sdelay $0x2  }
0xc0: {  	s10 =	sadd.s32 $0x100, s10;
	[tilespmem:v6+s22+$0x0] =	vst.idx.msk vm0, v1  }
0xc1: {  	s9 =	sadd.s32 $0x1, s9  }
0xc2: {  	p0 =	sne.s32 s9, $0x4  }
.Ltmp5:
0xc3: {  	_ = 	snop;
	(pc) =	sbr.rel @p0 .LBB2_10-.Ltmp5, $1  }
0xc4: {  	_ =	sdelay $0x3  }
0xc5: {  	[spmem:s2] =	stream.indirect.scatter.add.f32 [tilespmem:s22], [sflag:$0x1], $0x10, s20, s23, $0xb8;
	[tilespmem:$0x6E10] =	vst v63  }
0xc6: {  	_ =	swait.ge [sflag:s19], $0x800  }
0xc7: {  	[sflag:s19] =	ssyncset.done $0x0  }
0xc8: {  	[sflag:s19] =	ssyncadd.s32 $0xFFFFF800  }
0xc9: {  	[spmem:s2] =	stream.indirect.scatter.add.f32 [tilespmem:s25], [sflag:$0x1], $0x10, s24, s23, $0xb8;
	[tilespmem:$0x6E10] =	vst v63  }
0xca: {  	_ =	swait.ge [sflag:s19], $0x800  }
0xcb: {  	[sflag:s19] =	ssyncset.done $0x0  }
0xcc: {  	[sflag:s19] =	ssyncadd.s32 $0xFFFFF800  }
0xcd: {  	[spmem:s2] =	stream.indirect.scatter.add.f32 [tilespmem:s28], [sflag:$0x1], $0x10, s26, s23, $0xb8;
	[tilespmem:$0x6E10] =	vst v63  }
0xce: {  	_ =	swait.ge [sflag:s19], $0x800  }
0xcf: {  	[sflag:s19] =	ssyncset.done $0x0  }
0xd0: {  	[sflag:s19] =	ssyncadd.s32 $0xFFFFF800  }
0xd1: {  	[spmem:s2] =	stream.indirect.scatter.add.f32 [tilespmem:s30], [sflag:$0x1], $0x10, s29, s23, $0xb8;
	[tilespmem:$0x6E10] =	vst v63  }
0xd2: {  	_ =	swait.ge [sflag:s19], $0x800  }
0xd3: {  	[sflag:s19] =	ssyncset.done $0x0  }
0xd4: {  	[sflag:s19] =	ssyncadd.s32 $0xFFFFF800  }
0xd5: {  	[spmem:s2] =	stream.indirect.scatter.add.f32 [tilespmem:s0], [sflag:$0x1], $0x10, s31, s23, $0xb8;
	[tilespmem:$0x6E10] =	vst v63  }
0xd6: {  	_ =	swait.ge [sflag:s19], $0x800  }
0xd7: {  	[sflag:s19] =	ssyncset.done $0x0  }
0xd8: {  	[sflag:s19] =	ssyncadd.s32 $0xFFFFF800  }
0xd9: {  	[bflag:$0x0] =	sbarrier.arrive $0xFFFF  }
0xda: {  	s9 =	rddreg [dreg:$0x8]  }
0xdb: {  	[tilespmem:s22], [sflag:$0x1] =	stream.linear.gather [spmem:s9], $0x140, $0x38;
	[tilespmem:$0x6E10] =	vst v63  }
0xdc: {  	_ =	swait.ge [sflag:s19], $0x140  }
0xdd: {  	[sflag:s19] =	ssyncset.done $0x0  }
0xde: {  	s9 =	simm.s32 $0x1540;
	s10 =	rddreg [dreg:$0x9];
	[sflag:s19] =	ssyncadd.s32 $0xFFFFFEC0  }
0xdf: {  	[tilespmem:s9], [sflag:$0x1] =	stream.linear.gather [spmem:s10], $0x140, $0x38;
	[tilespmem:$0x6E10] =	vst v63  }
0xe0: {  	_ =	swait.ge [sflag:s19], $0x140  }
0xe1: {  	[sflag:s19] =	ssyncset.done $0x0  }
0xe2: {  	[sflag:s19] =	ssyncadd.s32 $0xFFFFFEC0  }
0xe3: {  	v4 =	vld [tilespmem:s9+$0xFFFFFEC0]  }
0xe4: {  	v5 =	vld [tilespmem:s9+$0x0];
	_ =	sdelay $0x3  }
0xe5: {  	s15 =	sadd.s32 $0x0, s17  }
0xe6: {  	s10 =	simm.s32 $0x1550;
	v4 =	vadd.f32 v5, v4;
	v5 =	vor.u32 s15, v2  }
0xe7: {  	vm1 =	veq.s32 v5, v3;
	v5 =	vld [tilespmem:s10+$0x0]  }
0xe8: {  	vm0 =	vgt.f32 v4, $0.0e+00;
	v4 =	vld [tilespmem:s10+$0xFFFFFEC0]  }
0xe9: {  	vm0 =	vmneg vm0  }
0xea: {  	vm0 =	vmor vm1, vm0  }
0xeb: {  	s11 =	simm.s32 $0x10;
	s13 =	simm.s32 $0x20;
	s14 =	simm.s32 $0x1560;
	v6 =	vsel vm0, $0x0, v1  }
.LBB2_14:
0xec: {  	s15 =	smov.u32 s13  }
0xed: {  	v7 =	vadd.f32 v5, v4;
	v4 =	vld [tilespmem:s14+$0xFFFFFEC0];
	[tilespmem:s9+$0x140] =	vst v6;
	s9 =	smov.u32 s10;
	s10 =	smov.u32 s14;
	p0 =	sne.s32 s13, $0x130  }
.Ltmp6:
0xee: {  	s13 =	sadd.s32 $0x10, s13;
	s11 =	sadd.s32 s11, s17;
	v5 =	vld [tilespmem:s14+$0x0];
	(pc) =	sbr.rel @p0 .LBB2_14-.Ltmp6, $4  }
0xef: {  	v6 =	vor.u32 s11, v2;
	s11 =	smov.u32 s15;
	vm0 =	vgt.f32 v7, $0.0e+00  }
0xf0: {  	vm1 =	veq.s32 v6, v3;
	vm0 =	vmneg vm0  }
0xf1: {  	vm0 =	vmor vm1, vm0  }
0xf2: {  	s14 =	sadd.s32 $0x10, s14;
	v6 =	vsel vm0, $0x0, v1  }
0xf3: {  	v4 =	vadd.f32 v5, v4  }
0xf4: {  	s11 =	sadd.s32 s11, s17  }
0xf5: {  	v63 =	vor.u32 s11, v2;
	vm0 =	vgt.f32 v4, $0.0e+00  }
0xf6: {  	vm1 =	veq.s32 v63, v3;
	vm0 =	vmneg vm0  }
0xf7: {  	s8 =	sadd.s32 $0x1, s8;
	vm0 =	vmor vm1, vm0  }
0xf8: {  	[tilespmem:s9+$0x140] =	vst v6;
	p0 =	sne.s32 s8, s16;
	v3 =	vsel vm0, $0x0, v1  }
.Ltmp7:
0xf9: {  	s14 =	rddreg [dreg:$0xa];
	s15 =	simm.s32 $0x1680;
	[tilespmem:s10+$0x140] =	vst v3;
	(pc) =	sbr.rel @p0 .LBB2_1-.Ltmp7, $4  }
0xfa: {  	[hbm4b:s14+s4] =	stream.linear.scatter [tilespmem:s15], [sflag:$0x1], $0x140, $0x38;
	[tilespmem:$0x6E10] =	vst v63  }
0xfb: {  	_ =	swait.ge [sflag:s19], $0x140  }
0xfc: {  	[sflag:s19] =	ssyncset.done $0x0  }
0xfd: {  	[sflag:s19] =	ssyncadd.s32 $0xFFFFFEC0  }
0xfe: {  	_ =	sfence.sel $0x180000  }
0xff: {  	[bflag:$0x0] =	sbarrier.arrive $0xFFFF  }
0x100: {  	_ =	strace $0x9000004D  }
0x101: {  	s0 =	stileid.u32;
	[bflag:$0x2] =	sbarrier.arrive $0xFFFF  }
0x102: {  	p0 =	sne.s32 s0, $0x0;
	s0 =	rddreg [dreg:$0x3]  }
0x103: {  	s0 =	sadd.s32 @!p0 $0x100000, s0  }
0x104: {  	[sflag:s0] =	ssyncadd.tile.s32 @!p0 $0x1;
	_ =	shalt  }
.Lfunc_end2:
_tile_overlayer_lowered:
.L_overlay_start_2:
0x105: {  	(tag) =	ssettag $0x2  }
0x106: {  	s0 =	rddreg [dreg:$0x0];
	s2 =	stileid.u32  }
0x107: {  	s1 =	rddreg [dreg:$0x1];
	p0 =	sne.s32 s2, $0x0  }
0x108: {  	s3 =	rddreg [dreg:$0x2];
	[bflag:$0x3] =	sbarrier.arrive $0xFFFF;
	s2 =	simm.s32 @!p0 $0x1C01  }
0x109: {  	[timem:s3], [sflag:s2] =	dma.local @!p0 [hbm:s0], s1  }
0x10a: {  	s0 =	simm.s32 @!p0 $0x1  }
0x10b: {  	_ =	swait.ge @!p0 [sflag:s0], s1  }
0x10c: {  	s1 =	ssub.s32 @!p0 $0x0, s1;
	[sflag:s0] =	ssyncset.done @!p0 $0x0  }
0x10d: {  	[sflag:s0] =	ssyncadd.s32 @!p0 s1  }
0x10e: {  	[bflag:$0x3] =	sbarrier.arrive $0xFFFF  }
0x10f: {  	_ =	shalt  }

// kernel: kernel.19.cloned.1.call-start
scs
__scs_entry_jumppad:
0x0: {  	(pc) =	sbr.rel $0x88, $3  }
0x1: {  	(tag) =	ssettag $0x0;
	lr =	simm.s32 $0x1  }
0x2: {  	[smem:$0x3F94] =	sst lr;
	_ =	strace $0xD0000000  }
0x3: {  	_ = 	snop  }
0x4: {  	_ = 	snop  }
0x5: {  	_ = 	snop  }
0x6: {  	_ = 	snop  }
0x7: {  	_ = 	snop  }
__scs_overlays_trampoline_lowered:
0x8: {  	[smem:$0x3FA3] =	sst s0  }
0x9: {  	[smem:$0x3FA4] =	sst s1  }
0xa: {  	[smem:$0x3FA5] =	sst s2  }
0xb: {  	[smem:$0x3FA6] =	sst s3  }
0xc: {  	[smem:$0x3FA7] =	sst s4  }
0xd: {  	[smem:$0x3FA8] =	sst s5  }
0xe: {  	[smem:$0x3FA9] =	sst s6  }
0xf: {  	[smem:$0x3FAA] =	sst s7  }
0x10: {  	[smem:$0x3FAB] =	sst s8  }
0x11: {  	[smem:$0x3FAC] =	sst s9;
	s0 =	simm.s32 @!p0 $0x0  }
0x12: {  	s1 =	sld [smem:$0x3F92];
	s0 =	simm.s32 @p0 $0x1  }
0x13: {  	[smem:$0x3FAD] =	sst s0;
	s0 =	simm.s32 @!p1 $0x0  }
0x14: {  	s2 =	sld [smem:$0x3F91];
	s0 =	simm.s32 @p1 $0x1  }
0x15: {  	[smem:$0x3FAE] =	sst s0;
	s0 =	simm.s32 @!p2 $0x0  }
0x16: {  	s3 =	sld [smem:$0x3FDB];
	s0 =	simm.s32 @p2 $0x1  }
0x17: {  	s4 =	simm.s32 $0x1BF5;
	[smem:$0x3FB0] =	sst s0  }
0x18: {  	s0 =	sld [smem:$0x3F93];
	_ =	swait.ge [sflag:s4], $0x0  }
0x19: {  	s7 =	sld [smem:$0x3F94]  }
0x1a: {  	s8 =	sadd.s32 $0xFFFFE003, lr  }
0x1b: {  	s9 =	sadd.s32 $0xFFFFFEF7, lr;
	s5 =	simm.s32 $0xFFFFFFFF;
	p2 =	slt.u32 s8, $0xFFFFF086  }
0x1c: {  	p1 =	slt.u32 s9, $0xF7A;
	s5 =	simm.s32 @!p2 $0x0  }
0x1d: {  	s5 =	simm.s32 @p1 $0x1;
	p0 =	seq.s32 s7, s2  }
0x1e: {  	s7 =	smul.u32 @!p0 $0xF7A, s2;
	p2 =	seq.s32 @!p0 s5, $0x0  }
0x1f: {  	s9 =	smul.u32 $0xF7A, s1;
	s8 =	simm.s32 @!p0 $0x1BF5;
	p2 =	por !p2, p0  }
0x20: {  	[sflag:s8] =	ssyncset.s32 @!p0 $0xFFFFF086;
	s6 =	sadd.s32 @!p0 s3, s7;
	s7 =	simm.s32 @!p0 $0x108  }
0x21: {  	s3 =	sadd.s32 s3, s9;
	s6 =	sadd.s32 @!p0 $0x88, s6;
	s7 =	simm.s32 @p2 $0x1082  }
0x22: {  	[simem:s7], [sflag:s8] =	dma.local @!p0 [hbm:s6], $0xF7A  }
0x23: {  	s9 =	sor.u32 $0xD0000000, s2;
	s6 =	simm.s32 $0x108;
	_ =	swait.ge @!p0 [sflag:s8], $0x0  }
0x24: {  	s3 =	sadd.s32 $0x88, s3;
	s6 =	simm.s32 @!p1 $0x1082;
	[sflag:s4] =	ssyncset.s32 $0xFFFFF086  }
0x25: {  	[simem:s6], [sflag:s4] =	dma.local [hbm:s3], $0xF7A  }
0x26: {  	[smem:$0x3F94] =	sst s1;
	(tag) =	ssettag s2;
	_ =	strace s9  }
0x27: {  	s1 =	sld [smem:$0x3FA4]  }
0x28: {  	s2 =	sld [smem:$0x3FA5]  }
0x29: {  	s4 =	sld [smem:$0x3FA7]  }
0x2a: {  	p0 =	seq.s32 s5, $0x0;
	s5 =	sld [smem:$0x3FA8]  }
0x2b: {  	s6 =	sld [smem:$0x3FA9]  }
0x2c: {  	s7 =	sld [smem:$0x3FAA]  }
0x2d: {  	s3 =	simm.s32 $0x108;
	s8 =	sld [smem:$0x3FAB]  }
0x2e: {  	s3 =	simm.s32 @!p0 $0x1082;
	s9 =	sld [smem:$0x3FAC]  }
0x2f: {  	lr =	sadd.s32 s0, s3;
	s0 =	sld [smem:$0x3FA3]  }
0x30: {  	s3 =	sld [smem:$0x3FA6]  }
0x31: {  	[smem:$0x3FAF] =	sst s10  }
0x32: {  	s10 =	sld [smem:$0x3FAD];
	_ =	sdelay $0x3  }
0x33: {  	p0 =	seq.s32 s10, $0x1;
	s10 =	sld [smem:$0x3FAF];
	_ =	sdelay $0x3  }
0x34: {  	[smem:$0x3FAF] =	sst s10  }
0x35: {  	s10 =	sld [smem:$0x3FAE];
	_ =	sdelay $0x3  }
0x36: {  	p1 =	seq.s32 s10, $0x1;
	s10 =	sld [smem:$0x3FAF];
	_ =	sdelay $0x3  }
0x37: {  	[smem:$0x3FAF] =	sst s10  }
0x38: {  	s10 =	sld [smem:$0x3FB0]  }
0x39: {  	_ = 	snop;
	(pc) =	sbr.ind lr, $3  }
0x3a: {  	_ = 	snop  }
0x3b: {  	_ = 	snop  }
0x3c: {  	p2 =	seq.s32 s10, $0x1;
	s10 =	sld [smem:$0x3FAF]  }
0x3d: {  	_ =	shalt  }
0x3e: {  	_ =	shalt  }
0x3f: {  	_ =	shalt  }
0x40: {  	_ =	shalt  }
0x41: {  	_ =	shalt  }
0x42: {  	_ =	shalt  }
0x43: {  	_ =	shalt  }
0x44: {  	_ =	shalt  }
0x45: {  	_ =	shalt  }
0x46: {  	_ =	shalt  }
0x47: {  	_ =	shalt  }
0x48: {  	_ =	shalt  }
0x49: {  	_ =	shalt  }
0x4a: {  	_ =	shalt  }
0x4b: {  	_ =	shalt  }
0x4c: {  	_ =	shalt  }
0x4d: {  	_ =	shalt  }
0x4e: {  	_ =	shalt  }
0x4f: {  	_ =	shalt  }
0x50: {  	_ =	shalt  }
0x51: {  	_ =	shalt  }
0x52: {  	_ =	shalt  }
0x53: {  	_ =	shalt  }
0x54: {  	_ =	shalt  }
0x55: {  	_ =	shalt  }
0x56: {  	_ =	shalt  }
0x57: {  	_ =	shalt  }
0x58: {  	_ =	shalt  }
0x59: {  	_ =	shalt  }
0x5a: {  	_ =	shalt  }
0x5b: {  	_ =	shalt  }
0x5c: {  	_ =	shalt  }
0x5d: {  	_ =	shalt  }
0x5e: {  	_ =	shalt  }
0x5f: {  	_ =	shalt  }
0x60: {  	_ =	shalt  }
0x61: {  	_ =	shalt  }
0x62: {  	_ =	shalt  }
0x63: {  	_ =	shalt  }
0x64: {  	_ =	shalt  }
0x65: {  	_ =	shalt  }
0x66: {  	_ =	shalt  }
0x67: {  	_ =	shalt  }
0x68: {  	_ =	shalt  }
0x69: {  	_ =	shalt  }
0x6a: {  	_ =	shalt  }
0x6b: {  	_ =	shalt  }
0x6c: {  	_ =	shalt  }
0x6d: {  	_ =	shalt  }
0x6e: {  	_ =	shalt  }
0x6f: {  	_ =	shalt  }
0x70: {  	_ =	shalt  }
0x71: {  	_ =	shalt  }
0x72: {  	_ =	shalt  }
0x73: {  	_ =	shalt  }
0x74: {  	_ =	shalt  }
0x75: {  	_ =	shalt  }
0x76: {  	_ =	shalt  }
0x77: {  	_ =	shalt  }
0x78: {  	_ =	shalt  }
0x79: {  	_ =	shalt  }
0x7a: {  	_ =	shalt  }
0x7b: {  	_ =	shalt  }
0x7c: {  	_ =	shalt  }
0x7d: {  	_ =	shalt  }
0x7e: {  	_ =	shalt  }
0x7f: {  	_ =	shalt  }
0x80: {  	_ =	shalt  }
0x81: {  	_ =	shalt  }
0x82: {  	_ =	shalt  }
0x83: {  	_ =	shalt  }
0x84: {  	_ =	shalt  }
0x85: {  	_ =	shalt  }
0x86: {  	_ =	shalt  }
0x87: {  	_ =	shalt  }
.Lfunc_end0:
.L_simem_size_0:
called_computation.2_lowered:
.L_overlay_start_0:
0x88: {  	s2 =	sld [smem:$0x3FD9]  }
0x89: {  	s3 =	sld [smem:$0x3FFE];
	_ =	sdelay $0x1  }
0x8a: {  	s1 =	srdreg.scid  }
0x8b: {  	s0 =	sand.u32 $0x1, s1  }
0x8c: {  	s14 =	sshll.u32 s0, $0xA;
	s2 =	sadd.s32 s3, s2  }
0x8d: {  	s2 =	sadd.s32 s2, s14  }
0x8e: {  	[smem:$0x3FBB] =	sst s2  }
0x8f: {  	_ = 	snop  }
0x90: {  	s2 =	sld [smem:$0x3FD0];
	_ =	sdelay $0x2  }
0x91: {  	s15 =	simm.s32 $0xB;
	s4 =	simm.s32 $0x10  }
0x92: {  	[smem:s4], [sflag:s15] =	dma.local [hbm:s2], $0x1  }
0x93: {  	_ =	swait.eq [sflag:s15], $0x1  }
0x94: {  	[sflag:s15] =	ssyncset.done $0x0  }
0x95: {  	[sflag:s15] =	ssyncadd.s32 $0xFFFFFFFF  }
0x96: {  	s16 =	sld [smem:$0x11];
	(tm) =	ssettm $0x1  }
0x97: {  	s17 =	sld [smem:$0x3FFB];
	_ =	sdelay $0x3  }
0x98: {  	_ =	strace s17  }
0x99: {  	s3 =	sld [smem:$0x3FFC];
	_ =	sdelay $0x3  }
0x9a: {  	_ =	strace s3  }
0x9b: {  	s3 =	sld [smem:$0x3FFD];
	_ =	sdelay $0x3  }
0x9c: {  	_ =	strace s3  }
0x9d: {  	_ =	strace $0x8FFFFFFF  }
0x9e: {  	s18 =	sld [smem:$0x3FDB];
	_ =	sdelay $0x1  }
0x9f: {  	s19 =	simm.s32 $_scs_section_size  }
0xa0: {  	s5 =	simm.s32 $_size__tile_overlayer_lowered;
	s6 =	simm.s32 $_tile_overlayer_lowered  }
0xa1: {  	s22 =	simm.s32 $0x1BFF;
	s21 =	sshll.u32 s6, $0x1;
	s3 =	sadd.s32 s19, s18  }
0xa2: {  	s7 =	simm.s32 $0x0;
	s20 =	sshll.u32 s5, $0x1;
	s5 =	sadd.s32 s21, s3  }
0xa3: {  	[timem:s7], [sflag:s22] =	dma.local [hbm:s5], s20  }
0xa4: {  	_ =	swait.ge [sflag:s22], s20  }
0xa5: {  	s4 =	ssub.s32 $0x0, s20;
	[sflag:s22] =	ssyncset.done $0x0  }
0xa6: {  	[sflag:s22] =	ssyncadd.s32 s4;
	_ =	sdelay $0x1  }
0xa7: {  	s23 =	simm.s32 $0x1B8B  }
0xa8: {  	_ =	swait.ge [sflag:s23], $0x1  }
0xa9: {  	[sflag:s23] =	ssyncset.done $0x0  }
0xaa: {  	s25 =	simm.s32 $0x1B8E;
	s24 =	sld [smem:$0x3FFE];
	[sflag:s23] =	ssyncadd.s32 $0xFFFFFFFF  }
0xab: {  	s26 =	simm.s32 $execute0_lowered;
	[smem:$0x3FD2] =	sst s25  }
0xac: {  	s5 =	sshll.u32 s26, $0x1;
	_ =	strace $0x80000049;
	[dreg:$0x1] =	wrdreg $0xFFFFFFFF  }
0xad: {  	s28 =	simm.s32 $_size_execute0_lowered;
	s3 =	sadd.s32 s3, s5;
	[dreg:$0x0] =	wrdreg $0x0  }
0xae: {  	s5 =	sshll.u32 s28, $0x1;
	[dreg:$0x2] =	wrdreg s3  }
0xaf: {  	[dreg:$0x3] =	wrdreg s5  }
0xb0: {  	[dreg:$0x4] =	wrdreg $0xC0  }
0xb1: {  	_ =	task [dreg:s7], $0x5FFFF  }
0xb2: {  	[dreg:$0x1] =	wrdreg $0xFFFFFFFF  }
0xb3: {  	[dreg:$0x0] =	wrdreg $0x60  }
0xb4: {  	[dreg:$0x2] =	wrdreg s24  }
0xb5: {  	[dreg:$0x3] =	wrdreg s16  }
0xb6: {  	[dreg:$0x4] =	wrdreg $0x94000  }
0xb7: {  	[dreg:$0x5] =	wrdreg $0xA  }
0xb8: {  	_ =	task.clear_ibuf [dreg:s7], $0x6FFFF;
	_ =	strace $0x90000049  }
0xb9: {  	s29 =	simm.s32 $0xA;
	_ =	strace $0x8000004B  }
0xba: {  	_ =	swait.ge [sflag:s29], $0x1  }
0xbb: {  	[sflag:s29] =	ssyncadd.s32 $0xFFFFFFFF  }
0xbc: {  	_ =	strace $0x9000004B  }
0xbd: {  	_ =	sfence  }
0xbe: {  	s30 =	sld [smem:$0x0];
	_ =	sdelay $0x2  }
0xbf: {  	s31 =	sshll.u32 s1, $0xD;
	s1 =	sshrl.u32 s1, $0x2  }
0xc0: {  	s3 =	sand.u32 $0x4000, s31;
	s1 =	sadd.s32 s1, s30  }
0xc1: {  	s0 =	sor.u32 s3, s0;
	s1 =	sshll.u32 s1, $0x11  }
0xc2: {  	s0 =	sor.u32 s1, s0  }
0xc3: {  	s0 =	sadd.s32 $0x8F2B, s0  }
0xc4: {  	[sflag:s0] =	ssyncadd.remote.s32 $0x1  }
0xc5: {  	_ =	sfence.sel $0xFFFF  }
0xc6: {  	[dreg:$0x0] =	wrdreg $0xFFFFFFFF;
	(pc) =	sbr.abs _section_cstart, $3  }
0xc7: {  	[dreg:$0x1] =	wrdreg $0xFFFFFFFF  }
0xc8: {  	_ =	task.clear_ibuf [dreg:s7], $0x2FFFF;
	_ =	strace $0x9FFFFFFF  }
0xc9: {  	(tm) =	ssettm $0x7FFFFFFF  }
tec
execute0_lowered:
.L_overlay_start_1:
0x0: {  	(tag) =	ssettag $0x1  }
0x1: {  	s0 =	rddreg [dreg:$0x0]  }
0x2: {  	s1 =	rddreg [dreg:$0x1]  }
0x3: {  	s2 =	rddreg [dreg:$0x2];
	s4 =	simm.s32 $0x0  }
0x4: {  	s3 =	srdreg.scid;
	s20 =	stileid.u32;
	s28 =	simm.s32 $0x9C0  }
0x5: {  	s29 =	simm.s32 $0x1380;
	s30 =	simm.s32 $0x13C0;
	s31 =	simm.s32 $0x0  }
0x6: {  	[smem:$0x7FF] =	sst s4;
	s3 =	sand.u32 $0x1, s3;
	s5 =	sadd.s32 $0x6D000, s0  }
0x7: {  	s12 =	smul.u32 $0x14000, s20;
	s6 =	sadd.s32 $0x9000, s0;
	s0 =	sadd.s32 $0xBD000, s0  }
0x8: {  	_ =	strace $0x8000004A;
	s7 =	ssub.s32 $0x2, s3;
	s17 =	smul.u32 $0x140000, s3  }
0x9: {  	s8 =	sshrl.u32 s7, $0x1;
	s13 =	sadd.s32 $0x4000, s12;
	s16 =	sadd.s32 $0x8000, s12  }
0xa: {  	s18 =	sadd.s32 $0xC000, s12;
	s19 =	sadd.s32 $0x10000, s12;
	s14 =	ssub.s32 s7, s8  }
0xb: {  	s7 =	sadd.s32 s12, s2;
	s8 =	sadd.s32 s13, s2;
	s9 =	sadd.s32 s16, s2  }
0xc: {  	s10 =	sadd.s32 s18, s2;
	s15 =	sadd.s32 s12, s17;
	s12 =	smul.u32 $0x28000, s3  }
0xd: {  	s11 =	sadd.s32 s19, s2;
	s22 =	sadd.s32 s17, s13;
	s13 =	smul.u32 $0xA0, s20  }
0xe: {  	s24 =	sadd.s32 s17, s16;
	s25 =	sadd.s32 s17, s18;
	s19 =	sadd.s32 s17, s19  }
0xf: {  	s20 =	simm.s32 $0x1400;
	s21 =	sshrl.u32 s15, $0x3;
	s23 =	sshrl.u32 s22, $0x3  }
0x10: {  	s18 =	sshrl.u32 s25, $0x3;
	s26 =	sshrl.u32 s19, $0x3;
	s19 =	smax.u32 s14, $0x1  }
0x11: {  	s22 =	simm.s32 $0xA00;
	s25 =	simm.s32 $0x1;
	s3 =	sadd.s32 s0, s21  }
0x12: {  	s17 =	sadd.s32 s0, s18;
	[dreg:$0x4] =	wrdreg s3;
	s3 =	sadd.s32 s0, s23  }
0x13: {  	s18 =	sadd.s32 s0, s26;
	[dreg:$0x5] =	wrdreg s3;
	s3 =	sshrl.u32 s24, $0x3  }
0x14: {  	s21 =	simm.s32 $0x3;
	s26 =	simm.s32 $0x2;
	s3 =	sadd.s32 s0, s3  }
0x15: {  	v0 =	vimm.f32 $0.0e+00;
	s23 =	simm.s32 $0x40;
	s24 =	simm.s32 $0x5400;
	[dreg:$0x6] =	wrdreg s3  }
.LBB2_1:
0x16: {  	s0 =	simm.s32 $0x0;
	s3 =	simm.s32 $0x400  }
.LBB2_2:
0x17: {  	p0 =	sne.s32 s3, $0xFC00;
	[tilespmem:s0+$0x14F0] =	vst v0  }
0x18: {  	[tilespmem:s0+$0x1400] =	vst v0  }
0x19: {  	[tilespmem:s0+$0x1410] =	vst v0  }
0x1a: {  	[tilespmem:s0+$0x1420] =	vst v0  }
0x1b: {  	[tilespmem:s0+$0x1430] =	vst v0  }
0x1c: {  	[tilespmem:s0+$0x1440] =	vst v0  }
0x1d: {  	[tilespmem:s0+$0x1450] =	vst v0  }
0x1e: {  	[tilespmem:s0+$0x1460] =	vst v0  }
0x1f: {  	[tilespmem:s0+$0x1470] =	vst v0  }
0x20: {  	[tilespmem:s0+$0x1480] =	vst v0  }
0x21: {  	[tilespmem:s0+$0x1490] =	vst v0  }
.Ltmp0:
0x22: {  	[tilespmem:s0+$0x14A0] =	vst v0;
	(pc) =	sbr.rel @p0 .LBB2_2-.Ltmp0, $4  }
0x23: {  	[tilespmem:s0+$0x14B0] =	vst v0  }
0x24: {  	[tilespmem:s0+$0x14C0] =	vst v0  }
0x25: {  	[tilespmem:s0+$0x14D0] =	vst v0  }
0x26: {  	[tilespmem:s0+$0x14E0] =	vst v0;
	s0 =	sshra.s32 s3, $0x2;
	s3 =	sadd.s32 $0x400, s3  }
0x27: {  	[tilespmem:s0+$0x14F0] =	vst v0  }
0x28: {  	[tilespmem:s0+$0x1400] =	vst v0  }
0x29: {  	[tilespmem:s0+$0x1410] =	vst v0  }
0x2a: {  	[tilespmem:s0+$0x1420] =	vst v0  }
0x2b: {  	[tilespmem:s0+$0x1430] =	vst v0  }
0x2c: {  	[tilespmem:s0+$0x1440] =	vst v0  }
0x2d: {  	[tilespmem:s0+$0x1450] =	vst v0  }
0x2e: {  	[tilespmem:s0+$0x1460] =	vst v0  }
0x2f: {  	[tilespmem:s0+$0x1470] =	vst v0  }
0x30: {  	[tilespmem:s0+$0x1480] =	vst v0  }
0x31: {  	[tilespmem:s0+$0x1490] =	vst v0  }
0x32: {  	[tilespmem:s0+$0x14A0] =	vst v0  }
0x33: {  	[tilespmem:s0+$0x14B0] =	vst v0  }
0x34: {  	[tilespmem:s0+$0x14C0] =	vst v0  }
0x35: {  	[tilespmem:s0+$0x14D0] =	vst v0  }
0x36: {  	[tilespmem:s0+$0x14E0] =	vst v0  }
0x37: {  	[spmem:s7] =	stream.linear.scatter [tilespmem:s20], [sflag:$0x3], $0x4000, $0x38;
	[tilespmem:$0x1D400] =	vst v63  }
0x38: {  	_ =	swait.ge [sflag:s21], $0x4000  }
0x39: {  	[sflag:s21] =	ssyncset.done $0x0  }
0x3a: {  	[sflag:s21] =	ssyncadd.s32 $0xFFFFC000  }
0x3b: {  	[spmem:s8] =	stream.linear.scatter [tilespmem:s20], [sflag:$0x3], $0x4000, $0x38;
	[tilespmem:$0x1D400] =	vst v63  }
0x3c: {  	_ =	swait.ge [sflag:s21], $0x4000  }
0x3d: {  	[sflag:s21] =	ssyncset.done $0x0  }
0x3e: {  	[sflag:s21] =	ssyncadd.s32 $0xFFFFC000  }
0x3f: {  	[spmem:s9] =	stream.linear.scatter [tilespmem:s20], [sflag:$0x3], $0x4000, $0x38;
	[tilespmem:$0x1D400] =	vst v63  }
0x40: {  	_ =	swait.ge [sflag:s21], $0x4000  }
0x41: {  	[sflag:s21] =	ssyncset.done $0x0  }
0x42: {  	[sflag:s21] =	ssyncadd.s32 $0xFFFFC000  }
0x43: {  	[spmem:s10] =	stream.linear.scatter [tilespmem:s20], [sflag:$0x3], $0x4000, $0x38;
	[tilespmem:$0x1D400] =	vst v63  }
0x44: {  	_ =	swait.ge [sflag:s21], $0x4000  }
0x45: {  	[sflag:s21] =	ssyncset.done $0x0  }
0x46: {  	[sflag:s21] =	ssyncadd.s32 $0xFFFFC000  }
0x47: {  	[spmem:s11] =	stream.linear.scatter [tilespmem:s20], [sflag:$0x3], $0x4000, $0x38;
	[tilespmem:$0x1D400] =	vst v63  }
0x48: {  	_ =	swait.ge [sflag:s21], $0x4000  }
0x49: {  	[sflag:s21] =	ssyncset.done $0x0  }
0x4a: {  	[sflag:s21] =	ssyncadd.s32 $0xFFFFC000  }
0x4b: {  	s0 =	simm.s32 $0x0;
	[bflag:$0x0] =	sbarrier.arrive $0xFFFF  }
.LBB2_4:
0x4c: {  	s3 =	smul.u32 $0x28, s0;
	_ =	sdelay $0x1  }
0x4d: {  	s3 =	sadd.s32 s13, s3  }
0x4e: {  	s3 =	sshll.u32 s3, $0x6  }
0x4f: {  	s3 =	sadd.s32 s12, s3  }
0x50: {  	s3 =	sshrl.u32 s3, $0x3  }
0x51: {  	s14 =	sadd.s32 s1, s3  }
0x52: {  	[tilespmem:s31], [sflag:$0x3] =	stream.linear.gather [hbm4b:s14+s31], $0xA00, $0x38;
	[tilespmem:$0x1D400] =	vst v63  }
0x53: {  	_ =	swait.ge [sflag:s21], $0xA00  }
0x54: {  	[sflag:s21] =	ssyncset.done $0x0  }
0x55: {  	s3 =	sadd.s32 s6, s3;
	[sflag:s21] =	ssyncadd.s32 $0xFFFFF600  }
0x56: {  	[tilespmem:s22], [sflag:$0x3] =	stream.linear.gather [hbm4b:s3+s31], $0xA00, $0x38;
	[tilespmem:$0x1D400] =	vst v63  }
0x57: {  	_ =	swait.ge [sflag:s21], $0xA00  }
0x58: {  	[sflag:s21] =	ssyncset.done $0x0  }
0x59: {  	[sflag:s21] =	ssyncadd.s32 $0xFFFFF600;
	(ifvalue) =	ssetifvalue $0xFFFFFFFF  }
0x5a: {  	(ifvalue) =	ssetifvalue $0xFFFFFFFF  }
0x5b: {  	[tilespmem:s20], [sflag:$0x1] =	stream.indirect.gather [hbm4b:s5+s23], $0x100, s31, s23, $0x40b8;
	[tilespmem:$0x1D400] =	vst v63  }
0x5c: {  	(ifvalue) =	ssetifvalue $0xFFFFFFFF  }
0x5d: {  	s16 =	simm.s32 $0x40;
	(ifvalue) =	ssetifvalue $0xFFFFFFFF  }
0x5e: {  	[tilespmem:s24], [sflag:$0x2] =	stream.indirect.gather [hbm4b:s5+s23], $0x100, s16, s23, $0x40b8;
	[tilespmem:$0x1D400] =	vst v63  }
0x5f: {  	_ =	swait.ge [sflag:s25], $0x4000  }
0x60: {  	[sflag:s25] =	ssyncset.done $0x0  }
0x61: {  	s14 =	simm.s32 $0xA00;
	[sflag:s25] =	ssyncadd.s32 $0xFFFFC000;
	(ifvalue) =	ssetifvalue $0xFFFFFFFF  }
0x62: {  	[spmem:s2] =	stream.indirect.scatter.add.f32 [tilespmem:s20], [sflag:$0x3], $0x100, s14, s23, $0x40b8;
	[tilespmem:$0x1D400] =	vst v63  }
0x63: {  	_ =	swait.ge [sflag:s21], $0x4000  }
0x64: {  	[sflag:s21] =	ssyncset.done $0x0  }
0x65: {  	[sflag:s21] =	ssyncadd.s32 $0xFFFFC000;
	(ifvalue) =	ssetifvalue $0xFFFFFFFF  }
0x66: {  	s15 =	simm.s32 $0x80;
	(ifvalue) =	ssetifvalue $0xFFFFFFFF  }
0x67: {  	[tilespmem:s20], [sflag:$0x1] =	stream.indirect.gather [hbm4b:s5+s23], $0x100, s15, s23, $0x40b8;
	[tilespmem:$0x1D400] =	vst v63  }
0x68: {  	_ =	swait.ge [sflag:s26], $0x4000  }
0x69: {  	[sflag:s26] =	ssyncset.done $0x0  }
0x6a: {  	s16 =	simm.s32 $0xA40;
	[sflag:s26] =	ssyncadd.s32 $0xFFFFC000;
	(ifvalue) =	ssetifvalue $0xFFFFFFFF  }
0x6b: {  	[spmem:s2] =	stream.indirect.scatter.add.f32 [tilespmem:s24], [sflag:$0x3], $0x100, s16, s23, $0x40b8;
	[tilespmem:$0x1D400] =	vst v63  }
0x6c: {  	s3 =	simm.s32 $0x80;
	_ =	swait.ge [sflag:s21], $0x4000  }
0x6d: {  	s14 =	simm.s32 $0x400;
	(ifvalue) =	ssetifvalue $0xFFFFFFFF;
	[sflag:s21] =	ssyncset.done $0x0  }
.LBB2_5:
0x6e: {  	s15 =	sadd.s32 $0x40, s3  }
0x6f: {  	(ifvalue) =	ssetifvalue $0xFFFFFFFF;
	[sflag:s21] =	ssyncadd.s32 $0xFFFFC000;
	s16 =	smov.u32 s14  }
0x70: {  	[tilespmem:s24], [sflag:$0x2] =	stream.indirect.gather [hbm4b:s5+s23], $0x100, s15, s23, $0x40b8;
	[tilespmem:$0x1D400] =	vst v63  }
0x71: {  	p0 =	sne.s32 s14, $0x2400;
	s14 =	sadd.s32 $0x200, s14;
	_ =	swait.ge [sflag:s25], $0x4000  }
0x72: {  	[sflag:s25] =	ssyncset.done $0x0  }
0x73: {  	[sflag:s25] =	ssyncadd.s32 $0xFFFFC000  }
0x74: {  	s15 =	sadd.s32 $0xA00, s3;
	(ifvalue) =	ssetifvalue $0xFFFFFFFF  }
0x75: {  	[spmem:s2] =	stream.indirect.scatter.add.f32 [tilespmem:s20], [sflag:$0x3], $0x100, s15, s23, $0x40b8;
	[tilespmem:$0x1D400] =	vst v63  }
0x76: {  	_ =	swait.ge [sflag:s21], $0x4000  }
0x77: {  	[sflag:s21] =	ssyncset.done $0x0  }
0x78: {  	[sflag:s21] =	ssyncadd.s32 $0xFFFFC000  }
0x79: {  	(ifvalue) =	ssetifvalue $0xFFFFFFFF  }
0x7a: {  	s15 =	sadd.s32 $0x80, s3;
	(ifvalue) =	ssetifvalue $0xFFFFFFFF  }
0x7b: {  	[tilespmem:s20], [sflag:$0x1] =	stream.indirect.gather [hbm4b:s5+s23], $0x100, s15, s23, $0x40b8;
	[tilespmem:$0x1D400] =	vst v63  }
0x7c: {  	_ =	swait.ge [sflag:s26], $0x4000  }
0x7d: {  	[sflag:s26] =	ssyncset.done $0x0  }
.Ltmp1:
0x7e: {  	[sflag:s26] =	ssyncadd.s32 $0xFFFFC000;
	(pc) =	sbr.rel @p0 .LBB2_5-.Ltmp1, $4  }
0x7f: {  	s3 =	sadd.s32 $0xA40, s3;
	(ifvalue) =	ssetifvalue $0xFFFFFFFF  }
0x80: {  	[spmem:s2] =	stream.indirect.scatter.add.f32 [tilespmem:s24], [sflag:$0x3], $0x100, s3, s23, $0x40b8;
	[tilespmem:$0x1D400] =	vst v63  }
0x81: {  	_ =	swait.ge [sflag:s21], $0x4000  }
0x82: {  	s3 =	sshra.s32 s16, $0x2;
	(ifvalue) =	ssetifvalue $0xFFFFFFFF;
	[sflag:s21] =	ssyncset.done $0x0  }
0x83: {  	(ifvalue) =	ssetifvalue $0xFFFFFFFF;
	s14 =	sadd.s32 $0x40, s3;
	[sflag:s21] =	ssyncadd.s32 $0xFFFFC000  }
0x84: {  	[tilespmem:s24], [sflag:$0x2] =	stream.indirect.gather [hbm4b:s5+s23], $0x100, s14, s23, $0x40b8;
	[tilespmem:$0x1D400] =	vst v63  }
0x85: {  	_ =	swait.ge [sflag:s25], $0x4000  }
0x86: {  	[sflag:s25] =	ssyncset.done $0x0  }
0x87: {  	s16 =	sadd.s32 $0xA00, s3;
	[sflag:s25] =	ssyncadd.s32 $0xFFFFC000;
	(ifvalue) =	ssetifvalue $0xFFFFFFFF  }
0x88: {  	[spmem:s2] =	stream.indirect.scatter.add.f32 [tilespmem:s20], [sflag:$0x3], $0x100, s16, s23, $0x40b8;
	[tilespmem:$0x1D400] =	vst v63  }
0x89: {  	_ =	swait.ge [sflag:s21], $0x4000  }
0x8a: {  	[sflag:s21] =	ssyncset.done $0x0  }
0x8b: {  	[sflag:s21] =	ssyncadd.s32 $0xFFFFC000;
	(ifvalue) =	ssetifvalue $0xFFFFFFFF  }
0x8c: {  	s15 =	sadd.s32 $0x80, s3;
	(ifvalue) =	ssetifvalue $0xFFFFFFFF  }
0x8d: {  	[tilespmem:s20], [sflag:$0x1] =	stream.indirect.gather [hbm4b:s5+s23], $0x100, s15, s23, $0x40b8;
	[tilespmem:$0x1D400] =	vst v63  }
0x8e: {  	_ =	swait.ge [sflag:s26], $0x4000  }
0x8f: {  	[sflag:s26] =	ssyncset.done $0x0  }
0x90: {  	s16 =	sadd.s32 $0xA40, s3;
	[sflag:s26] =	ssyncadd.s32 $0xFFFFC000;
	(ifvalue) =	ssetifvalue $0xFFFFFFFF  }
0x91: {  	[spmem:s2] =	stream.indirect.scatter.add.f32 [tilespmem:s24], [sflag:$0x3], $0x100, s16, s23, $0x40b8;
	[tilespmem:$0x1D400] =	vst v63  }
0x92: {  	_ =	swait.ge [sflag:s21], $0x4000  }
0x93: {  	[sflag:s21] =	ssyncset.done $0x0  }
0x94: {  	[sflag:s21] =	ssyncadd.s32 $0xFFFFC000;
	(ifvalue) =	ssetifvalue $0xFFFFFFFF  }
0x95: {  	(ifvalue) =	ssetifvalue $0xFFFFFFFF  }
0x96: {  	[tilespmem:s24], [sflag:$0x2] =	stream.indirect.gather [hbm4b:s5+s23], $0x100, s28, s23, $0x40b8;
	[tilespmem:$0x1D400] =	vst v63  }
0x97: {  	_ =	swait.ge [sflag:s25], $0x4000  }
0x98: {  	[sflag:s25] =	ssyncset.done $0x0  }
0x99: {  	[sflag:s25] =	ssyncadd.s32 $0xFFFFC000;
	(ifvalue) =	ssetifvalue $0xFFFFFFFF  }
0x9a: {  	[spmem:s2] =	stream.indirect.scatter.add.f32 [tilespmem:s20], [sflag:$0x3], $0x100, s29, s23, $0x40b8;
	[tilespmem:$0x1D400] =	vst v63  }
0x9b: {  	_ =	swait.ge [sflag:s21], $0x4000  }
0x9c: {  	[sflag:s21] =	ssyncset.done $0x0  }
0x9d: {  	[sflag:s21] =	ssyncadd.s32 $0xFFFFC000  }
0x9e: {  	s0 =	sadd.s32 $0x1, s0;
	_ =	swait.ge [sflag:s26], $0x4000  }
0x9f: {  	p0 =	sne.s32 s0, $0x4;
	[sflag:s26] =	ssyncset.done $0x0  }
.Ltmp2:
0xa0: {  	[sflag:s26] =	ssyncadd.s32 $0xFFFFC000;
	(ifvalue) =	ssetifvalue $0xFFFFFFFF;
	(pc) =	sbr.rel @p0 .LBB2_4-.Ltmp2, $4  }
0xa1: {  	[spmem:s2] =	stream.indirect.scatter.add.f32 [tilespmem:s24], [sflag:$0x3], $0x100, s30, s23, $0x40b8;
	[tilespmem:$0x1D400] =	vst v63  }
0xa2: {  	_ =	swait.ge [sflag:s21], $0x4000  }
0xa3: {  	[sflag:s21] =	ssyncset.done $0x0  }
0xa4: {  	[sflag:s21] =	ssyncadd.s32 $0xFFFFC000  }
0xa5: {  	s0 =	stileid.u32  }
0xa6: {  	[bflag:$0x0] =	sbarrier.arrive $0xFFFF;
	s0 =	sshll.u32 s0, $0x6  }
0xa7: {  	s3 =	sshrl.u32 s7, $0x3;
	s14 =	rddreg [dreg:$0x4];
	s0 =	sor.u32 $0x1C03, s0  }
0xa8: {  	[hbm:s14], [sflag:s0] =	dma.local [spmem:s3], $0x800  }
0xa9: {  	_ =	swait.ge [sflag:s21], $0x800  }
0xaa: {  	[sflag:s21] =	ssyncset.done $0x0  }
0xab: {  	s15 =	sshrl.u32 s8, $0x3;
	s16 =	rddreg [dreg:$0x5];
	[sflag:s21] =	ssyncadd.s32 $0xFFFFF800  }
0xac: {  	[hbm:s16], [sflag:s0] =	dma.local [spmem:s15], $0x800  }
0xad: {  	_ =	swait.ge [sflag:s21], $0x800  }
0xae: {  	[sflag:s21] =	ssyncset.done $0x0  }
0xaf: {  	s15 =	sshrl.u32 s9, $0x3;
	s16 =	rddreg [dreg:$0x6];
	[sflag:s21] =	ssyncadd.s32 $0xFFFFF800  }
0xb0: {  	[hbm:s16], [sflag:s0] =	dma.local [spmem:s15], $0x800  }
0xb1: {  	_ =	swait.ge [sflag:s21], $0x800  }
0xb2: {  	[sflag:s21] =	ssyncset.done $0x0  }
0xb3: {  	s15 =	sshrl.u32 s10, $0x3;
	[sflag:s21] =	ssyncadd.s32 $0xFFFFF800  }
0xb4: {  	[hbm:s17], [sflag:s0] =	dma.local [spmem:s15], $0x800  }
0xb5: {  	s4 =	sadd.s32 $0x1, s4;
	_ =	swait.ge [sflag:s21], $0x800  }
0xb6: {  	p0 =	sne.s32 s4, s19;
	[sflag:s21] =	ssyncset.done $0x0  }
.Ltmp3:
0xb7: {  	s16 =	sshrl.u32 s11, $0x3;
	[sflag:s21] =	ssyncadd.s32 $0xFFFFF800;
	(pc) =	sbr.rel @p0 .LBB2_1-.Ltmp3, $4  }
0xb8: {  	[hbm:s18], [sflag:s0] =	dma.local [spmem:s16], $0x800  }
0xb9: {  	_ =	swait.ge [sflag:s21], $0x800  }
0xba: {  	[sflag:s21] =	ssyncset.done $0x0  }
0xbb: {  	[sflag:s21] =	ssyncadd.s32 $0xFFFFF800  }
0xbc: {  	_ =	sfence.sel $0x180000  }
0xbd: {  	[bflag:$0x0] =	sbarrier.arrive $0xFFFF  }
0xbe: {  	_ =	strace $0x9000004A  }
0xbf: {  	s0 =	stileid.u32;
	[bflag:$0x2] =	sbarrier.arrive $0xFFFF  }
0xc0: {  	p0 =	sne.s32 s0, $0x0;
	s0 =	rddreg [dreg:$0x3]  }
0xc1: {  	s0 =	sadd.s32 @!p0 $0x100000, s0  }
0xc2: {  	[sflag:s0] =	ssyncadd.tile.s32 @!p0 $0x1;
	_ =	shalt  }
.Lfunc_end2:
_tile_overlayer_lowered:
.L_overlay_start_2:
0xc3: {  	(tag) =	ssettag $0x2  }
0xc4: {  	s0 =	rddreg [dreg:$0x0];
	s2 =	stileid.u32  }
0xc5: {  	s1 =	rddreg [dreg:$0x1];
	p0 =	sne.s32 s2, $0x0  }
0xc6: {  	s3 =	rddreg [dreg:$0x2];
	[bflag:$0x3] =	sbarrier.arrive $0xFFFF;
	s2 =	simm.s32 @!p0 $0x1C03  }
0xc7: {  	[timem:s3], [sflag:s2] =	dma.local @!p0 [hbm:s0], s1  }
0xc8: {  	s0 =	simm.s32 @!p0 $0x3  }
0xc9: {  	_ =	swait.ge @!p0 [sflag:s0], s1  }
0xca: {  	s1 =	ssub.s32 @!p0 $0x0, s1;
	[sflag:s0] =	ssyncset.done @!p0 $0x0  }
0xcb: {  	[sflag:s0] =	ssyncadd.s32 @!p0 s1  }
0xcc: {  	[bflag:$0x3] =	sbarrier.arrive $0xFFFF  }
0xcd: {  	_ =	shalt  }

// kernel: kernel.22.cloned.1.call-start
scs
__scs_entry_jumppad:
0x0: {  	(pc) =	sbr.rel $0x88, $3  }
0x1: {  	(tag) =	ssettag $0x0;
	lr =	simm.s32 $0x1  }
0x2: {  	[smem:$0x3F94] =	sst lr;
	_ =	strace $0xD0000000  }
0x3: {  	_ = 	snop  }
0x4: {  	_ = 	snop  }
0x5: {  	_ = 	snop  }
0x6: {  	_ = 	snop  }
0x7: {  	_ = 	snop  }
__scs_overlays_trampoline_lowered:
0x8: {  	[smem:$0x3FA3] =	sst s0  }
0x9: {  	[smem:$0x3FA4] =	sst s1  }
0xa: {  	[smem:$0x3FA5] =	sst s2  }
0xb: {  	[smem:$0x3FA6] =	sst s3  }
0xc: {  	[smem:$0x3FA7] =	sst s4  }
0xd: {  	[smem:$0x3FA8] =	sst s5  }
0xe: {  	[smem:$0x3FA9] =	sst s6  }
0xf: {  	[smem:$0x3FAA] =	sst s7  }
0x10: {  	[smem:$0x3FAB] =	sst s8  }
0x11: {  	[smem:$0x3FAC] =	sst s9;
	s0 =	simm.s32 @!p0 $0x0  }
0x12: {  	s1 =	sld [smem:$0x3F92];
	s0 =	simm.s32 @p0 $0x1  }
0x13: {  	[smem:$0x3FAD] =	sst s0;
	s0 =	simm.s32 @!p1 $0x0  }
0x14: {  	s2 =	sld [smem:$0x3F91];
	s0 =	simm.s32 @p1 $0x1  }
0x15: {  	[smem:$0x3FAE] =	sst s0;
	s0 =	simm.s32 @!p2 $0x0  }
0x16: {  	s3 =	sld [smem:$0x3FDB];
	s0 =	simm.s32 @p2 $0x1  }
0x17: {  	s4 =	simm.s32 $0x1BF5;
	[smem:$0x3FB0] =	sst s0  }
0x18: {  	s0 =	sld [smem:$0x3F93];
	_ =	swait.ge [sflag:s4], $0x0  }
0x19: {  	s7 =	sld [smem:$0x3F94]  }
0x1a: {  	s8 =	sadd.s32 $0xFFFFE003, lr  }
0x1b: {  	s9 =	sadd.s32 $0xFFFFFEF7, lr;
	s5 =	simm.s32 $0xFFFFFFFF;
	p2 =	slt.u32 s8, $0xFFFFF086  }
0x1c: {  	p1 =	slt.u32 s9, $0xF7A;
	s5 =	simm.s32 @!p2 $0x0  }
0x1d: {  	s5 =	simm.s32 @p1 $0x1;
	p0 =	seq.s32 s7, s2  }
0x1e: {  	s7 =	smul.u32 @!p0 $0xF7A, s2;
	p2 =	seq.s32 @!p0 s5, $0x0  }
0x1f: {  	s9 =	smul.u32 $0xF7A, s1;
	s8 =	simm.s32 @!p0 $0x1BF5;
	p2 =	por !p2, p0  }
0x20: {  	[sflag:s8] =	ssyncset.s32 @!p0 $0xFFFFF086;
	s6 =	sadd.s32 @!p0 s3, s7;
	s7 =	simm.s32 @!p0 $0x108  }
0x21: {  	s3 =	sadd.s32 s3, s9;
	s6 =	sadd.s32 @!p0 $0x88, s6;
	s7 =	simm.s32 @p2 $0x1082  }
0x22: {  	[simem:s7], [sflag:s8] =	dma.local @!p0 [hbm:s6], $0xF7A  }
0x23: {  	s9 =	sor.u32 $0xD0000000, s2;
	s6 =	simm.s32 $0x108;
	_ =	swait.ge @!p0 [sflag:s8], $0x0  }
0x24: {  	s3 =	sadd.s32 $0x88, s3;
	s6 =	simm.s32 @!p1 $0x1082;
	[sflag:s4] =	ssyncset.s32 $0xFFFFF086  }
0x25: {  	[simem:s6], [sflag:s4] =	dma.local [hbm:s3], $0xF7A  }
0x26: {  	[smem:$0x3F94] =	sst s1;
	(tag) =	ssettag s2;
	_ =	strace s9  }
0x27: {  	s1 =	sld [smem:$0x3FA4]  }
0x28: {  	s2 =	sld [smem:$0x3FA5]  }
0x29: {  	s4 =	sld [smem:$0x3FA7]  }
0x2a: {  	p0 =	seq.s32 s5, $0x0;
	s5 =	sld [smem:$0x3FA8]  }
0x2b: {  	s6 =	sld [smem:$0x3FA9]  }
0x2c: {  	s7 =	sld [smem:$0x3FAA]  }
0x2d: {  	s3 =	simm.s32 $0x108;
	s8 =	sld [smem:$0x3FAB]  }
0x2e: {  	s3 =	simm.s32 @!p0 $0x1082;
	s9 =	sld [smem:$0x3FAC]  }
0x2f: {  	lr =	sadd.s32 s0, s3;
	s0 =	sld [smem:$0x3FA3]  }
0x30: {  	s3 =	sld [smem:$0x3FA6]  }
0x31: {  	[smem:$0x3FAF] =	sst s10  }
0x32: {  	s10 =	sld [smem:$0x3FAD];
	_ =	sdelay $0x3  }
0x33: {  	p0 =	seq.s32 s10, $0x1;
	s10 =	sld [smem:$0x3FAF];
	_ =	sdelay $0x3  }
0x34: {  	[smem:$0x3FAF] =	sst s10  }
0x35: {  	s10 =	sld [smem:$0x3FAE];
	_ =	sdelay $0x3  }
0x36: {  	p1 =	seq.s32 s10, $0x1;
	s10 =	sld [smem:$0x3FAF];
	_ =	sdelay $0x3  }
0x37: {  	[smem:$0x3FAF] =	sst s10  }
0x38: {  	s10 =	sld [smem:$0x3FB0]  }
0x39: {  	_ = 	snop;
	(pc) =	sbr.ind lr, $3  }
0x3a: {  	_ = 	snop  }
0x3b: {  	_ = 	snop  }
0x3c: {  	p2 =	seq.s32 s10, $0x1;
	s10 =	sld [smem:$0x3FAF]  }
0x3d: {  	_ =	shalt  }
0x3e: {  	_ =	shalt  }
0x3f: {  	_ =	shalt  }
0x40: {  	_ =	shalt  }
0x41: {  	_ =	shalt  }
0x42: {  	_ =	shalt  }
0x43: {  	_ =	shalt  }
0x44: {  	_ =	shalt  }
0x45: {  	_ =	shalt  }
0x46: {  	_ =	shalt  }
0x47: {  	_ =	shalt  }
0x48: {  	_ =	shalt  }
0x49: {  	_ =	shalt  }
0x4a: {  	_ =	shalt  }
0x4b: {  	_ =	shalt  }
0x4c: {  	_ =	shalt  }
0x4d: {  	_ =	shalt  }
0x4e: {  	_ =	shalt  }
0x4f: {  	_ =	shalt  }
0x50: {  	_ =	shalt  }
0x51: {  	_ =	shalt  }
0x52: {  	_ =	shalt  }
0x53: {  	_ =	shalt  }
0x54: {  	_ =	shalt  }
0x55: {  	_ =	shalt  }
0x56: {  	_ =	shalt  }
0x57: {  	_ =	shalt  }
0x58: {  	_ =	shalt  }
0x59: {  	_ =	shalt  }
0x5a: {  	_ =	shalt  }
0x5b: {  	_ =	shalt  }
0x5c: {  	_ =	shalt  }
0x5d: {  	_ =	shalt  }
0x5e: {  	_ =	shalt  }
0x5f: {  	_ =	shalt  }
0x60: {  	_ =	shalt  }
0x61: {  	_ =	shalt  }
0x62: {  	_ =	shalt  }
0x63: {  	_ =	shalt  }
0x64: {  	_ =	shalt  }
0x65: {  	_ =	shalt  }
0x66: {  	_ =	shalt  }
0x67: {  	_ =	shalt  }
0x68: {  	_ =	shalt  }
0x69: {  	_ =	shalt  }
0x6a: {  	_ =	shalt  }
0x6b: {  	_ =	shalt  }
0x6c: {  	_ =	shalt  }
0x6d: {  	_ =	shalt  }
0x6e: {  	_ =	shalt  }
0x6f: {  	_ =	shalt  }
0x70: {  	_ =	shalt  }
0x71: {  	_ =	shalt  }
0x72: {  	_ =	shalt  }
0x73: {  	_ =	shalt  }
0x74: {  	_ =	shalt  }
0x75: {  	_ =	shalt  }
0x76: {  	_ =	shalt  }
0x77: {  	_ =	shalt  }
0x78: {  	_ =	shalt  }
0x79: {  	_ =	shalt  }
0x7a: {  	_ =	shalt  }
0x7b: {  	_ =	shalt  }
0x7c: {  	_ =	shalt  }
0x7d: {  	_ =	shalt  }
0x7e: {  	_ =	shalt  }
0x7f: {  	_ =	shalt  }
0x80: {  	_ =	shalt  }
0x81: {  	_ =	shalt  }
0x82: {  	_ =	shalt  }
0x83: {  	_ =	shalt  }
0x84: {  	_ =	shalt  }
0x85: {  	_ =	shalt  }
0x86: {  	_ =	shalt  }
0x87: {  	_ =	shalt  }
.Lfunc_end0:
.L_simem_size_0:
called_computation.3_lowered:
.L_overlay_start_0:
0x88: {  	s2 =	sld [smem:$0x3FD9]  }
0x89: {  	s3 =	sld [smem:$0x3FFE];
	_ =	sdelay $0x1  }
0x8a: {  	s1 =	srdreg.scid  }
0x8b: {  	s0 =	sand.u32 $0x1, s1  }
0x8c: {  	s15 =	sshll.u32 s0, $0xA;
	s2 =	sadd.s32 s3, s2  }
0x8d: {  	s2 =	sadd.s32 s2, s15  }
0x8e: {  	[smem:$0x3FBB] =	sst s2  }
0x8f: {  	_ = 	snop  }
0x90: {  	s2 =	sld [smem:$0x3FD0];
	_ =	sdelay $0x2  }
0x91: {  	s16 =	simm.s32 $0xB;
	s4 =	simm.s32 $0x10  }
0x92: {  	[smem:s4], [sflag:s16] =	dma.local [hbm:s2], $0x1  }
0x93: {  	_ =	swait.eq [sflag:s16], $0x1  }
0x94: {  	[sflag:s16] =	ssyncset.done $0x0  }
0x95: {  	[sflag:s16] =	ssyncadd.s32 $0xFFFFFFFF  }
0x96: {  	s17 =	sld [smem:$0x11];
	(tm) =	ssettm $0x1  }
0x97: {  	s18 =	sld [smem:$0x3FFB];
	_ =	sdelay $0x3  }
0x98: {  	_ =	strace s18  }
0x99: {  	s2 =	sld [smem:$0x3FFC];
	_ =	sdelay $0x3  }
0x9a: {  	_ =	strace s2  }
0x9b: {  	s2 =	sld [smem:$0x3FFD];
	_ =	sdelay $0x3  }
0x9c: {  	_ =	strace s2  }
0x9d: {  	_ =	strace $0x8FFFFFFF  }
0x9e: {  	s19 =	sld [smem:$0x3FDB];
	_ =	sdelay $0x1  }
0x9f: {  	s20 =	simm.s32 $_scs_section_size  }
0xa0: {  	s5 =	simm.s32 $_size__tile_overlayer_lowered;
	s6 =	simm.s32 $_tile_overlayer_lowered  }
0xa1: {  	s7 =	simm.s32 $0x1BFF;
	s21 =	sshll.u32 s6, $0x1;
	s4 =	sadd.s32 s20, s19  }
0xa2: {  	s22 =	simm.s32 $0x0;
	s5 =	sshll.u32 s5, $0x1;
	s6 =	sadd.s32 s21, s4  }
0xa3: {  	[timem:s22], [sflag:s7] =	dma.local [hbm:s6], s5  }
0xa4: {  	_ =	swait.ge [sflag:s7], s5  }
0xa5: {  	s5 =	ssub.s32 $0x0, s5;
	[sflag:s7] =	ssyncset.done $0x0  }
0xa6: {  	[sflag:s7] =	ssyncadd.s32 s5;
	_ =	sdelay $0x1  }
0xa7: {  	s23 =	simm.s32 $0x1B8B  }
0xa8: {  	_ =	swait.ge [sflag:s23], $0x1  }
0xa9: {  	[sflag:s23] =	ssyncset.done $0x0  }
0xaa: {  	[sflag:s23] =	ssyncadd.s32 $0xFFFFFFFF  }
0xab: {  	s5 =	sld [smem:$0x0]  }
0xac: {  	s6 =	sand.u32 $0xFFFFFFFE, s1  }
0xad: {  	p0 =	sne.s32 s1, s6  }
0xae: {  	s6 =	sshll.u32 @p0 s6, $0xE  }
0xaf: {  	s6 =	sadd.s32 @p0 $0x11B8D, s6;
	s7 =	sshll.u32 @p0 s5, $0x11  }
0xb0: {  	s6 =	sor.u32 @p0 s7, s6  }
0xb1: {  	[sflag:s6] =	ssyncadd.remote.s32 @p0 $0x1;
	_ =	sdelay $0x1  }
0xb2: {  	s6 =	simm.s32 @p0 $0x1B8D  }
0xb3: {  	_ =	swait.eq @p0 [sflag:s6], $0x1  }
0xb4: {  	[sflag:s6] =	ssyncadd.s32 @p0 $0xFFFFFFFF  }
0xb5: {  	s7 =	sshll.u32 @!p0 s1, $0xE  }
0xb6: {  	s7 =	sor.u32 @!p0 $0x4000, s7;
	s6 =	simm.s32 @!p0 $0x1B8D  }
0xb7: {  	s5 =	sshll.u32 @!p0 s5, $0x11;
	s7 =	sadd.s32 @!p0 $0x11B8D, s7;
	_ =	swait.eq @!p0 [sflag:s6], $0x1  }
0xb8: {  	s5 =	sor.u32 @!p0 s5, s7;
	[sflag:s6] =	ssyncadd.s32 @!p0 $0xFFFFFFFF  }
0xb9: {  	s25 =	simm.s32 $0x1B8E;
	s24 =	sld [smem:$0x3FFE];
	[sflag:s5] =	ssyncadd.remote.s32 @!p0 $0x1  }
0xba: {  	s26 =	simm.s32 $execute0_lowered;
	[smem:$0x3FD2] =	sst s25  }
0xbb: {  	s6 =	sshll.u32 s26, $0x1;
	_ =	strace $0x8000004F;
	[dreg:$0x1] =	wrdreg $0xFFFFFFFF  }
0xbc: {  	s28 =	simm.s32 $_size_execute0_lowered;
	s4 =	sadd.s32 s4, s6;
	[dreg:$0x0] =	wrdreg $0x0  }
0xbd: {  	s6 =	sshll.u32 s28, $0x1;
	[dreg:$0x2] =	wrdreg s4  }
0xbe: {  	[dreg:$0x3] =	wrdreg s6  }
0xbf: {  	[dreg:$0x4] =	wrdreg $0xC0  }
0xc0: {  	_ =	task [dreg:s22], $0x5FFFF  }
0xc1: {  	[dreg:$0x1] =	wrdreg $0xFFFFFFFF  }
0xc2: {  	[dreg:$0x0] =	wrdreg $0x60  }
0xc3: {  	[dreg:$0x2] =	wrdreg s24  }
0xc4: {  	[dreg:$0x3] =	wrdreg s17  }
0xc5: {  	[dreg:$0x4] =	wrdreg $0x94000  }
0xc6: {  	[dreg:$0x5] =	wrdreg $0xA  }
0xc7: {  	_ =	task.clear_ibuf [dreg:s22], $0x6FFFF;
	_ =	strace $0x9000004F  }
0xc8: {  	s29 =	simm.s32 $0xA;
	_ =	strace $0x80000051  }
0xc9: {  	_ =	swait.ge [sflag:s29], $0x1  }
0xca: {  	[sflag:s29] =	ssyncadd.s32 $0xFFFFFFFF  }
0xcb: {  	_ =	strace $0x90000051  }
0xcc: {  	_ =	sfence  }
0xcd: {  	s30 =	sld [smem:$0x0];
	_ =	sdelay $0x2  }
0xce: {  	s31 =	sshll.u32 s1, $0xD;
	s1 =	sshrl.u32 s1, $0x2  }
0xcf: {  	s4 =	sand.u32 $0x4000, s31;
	s1 =	sadd.s32 s1, s30  }
0xd0: {  	s0 =	sor.u32 s4, s0;
	s1 =	sshll.u32 s1, $0x11  }
0xd1: {  	s0 =	sor.u32 s1, s0  }
0xd2: {  	s0 =	sadd.s32 $0x8F2B, s0  }
0xd3: {  	[sflag:s0] =	ssyncadd.remote.s32 $0x1  }
0xd4: {  	_ =	sfence.sel $0xFFFF  }
0xd5: {  	[dreg:$0x0] =	wrdreg $0xFFFFFFFF;
	(pc) =	sbr.abs _section_cstart, $3  }
0xd6: {  	[dreg:$0x1] =	wrdreg $0xFFFFFFFF  }
0xd7: {  	_ =	task.clear_ibuf [dreg:s22], $0x2FFFF;
	_ =	strace $0x9FFFFFFF  }
0xd8: {  	(tm) =	ssettm $0x7FFFFFFF  }
0xd9: {  	_ =	shalt  }
tec
execute0_lowered:
.L_overlay_start_1:
0x0: {  	(tag) =	ssettag $0x1  }
0x1: {  	s0 =	rddreg [dreg:$0x0]  }
0x2: {  	s1 =	rddreg [dreg:$0x1]  }
0x3: {  	s2 =	rddreg [dreg:$0x2];
	s4 =	simm.s32 $0x0  }
0x4: {  	s3 =	srdreg.scid;
	s20 =	stileid.u32;
	s28 =	simm.s32 $0x9C0  }
0x5: {  	s29 =	simm.s32 $0x1380;
	s30 =	simm.s32 $0x13C0;
	s31 =	simm.s32 $0x0  }
0x6: {  	[smem:$0x7FF] =	sst s4;
	s3 =	sand.u32 $0x1, s3;
	s5 =	sadd.s32 $0x1D000, s0  }
0x7: {  	s12 =	smul.u32 $0x14000, s20;
	s6 =	sadd.s32 $0x9000, s0;
	s0 =	sadd.s32 $0x6D000, s0  }
0x8: {  	_ =	strace $0x80000050;
	s7 =	ssub.s32 $0x2, s3;
	s17 =	smul.u32 $0x140000, s3  }
0x9: {  	s8 =	sshrl.u32 s7, $0x1;
	s13 =	sadd.s32 $0x4000, s12;
	s16 =	sadd.s32 $0x8000, s12  }
0xa: {  	s18 =	sadd.s32 $0xC000, s12;
	s19 =	sadd.s32 $0x10000, s12;
	s14 =	ssub.s32 s7, s8  }
0xb: {  	s7 =	sadd.s32 s12, s2;
	s8 =	sadd.s32 s13, s2;
	s9 =	sadd.s32 s16, s2  }
0xc: {  	s10 =	sadd.s32 s18, s2;
	s15 =	sadd.s32 s12, s17;
	s12 =	smul.u32 $0x28000, s3  }
0xd: {  	s11 =	sadd.s32 s19, s2;
	s22 =	sadd.s32 s17, s13;
	s13 =	smul.u32 $0xA0, s20  }
0xe: {  	s24 =	sadd.s32 s17, s16;
	s25 =	sadd.s32 s17, s18;
	s19 =	sadd.s32 s17, s19  }
0xf: {  	s20 =	simm.s32 $0x1400;
	s21 =	sshrl.u32 s15, $0x3;
	s23 =	sshrl.u32 s22, $0x3  }
0x10: {  	s18 =	sshrl.u32 s25, $0x3;
	s26 =	sshrl.u32 s19, $0x3;
	s19 =	smax.u32 s14, $0x1  }
0x11: {  	s22 =	simm.s32 $0xA00;
	s25 =	simm.s32 $0x1;
	s3 =	sadd.s32 s0, s21  }
0x12: {  	s17 =	sadd.s32 s0, s18;
	[dreg:$0x4] =	wrdreg s3;
	s3 =	sadd.s32 s0, s23  }
0x13: {  	s18 =	sadd.s32 s0, s26;
	[dreg:$0x5] =	wrdreg s3;
	s3 =	sshrl.u32 s24, $0x3  }
0x14: {  	s21 =	simm.s32 $0x3;
	s26 =	simm.s32 $0x2;
	s3 =	sadd.s32 s0, s3  }
0x15: {  	v0 =	vimm.f32 $0.0e+00;
	s23 =	simm.s32 $0x40;
	s24 =	simm.s32 $0x5400;
	[dreg:$0x6] =	wrdreg s3  }
.LBB2_1:
0x16: {  	s0 =	simm.s32 $0x0;
	s3 =	simm.s32 $0x400  }
.LBB2_2:
0x17: {  	p0 =	sne.s32 s3, $0xFC00;
	[tilespmem:s0+$0x14F0] =	vst v0  }
0x18: {  	[tilespmem:s0+$0x1400] =	vst v0  }
0x19: {  	[tilespmem:s0+$0x1410] =	vst v0  }
0x1a: {  	[tilespmem:s0+$0x1420] =	vst v0  }
0x1b: {  	[tilespmem:s0+$0x1430] =	vst v0  }
0x1c: {  	[tilespmem:s0+$0x1440] =	vst v0  }
0x1d: {  	[tilespmem:s0+$0x1450] =	vst v0  }
0x1e: {  	[tilespmem:s0+$0x1460] =	vst v0  }
0x1f: {  	[tilespmem:s0+$0x1470] =	vst v0  }
0x20: {  	[tilespmem:s0+$0x1480] =	vst v0  }
0x21: {  	[tilespmem:s0+$0x1490] =	vst v0  }
.Ltmp0:
0x22: {  	[tilespmem:s0+$0x14A0] =	vst v0;
	(pc) =	sbr.rel @p0 .LBB2_2-.Ltmp0, $4  }
0x23: {  	[tilespmem:s0+$0x14B0] =	vst v0  }
0x24: {  	[tilespmem:s0+$0x14C0] =	vst v0  }
0x25: {  	[tilespmem:s0+$0x14D0] =	vst v0  }
0x26: {  	[tilespmem:s0+$0x14E0] =	vst v0;
	s0 =	sshra.s32 s3, $0x2;
	s3 =	sadd.s32 $0x400, s3  }
0x27: {  	[tilespmem:s0+$0x14F0] =	vst v0  }
0x28: {  	[tilespmem:s0+$0x1400] =	vst v0  }
0x29: {  	[tilespmem:s0+$0x1410] =	vst v0  }
0x2a: {  	[tilespmem:s0+$0x1420] =	vst v0  }
0x2b: {  	[tilespmem:s0+$0x1430] =	vst v0  }
0x2c: {  	[tilespmem:s0+$0x1440] =	vst v0  }
0x2d: {  	[tilespmem:s0+$0x1450] =	vst v0  }
0x2e: {  	[tilespmem:s0+$0x1460] =	vst v0  }
0x2f: {  	[tilespmem:s0+$0x1470] =	vst v0  }
0x30: {  	[tilespmem:s0+$0x1480] =	vst v0  }
0x31: {  	[tilespmem:s0+$0x1490] =	vst v0  }
0x32: {  	[tilespmem:s0+$0x14A0] =	vst v0  }
0x33: {  	[tilespmem:s0+$0x14B0] =	vst v0  }
0x34: {  	[tilespmem:s0+$0x14C0] =	vst v0  }
0x35: {  	[tilespmem:s0+$0x14D0] =	vst v0  }
0x36: {  	[tilespmem:s0+$0x14E0] =	vst v0  }
0x37: {  	[spmem:s7] =	stream.linear.scatter [tilespmem:s20], [sflag:$0x3], $0x4000, $0x38;
	[tilespmem:$0x1D400] =	vst v63  }
0x38: {  	_ =	swait.ge [sflag:s21], $0x4000  }
0x39: {  	[sflag:s21] =	ssyncset.done $0x0  }
0x3a: {  	[sflag:s21] =	ssyncadd.s32 $0xFFFFC000  }
0x3b: {  	[spmem:s8] =	stream.linear.scatter [tilespmem:s20], [sflag:$0x3], $0x4000, $0x38;
	[tilespmem:$0x1D400] =	vst v63  }
0x3c: {  	_ =	swait.ge [sflag:s21], $0x4000  }
0x3d: {  	[sflag:s21] =	ssyncset.done $0x0  }
0x3e: {  	[sflag:s21] =	ssyncadd.s32 $0xFFFFC000  }
0x3f: {  	[spmem:s9] =	stream.linear.scatter [tilespmem:s20], [sflag:$0x3], $0x4000, $0x38;
	[tilespmem:$0x1D400] =	vst v63  }
0x40: {  	_ =	swait.ge [sflag:s21], $0x4000  }
0x41: {  	[sflag:s21] =	ssyncset.done $0x0  }
0x42: {  	[sflag:s21] =	ssyncadd.s32 $0xFFFFC000  }
0x43: {  	[spmem:s10] =	stream.linear.scatter [tilespmem:s20], [sflag:$0x3], $0x4000, $0x38;
	[tilespmem:$0x1D400] =	vst v63  }
0x44: {  	_ =	swait.ge [sflag:s21], $0x4000  }
0x45: {  	[sflag:s21] =	ssyncset.done $0x0  }
0x46: {  	[sflag:s21] =	ssyncadd.s32 $0xFFFFC000  }
0x47: {  	[spmem:s11] =	stream.linear.scatter [tilespmem:s20], [sflag:$0x3], $0x4000, $0x38;
	[tilespmem:$0x1D400] =	vst v63  }
0x48: {  	_ =	swait.ge [sflag:s21], $0x4000  }
0x49: {  	[sflag:s21] =	ssyncset.done $0x0  }
0x4a: {  	[sflag:s21] =	ssyncadd.s32 $0xFFFFC000  }
0x4b: {  	s0 =	simm.s32 $0x0;
	[bflag:$0x0] =	sbarrier.arrive $0xFFFF  }
.LBB2_4:
0x4c: {  	s3 =	smul.u32 $0x28, s0;
	_ =	sdelay $0x1  }
0x4d: {  	s3 =	sadd.s32 s13, s3  }
0x4e: {  	s3 =	sshll.u32 s3, $0x6  }
0x4f: {  	s3 =	sadd.s32 s12, s3  }
0x50: {  	s3 =	sshrl.u32 s3, $0x3  }
0x51: {  	s14 =	sadd.s32 s1, s3  }
0x52: {  	[tilespmem:s31], [sflag:$0x3] =	stream.linear.gather [hbm4b:s14+s31], $0xA00, $0x38;
	[tilespmem:$0x1D400] =	vst v63  }
0x53: {  	_ =	swait.ge [sflag:s21], $0xA00  }
0x54: {  	[sflag:s21] =	ssyncset.done $0x0  }
0x55: {  	s3 =	sadd.s32 s6, s3;
	[sflag:s21] =	ssyncadd.s32 $0xFFFFF600  }
0x56: {  	[tilespmem:s22], [sflag:$0x3] =	stream.linear.gather [hbm4b:s3+s31], $0xA00, $0x38;
	[tilespmem:$0x1D400] =	vst v63  }
0x57: {  	_ =	swait.ge [sflag:s21], $0xA00  }
0x58: {  	[sflag:s21] =	ssyncset.done $0x0  }
0x59: {  	[sflag:s21] =	ssyncadd.s32 $0xFFFFF600;
	(ifvalue) =	ssetifvalue $0xFFFFFFFF  }
0x5a: {  	(ifvalue) =	ssetifvalue $0xFFFFFFFF  }
0x5b: {  	[tilespmem:s20], [sflag:$0x1] =	stream.indirect.gather [hbm4b:s5+s23], $0x100, s31, s23, $0x40b8;
	[tilespmem:$0x1D400] =	vst v63  }
0x5c: {  	(ifvalue) =	ssetifvalue $0xFFFFFFFF  }
0x5d: {  	s16 =	simm.s32 $0x40;
	(ifvalue) =	ssetifvalue $0xFFFFFFFF  }
0x5e: {  	[tilespmem:s24], [sflag:$0x2] =	stream.indirect.gather [hbm4b:s5+s23], $0x100, s16, s23, $0x40b8;
	[tilespmem:$0x1D400] =	vst v63  }
0x5f: {  	_ =	swait.ge [sflag:s25], $0x4000  }
0x60: {  	[sflag:s25] =	ssyncset.done $0x0  }
0x61: {  	s14 =	simm.s32 $0xA00;
	[sflag:s25] =	ssyncadd.s32 $0xFFFFC000;
	(ifvalue) =	ssetifvalue $0xFFFFFFFF  }
0x62: {  	[spmem:s2] =	stream.indirect.scatter.add.f32 [tilespmem:s20], [sflag:$0x3], $0x100, s14, s23, $0x40b8;
	[tilespmem:$0x1D400] =	vst v63  }
0x63: {  	_ =	swait.ge [sflag:s21], $0x4000  }
0x64: {  	[sflag:s21] =	ssyncset.done $0x0  }
0x65: {  	[sflag:s21] =	ssyncadd.s32 $0xFFFFC000;
	(ifvalue) =	ssetifvalue $0xFFFFFFFF  }
0x66: {  	s15 =	simm.s32 $0x80;
	(ifvalue) =	ssetifvalue $0xFFFFFFFF  }
0x67: {  	[tilespmem:s20], [sflag:$0x1] =	stream.indirect.gather [hbm4b:s5+s23], $0x100, s15, s23, $0x40b8;
	[tilespmem:$0x1D400] =	vst v63  }
0x68: {  	_ =	swait.ge [sflag:s26], $0x4000  }
0x69: {  	[sflag:s26] =	ssyncset.done $0x0  }
0x6a: {  	s16 =	simm.s32 $0xA40;
	[sflag:s26] =	ssyncadd.s32 $0xFFFFC000;
	(ifvalue) =	ssetifvalue $0xFFFFFFFF  }
0x6b: {  	[spmem:s2] =	stream.indirect.scatter.add.f32 [tilespmem:s24], [sflag:$0x3], $0x100, s16, s23, $0x40b8;
	[tilespmem:$0x1D400] =	vst v63  }
0x6c: {  	s3 =	simm.s32 $0x80;
	_ =	swait.ge [sflag:s21], $0x4000  }
0x6d: {  	s14 =	simm.s32 $0x400;
	(ifvalue) =	ssetifvalue $0xFFFFFFFF;
	[sflag:s21] =	ssyncset.done $0x0  }
.LBB2_5:
0x6e: {  	s15 =	sadd.s32 $0x40, s3  }
0x6f: {  	(ifvalue) =	ssetifvalue $0xFFFFFFFF;
	[sflag:s21] =	ssyncadd.s32 $0xFFFFC000;
	s16 =	smov.u32 s14  }
0x70: {  	[tilespmem:s24], [sflag:$0x2] =	stream.indirect.gather [hbm4b:s5+s23], $0x100, s15, s23, $0x40b8;
	[tilespmem:$0x1D400] =	vst v63  }
0x71: {  	p0 =	sne.s32 s14, $0x2400;
	s14 =	sadd.s32 $0x200, s14;
	_ =	swait.ge [sflag:s25], $0x4000  }
0x72: {  	[sflag:s25] =	ssyncset.done $0x0  }
0x73: {  	[sflag:s25] =	ssyncadd.s32 $0xFFFFC000  }
0x74: {  	s15 =	sadd.s32 $0xA00, s3;
	(ifvalue) =	ssetifvalue $0xFFFFFFFF  }
0x75: {  	[spmem:s2] =	stream.indirect.scatter.add.f32 [tilespmem:s20], [sflag:$0x3], $0x100, s15, s23, $0x40b8;
	[tilespmem:$0x1D400] =	vst v63  }
0x76: {  	_ =	swait.ge [sflag:s21], $0x4000  }
0x77: {  	[sflag:s21] =	ssyncset.done $0x0  }
0x78: {  	[sflag:s21] =	ssyncadd.s32 $0xFFFFC000  }
0x79: {  	(ifvalue) =	ssetifvalue $0xFFFFFFFF  }
0x7a: {  	s15 =	sadd.s32 $0x80, s3;
	(ifvalue) =	ssetifvalue $0xFFFFFFFF  }
0x7b: {  	[tilespmem:s20], [sflag:$0x1] =	stream.indirect.gather [hbm4b:s5+s23], $0x100, s15, s23, $0x40b8;
	[tilespmem:$0x1D400] =	vst v63  }
0x7c: {  	_ =	swait.ge [sflag:s26], $0x4000  }
0x7d: {  	[sflag:s26] =	ssyncset.done $0x0  }
.Ltmp1:
0x7e: {  	[sflag:s26] =	ssyncadd.s32 $0xFFFFC000;
	(pc) =	sbr.rel @p0 .LBB2_5-.Ltmp1, $4  }
0x7f: {  	s3 =	sadd.s32 $0xA40, s3;
	(ifvalue) =	ssetifvalue $0xFFFFFFFF  }
0x80: {  	[spmem:s2] =	stream.indirect.scatter.add.f32 [tilespmem:s24], [sflag:$0x3], $0x100, s3, s23, $0x40b8;
	[tilespmem:$0x1D400] =	vst v63  }
0x81: {  	_ =	swait.ge [sflag:s21], $0x4000  }
0x82: {  	s3 =	sshra.s32 s16, $0x2;
	(ifvalue) =	ssetifvalue $0xFFFFFFFF;
	[sflag:s21] =	ssyncset.done $0x0  }
0x83: {  	(ifvalue) =	ssetifvalue $0xFFFFFFFF;
	s14 =	sadd.s32 $0x40, s3;
	[sflag:s21] =	ssyncadd.s32 $0xFFFFC000  }
0x84: {  	[tilespmem:s24], [sflag:$0x2] =	stream.indirect.gather [hbm4b:s5+s23], $0x100, s14, s23, $0x40b8;
	[tilespmem:$0x1D400] =	vst v63  }
0x85: {  	_ =	swait.ge [sflag:s25], $0x4000  }
0x86: {  	[sflag:s25] =	ssyncset.done $0x0  }
0x87: {  	s16 =	sadd.s32 $0xA00, s3;
	[sflag:s25] =	ssyncadd.s32 $0xFFFFC000;
	(ifvalue) =	ssetifvalue $0xFFFFFFFF  }
0x88: {  	[spmem:s2] =	stream.indirect.scatter.add.f32 [tilespmem:s20], [sflag:$0x3], $0x100, s16, s23, $0x40b8;
	[tilespmem:$0x1D400] =	vst v63  }
0x89: {  	_ =	swait.ge [sflag:s21], $0x4000  }
0x8a: {  	[sflag:s21] =	ssyncset.done $0x0  }
0x8b: {  	[sflag:s21] =	ssyncadd.s32 $0xFFFFC000;
	(ifvalue) =	ssetifvalue $0xFFFFFFFF  }
0x8c: {  	s15 =	sadd.s32 $0x80, s3;
	(ifvalue) =	ssetifvalue $0xFFFFFFFF  }
0x8d: {  	[tilespmem:s20], [sflag:$0x1] =	stream.indirect.gather [hbm4b:s5+s23], $0x100, s15, s23, $0x40b8;
	[tilespmem:$0x1D400] =	vst v63  }
0x8e: {  	_ =	swait.ge [sflag:s26], $0x4000  }
0x8f: {  	[sflag:s26] =	ssyncset.done $0x0  }
0x90: {  	s16 =	sadd.s32 $0xA40, s3;
	[sflag:s26] =	ssyncadd.s32 $0xFFFFC000;
	(ifvalue) =	ssetifvalue $0xFFFFFFFF  }
0x91: {  	[spmem:s2] =	stream.indirect.scatter.add.f32 [tilespmem:s24], [sflag:$0x3], $0x100, s16, s23, $0x40b8;
	[tilespmem:$0x1D400] =	vst v63  }
0x92: {  	_ =	swait.ge [sflag:s21], $0x4000  }
0x93: {  	[sflag:s21] =	ssyncset.done $0x0  }
0x94: {  	[sflag:s21] =	ssyncadd.s32 $0xFFFFC000;
	(ifvalue) =	ssetifvalue $0xFFFFFFFF  }
0x95: {  	(ifvalue) =	ssetifvalue $0xFFFFFFFF  }
0x96: {  	[tilespmem:s24], [sflag:$0x2] =	stream.indirect.gather [hbm4b:s5+s23], $0x100, s28, s23, $0x40b8;
	[tilespmem:$0x1D400] =	vst v63  }
0x97: {  	_ =	swait.ge [sflag:s25], $0x4000  }
0x98: {  	[sflag:s25] =	ssyncset.done $0x0  }
0x99: {  	[sflag:s25] =	ssyncadd.s32 $0xFFFFC000;
	(ifvalue) =	ssetifvalue $0xFFFFFFFF  }
0x9a: {  	[spmem:s2] =	stream.indirect.scatter.add.f32 [tilespmem:s20], [sflag:$0x3], $0x100, s29, s23, $0x40b8;
	[tilespmem:$0x1D400] =	vst v63  }
0x9b: {  	_ =	swait.ge [sflag:s21], $0x4000  }
0x9c: {  	[sflag:s21] =	ssyncset.done $0x0  }
0x9d: {  	[sflag:s21] =	ssyncadd.s32 $0xFFFFC000  }
0x9e: {  	s0 =	sadd.s32 $0x1, s0;
	_ =	swait.ge [sflag:s26], $0x4000  }
0x9f: {  	p0 =	sne.s32 s0, $0x4;
	[sflag:s26] =	ssyncset.done $0x0  }
.Ltmp2:
0xa0: {  	[sflag:s26] =	ssyncadd.s32 $0xFFFFC000;
	(ifvalue) =	ssetifvalue $0xFFFFFFFF;
	(pc) =	sbr.rel @p0 .LBB2_4-.Ltmp2, $4  }
0xa1: {  	[spmem:s2] =	stream.indirect.scatter.add.f32 [tilespmem:s24], [sflag:$0x3], $0x100, s30, s23, $0x40b8;
	[tilespmem:$0x1D400] =	vst v63  }
0xa2: {  	_ =	swait.ge [sflag:s21], $0x4000  }
0xa3: {  	[sflag:s21] =	ssyncset.done $0x0  }
0xa4: {  	[sflag:s21] =	ssyncadd.s32 $0xFFFFC000  }
0xa5: {  	s0 =	stileid.u32  }
0xa6: {  	[bflag:$0x0] =	sbarrier.arrive $0xFFFF;
	s0 =	sshll.u32 s0, $0x6  }
0xa7: {  	s3 =	sshrl.u32 s7, $0x3;
	s14 =	rddreg [dreg:$0x4];
	s0 =	sor.u32 $0x1C03, s0  }
0xa8: {  	[hbm:s14], [sflag:s0] =	dma.local [spmem:s3], $0x800  }
0xa9: {  	_ =	swait.ge [sflag:s21], $0x800  }
0xaa: {  	[sflag:s21] =	ssyncset.done $0x0  }
0xab: {  	s15 =	sshrl.u32 s8, $0x3;
	s16 =	rddreg [dreg:$0x5];
	[sflag:s21] =	ssyncadd.s32 $0xFFFFF800  }
0xac: {  	[hbm:s16], [sflag:s0] =	dma.local [spmem:s15], $0x800  }
0xad: {  	_ =	swait.ge [sflag:s21], $0x800  }
0xae: {  	[sflag:s21] =	ssyncset.done $0x0  }
0xaf: {  	s15 =	sshrl.u32 s9, $0x3;
	s16 =	rddreg [dreg:$0x6];
	[sflag:s21] =	ssyncadd.s32 $0xFFFFF800  }
0xb0: {  	[hbm:s16], [sflag:s0] =	dma.local [spmem:s15], $0x800  }
0xb1: {  	_ =	swait.ge [sflag:s21], $0x800  }
0xb2: {  	[sflag:s21] =	ssyncset.done $0x0  }
0xb3: {  	s15 =	sshrl.u32 s10, $0x3;
	[sflag:s21] =	ssyncadd.s32 $0xFFFFF800  }
0xb4: {  	[hbm:s17], [sflag:s0] =	dma.local [spmem:s15], $0x800  }
0xb5: {  	s4 =	sadd.s32 $0x1, s4;
	_ =	swait.ge [sflag:s21], $0x800  }
0xb6: {  	p0 =	sne.s32 s4, s19;
	[sflag:s21] =	ssyncset.done $0x0  }
.Ltmp3:
0xb7: {  	s16 =	sshrl.u32 s11, $0x3;
	[sflag:s21] =	ssyncadd.s32 $0xFFFFF800;
	(pc) =	sbr.rel @p0 .LBB2_1-.Ltmp3, $4  }
0xb8: {  	[hbm:s18], [sflag:s0] =	dma.local [spmem:s16], $0x800  }
0xb9: {  	_ =	swait.ge [sflag:s21], $0x800  }
0xba: {  	[sflag:s21] =	ssyncset.done $0x0  }
0xbb: {  	[sflag:s21] =	ssyncadd.s32 $0xFFFFF800  }
0xbc: {  	_ =	sfence.sel $0x180000  }
0xbd: {  	[bflag:$0x0] =	sbarrier.arrive $0xFFFF  }
0xbe: {  	_ =	strace $0x90000050  }
0xbf: {  	s0 =	stileid.u32;
	[bflag:$0x2] =	sbarrier.arrive $0xFFFF  }
0xc0: {  	p0 =	sne.s32 s0, $0x0;
	s0 =	rddreg [dreg:$0x3]  }
0xc1: {  	s0 =	sadd.s32 @!p0 $0x100000, s0  }
0xc2: {  	[sflag:s0] =	ssyncadd.tile.s32 @!p0 $0x1;
	_ =	shalt  }
.Lfunc_end2:
_tile_overlayer_lowered:
.L_overlay_start_2:
0xc3: {  	(tag) =	ssettag $0x2  }
0xc4: {  	s0 =	rddreg [dreg:$0x0];
	s2 =	stileid.u32  }
0xc5: {  	s1 =	rddreg [dreg:$0x1];
	p0 =	sne.s32 s2, $0x0  }
0xc6: {  	s3 =	rddreg [dreg:$0x2];
	[bflag:$0x3] =	sbarrier.arrive $0xFFFF;
	s2 =	simm.s32 @!p0 $0x1C03  }
0xc7: {  	[timem:s3], [sflag:s2] =	dma.local @!p0 [hbm:s0], s1  }
0xc8: {  	s0 =	simm.s32 @!p0 $0x3  }
0xc9: {  	_ =	swait.ge @!p0 [sflag:s0], s1  }
0xca: {  	s1 =	ssub.s32 @!p0 $0x0, s1;
	[sflag:s0] =	ssyncset.done @!p0 $0x0  }
0xcb: {  	[sflag:s0] =	ssyncadd.s32 @!p0 s1  }
0xcc: {  	[bflag:$0x3] =	sbarrier.arrive $0xFFFF  }
0xcd: {  	_ =	shalt  }

</sc_bundles>
